<compile_context>
chip_gen: v7x
topology: tpu7x:2x2x1
jax: 0.10.2.dev20260603
libtpu: 0.0.44.dev20260713+nightly
codegen_flags: <defaults>
</compile_context>

<pallas_src>
import jax
import jax.numpy as jnp
from jax import lax
from jax.experimental import pallas as pl
from jax.experimental.pallas import tpu as pltpu
from jax.experimental.pallas import tpu_sc as plsc

Z_MIN, Y_MIN, X_MIN = -2.0, -16.0, 0.0
INV_GRID = 2.5

B, N, C = 8, 500000, 4
M = B * N
NUM_WORKERS = 32
NTILES = M // 128
CH_T = 10
CH = CH_T * 128
SZ = CH + 128
NCHUNKS = NTILES // CH_T
MAXG = (NCHUNKS + NUM_WORKERS - 1) // NUM_WORKERS
NSLICE = CH // 16


def _body(cube_hbm, dop_hbm, flat_hbm, idx_hbm, cbuf, dbuf, fbuf, ibuf,
          sem_in, sem_out):
    w = lax.axis_index("s") * 2 + lax.axis_index("c")
    lane = lax.iota(jnp.int32, 16)

    def params(g):
        cid = w + NUM_WORKERS * g
        p0 = cid * CH
        b = jnp.int32(0)
        for bb in range(1, B):
            b = b + (p0 >= bb * N).astype(jnp.int32)
        cut = (b + 1) * N
        boundary = cut < p0 + CH
        n_lo = p0 - b * N
        n_a = pl.multiple_of(n_lo & ~jnp.int32(127), 128)
        return cid, p0, b, cut, boundary, n_a

    def in_descs(g):
        cid, p0, b, cut, boundary, n_a = params(g)
        par = g & 1
        bh = jnp.minimum(b + 1, B - 1)
        lo = [
            pltpu.make_async_copy(cube_hbm.at[b, :, pl.ds(n_a, SZ)], cbuf.at[par, 0], sem_in),
            pltpu.make_async_copy(dop_hbm.at[b, :, pl.ds(n_a, SZ)], dbuf.at[par, 0], sem_in),
        ]
        hi = [
            pltpu.make_async_copy(cube_hbm.at[bh, :, pl.ds(0, SZ)], cbuf.at[par, 1], sem_in),
            pltpu.make_async_copy(dop_hbm.at[bh, :, pl.ds(0, SZ)], dbuf.at[par, 1], sem_in),
        ]
        return boundary, lo, hi

    def issue_in(g):
        @pl.when(w + NUM_WORKERS * g < NCHUNKS)
        def _():
            boundary, lo, hi = in_descs(g)
            for d in lo:
                d.start()

            @pl.when(boundary)
            def _():
                for d in hi:
                    d.start()

    def wait_in(g):
        boundary, lo, hi = in_descs(g)
        for d in lo:
            d.wait()

        @pl.when(boundary)
        def _():
            for d in hi:
                d.wait()

    def out_descs(g):
        cid = w + NUM_WORKERS * g
        j0 = cid * CH_T
        par = g & 1
        return [
            pltpu.make_async_copy(fbuf.at[par], flat_hbm.at[pl.ds(j0, CH_T)], sem_out),
            pltpu.make_async_copy(ibuf.at[par], idx_hbm.at[pl.ds(j0, CH_T)], sem_out),
        ]

    def chunk(g, _):
        cid, p0, b, cut, boundary, n_a = params(g)
        par = g & 1

        @pl.when(cid < NCHUNKS)
        def _():
            issue_in(g + 1)

            @pl.when(g >= 2)
            def _():
                for d in out_descs(g - 2):
                    d.wait()

            wait_in(g)

            lo_base = b * N + n_a
            s_off = p0 - lo_base
            bvec = jnp.broadcast_to(b, (16,))
            b1vec = jnp.broadcast_to(b + 1, (16,))
            cutv = jnp.broadcast_to(cut, (16,))
            lov = jnp.broadcast_to(lo_base, (16,))
            parv = jnp.broadcast_to(jnp.int32(par), (16,))
            aligned = (s_off & 15) == 0


            @pl.when(aligned & jnp.logical_not(boundary))
            def _():
                sa = pl.multiple_of(s_off, 16)

                def it_f(sl, off):
                    j = sl >> 3
                    t = sl & 7
                    s16 = pl.ds(t * 16, 16)
                    o16 = pl.ds(off, 16)
                    vals = []
                    for c in range(4):
                        v = cbuf[par, 0, c, o16]
                        vals.append(v)
                        fbuf[par, j, c, s16] = v
                    fbuf[par, j, 4, s16] = dbuf[par, 0, 3, o16]
                    ibuf[par, j, 0, s16] = bvec
                    for dst, src, mn in ((1, 2, Z_MIN), (2, 1, Y_MIN), (3, 0, X_MIN)):
                        t_ = (vals[src] - mn) * jnp.float32(INV_GRID)
                        ibuf[par, j, dst, s16] = t_.astype(jnp.int32)
                    return off + 16

                lax.fori_loop(0, NSLICE, it_f, sa, unroll=8)

            @pl.when(jnp.logical_not(aligned) & jnp.logical_not(boundary))
            def _():
                zerov = jnp.broadcast_to(jnp.int32(0), (16,))

                def it_m(sl, colv):
                    j = sl >> 3
                    t = sl & 7
                    s16 = pl.ds(t * 16, 16)
                    vals = []
                    for c in range(4):
                        cc = jnp.broadcast_to(jnp.int32(c), (16,))
                        v = plsc.load_gather(cbuf, [parv, zerov, cc, colv])
                        vals.append(v)
                        fbuf[par, j, c, s16] = v
                    c3 = jnp.broadcast_to(jnp.int32(3), (16,))
                    fbuf[par, j, 4, s16] = plsc.load_gather(dbuf, [parv, zerov, c3, colv])
                    ibuf[par, j, 0, s16] = bvec
                    for dst, src, mn in ((1, 2, Z_MIN), (2, 1, Y_MIN), (3, 0, X_MIN)):
                        t_ = (vals[src] - mn) * jnp.float32(INV_GRID)
                        ibuf[par, j, dst, s16] = t_.astype(jnp.int32)
                    return colv + 16

                lax.fori_loop(0, NSLICE, it_m, s_off + lane, unroll=8)

            @pl.when(boundary)
            def _():
                def it(sl, pv):
                    j = sl >> 3
                    t = sl & 7
                    s16 = pl.ds(t * 16, 16)
                    m = pv >= cutv
                    sel = m.astype(jnp.int32)
                    col = jnp.where(m, pv - cutv, pv - lov)
                    vals = []
                    for c in range(4):
                        cc = jnp.broadcast_to(jnp.int32(c), (16,))
                        v = plsc.load_gather(cbuf, [parv, sel, cc, col])
                        vals.append(v)
                        fbuf[par, j, c, s16] = v
                    c3 = jnp.broadcast_to(jnp.int32(3), (16,))
                    fbuf[par, j, 4, s16] = plsc.load_gather(dbuf, [parv, sel, c3, col])
                    ibuf[par, j, 0, s16] = jnp.where(m, b1vec, bvec)
                    for dst, src, mn in ((1, 2, Z_MIN), (2, 1, Y_MIN), (3, 0, X_MIN)):
                        t_ = (vals[src] - mn) * jnp.float32(INV_GRID)
                        ibuf[par, j, dst, s16] = t_.astype(jnp.int32)
                    return pv + 16

                lax.fori_loop(0, NSLICE, it, p0 + lane, unroll=4)

            for d in out_descs(g):
                d.start()

        return 0

    issue_in(0)
    lax.fori_loop(0, MAXG, chunk, 0)

    nv = (NCHUNKS - 1 - w) >> 5

    @pl.when(nv >= 1)
    def _():
        for d in out_descs(nv - 1):
            d.wait()

    for d in out_descs(nv):
        d.wait()


@jax.jit
def kernel(sparse_cube, sparse_cube_dop):
    cube_t = jnp.transpose(sparse_cube, (0, 2, 1))
    dop_t = jnp.transpose(sparse_cube_dop, (0, 2, 1))
    mesh = plsc.VectorSubcoreMesh(core_axis_name="c", subcore_axis_name="s")
    flat3, idx3 = pl.kernel(
        _body,
        out_type=(
            jax.ShapeDtypeStruct((NTILES, 8, 128), jnp.float32),
            jax.ShapeDtypeStruct((NTILES, 4, 128), jnp.int32),
        ),
        mesh=mesh,
        scratch_types=[
            pltpu.VMEM((2, 2, 4, SZ), jnp.float32),
            pltpu.VMEM((2, 2, 4, SZ), jnp.float32),
            pltpu.VMEM((2, CH_T, 8, 128), jnp.float32),
            pltpu.VMEM((2, CH_T, 4, 128), jnp.int32),
            pltpu.SemaphoreType.DMA,
            pltpu.SemaphoreType.DMA,
        ],
        compiler_params=pltpu.CompilerParams(needs_layout_passes=False),
    )(cube_t, dop_t)
    flat = jnp.transpose(flat3, (0, 2, 1)).reshape(M, 8)[:, :5]
    idx = jnp.transpose(idx3, (0, 2, 1)).reshape(M, 4)
    return flat, idx

# --- scband reference (transcript-rebuilt; emitter-appended) ---
"""Pipeline reference for scband-radar-dop-sparse-processor-22119081575168 (READ-ONLY COPY).

The authoritative reference and input builder live on the scoring server;
editing this copy changes nothing except your own understanding.
"""

import jax, jax.numpy as jnp
import numpy as np

Z_MIN, Z_MAX = -2.0, 7.6
Y_MIN, Y_MAX = -16.0, 16.0
X_MIN, X_MAX = 0.0, 72.0
GRID_SIZE = 0.4


def setup_inputs(seed: int = 0) -> dict:
    key = jax.random.key(seed)
    k1, k2 = jax.random.split(key)
    B, N, C = 8, 500000, 4
    sparse_cube = jax.random.uniform(k1, (B, N, C), dtype=jnp.float32)
    sparse_cube_dop = jax.random.uniform(k2, (B, N, C), dtype=jnp.float32)
    return {"sparse_cube": sparse_cube, "sparse_cube_dop": sparse_cube_dop}


def reference(sparse_cube, sparse_cube_dop):
    # USE_PREPROCESSED_CUBE branch of RadarDopSparseProcessor.forward
    srcp = sparse_cube[:, :, 0:4]
    srcd = sparse_cube_dop[:, :, 3:4]
    sparse_rdr_cube = jnp.concatenate((srcp, srcd), axis=-1)
    B, N, C = sparse_rdr_cube.shape
    # batch indices: full((N,1), b) for each b, concatenated -> repeat
    batch_indices = jnp.repeat(jnp.arange(B, dtype=jnp.int32), N)[:, None]
    flat = sparse_rdr_cube.reshape(B * N, C)
    x_coord = flat[:, 0:1]
    y_coord = flat[:, 1:2]
    z_coord = flat[:, 2:3]
    z_ind = jnp.floor((z_coord - Z_MIN) / GRID_SIZE).astype(jnp.int32)
    y_ind = jnp.floor((y_coord - Y_MIN) / GRID_SIZE).astype(jnp.int32)
    x_ind = jnp.floor((x_coord - X_MIN) / GRID_SIZE).astype(jnp.int32)
    sparse_indices = jnp.concatenate((batch_indices, z_ind, y_ind, x_ind), axis=-1)
    return flat, sparse_indices

if __name__ == "__main__":
    import jax
    _d = setup_inputs()
    print(jax.jit(kernel)(*tuple(_d.values())))

</pallas_src>

<mosaic_0001>
#map = affine_map<(d0, d1) -> (0, 0, 0)>
module attributes {stable_mosaic.version = 14 : i64} {
  func.func @_body(%arg0: i32, %arg1: i32, %arg2: memref<8x4x500000xf32, #tpu.memory_space<hbm>>, %arg3: memref<8x4x500000xf32, #tpu.memory_space<hbm>>, %arg4: memref<31250x8x128xf32, #tpu.memory_space<hbm>>, %arg5: memref<31250x4x128xi32, #tpu.memory_space<hbm>>, %arg6: memref<2x2x4x1408xf32, #tpu.memory_space<vmem>>, %arg7: memref<2x2x4x1408xf32, #tpu.memory_space<vmem>>, %arg8: memref<2x10x8x128xf32, #tpu.memory_space<vmem>>, %arg9: memref<2x10x4x128xi32, #tpu.memory_space<vmem>>, %arg10: memref<!tpu.dma_semaphore, #tpu.memory_space<semaphore_mem>>, %arg11: memref<!tpu.dma_semaphore, #tpu.memory_space<semaphore_mem>>) attributes {dimension_semantics = [#tpu.dimension_semantics<core_parallel>, #tpu.dimension_semantics<subcore_parallel>], iteration_bounds = array<i64: 2, 16>, scalar_prefetch = 0 : i64, scratch_operands = 6 : i64, tpu.core_type = #tpu.core_type<sc_vector_subcore>, window_params = [{transform_indices = #map}, {transform_indices = #map}, {transform_indices = #map}, {transform_indices = #map}]} {
    %mul3A = arith.constant 2 : i32
    %mul3A_0 = arith.muli %arg1, %mul3A : i32
    %add3A = arith.addi %mul3A_0, %arg0 : i32
    %iota3A = tpu.iota {dimensions = array<i32: 0>} : vector<16xi32>
    %add3A_1 = arith.constant 0 : i32
    %add3A_2 = arith.addi %add3A, %add3A_1 : i32
    %lt3A = arith.constant 3125 : i32
    %lt3A_3 = arith.cmpi slt, %add3A_2, %lt3A : i32
    %convert_element_type3A = arith.extui %lt3A_3 : i1 to i32
    %cond3A = arith.constant 0 : i32
    %cond3A_4 = arith.cmpi ne, %convert_element_type3A, %cond3A : i32
    scf.if %cond3A_4 {
      %add3A_54 = arith.constant 0 : i32
      %add3A_55 = arith.addi %add3A, %add3A_54 : i32
      %mul3A_56 = arith.constant 1280 : i32
      %mul3A_57 = arith.muli %add3A_55, %mul3A_56 : i32
      %ge3A_58 = arith.constant 500000 : i32
      %ge3A_59 = arith.cmpi sge, %mul3A_57, %ge3A_58 : i32
      %convert_element_type3A_60 = arith.extui %ge3A_59 : i1 to i32
      %add3A_61 = arith.constant 0 : i32
      %add3A_62 = arith.addi %add3A_61, %convert_element_type3A_60 : i32
      %ge3A_63 = arith.constant 1000000 : i32
      %ge3A_64 = arith.cmpi sge, %mul3A_57, %ge3A_63 : i32
      %convert_element_type3A_65 = arith.extui %ge3A_64 : i1 to i32
      %add3A_66 = arith.addi %add3A_62, %convert_element_type3A_65 : i32
      %ge3A_67 = arith.constant 1500000 : i32
      %ge3A_68 = arith.cmpi sge, %mul3A_57, %ge3A_67 : i32
      %convert_element_type3A_69 = arith.extui %ge3A_68 : i1 to i32
      %add3A_70 = arith.addi %add3A_66, %convert_element_type3A_69 : i32
      %ge3A_71 = arith.constant 2000000 : i32
      %ge3A_72 = arith.cmpi sge, %mul3A_57, %ge3A_71 : i32
      %convert_element_type3A_73 = arith.extui %ge3A_72 : i1 to i32
      %add3A_74 = arith.addi %add3A_70, %convert_element_type3A_73 : i32
      %ge3A_75 = arith.constant 2500000 : i32
      %ge3A_76 = arith.cmpi sge, %mul3A_57, %ge3A_75 : i32
      %convert_element_type3A_77 = arith.extui %ge3A_76 : i1 to i32
      %add3A_78 = arith.addi %add3A_74, %convert_element_type3A_77 : i32
      %ge3A_79 = arith.constant 3000000 : i32
      %ge3A_80 = arith.cmpi sge, %mul3A_57, %ge3A_79 : i32
      %convert_element_type3A_81 = arith.extui %ge3A_80 : i1 to i32
      %add3A_82 = arith.addi %add3A_78, %convert_element_type3A_81 : i32
      %ge3A_83 = arith.constant 3500000 : i32
      %ge3A_84 = arith.cmpi sge, %mul3A_57, %ge3A_83 : i32
      %convert_element_type3A_85 = arith.extui %ge3A_84 : i1 to i32
      %add3A_86 = arith.addi %add3A_82, %convert_element_type3A_85 : i32
      %add3A_87 = arith.constant 1 : i32
      %add3A_88 = arith.addi %add3A_86, %add3A_87 : i32
      %mul3A_89 = arith.constant 500000 : i32
      %mul3A_90 = arith.muli %add3A_88, %mul3A_89 : i32
      %add3A_91 = arith.constant 1280 : i32
      %add3A_92 = arith.addi %mul3A_57, %add3A_91 : i32
      %lt3A_93 = arith.cmpi slt, %mul3A_90, %add3A_92 : i32
      %mul3A_94 = arith.constant 500000 : i32
      %mul3A_95 = arith.muli %add3A_86, %mul3A_94 : i32
      %sub3A_96 = arith.subi %mul3A_57, %mul3A_95 : i32
      %not3A = arith.constant 127 : i32
      %not3A_97 = arith.constant -1 : i32
      %not3A_98 = arith.xori %not3A, %not3A_97 : i32
      %and3A_99 = arith.andi %sub3A_96, %not3A_98 : i32
      %multiple_of3A = tpu.assume_multiple %and3A_99, 128 : i32
      %add3A_100 = arith.constant 1 : i32
      %add3A_101 = arith.addi %add3A_86, %add3A_100 : i32
      %min3A = arith.constant 7 : i32
      %min3A_102 = arith.minsi %add3A_101, %min3A : i32
      %dma_start3A = arith.constant 0 : i32
      %dma_start3A_103 = arith.constant 0 : i32
      %dma_start3A_104 = arith.constant 0 : i32
      %dma_start3A_105 = arith.constant 0 : i32
      %dma_start3A_106 = tpu.memref_slice %arg6[%dma_start3A, %dma_start3A_103, %dma_start3A_104, %dma_start3A_105] : memref<2x2x4x1408xf32, #tpu.memory_space<vmem>> -> memref<1x1x4x1408xf32, #tpu.memory_space<vmem>>
      %dma_start3A_107 = tpu.memref_squeeze %dma_start3A_106 : memref<1x1x4x1408xf32, #tpu.memory_space<vmem>> -> memref<4x1408xf32, #tpu.memory_space<vmem>>
      %dma_start3A_108 = arith.constant 0 : i32
      %dma_start3A_109 = tpu.memref_slice %arg2[%add3A_86, %dma_start3A_108, %multiple_of3A] : memref<8x4x500000xf32, #tpu.memory_space<hbm>> -> memref<1x4x1408xf32, #tpu.memory_space<hbm>>
      %dma_start3A_110 = tpu.memref_squeeze %dma_start3A_109 : memref<1x4x1408xf32, #tpu.memory_space<hbm>> -> memref<4x1408xf32, #tpu.memory_space<hbm>>
      %dma_start3A_111 = arith.constant 0 : i32
      %dma_start3A_112 = arith.constant 0 : i32
      %dma_start3A_113 = tpu.memref_slice %arg6[%dma_start3A, %dma_start3A_103, %dma_start3A_111, %dma_start3A_112] : memref<2x2x4x1408xf32, #tpu.memory_space<vmem>> -> memref<1x1x4x1408xf32, #tpu.memory_space<vmem>>
      %dma_start3A_114 = tpu.memref_squeeze %dma_start3A_113 : memref<1x1x4x1408xf32, #tpu.memory_space<vmem>> -> memref<4x1408xf32, #tpu.memory_space<vmem>>
      %dma_start3A_115 = arith.constant 0 : i32
      %dma_start3A_116 = tpu.memref_slice %arg2[%add3A_86, %dma_start3A_115, %multiple_of3A] : memref<8x4x500000xf32, #tpu.memory_space<hbm>> -> memref<1x4x1408xf32, #tpu.memory_space<hbm>>
      %dma_start3A_117 = tpu.memref_squeeze %dma_start3A_116 : memref<1x4x1408xf32, #tpu.memory_space<hbm>> -> memref<4x1408xf32, #tpu.memory_space<hbm>>
      tpu.enqueue_dma source(%dma_start3A_117 : memref<4x1408xf32, #tpu.memory_space<hbm>>) target(%dma_start3A_114 : memref<4x1408xf32, #tpu.memory_space<vmem>>) target_semaphore(%arg10 : memref<!tpu.dma_semaphore, #tpu.memory_space<semaphore_mem>>)
      %dma_start3A_118 = arith.constant 0 : i32
      %dma_start3A_119 = arith.constant 0 : i32
      %dma_start3A_120 = arith.constant 0 : i32
      %dma_start3A_121 = arith.constant 0 : i32
      %dma_start3A_122 = tpu.memref_slice %arg7[%dma_start3A_118, %dma_start3A_119, %dma_start3A_120, %dma_start3A_121] : memref<2x2x4x1408xf32, #tpu.memory_space<vmem>> -> memref<1x1x4x1408xf32, #tpu.memory_space<vmem>>
      %dma_start3A_123 = tpu.memref_squeeze %dma_start3A_122 : memref<1x1x4x1408xf32, #tpu.memory_space<vmem>> -> memref<4x1408xf32, #tpu.memory_space<vmem>>
      %dma_start3A_124 = arith.constant 0 : i32
      %dma_start3A_125 = tpu.memref_slice %arg3[%add3A_86, %dma_start3A_124, %multiple_of3A] : memref<8x4x500000xf32, #tpu.memory_space<hbm>> -> memref<1x4x1408xf32, #tpu.memory_space<hbm>>
      %dma_start3A_126 = tpu.memref_squeeze %dma_start3A_125 : memref<1x4x1408xf32, #tpu.memory_space<hbm>> -> memref<4x1408xf32, #tpu.memory_space<hbm>>
      %dma_start3A_127 = arith.constant 0 : i32
      %dma_start3A_128 = arith.constant 0 : i32
      %dma_start3A_129 = tpu.memref_slice %arg7[%dma_start3A_118, %dma_start3A_119, %dma_start3A_127, %dma_start3A_128] : memref<2x2x4x1408xf32, #tpu.memory_space<vmem>> -> memref<1x1x4x1408xf32, #tpu.memory_space<vmem>>
      %dma_start3A_130 = tpu.memref_squeeze %dma_start3A_129 : memref<1x1x4x1408xf32, #tpu.memory_space<vmem>> -> memref<4x1408xf32, #tpu.memory_space<vmem>>
      %dma_start3A_131 = arith.constant 0 : i32
      %dma_start3A_132 = tpu.memref_slice %arg3[%add3A_86, %dma_start3A_131, %multiple_of3A] : memref<8x4x500000xf32, #tpu.memory_space<hbm>> -> memref<1x4x1408xf32, #tpu.memory_space<hbm>>
      %dma_start3A_133 = tpu.memref_squeeze %dma_start3A_132 : memref<1x4x1408xf32, #tpu.memory_space<hbm>> -> memref<4x1408xf32, #tpu.memory_space<hbm>>
      tpu.enqueue_dma source(%dma_start3A_133 : memref<4x1408xf32, #tpu.memory_space<hbm>>) target(%dma_start3A_130 : memref<4x1408xf32, #tpu.memory_space<vmem>>) target_semaphore(%arg10 : memref<!tpu.dma_semaphore, #tpu.memory_space<semaphore_mem>>)
      %convert_element_type3A_134 = arith.extui %lt3A_93 : i1 to i32
      %cond3A_135 = arith.constant 0 : i32
      %cond3A_136 = arith.constant 1 : i32
      %cond3A_137 = arith.constant 0 : i32
      %cond3A_138 = arith.constant 1 : i32
      %cond3A_139 = arith.constant 0 : i32
      %cond3A_140 = arith.cmpi ne, %convert_element_type3A_134, %cond3A_139 : i32
      scf.if %cond3A_140 {
        %dma_start3A_141 = arith.constant 0 : i32
        %dma_start3A_142 = arith.constant 0 : i32
        %dma_start3A_143 = tpu.memref_slice %arg6[%cond3A_135, %cond3A_136, %dma_start3A_141, %dma_start3A_142] : memref<2x2x4x1408xf32, #tpu.memory_space<vmem>> -> memref<1x1x4x1408xf32, #tpu.memory_space<vmem>>
        %dma_start3A_144 = tpu.memref_squeeze %dma_start3A_143 : memref<1x1x4x1408xf32, #tpu.memory_space<vmem>> -> memref<4x1408xf32, #tpu.memory_space<vmem>>
        %dma_start3A_145 = arith.constant 0 : i32
        %dma_start3A_146 = arith.constant 0 : i32
        %dma_start3A_147 = tpu.memref_slice %arg2[%min3A_102, %dma_start3A_145, %dma_start3A_146] : memref<8x4x500000xf32, #tpu.memory_space<hbm>> -> memref<1x4x1408xf32, #tpu.memory_space<hbm>>
        %dma_start3A_148 = tpu.memref_squeeze %dma_start3A_147 : memref<1x4x1408xf32, #tpu.memory_space<hbm>> -> memref<4x1408xf32, #tpu.memory_space<hbm>>
        %dma_start3A_149 = arith.constant 0 : i32
        %dma_start3A_150 = arith.constant 0 : i32
        %dma_start3A_151 = tpu.memref_slice %arg6[%cond3A_135, %cond3A_136, %dma_start3A_149, %dma_start3A_150] : memref<2x2x4x1408xf32, #tpu.memory_space<vmem>> -> memref<1x1x4x1408xf32, #tpu.memory_space<vmem>>
        %dma_start3A_152 = tpu.memref_squeeze %dma_start3A_151 : memref<1x1x4x1408xf32, #tpu.memory_space<vmem>> -> memref<4x1408xf32, #tpu.memory_space<vmem>>
        %dma_start3A_153 = arith.constant 0 : i32
        %dma_start3A_154 = arith.constant 0 : i32
        %dma_start3A_155 = tpu.memref_slice %arg2[%min3A_102, %dma_start3A_153, %dma_start3A_154] : memref<8x4x500000xf32, #tpu.memory_space<hbm>> -> memref<1x4x1408xf32, #tpu.memory_space<hbm>>
        %dma_start3A_156 = tpu.memref_squeeze %dma_start3A_155 : memref<1x4x1408xf32, #tpu.memory_space<hbm>> -> memref<4x1408xf32, #tpu.memory_space<hbm>>
        tpu.enqueue_dma source(%dma_start3A_156 : memref<4x1408xf32, #tpu.memory_space<hbm>>) target(%dma_start3A_152 : memref<4x1408xf32, #tpu.memory_space<vmem>>) target_semaphore(%arg10 : memref<!tpu.dma_semaphore, #tpu.memory_space<semaphore_mem>>)
        %dma_start3A_157 = arith.constant 0 : i32
        %dma_start3A_158 = arith.constant 0 : i32
        %dma_start3A_159 = tpu.memref_slice %arg7[%cond3A_137, %cond3A_138, %dma_start3A_157, %dma_start3A_158] : memref<2x2x4x1408xf32, #tpu.memory_space<vmem>> -> memref<1x1x4x1408xf32, #tpu.memory_space<vmem>>
        %dma_start3A_160 = tpu.memref_squeeze %dma_start3A_159 : memref<1x1x4x1408xf32, #tpu.memory_space<vmem>> -> memref<4x1408xf32, #tpu.memory_space<vmem>>
        %dma_start3A_161 = arith.constant 0 : i32
        %dma_start3A_162 = arith.constant 0 : i32
        %dma_start3A_163 = tpu.memref_slice %arg3[%min3A_102, %dma_start3A_161, %dma_start3A_162] : memref<8x4x500000xf32, #tpu.memory_space<hbm>> -> memref<1x4x1408xf32, #tpu.memory_space<hbm>>
        %dma_start3A_164 = tpu.memref_squeeze %dma_start3A_163 : memref<1x4x1408xf32, #tpu.memory_space<hbm>> -> memref<4x1408xf32, #tpu.memory_space<hbm>>
        %dma_start3A_165 = arith.constant 0 : i32
        %dma_start3A_166 = arith.constant 0 : i32
        %dma_start3A_167 = tpu.memref_slice %arg7[%cond3A_137, %cond3A_138, %dma_start3A_165, %dma_start3A_166] : memref<2x2x4x1408xf32, #tpu.memory_space<vmem>> -> memref<1x1x4x1408xf32, #tpu.memory_space<vmem>>
        %dma_start3A_168 = tpu.memref_squeeze %dma_start3A_167 : memref<1x1x4x1408xf32, #tpu.memory_space<vmem>> -> memref<4x1408xf32, #tpu.memory_space<vmem>>
        %dma_start3A_169 = arith.constant 0 : i32
        %dma_start3A_170 = arith.constant 0 : i32
        %dma_start3A_171 = tpu.memref_slice %arg3[%min3A_102, %dma_start3A_169, %dma_start3A_170] : memref<8x4x500000xf32, #tpu.memory_space<hbm>> -> memref<1x4x1408xf32, #tpu.memory_space<hbm>>
        %dma_start3A_172 = tpu.memref_squeeze %dma_start3A_171 : memref<1x4x1408xf32, #tpu.memory_space<hbm>> -> memref<4x1408xf32, #tpu.memory_space<hbm>>
        tpu.enqueue_dma source(%dma_start3A_172 : memref<4x1408xf32, #tpu.memory_space<hbm>>) target(%dma_start3A_168 : memref<4x1408xf32, #tpu.memory_space<vmem>>) target_semaphore(%arg10 : memref<!tpu.dma_semaphore, #tpu.memory_space<semaphore_mem>>)
      } else {
      }
    } else {
    }
    %scan3A = arith.constant 0 : i32
    %scan3A_5 = arith.constant 0 : i32
    %scan3A_6 = arith.constant 98 : i32
    %scan3A_7 = arith.addi %scan3A_5, %scan3A_6 : i32
    %scan3A_8 = arith.constant 1 : i32
    %scan3A_9 = scf.for %scan3A_54 = %scan3A_5 to %scan3A_7 step %scan3A_8 iter_args(%scan3A_55 = %scan3A) -> (i32)  : i32 {
      %mul3A_56 = arith.constant 32 : i32
      %mul3A_57 = arith.muli %mul3A_56, %scan3A_54 : i32
      %add3A_58 = arith.addi %add3A, %mul3A_57 : i32
      %mul3A_59 = arith.constant 1280 : i32
      %mul3A_60 = arith.muli %add3A_58, %mul3A_59 : i32
      %ge3A_61 = arith.constant 500000 : i32
      %ge3A_62 = arith.cmpi sge, %mul3A_60, %ge3A_61 : i32
      %convert_element_type3A_63 = arith.extui %ge3A_62 : i1 to i32
      %add3A_64 = arith.constant 0 : i32
      %add3A_65 = arith.addi %add3A_64, %convert_element_type3A_63 : i32
      %ge3A_66 = arith.constant 1000000 : i32
      %ge3A_67 = arith.cmpi sge, %mul3A_60, %ge3A_66 : i32
      %convert_element_type3A_68 = arith.extui %ge3A_67 : i1 to i32
      %add3A_69 = arith.addi %add3A_65, %convert_element_type3A_68 : i32
      %ge3A_70 = arith.constant 1500000 : i32
      %ge3A_71 = arith.cmpi sge, %mul3A_60, %ge3A_70 : i32
      %convert_element_type3A_72 = arith.extui %ge3A_71 : i1 to i32
      %add3A_73 = arith.addi %add3A_69, %convert_element_type3A_72 : i32
      %ge3A_74 = arith.constant 2000000 : i32
      %ge3A_75 = arith.cmpi sge, %mul3A_60, %ge3A_74 : i32
      %convert_element_type3A_76 = arith.extui %ge3A_75 : i1 to i32
      %add3A_77 = arith.addi %add3A_73, %convert_element_type3A_76 : i32
      %ge3A_78 = arith.constant 2500000 : i32
      %ge3A_79 = arith.cmpi sge, %mul3A_60, %ge3A_78 : i32
      %convert_element_type3A_80 = arith.extui %ge3A_79 : i1 to i32
      %add3A_81 = arith.addi %add3A_77, %convert_element_type3A_80 : i32
      %ge3A_82 = arith.constant 3000000 : i32
      %ge3A_83 = arith.cmpi sge, %mul3A_60, %ge3A_82 : i32
      %convert_element_type3A_84 = arith.extui %ge3A_83 : i1 to i32
      %add3A_85 = arith.addi %add3A_81, %convert_element_type3A_84 : i32
      %ge3A_86 = arith.constant 3500000 : i32
      %ge3A_87 = arith.cmpi sge, %mul3A_60, %ge3A_86 : i32
      %convert_element_type3A_88 = arith.extui %ge3A_87 : i1 to i32
      %add3A_89 = arith.addi %add3A_85, %convert_element_type3A_88 : i32
      %add3A_90 = arith.constant 1 : i32
      %add3A_91 = arith.addi %add3A_89, %add3A_90 : i32
      %mul3A_92 = arith.constant 500000 : i32
      %mul3A_93 = arith.muli %add3A_91, %mul3A_92 : i32
      %add3A_94 = arith.constant 1280 : i32
      %add3A_95 = arith.addi %mul3A_60, %add3A_94 : i32
      %lt3A_96 = arith.cmpi slt, %mul3A_93, %add3A_95 : i32
      %mul3A_97 = arith.constant 500000 : i32
      %mul3A_98 = arith.muli %add3A_89, %mul3A_97 : i32
      %sub3A_99 = arith.subi %mul3A_60, %mul3A_98 : i32
      %not3A = arith.constant 127 : i32
      %not3A_100 = arith.constant -1 : i32
      %not3A_101 = arith.xori %not3A, %not3A_100 : i32
      %and3A_102 = arith.andi %sub3A_99, %not3A_101 : i32
      %multiple_of3A = tpu.assume_multiple %and3A_102, 128 : i32
      %and3A_103 = arith.constant 1 : i32
      %and3A_104 = arith.andi %scan3A_54, %and3A_103 : i32
      %lt3A_105 = arith.constant 3125 : i32
      %lt3A_106 = arith.cmpi slt, %add3A_58, %lt3A_105 : i32
      %convert_element_type3A_107 = arith.extui %lt3A_106 : i1 to i32
      %cond3A_108 = arith.constant 0 : i32
      %cond3A_109 = arith.cmpi ne, %convert_element_type3A_107, %cond3A_108 : i32
      scf.if %cond3A_109 {
        %add3A_111 = arith.constant 1 : i32
        %add3A_112 = arith.addi %scan3A_54, %add3A_111 : i32
        %mul3A_113 = arith.constant 32 : i32
        %mul3A_114 = arith.muli %mul3A_113, %add3A_112 : i32
        %add3A_115 = arith.addi %add3A, %mul3A_114 : i32
        %lt3A_116 = arith.constant 3125 : i32
        %lt3A_117 = arith.cmpi slt, %add3A_115, %lt3A_116 : i32
        %convert_element_type3A_118 = arith.extui %lt3A_117 : i1 to i32
        %cond3A_119 = arith.constant 0 : i32
        %cond3A_120 = arith.cmpi ne, %convert_element_type3A_118, %cond3A_119 : i32
        scf.if %cond3A_120 {
          %mul3A_283 = arith.constant 32 : i32
          %mul3A_284 = arith.muli %mul3A_283, %add3A_112 : i32
          %add3A_285 = arith.addi %add3A, %mul3A_284 : i32
          %mul3A_286 = arith.constant 1280 : i32
          %mul3A_287 = arith.muli %add3A_285, %mul3A_286 : i32
          %ge3A_288 = arith.constant 500000 : i32
          %ge3A_289 = arith.cmpi sge, %mul3A_287, %ge3A_288 : i32
          %convert_element_type3A_290 = arith.extui %ge3A_289 : i1 to i32
          %add3A_291 = arith.constant 0 : i32
          %add3A_292 = arith.addi %add3A_291, %convert_element_type3A_290 : i32
          %ge3A_293 = arith.constant 1000000 : i32
          %ge3A_294 = arith.cmpi sge, %mul3A_287, %ge3A_293 : i32
          %convert_element_type3A_295 = arith.extui %ge3A_294 : i1 to i32
          %add3A_296 = arith.addi %add3A_292, %convert_element_type3A_295 : i32
          %ge3A_297 = arith.constant 1500000 : i32
          %ge3A_298 = arith.cmpi sge, %mul3A_287, %ge3A_297 : i32
          %convert_element_type3A_299 = arith.extui %ge3A_298 : i1 to i32
          %add3A_300 = arith.addi %add3A_296, %convert_element_type3A_299 : i32
          %ge3A_301 = arith.constant 2000000 : i32
          %ge3A_302 = arith.cmpi sge, %mul3A_287, %ge3A_301 : i32
          %convert_element_type3A_303 = arith.extui %ge3A_302 : i1 to i32
          %add3A_304 = arith.addi %add3A_300, %convert_element_type3A_303 : i32
          %ge3A_305 = arith.constant 2500000 : i32
          %ge3A_306 = arith.cmpi sge, %mul3A_287, %ge3A_305 : i32
          %convert_element_type3A_307 = arith.extui %ge3A_306 : i1 to i32
          %add3A_308 = arith.addi %add3A_304, %convert_element_type3A_307 : i32
          %ge3A_309 = arith.constant 3000000 : i32
          %ge3A_310 = arith.cmpi sge, %mul3A_287, %ge3A_309 : i32
          %convert_element_type3A_311 = arith.extui %ge3A_310 : i1 to i32
          %add3A_312 = arith.addi %add3A_308, %convert_element_type3A_311 : i32
          %ge3A_313 = arith.constant 3500000 : i32
          %ge3A_314 = arith.cmpi sge, %mul3A_287, %ge3A_313 : i32
          %convert_element_type3A_315 = arith.extui %ge3A_314 : i1 to i32
          %add3A_316 = arith.addi %add3A_312, %convert_element_type3A_315 : i32
          %add3A_317 = arith.constant 1 : i32
          %add3A_318 = arith.addi %add3A_316, %add3A_317 : i32
          %mul3A_319 = arith.constant 500000 : i32
          %mul3A_320 = arith.muli %add3A_318, %mul3A_319 : i32
          %add3A_321 = arith.constant 1280 : i32
          %add3A_322 = arith.addi %mul3A_287, %add3A_321 : i32
          %lt3A_323 = arith.cmpi slt, %mul3A_320, %add3A_322 : i32
          %mul3A_324 = arith.constant 500000 : i32
          %mul3A_325 = arith.muli %add3A_316, %mul3A_324 : i32
          %sub3A_326 = arith.subi %mul3A_287, %mul3A_325 : i32
          %not3A_327 = arith.constant 127 : i32
          %not3A_328 = arith.constant -1 : i32
          %not3A_329 = arith.xori %not3A_327, %not3A_328 : i32
          %and3A_330 = arith.andi %sub3A_326, %not3A_329 : i32
          %multiple_of3A_331 = tpu.assume_multiple %and3A_330, 128 : i32
          %and3A_332 = arith.constant 1 : i32
          %and3A_333 = arith.andi %add3A_112, %and3A_332 : i32
          %add3A_334 = arith.constant 1 : i32
          %add3A_335 = arith.addi %add3A_316, %add3A_334 : i32
          %min3A_336 = arith.constant 7 : i32
          %min3A_337 = arith.minsi %add3A_335, %min3A_336 : i32
          %dma_start3A_338 = arith.constant 0 : i32
          %dma_start3A_339 = arith.constant 0 : i32
          %dma_start3A_340 = arith.constant 0 : i32
          %dma_start3A_341 = tpu.memref_slice %arg6[%and3A_333, %dma_start3A_338, %dma_start3A_339, %dma_start3A_340] : memref<2x2x4x1408xf32, #tpu.memory_space<vmem>> -> memref<1x1x4x1408xf32, #tpu.memory_space<vmem>>
          %dma_start3A_342 = tpu.memref_squeeze %dma_start3A_341 : memref<1x1x4x1408xf32, #tpu.memory_space<vmem>> -> memref<4x1408xf32, #tpu.memory_space<vmem>>
          %dma_start3A_343 = arith.constant 0 : i32
          %dma_start3A_344 = tpu.memref_slice %arg2[%add3A_316, %dma_start3A_343, %multiple_of3A_331] : memref<8x4x500000xf32, #tpu.memory_space<hbm>> -> memref<1x4x1408xf32, #tpu.memory_space<hbm>>
          %dma_start3A_345 = tpu.memref_squeeze %dma_start3A_344 : memref<1x4x1408xf32, #tpu.memory_space<hbm>> -> memref<4x1408xf32, #tpu.memory_space<hbm>>
          %dma_start3A_346 = arith.constant 0 : i32
          %dma_start3A_347 = arith.constant 0 : i32
          %dma_start3A_348 = tpu.memref_slice %arg6[%and3A_333, %dma_start3A_338, %dma_start3A_346, %dma_start3A_347] : memref<2x2x4x1408xf32, #tpu.memory_space<vmem>> -> memref<1x1x4x1408xf32, #tpu.memory_space<vmem>>
          %dma_start3A_349 = tpu.memref_squeeze %dma_start3A_348 : memref<1x1x4x1408xf32, #tpu.memory_space<vmem>> -> memref<4x1408xf32, #tpu.memory_space<vmem>>
          %dma_start3A_350 = arith.constant 0 : i32
          %dma_start3A_351 = tpu.memref_slice %arg2[%add3A_316, %dma_start3A_350, %multiple_of3A_331] : memref<8x4x500000xf32, #tpu.memory_space<hbm>> -> memref<1x4x1408xf32, #tpu.memory_space<hbm>>
          %dma_start3A_352 = tpu.memref_squeeze %dma_start3A_351 : memref<1x4x1408xf32, #tpu.memory_space<hbm>> -> memref<4x1408xf32, #tpu.memory_space<hbm>>
          tpu.enqueue_dma source(%dma_start3A_352 : memref<4x1408xf32, #tpu.memory_space<hbm>>) target(%dma_start3A_349 : memref<4x1408xf32, #tpu.memory_space<vmem>>) target_semaphore(%arg10 : memref<!tpu.dma_semaphore, #tpu.memory_space<semaphore_mem>>)
          %dma_start3A_353 = arith.constant 0 : i32
          %dma_start3A_354 = arith.constant 0 : i32
          %dma_start3A_355 = arith.constant 0 : i32
          %dma_start3A_356 = tpu.memref_slice %arg7[%and3A_333, %dma_start3A_353, %dma_start3A_354, %dma_start3A_355] : memref<2x2x4x1408xf32, #tpu.memory_space<vmem>> -> memref<1x1x4x1408xf32, #tpu.memory_space<vmem>>
          %dma_start3A_357 = tpu.memref_squeeze %dma_start3A_356 : memref<1x1x4x1408xf32, #tpu.memory_space<vmem>> -> memref<4x1408xf32, #tpu.memory_space<vmem>>
          %dma_start3A_358 = arith.constant 0 : i32
          %dma_start3A_359 = tpu.memref_slice %arg3[%add3A_316, %dma_start3A_358, %multiple_of3A_331] : memref<8x4x500000xf32, #tpu.memory_space<hbm>> -> memref<1x4x1408xf32, #tpu.memory_space<hbm>>
          %dma_start3A_360 = tpu.memref_squeeze %dma_start3A_359 : memref<1x4x1408xf32, #tpu.memory_space<hbm>> -> memref<4x1408xf32, #tpu.memory_space<hbm>>
          %dma_start3A_361 = arith.constant 0 : i32
          %dma_start3A_362 = arith.constant 0 : i32
          %dma_start3A_363 = tpu.memref_slice %arg7[%and3A_333, %dma_start3A_353, %dma_start3A_361, %dma_start3A_362] : memref<2x2x4x1408xf32, #tpu.memory_space<vmem>> -> memref<1x1x4x1408xf32, #tpu.memory_space<vmem>>
          %dma_start3A_364 = tpu.memref_squeeze %dma_start3A_363 : memref<1x1x4x1408xf32, #tpu.memory_space<vmem>> -> memref<4x1408xf32, #tpu.memory_space<vmem>>
          %dma_start3A_365 = arith.constant 0 : i32
          %dma_start3A_366 = tpu.memref_slice %arg3[%add3A_316, %dma_start3A_365, %multiple_of3A_331] : memref<8x4x500000xf32, #tpu.memory_space<hbm>> -> memref<1x4x1408xf32, #tpu.memory_space<hbm>>
          %dma_start3A_367 = tpu.memref_squeeze %dma_start3A_366 : memref<1x4x1408xf32, #tpu.memory_space<hbm>> -> memref<4x1408xf32, #tpu.memory_space<hbm>>
          tpu.enqueue_dma source(%dma_start3A_367 : memref<4x1408xf32, #tpu.memory_space<hbm>>) target(%dma_start3A_364 : memref<4x1408xf32, #tpu.memory_space<vmem>>) target_semaphore(%arg10 : memref<!tpu.dma_semaphore, #tpu.memory_space<semaphore_mem>>)
          %convert_element_type3A_368 = arith.extui %lt3A_323 : i1 to i32
          %cond3A_369 = arith.constant 1 : i32
          %cond3A_370 = arith.constant 1 : i32
          %cond3A_371 = arith.constant 0 : i32
          %cond3A_372 = arith.cmpi ne, %convert_element_type3A_368, %cond3A_371 : i32
          scf.if %cond3A_372 {
            %dma_start3A_373 = arith.constant 0 : i32
            %dma_start3A_374 = arith.constant 0 : i32
            %dma_start3A_375 = tpu.memref_slice %arg6[%and3A_333, %cond3A_369, %dma_start3A_373, %dma_start3A_374] : memref<2x2x4x1408xf32, #tpu.memory_space<vmem>> -> memref<1x1x4x1408xf32, #tpu.memory_space<vmem>>
            %dma_start3A_376 = tpu.memref_squeeze %dma_start3A_375 : memref<1x1x4x1408xf32, #tpu.memory_space<vmem>> -> memref<4x1408xf32, #tpu.memory_space<vmem>>
            %dma_start3A_377 = arith.constant 0 : i32
            %dma_start3A_378 = arith.constant 0 : i32
            %dma_start3A_379 = tpu.memref_slice %arg2[%min3A_337, %dma_start3A_377, %dma_start3A_378] : memref<8x4x500000xf32, #tpu.memory_space<hbm>> -> memref<1x4x1408xf32, #tpu.memory_space<hbm>>
            %dma_start3A_380 = tpu.memref_squeeze %dma_start3A_379 : memref<1x4x1408xf32, #tpu.memory_space<hbm>> -> memref<4x1408xf32, #tpu.memory_space<hbm>>
            %dma_start3A_381 = arith.constant 0 : i32
            %dma_start3A_382 = arith.constant 0 : i32
            %dma_start3A_383 = tpu.memref_slice %arg6[%and3A_333, %cond3A_369, %dma_start3A_381, %dma_start3A_382] : memref<2x2x4x1408xf32, #tpu.memory_space<vmem>> -> memref<1x1x4x1408xf32, #tpu.memory_space<vmem>>
            %dma_start3A_384 = tpu.memref_squeeze %dma_start3A_383 : memref<1x1x4x1408xf32, #tpu.memory_space<vmem>> -> memref<4x1408xf32, #tpu.memory_space<vmem>>
            %dma_start3A_385 = arith.constant 0 : i32
            %dma_start3A_386 = arith.constant 0 : i32
            %dma_start3A_387 = tpu.memref_slice %arg2[%min3A_337, %dma_start3A_385, %dma_start3A_386] : memref<8x4x500000xf32, #tpu.memory_space<hbm>> -> memref<1x4x1408xf32, #tpu.memory_space<hbm>>
            %dma_start3A_388 = tpu.memref_squeeze %dma_start3A_387 : memref<1x4x1408xf32, #tpu.memory_space<hbm>> -> memref<4x1408xf32, #tpu.memory_space<hbm>>
            tpu.enqueue_dma source(%dma_start3A_388 : memref<4x1408xf32, #tpu.memory_space<hbm>>) target(%dma_start3A_384 : memref<4x1408xf32, #tpu.memory_space<vmem>>) target_semaphore(%arg10 : memref<!tpu.dma_semaphore, #tpu.memory_space<semaphore_mem>>)
            %dma_start3A_389 = arith.constant 0 : i32
            %dma_start3A_390 = arith.constant 0 : i32
            %dma_start3A_391 = tpu.memref_slice %arg7[%and3A_333, %cond3A_370, %dma_start3A_389, %dma_start3A_390] : memref<2x2x4x1408xf32, #tpu.memory_space<vmem>> -> memref<1x1x4x1408xf32, #tpu.memory_space<vmem>>
            %dma_start3A_392 = tpu.memref_squeeze %dma_start3A_391 : memref<1x1x4x1408xf32, #tpu.memory_space<vmem>> -> memref<4x1408xf32, #tpu.memory_space<vmem>>
            %dma_start3A_393 = arith.constant 0 : i32
            %dma_start3A_394 = arith.constant 0 : i32
            %dma_start3A_395 = tpu.memref_slice %arg3[%min3A_337, %dma_start3A_393, %dma_start3A_394] : memref<8x4x500000xf32, #tpu.memory_space<hbm>> -> memref<1x4x1408xf32, #tpu.memory_space<hbm>>
            %dma_start3A_396 = tpu.memref_squeeze %dma_start3A_395 : memref<1x4x1408xf32, #tpu.memory_space<hbm>> -> memref<4x1408xf32, #tpu.memory_space<hbm>>
            %dma_start3A_397 = arith.constant 0 : i32
            %dma_start3A_398 = arith.constant 0 : i32
            %dma_start3A_399 = tpu.memref_slice %arg7[%and3A_333, %cond3A_370, %dma_start3A_397, %dma_start3A_398] : memref<2x2x4x1408xf32, #tpu.memory_space<vmem>> -> memref<1x1x4x1408xf32, #tpu.memory_space<vmem>>
            %dma_start3A_400 = tpu.memref_squeeze %dma_start3A_399 : memref<1x1x4x1408xf32, #tpu.memory_space<vmem>> -> memref<4x1408xf32, #tpu.memory_space<vmem>>
            %dma_start3A_401 = arith.constant 0 : i32
            %dma_start3A_402 = arith.constant 0 : i32
            %dma_start3A_403 = tpu.memref_slice %arg3[%min3A_337, %dma_start3A_401, %dma_start3A_402] : memref<8x4x500000xf32, #tpu.memory_space<hbm>> -> memref<1x4x1408xf32, #tpu.memory_space<hbm>>
            %dma_start3A_404 = tpu.memref_squeeze %dma_start3A_403 : memref<1x4x1408xf32, #tpu.memory_space<hbm>> -> memref<4x1408xf32, #tpu.memory_space<hbm>>
            tpu.enqueue_dma source(%dma_start3A_404 : memref<4x1408xf32, #tpu.memory_space<hbm>>) target(%dma_start3A_400 : memref<4x1408xf32, #tpu.memory_space<vmem>>) target_semaphore(%arg10 : memref<!tpu.dma_semaphore, #tpu.memory_space<semaphore_mem>>)
          } else {
          }
        } else {
        }
        %ge3A_121 = arith.constant 2 : i32
        %ge3A_122 = arith.cmpi sge, %scan3A_54, %ge3A_121 : i32
        %convert_element_type3A_123 = arith.extui %ge3A_122 : i1 to i32
        %cond3A_124 = arith.constant 0 : i32
        %cond3A_125 = arith.cmpi ne, %convert_element_type3A_123, %cond3A_124 : i32
        scf.if %cond3A_125 {
          %sub3A_283 = arith.constant 2 : i32
          %sub3A_284 = arith.subi %scan3A_54, %sub3A_283 : i32
          %mul3A_285 = arith.constant 32 : i32
          %mul3A_286 = arith.muli %mul3A_285, %sub3A_284 : i32
          %add3A_287 = arith.addi %add3A, %mul3A_286 : i32
          %mul3A_288 = arith.constant 10 : i32
          %mul3A_289 = arith.muli %add3A_287, %mul3A_288 : i32
          %and3A_290 = arith.constant 1 : i32
          %and3A_291 = arith.andi %sub3A_284, %and3A_290 : i32
          %dma_wait3A_292 = arith.constant 0 : i32
          %dma_wait3A_293 = arith.constant 0 : i32
          %dma_wait3A_294 = arith.constant 0 : i32
          %dma_wait3A_295 = tpu.memref_slice %arg8[%and3A_291, %dma_wait3A_292, %dma_wait3A_293, %dma_wait3A_294] : memref<2x10x8x128xf32, #tpu.memory_space<vmem>> -> memref<1x10x8x128xf32, #tpu.memory_space<vmem>>
          %dma_wait3A_296 = tpu.memref_squeeze %dma_wait3A_295 : memref<1x10x8x128xf32, #tpu.memory_space<vmem>> -> memref<10x8x128xf32, #tpu.memory_space<vmem>>
          %dma_wait3A_297 = arith.constant 0 : i32
          %dma_wait3A_298 = arith.constant 0 : i32
          %dma_wait3A_299 = tpu.memref_slice %arg4[%mul3A_289, %dma_wait3A_297, %dma_wait3A_298] : memref<31250x8x128xf32, #tpu.memory_space<hbm>> -> memref<10x8x128xf32, #tpu.memory_space<hbm>>
          %dma_wait3A_300 = arith.constant 0 : i32
          %dma_wait3A_301 = arith.constant 0 : i32
          %dma_wait3A_302 = tpu.memref_slice %arg4[%mul3A_289, %dma_wait3A_300, %dma_wait3A_301] : memref<31250x8x128xf32, #tpu.memory_space<hbm>> -> memref<10x8x128xf32, #tpu.memory_space<hbm>>
          %dma_wait3A_303 = arith.constant 0 : i32
          %dma_wait3A_304 = arith.constant 0 : i32
          %dma_wait3A_305 = arith.constant 0 : i32
          %dma_wait3A_306 = tpu.memref_slice %arg8[%and3A_291, %dma_wait3A_303, %dma_wait3A_304, %dma_wait3A_305] : memref<2x10x8x128xf32, #tpu.memory_space<vmem>> -> memref<1x10x8x128xf32, #tpu.memory_space<vmem>>
          %dma_wait3A_307 = tpu.memref_squeeze %dma_wait3A_306 : memref<1x10x8x128xf32, #tpu.memory_space<vmem>> -> memref<10x8x128xf32, #tpu.memory_space<vmem>>
          tpu.wait_dma2 semaphore(%arg11 : memref<!tpu.dma_semaphore, #tpu.memory_space<semaphore_mem>>) src(%dma_wait3A_307 : memref<10x8x128xf32, #tpu.memory_space<vmem>>) dst(%dma_wait3A_302 : memref<10x8x128xf32, #tpu.memory_space<hbm>>)
          %dma_wait3A_308 = arith.constant 0 : i32
          %dma_wait3A_309 = arith.constant 0 : i32
          %dma_wait3A_310 = arith.constant 0 : i32
          %dma_wait3A_311 = tpu.memref_slice %arg9[%and3A_291, %dma_wait3A_308, %dma_wait3A_309, %dma_wait3A_310] : memref<2x10x4x128xi32, #tpu.memory_space<vmem>> -> memref<1x10x4x128xi32, #tpu.memory_space<vmem>>
          %dma_wait3A_312 = tpu.memref_squeeze %dma_wait3A_311 : memref<1x10x4x128xi32, #tpu.memory_space<vmem>> -> memref<10x4x128xi32, #tpu.memory_space<vmem>>
          %dma_wait3A_313 = arith.constant 0 : i32
          %dma_wait3A_314 = arith.constant 0 : i32
          %dma_wait3A_315 = tpu.memref_slice %arg5[%mul3A_289, %dma_wait3A_313, %dma_wait3A_314] : memref<31250x4x128xi32, #tpu.memory_space<hbm>> -> memref<10x4x128xi32, #tpu.memory_space<hbm>>
          %dma_wait3A_316 = arith.constant 0 : i32
          %dma_wait3A_317 = arith.constant 0 : i32
          %dma_wait3A_318 = tpu.memref_slice %arg5[%mul3A_289, %dma_wait3A_316, %dma_wait3A_317] : memref<31250x4x128xi32, #tpu.memory_space<hbm>> -> memref<10x4x128xi32, #tpu.memory_space<hbm>>
          %dma_wait3A_319 = arith.constant 0 : i32
          %dma_wait3A_320 = arith.constant 0 : i32
          %dma_wait3A_321 = arith.constant 0 : i32
          %dma_wait3A_322 = tpu.memref_slice %arg9[%and3A_291, %dma_wait3A_319, %dma_wait3A_320, %dma_wait3A_321] : memref<2x10x4x128xi32, #tpu.memory_space<vmem>> -> memref<1x10x4x128xi32, #tpu.memory_space<vmem>>
          %dma_wait3A_323 = tpu.memref_squeeze %dma_wait3A_322 : memref<1x10x4x128xi32, #tpu.memory_space<vmem>> -> memref<10x4x128xi32, #tpu.memory_space<vmem>>
          tpu.wait_dma2 semaphore(%arg11 : memref<!tpu.dma_semaphore, #tpu.memory_space<semaphore_mem>>) src(%dma_wait3A_323 : memref<10x4x128xi32, #tpu.memory_space<vmem>>) dst(%dma_wait3A_318 : memref<10x4x128xi32, #tpu.memory_space<hbm>>)
        } else {
        }
        %mul3A_126 = arith.constant 32 : i32
        %mul3A_127 = arith.muli %mul3A_126, %scan3A_54 : i32
        %add3A_128 = arith.addi %add3A, %mul3A_127 : i32
        %mul3A_129 = arith.constant 1280 : i32
        %mul3A_130 = arith.muli %add3A_128, %mul3A_129 : i32
        %ge3A_131 = arith.constant 500000 : i32
        %ge3A_132 = arith.cmpi sge, %mul3A_130, %ge3A_131 : i32
        %convert_element_type3A_133 = arith.extui %ge3A_132 : i1 to i32
        %add3A_134 = arith.constant 0 : i32
        %add3A_135 = arith.addi %add3A_134, %convert_element_type3A_133 : i32
        %ge3A_136 = arith.constant 1000000 : i32
        %ge3A_137 = arith.cmpi sge, %mul3A_130, %ge3A_136 : i32
        %convert_element_type3A_138 = arith.extui %ge3A_137 : i1 to i32
        %add3A_139 = arith.addi %add3A_135, %convert_element_type3A_138 : i32
        %ge3A_140 = arith.constant 1500000 : i32
        %ge3A_141 = arith.cmpi sge, %mul3A_130, %ge3A_140 : i32
        %convert_element_type3A_142 = arith.extui %ge3A_141 : i1 to i32
        %add3A_143 = arith.addi %add3A_139, %convert_element_type3A_142 : i32
        %ge3A_144 = arith.constant 2000000 : i32
        %ge3A_145 = arith.cmpi sge, %mul3A_130, %ge3A_144 : i32
        %convert_element_type3A_146 = arith.extui %ge3A_145 : i1 to i32
        %add3A_147 = arith.addi %add3A_143, %convert_element_type3A_146 : i32
        %ge3A_148 = arith.constant 2500000 : i32
        %ge3A_149 = arith.cmpi sge, %mul3A_130, %ge3A_148 : i32
        %convert_element_type3A_150 = arith.extui %ge3A_149 : i1 to i32
        %add3A_151 = arith.addi %add3A_147, %convert_element_type3A_150 : i32
        %ge3A_152 = arith.constant 3000000 : i32
        %ge3A_153 = arith.cmpi sge, %mul3A_130, %ge3A_152 : i32
        %convert_element_type3A_154 = arith.extui %ge3A_153 : i1 to i32
        %add3A_155 = arith.addi %add3A_151, %convert_element_type3A_154 : i32
        %ge3A_156 = arith.constant 3500000 : i32
        %ge3A_157 = arith.cmpi sge, %mul3A_130, %ge3A_156 : i32
        %convert_element_type3A_158 = arith.extui %ge3A_157 : i1 to i32
        %add3A_159 = arith.addi %add3A_155, %convert_element_type3A_158 : i32
        %add3A_160 = arith.constant 1 : i32
        %add3A_161 = arith.addi %add3A_159, %add3A_160 : i32
        %mul3A_162 = arith.constant 500000 : i32
        %mul3A_163 = arith.muli %add3A_161, %mul3A_162 : i32
        %add3A_164 = arith.constant 1280 : i32
        %add3A_165 = arith.addi %mul3A_130, %add3A_164 : i32
        %lt3A_166 = arith.cmpi slt, %mul3A_163, %add3A_165 : i32
        %mul3A_167 = arith.constant 500000 : i32
        %mul3A_168 = arith.muli %add3A_159, %mul3A_167 : i32
        %sub3A_169 = arith.subi %mul3A_130, %mul3A_168 : i32
        %not3A_170 = arith.constant 127 : i32
        %not3A_171 = arith.constant -1 : i32
        %not3A_172 = arith.xori %not3A_170, %not3A_171 : i32
        %and3A_173 = arith.andi %sub3A_169, %not3A_172 : i32
        %multiple_of3A_174 = tpu.assume_multiple %and3A_173, 128 : i32
        %and3A_175 = arith.constant 1 : i32
        %and3A_176 = arith.andi %scan3A_54, %and3A_175 : i32
        %add3A_177 = arith.constant 1 : i32
        %add3A_178 = arith.addi %add3A_159, %add3A_177 : i32
        %min3A = arith.constant 7 : i32
        %min3A_179 = arith.minsi %add3A_178, %min3A : i32
        %dma_wait3A_180 = arith.constant 0 : i32
        %dma_wait3A_181 = arith.constant 0 : i32
        %dma_wait3A_182 = arith.constant 0 : i32
        %dma_wait3A_183 = tpu.memref_slice %arg6[%and3A_176, %dma_wait3A_180, %dma_wait3A_181, %dma_wait3A_182] : memref<2x2x4x1408xf32, #tpu.memory_space<vmem>> -> memref<1x1x4x1408xf32, #tpu.memory_space<vmem>>
        %dma_wait3A_184 = tpu.memref_squeeze %dma_wait3A_183 : memref<1x1x4x1408xf32, #tpu.memory_space<vmem>> -> memref<4x1408xf32, #tpu.memory_space<vmem>>
        %dma_wait3A_185 = arith.constant 0 : i32
        %dma_wait3A_186 = tpu.memref_slice %arg2[%add3A_159, %dma_wait3A_185, %multiple_of3A_174] : memref<8x4x500000xf32, #tpu.memory_space<hbm>> -> memref<1x4x1408xf32, #tpu.memory_space<hbm>>
        %dma_wait3A_187 = tpu.memref_squeeze %dma_wait3A_186 : memref<1x4x1408xf32, #tpu.memory_space<hbm>> -> memref<4x1408xf32, #tpu.memory_space<hbm>>
        %dma_wait3A_188 = arith.constant 0 : i32
        %dma_wait3A_189 = arith.constant 0 : i32
        %dma_wait3A_190 = tpu.memref_slice %arg6[%and3A_176, %dma_wait3A_180, %dma_wait3A_188, %dma_wait3A_189] : memref<2x2x4x1408xf32, #tpu.memory_space<vmem>> -> memref<1x1x4x1408xf32, #tpu.memory_space<vmem>>
        %dma_wait3A_191 = tpu.memref_squeeze %dma_wait3A_190 : memref<1x1x4x1408xf32, #tpu.memory_space<vmem>> -> memref<4x1408xf32, #tpu.memory_space<vmem>>
        %dma_wait3A_192 = arith.constant 0 : i32
        %dma_wait3A_193 = tpu.memref_slice %arg2[%add3A_159, %dma_wait3A_192, %multiple_of3A_174] : memref<8x4x500000xf32, #tpu.memory_space<hbm>> -> memref<1x4x1408xf32, #tpu.memory_space<hbm>>
        %dma_wait3A_194 = tpu.memref_squeeze %dma_wait3A_193 : memref<1x4x1408xf32, #tpu.memory_space<hbm>> -> memref<4x1408xf32, #tpu.memory_space<hbm>>
        tpu.wait_dma2 semaphore(%arg10 : memref<!tpu.dma_semaphore, #tpu.memory_space<semaphore_mem>>) src(%dma_wait3A_194 : memref<4x1408xf32, #tpu.memory_space<hbm>>) dst(%dma_wait3A_191 : memref<4x1408xf32, #tpu.memory_space<vmem>>)
        %dma_wait3A_195 = arith.constant 0 : i32
        %dma_wait3A_196 = arith.constant 0 : i32
        %dma_wait3A_197 = arith.constant 0 : i32
        %dma_wait3A_198 = tpu.memref_slice %arg7[%and3A_176, %dma_wait3A_195, %dma_wait3A_196, %dma_wait3A_197] : memref<2x2x4x1408xf32, #tpu.memory_space<vmem>> -> memref<1x1x4x1408xf32, #tpu.memory_space<vmem>>
        %dma_wait3A_199 = tpu.memref_squeeze %dma_wait3A_198 : memref<1x1x4x1408xf32, #tpu.memory_space<vmem>> -> memref<4x1408xf32, #tpu.memory_space<vmem>>
        %dma_wait3A_200 = arith.constant 0 : i32
        %dma_wait3A_201 = tpu.memref_slice %arg3[%add3A_159, %dma_wait3A_200, %multiple_of3A_174] : memref<8x4x500000xf32, #tpu.memory_space<hbm>> -> memref<1x4x1408xf32, #tpu.memory_space<hbm>>
        %dma_wait3A_202 = tpu.memref_squeeze %dma_wait3A_201 : memref<1x4x1408xf32, #tpu.memory_space<hbm>> -> memref<4x1408xf32, #tpu.memory_space<hbm>>
        %dma_wait3A_203 = arith.constant 0 : i32
        %dma_wait3A_204 = arith.constant 0 : i32
        %dma_wait3A_205 = tpu.memref_slice %arg7[%and3A_176, %dma_wait3A_195, %dma_wait3A_203, %dma_wait3A_204] : memref<2x2x4x1408xf32, #tpu.memory_space<vmem>> -> memref<1x1x4x1408xf32, #tpu.memory_space<vmem>>
        %dma_wait3A_206 = tpu.memref_squeeze %dma_wait3A_205 : memref<1x1x4x1408xf32, #tpu.memory_space<vmem>> -> memref<4x1408xf32, #tpu.memory_space<vmem>>
        %dma_wait3A_207 = arith.constant 0 : i32
        %dma_wait3A_208 = tpu.memref_slice %arg3[%add3A_159, %dma_wait3A_207, %multiple_of3A_174] : memref<8x4x500000xf32, #tpu.memory_space<hbm>> -> memref<1x4x1408xf32, #tpu.memory_space<hbm>>
        %dma_wait3A_209 = tpu.memref_squeeze %dma_wait3A_208 : memref<1x4x1408xf32, #tpu.memory_space<hbm>> -> memref<4x1408xf32, #tpu.memory_space<hbm>>
        tpu.wait_dma2 semaphore(%arg10 : memref<!tpu.dma_semaphore, #tpu.memory_space<semaphore_mem>>) src(%dma_wait3A_209 : memref<4x1408xf32, #tpu.memory_space<hbm>>) dst(%dma_wait3A_206 : memref<4x1408xf32, #tpu.memory_space<vmem>>)
        %convert_element_type3A_210 = arith.extui %lt3A_166 : i1 to i32
        %cond3A_211 = arith.constant 1 : i32
        %cond3A_212 = arith.constant 1 : i32
        %cond3A_213 = arith.constant 0 : i32
        %cond3A_214 = arith.cmpi ne, %convert_element_type3A_210, %cond3A_213 : i32
        scf.if %cond3A_214 {
          %dma_wait3A_283 = arith.constant 0 : i32
          %dma_wait3A_284 = arith.constant 0 : i32
          %dma_wait3A_285 = tpu.memref_slice %arg6[%and3A_176, %cond3A_211, %dma_wait3A_283, %dma_wait3A_284] : memref<2x2x4x1408xf32, #tpu.memory_space<vmem>> -> memref<1x1x4x1408xf32, #tpu.memory_space<vmem>>
          %dma_wait3A_286 = tpu.memref_squeeze %dma_wait3A_285 : memref<1x1x4x1408xf32, #tpu.memory_space<vmem>> -> memref<4x1408xf32, #tpu.memory_space<vmem>>
          %dma_wait3A_287 = arith.constant 0 : i32
          %dma_wait3A_288 = arith.constant 0 : i32
          %dma_wait3A_289 = tpu.memref_slice %arg2[%min3A_179, %dma_wait3A_287, %dma_wait3A_288] : memref<8x4x500000xf32, #tpu.memory_space<hbm>> -> memref<1x4x1408xf32, #tpu.memory_space<hbm>>
          %dma_wait3A_290 = tpu.memref_squeeze %dma_wait3A_289 : memref<1x4x1408xf32, #tpu.memory_space<hbm>> -> memref<4x1408xf32, #tpu.memory_space<hbm>>
          %dma_wait3A_291 = arith.constant 0 : i32
          %dma_wait3A_292 = arith.constant 0 : i32
          %dma_wait3A_293 = tpu.memref_slice %arg6[%and3A_176, %cond3A_211, %dma_wait3A_291, %dma_wait3A_292] : memref<2x2x4x1408xf32, #tpu.memory_space<vmem>> -> memref<1x1x4x1408xf32, #tpu.memory_space<vmem>>
          %dma_wait3A_294 = tpu.memref_squeeze %dma_wait3A_293 : memref<1x1x4x1408xf32, #tpu.memory_space<vmem>> -> memref<4x1408xf32, #tpu.memory_space<vmem>>
          %dma_wait3A_295 = arith.constant 0 : i32
          %dma_wait3A_296 = arith.constant 0 : i32
          %dma_wait3A_297 = tpu.memref_slice %arg2[%min3A_179, %dma_wait3A_295, %dma_wait3A_296] : memref<8x4x500000xf32, #tpu.memory_space<hbm>> -> memref<1x4x1408xf32, #tpu.memory_space<hbm>>
          %dma_wait3A_298 = tpu.memref_squeeze %dma_wait3A_297 : memref<1x4x1408xf32, #tpu.memory_space<hbm>> -> memref<4x1408xf32, #tpu.memory_space<hbm>>
          tpu.wait_dma2 semaphore(%arg10 : memref<!tpu.dma_semaphore, #tpu.memory_space<semaphore_mem>>) src(%dma_wait3A_298 : memref<4x1408xf32, #tpu.memory_space<hbm>>) dst(%dma_wait3A_294 : memref<4x1408xf32, #tpu.memory_space<vmem>>)
          %dma_wait3A_299 = arith.constant 0 : i32
          %dma_wait3A_300 = arith.constant 0 : i32
          %dma_wait3A_301 = tpu.memref_slice %arg7[%and3A_176, %cond3A_212, %dma_wait3A_299, %dma_wait3A_300] : memref<2x2x4x1408xf32, #tpu.memory_space<vmem>> -> memref<1x1x4x1408xf32, #tpu.memory_space<vmem>>
          %dma_wait3A_302 = tpu.memref_squeeze %dma_wait3A_301 : memref<1x1x4x1408xf32, #tpu.memory_space<vmem>> -> memref<4x1408xf32, #tpu.memory_space<vmem>>
          %dma_wait3A_303 = arith.constant 0 : i32
          %dma_wait3A_304 = arith.constant 0 : i32
          %dma_wait3A_305 = tpu.memref_slice %arg3[%min3A_179, %dma_wait3A_303, %dma_wait3A_304] : memref<8x4x500000xf32, #tpu.memory_space<hbm>> -> memref<1x4x1408xf32, #tpu.memory_space<hbm>>
          %dma_wait3A_306 = tpu.memref_squeeze %dma_wait3A_305 : memref<1x4x1408xf32, #tpu.memory_space<hbm>> -> memref<4x1408xf32, #tpu.memory_space<hbm>>
          %dma_wait3A_307 = arith.constant 0 : i32
          %dma_wait3A_308 = arith.constant 0 : i32
          %dma_wait3A_309 = tpu.memref_slice %arg7[%and3A_176, %cond3A_212, %dma_wait3A_307, %dma_wait3A_308] : memref<2x2x4x1408xf32, #tpu.memory_space<vmem>> -> memref<1x1x4x1408xf32, #tpu.memory_space<vmem>>
          %dma_wait3A_310 = tpu.memref_squeeze %dma_wait3A_309 : memref<1x1x4x1408xf32, #tpu.memory_space<vmem>> -> memref<4x1408xf32, #tpu.memory_space<vmem>>
          %dma_wait3A_311 = arith.constant 0 : i32
          %dma_wait3A_312 = arith.constant 0 : i32
          %dma_wait3A_313 = tpu.memref_slice %arg3[%min3A_179, %dma_wait3A_311, %dma_wait3A_312] : memref<8x4x500000xf32, #tpu.memory_space<hbm>> -> memref<1x4x1408xf32, #tpu.memory_space<hbm>>
          %dma_wait3A_314 = tpu.memref_squeeze %dma_wait3A_313 : memref<1x4x1408xf32, #tpu.memory_space<hbm>> -> memref<4x1408xf32, #tpu.memory_space<hbm>>
          tpu.wait_dma2 semaphore(%arg10 : memref<!tpu.dma_semaphore, #tpu.memory_space<semaphore_mem>>) src(%dma_wait3A_314 : memref<4x1408xf32, #tpu.memory_space<hbm>>) dst(%dma_wait3A_310 : memref<4x1408xf32, #tpu.memory_space<vmem>>)
        } else {
        }
        %mul3A_215 = arith.constant 500000 : i32
        %mul3A_216 = arith.muli %add3A_89, %mul3A_215 : i32
        %add3A_217 = arith.addi %mul3A_216, %multiple_of3A : i32
        %sub3A_218 = arith.subi %mul3A_60, %add3A_217 : i32
        %broadcast_in_dim3A = vector.broadcast %add3A_89 : i32 to vector<16xi32>
        %add3A_219 = arith.constant 1 : i32
        %add3A_220 = arith.addi %add3A_89, %add3A_219 : i32
        %broadcast_in_dim3A_221 = vector.broadcast %add3A_220 : i32 to vector<16xi32>
        %broadcast_in_dim3A_222 = vector.broadcast %mul3A_93 : i32 to vector<16xi32>
        %broadcast_in_dim3A_223 = vector.broadcast %add3A_217 : i32 to vector<16xi32>
        %broadcast_in_dim3A_224 = vector.broadcast %and3A_104 : i32 to vector<16xi32>
        %and3A_225 = arith.constant 15 : i32
        %and3A_226 = arith.andi %sub3A_218, %and3A_225 : i32
        %eq3A = arith.constant 0 : i32
        %eq3A_227 = arith.cmpi eq, %and3A_226, %eq3A : i32
        %not3A_228 = arith.constant true
        %not3A_229 = arith.xori %lt3A_96, %not3A_228 : i1
        %and3A_230 = arith.andi %eq3A_227, %not3A_229 : i1
        %convert_element_type3A_231 = arith.extui %and3A_230 : i1 to i32
        %cond3A_232 = arith.constant 0 : i32
        %cond3A_233 = arith.cmpi ne, %convert_element_type3A_231, %cond3A_232 : i32
        scf.if %cond3A_233 {
          %multiple_of3A_283 = tpu.assume_multiple %sub3A_218, 16 : i32
          %scan3A_284 = arith.constant 0 : i32
          %scan3A_285 = arith.constant 80 : i32
          %scan3A_286 = arith.addi %scan3A_284, %scan3A_285 : i32
          %scan3A_287 = arith.constant 8 : i32
          %scan3A_288 = scf.for %scan3A_290 = %scan3A_284 to %scan3A_286 step %scan3A_287 iter_args(%scan3A_291 = %multiple_of3A_283) -> (i32)  : i32 {
            %shift_right_arithmetic3A_292 = arith.constant 3 : i32
            %shift_right_arithmetic3A_293 = arith.shrsi %scan3A_290, %shift_right_arithmetic3A_292 : i32
            %and3A_294 = arith.constant 7 : i32
            %and3A_295 = arith.andi %scan3A_290, %and3A_294 : i32
            %mul3A_296 = arith.constant 16 : i32
            %mul3A_297 = arith.muli %and3A_295, %mul3A_296 : i32
            %get3A = arith.constant 0 : i32
            %get3A_298 = arith.constant 0 : i32
            %get3A_299 = arith.index_cast %and3A_104 : i32 to index
            %get3A_300 = arith.index_cast %get3A : i32 to index
            %get3A_301 = arith.index_cast %get3A_298 : i32 to index
            %get3A_302 = arith.index_cast %scan3A_291 : i32 to index
            %get3A_303 = tpu.vector_load %arg6[%get3A_299, %get3A_300, %get3A_301, %get3A_302] {strides = array<i32>} : memref<2x2x4x1408xf32, #tpu.memory_space<vmem>>, vector<16xf32>,
            %swap3A = arith.constant 0 : i32
            %swap3A_304 = arith.index_cast %and3A_104 : i32 to index
            %swap3A_305 = arith.index_cast %shift_right_arithmetic3A_293 : i32 to index
            %swap3A_306 = arith.index_cast %swap3A : i32 to index
            %swap3A_307 = arith.index_cast %mul3A_297 : i32 to index
            %swap3A_308 = tpu.vector_load %arg8[%swap3A_304, %swap3A_305, %swap3A_306, %swap3A_307] {strides = array<i32>} : memref<2x10x8x128xf32, #tpu.memory_space<vmem>>, vector<16xf32>,
            tpu.vector_store %arg8[%swap3A_304, %swap3A_305, %swap3A_306, %swap3A_307], %get3A_303 {strides = array<i32>} : memref<2x10x8x128xf32, #tpu.memory_space<vmem>>, vector<16xf32>,
            %get3A_309 = arith.constant 0 : i32
            %get3A_310 = arith.constant 1 : i32
            %get3A_311 = arith.index_cast %and3A_104 : i32 to index
            %get3A_312 = arith.index_cast %get3A_309 : i32 to index
            %get3A_313 = arith.index_cast %get3A_310 : i32 to index
            %get3A_314 = arith.index_cast %scan3A_291 : i32 to index
            %get3A_315 = tpu.vector_load %arg6[%get3A_311, %get3A_312, %get3A_313, %get3A_314] {strides = array<i32>} : memref<2x2x4x1408xf32, #tpu.memory_space<vmem>>, vector<16xf32>,
            %swap3A_316 = arith.constant 1 : i32
            %swap3A_317 = arith.index_cast %and3A_104 : i32 to index
            %swap3A_318 = arith.index_cast %shift_right_arithmetic3A_293 : i32 to index
            %swap3A_319 = arith.index_cast %swap3A_316 : i32 to index
            %swap3A_320 = arith.index_cast %mul3A_297 : i32 to index
            %swap3A_321 = tpu.vector_load %arg8[%swap3A_317, %swap3A_318, %swap3A_319, %swap3A_320] {strides = array<i32>} : memref<2x10x8x128xf32, #tpu.memory_space<vmem>>, vector<16xf32>,
            tpu.vector_store %arg8[%swap3A_317, %swap3A_318, %swap3A_319, %swap3A_320], %get3A_315 {strides = array<i32>} : memref<2x10x8x128xf32, #tpu.memory_space<vmem>>, vector<16xf32>,
            %get3A_322 = arith.constant 0 : i32
            %get3A_323 = arith.constant 2 : i32
            %get3A_324 = arith.index_cast %and3A_104 : i32 to index
            %get3A_325 = arith.index_cast %get3A_322 : i32 to index
            %get3A_326 = arith.index_cast %get3A_323 : i32 to index
            %get3A_327 = arith.index_cast %scan3A_291 : i32 to index
            %get3A_328 = tpu.vector_load %arg6[%get3A_324, %get3A_325, %get3A_326, %get3A_327] {strides = array<i32>} : memref<2x2x4x1408xf32, #tpu.memory_space<vmem>>, vector<16xf32>,
            %swap3A_329 = arith.constant 2 : i32
            %swap3A_330 = arith.index_cast %and3A_104 : i32 to index
            %swap3A_331 = arith.index_cast %shift_right_arithmetic3A_293 : i32 to index
            %swap3A_332 = arith.index_cast %swap3A_329 : i32 to index
            %swap3A_333 = arith.index_cast %mul3A_297 : i32 to index
            %swap3A_334 = tpu.vector_load %arg8[%swap3A_330, %swap3A_331, %swap3A_332, %swap3A_333] {strides = array<i32>} : memref<2x10x8x128xf32, #tpu.memory_space<vmem>>, vector<16xf32>,
            tpu.vector_store %arg8[%swap3A_330, %swap3A_331, %swap3A_332, %swap3A_333], %get3A_328 {strides = array<i32>} : memref<2x10x8x128xf32, #tpu.memory_space<vmem>>, vector<16xf32>,
            %get3A_335 = arith.constant 0 : i32
            %get3A_336 = arith.constant 3 : i32
            %get3A_337 = arith.index_cast %and3A_104 : i32 to index
            %get3A_338 = arith.index_cast %get3A_335 : i32 to index
            %get3A_339 = arith.index_cast %get3A_336 : i32 to index
            %get3A_340 = arith.index_cast %scan3A_291 : i32 to index
            %get3A_341 = tpu.vector_load %arg6[%get3A_337, %get3A_338, %get3A_339, %get3A_340] {strides = array<i32>} : memref<2x2x4x1408xf32, #tpu.memory_space<vmem>>, vector<16xf32>,
            %swap3A_342 = arith.constant 3 : i32
            %swap3A_343 = arith.index_cast %and3A_104 : i32 to index
            %swap3A_344 = arith.index_cast %shift_right_arithmetic3A_293 : i32 to index
            %swap3A_345 = arith.index_cast %swap3A_342 : i32 to index
            %swap3A_346 = arith.index_cast %mul3A_297 : i32 to index
            %swap3A_347 = tpu.vector_load %arg8[%swap3A_343, %swap3A_344, %swap3A_345, %swap3A_346] {strides = array<i32>} : memref<2x10x8x128xf32, #tpu.memory_space<vmem>>, vector<16xf32>,
            tpu.vector_store %arg8[%swap3A_343, %swap3A_344, %swap3A_345, %swap3A_346], %get3A_341 {strides = array<i32>} : memref<2x10x8x128xf32, #tpu.memory_space<vmem>>, vector<16xf32>,
            %get3A_348 = arith.constant 0 : i32
            %get3A_349 = arith.constant 3 : i32
            %get3A_350 = arith.index_cast %and3A_104 : i32 to index
            %get3A_351 = arith.index_cast %get3A_348 : i32 to index
            %get3A_352 = arith.index_cast %get3A_349 : i32 to index
            %get3A_353 = arith.index_cast %scan3A_291 : i32 to index
            %get3A_354 = tpu.vector_load %arg7[%get3A_350, %get3A_351, %get3A_352, %get3A_353] {strides = array<i32>} : memref<2x2x4x1408xf32, #tpu.memory_space<vmem>>, vector<16xf32>,
            %swap3A_355 = arith.constant 4 : i32
            %swap3A_356 = arith.index_cast %and3A_104 : i32 to index
            %swap3A_357 = arith.index_cast %shift_right_arithmetic3A_293 : i32 to index
            %swap3A_358 = arith.index_cast %swap3A_355 : i32 to index
            %swap3A_359 = arith.index_cast %mul3A_297 : i32 to index
            %swap3A_360 = tpu.vector_load %arg8[%swap3A_356, %swap3A_357, %swap3A_358, %swap3A_359] {strides = array<i32>} : memref<2x10x8x128xf32, #tpu.memory_space<vmem>>, vector<16xf32>,
            tpu.vector_store %arg8[%swap3A_356, %swap3A_357, %swap3A_358, %swap3A_359], %get3A_354 {strides = array<i32>} : memref<2x10x8x128xf32, #tpu.memory_space<vmem>>, vector<16xf32>,
            %swap3A_361 = arith.constant 0 : i32
            %swap3A_362 = arith.index_cast %and3A_104 : i32 to index
            %swap3A_363 = arith.index_cast %shift_right_arithmetic3A_293 : i32 to index
            %swap3A_364 = arith.index_cast %swap3A_361 : i32 to index
            %swap3A_365 = arith.index_cast %mul3A_297 : i32 to index
            %swap3A_366 = tpu.vector_load %arg9[%swap3A_362, %swap3A_363, %swap3A_364, %swap3A_365] {strides = array<i32>} : memref<2x10x4x128xi32, #tpu.memory_space<vmem>>, vector<16xi32>,
            tpu.vector_store %arg9[%swap3A_362, %swap3A_363, %swap3A_364, %swap3A_365], %broadcast_in_dim3A {strides = array<i32>} : memref<2x10x4x128xi32, #tpu.memory_space<vmem>>, vector<16xi32>,
            %sub3A_367 = arith.constant -2.000000e+00 : f32
            %sub3A_368 = vector.broadcast %sub3A_367 : f32 to vector<16xf32>
            %sub3A_369 = arith.subf %get3A_328, %sub3A_368 : vector<16xf32>
            %mul3A_370 = arith.constant 2.500000e+00 : f32
            %mul3A_371 = vector.broadcast %mul3A_370 : f32 to vector<16xf32>
            %mul3A_372 = arith.mulf %sub3A_369, %mul3A_371 : vector<16xf32>
            %convert_element_type3A_373 = arith.fptosi %mul3A_372 : vector<16xf32> to vector<16xi32>
            %swap3A_374 = arith.constant 1 : i32
            %swap3A_375 = arith.index_cast %and3A_104 : i32 to index
            %swap3A_376 = arith.index_cast %shift_right_arithmetic3A_293 : i32 to index
            %swap3A_377 = arith.index_cast %swap3A_374 : i32 to index
            %swap3A_378 = arith.index_cast %mul3A_297 : i32 to index
            %swap3A_379 = tpu.vector_load %arg9[%swap3A_375, %swap3A_376, %swap3A_377, %swap3A_378] {strides = array<i32>} : memref<2x10x4x128xi32, #tpu.memory_space<vmem>>, vector<16xi32>,
            tpu.vector_store %arg9[%swap3A_375, %swap3A_376, %swap3A_377, %swap3A_378], %convert_element_type3A_373 {strides = array<i32>} : memref<2x10x4x128xi32, #tpu.memory_space<vmem>>, vector<16xi32>,
            %sub3A_380 = arith.constant -1.600000e+01 : f32
            %sub3A_381 = vector.broadcast %sub3A_380 : f32 to vector<16xf32>
            %sub3A_382 = arith.subf %get3A_315, %sub3A_381 : vector<16xf32>
            %mul3A_383 = arith.constant 2.500000e+00 : f32
            %mul3A_384 = vector.broadcast %mul3A_383 : f32 to vector<16xf32>
            %mul3A_385 = arith.mulf %sub3A_382, %mul3A_384 : vector<16xf32>
            %convert_element_type3A_386 = arith.fptosi %mul3A_385 : vector<16xf32> to vector<16xi32>
            %swap3A_387 = arith.constant 2 : i32
            %swap3A_388 = arith.index_cast %and3A_104 : i32 to index
            %swap3A_389 = arith.index_cast %shift_right_arithmetic3A_293 : i32 to index
            %swap3A_390 = arith.index_cast %swap3A_387 : i32 to index
            %swap3A_391 = arith.index_cast %mul3A_297 : i32 to index
            %swap3A_392 = tpu.vector_load %arg9[%swap3A_388, %swap3A_389, %swap3A_390, %swap3A_391] {strides = array<i32>} : memref<2x10x4x128xi32, #tpu.memory_space<vmem>>, vector<16xi32>,
            tpu.vector_store %arg9[%swap3A_388, %swap3A_389, %swap3A_390, %swap3A_391], %convert_element_type3A_386 {strides = array<i32>} : memref<2x10x4x128xi32, #tpu.memory_space<vmem>>, vector<16xi32>,
            %sub3A_393 = arith.constant 0.000000e+00 : f32
            %sub3A_394 = vector.broadcast %sub3A_393 : f32 to vector<16xf32>
            %sub3A_395 = arith.subf %get3A_303, %sub3A_394 : vector<16xf32>
            %mul3A_396 = arith.constant 2.500000e+00 : f32
            %mul3A_397 = vector.broadcast %mul3A_396 : f32 to vector<16xf32>
            %mul3A_398 = arith.mulf %sub3A_395, %mul3A_397 : vector<16xf32>
            %convert_element_type3A_399 = arith.fptosi %mul3A_398 : vector<16xf32> to vector<16xi32>
            %swap3A_400 = arith.constant 3 : i32
            %swap3A_401 = arith.index_cast %and3A_104 : i32 to index
            %swap3A_402 = arith.index_cast %shift_right_arithmetic3A_293 : i32 to index
            %swap3A_403 = arith.index_cast %swap3A_400 : i32 to index
            %swap3A_404 = arith.index_cast %mul3A_297 : i32 to index
            %swap3A_405 = tpu.vector_load %arg9[%swap3A_401, %swap3A_402, %swap3A_403, %swap3A_404] {strides = array<i32>} : memref<2x10x4x128xi32, #tpu.memory_space<vmem>>, vector<16xi32>,
            tpu.vector_store %arg9[%swap3A_401, %swap3A_402, %swap3A_403, %swap3A_404], %convert_element_type3A_399 {strides = array<i32>} : memref<2x10x4x128xi32, #tpu.memory_space<vmem>>, vector<16xi32>,
            %add3A_406 = arith.constant 16 : i32
            %add3A_407 = arith.addi %scan3A_291, %add3A_406 : i32
            %scan3A_408 = arith.constant 1 : i32
            %scan3A_409 = arith.addi %scan3A_290, %scan3A_408 : i32
            %shift_right_arithmetic3A_410 = arith.constant 3 : i32
            %shift_right_arithmetic3A_411 = arith.shrsi %scan3A_409, %shift_right_arithmetic3A_410 : i32
            %and3A_412 = arith.constant 7 : i32
            %and3A_413 = arith.andi %scan3A_409, %and3A_412 : i32
            %mul3A_414 = arith.constant 16 : i32
            %mul3A_415 = arith.muli %and3A_413, %mul3A_414 : i32
            %get3A_416 = arith.constant 0 : i32
            %get3A_417 = arith.constant 0 : i32
            %get3A_418 = arith.index_cast %and3A_104 : i32 to index
            %get3A_419 = arith.index_cast %get3A_416 : i32 to index
            %get3A_420 = arith.index_cast %get3A_417 : i32 to index
            %get3A_421 = arith.index_cast %add3A_407 : i32 to index
            %get3A_422 = tpu.vector_load %arg6[%get3A_418, %get3A_419, %get3A_420, %get3A_421] {strides = array<i32>} : memref<2x2x4x1408xf32, #tpu.memory_space<vmem>>, vector<16xf32>,
            %swap3A_423 = arith.constant 0 : i32
            %swap3A_424 = arith.index_cast %and3A_104 : i32 to index
            %swap3A_425 = arith.index_cast %shift_right_arithmetic3A_411 : i32 to index
            %swap3A_426 = arith.index_cast %swap3A_423 : i32 to index
            %swap3A_427 = arith.index_cast %mul3A_415 : i32 to index
            %swap3A_428 = tpu.vector_load %arg8[%swap3A_424, %swap3A_425, %swap3A_426, %swap3A_427] {strides = array<i32>} : memref<2x10x8x128xf32, #tpu.memory_space<vmem>>, vector<16xf32>,
            tpu.vector_store %arg8[%swap3A_424, %swap3A_425, %swap3A_426, %swap3A_427], %get3A_422 {strides = array<i32>} : memref<2x10x8x128xf32, #tpu.memory_space<vmem>>, vector<16xf32>,
            %get3A_429 = arith.constant 0 : i32
            %get3A_430 = arith.constant 1 : i32
            %get3A_431 = arith.index_cast %and3A_104 : i32 to index
            %get3A_432 = arith.index_cast %get3A_429 : i32 to index
            %get3A_433 = arith.index_cast %get3A_430 : i32 to index
            %get3A_434 = arith.index_cast %add3A_407 : i32 to index
            %get3A_435 = tpu.vector_load %arg6[%get3A_431, %get3A_432, %get3A_433, %get3A_434] {strides = array<i32>} : memref<2x2x4x1408xf32, #tpu.memory_space<vmem>>, vector<16xf32>,
            %swap3A_436 = arith.constant 1 : i32
            %swap3A_437 = arith.index_cast %and3A_104 : i32 to index
            %swap3A_438 = arith.index_cast %shift_right_arithmetic3A_411 : i32 to index
            %swap3A_439 = arith.index_cast %swap3A_436 : i32 to index
            %swap3A_440 = arith.index_cast %mul3A_415 : i32 to index
            %swap3A_441 = tpu.vector_load %arg8[%swap3A_437, %swap3A_438, %swap3A_439, %swap3A_440] {strides = array<i32>} : memref<2x10x8x128xf32, #tpu.memory_space<vmem>>, vector<16xf32>,
            tpu.vector_store %arg8[%swap3A_437, %swap3A_438, %swap3A_439, %swap3A_440], %get3A_435 {strides = array<i32>} : memref<2x10x8x128xf32, #tpu.memory_space<vmem>>, vector<16xf32>,
            %get3A_442 = arith.constant 0 : i32
            %get3A_443 = arith.constant 2 : i32
            %get3A_444 = arith.index_cast %and3A_104 : i32 to index
            %get3A_445 = arith.index_cast %get3A_442 : i32 to index
            %get3A_446 = arith.index_cast %get3A_443 : i32 to index
            %get3A_447 = arith.index_cast %add3A_407 : i32 to index
            %get3A_448 = tpu.vector_load %arg6[%get3A_444, %get3A_445, %get3A_446, %get3A_447] {strides = array<i32>} : memref<2x2x4x1408xf32, #tpu.memory_space<vmem>>, vector<16xf32>,
            %swap3A_449 = arith.constant 2 : i32
            %swap3A_450 = arith.index_cast %and3A_104 : i32 to index
            %swap3A_451 = arith.index_cast %shift_right_arithmetic3A_411 : i32 to index
            %swap3A_452 = arith.index_cast %swap3A_449 : i32 to index
            %swap3A_453 = arith.index_cast %mul3A_415 : i32 to index
            %swap3A_454 = tpu.vector_load %arg8[%swap3A_450, %swap3A_451, %swap3A_452, %swap3A_453] {strides = array<i32>} : memref<2x10x8x128xf32, #tpu.memory_space<vmem>>, vector<16xf32>,
            tpu.vector_store %arg8[%swap3A_450, %swap3A_451, %swap3A_452, %swap3A_453], %get3A_448 {strides = array<i32>} : memref<2x10x8x128xf32, #tpu.memory_space<vmem>>, vector<16xf32>,
            %get3A_455 = arith.constant 0 : i32
            %get3A_456 = arith.constant 3 : i32
            %get3A_457 = arith.index_cast %and3A_104 : i32 to index
            %get3A_458 = arith.index_cast %get3A_455 : i32 to index
            %get3A_459 = arith.index_cast %get3A_456 : i32 to index
            %get3A_460 = arith.index_cast %add3A_407 : i32 to index
            %get3A_461 = tpu.vector_load %arg6[%get3A_457, %get3A_458, %get3A_459, %get3A_460] {strides = array<i32>} : memref<2x2x4x1408xf32, #tpu.memory_space<vmem>>, vector<16xf32>,
            %swap3A_462 = arith.constant 3 : i32
            %swap3A_463 = arith.index_cast %and3A_104 : i32 to index
            %swap3A_464 = arith.index_cast %shift_right_arithmetic3A_411 : i32 to index
            %swap3A_465 = arith.index_cast %swap3A_462 : i32 to index
            %swap3A_466 = arith.index_cast %mul3A_415 : i32 to index
            %swap3A_467 = tpu.vector_load %arg8[%swap3A_463, %swap3A_464, %swap3A_465, %swap3A_466] {strides = array<i32>} : memref<2x10x8x128xf32, #tpu.memory_space<vmem>>, vector<16xf32>,
            tpu.vector_store %arg8[%swap3A_463, %swap3A_464, %swap3A_465, %swap3A_466], %get3A_461 {strides = array<i32>} : memref<2x10x8x128xf32, #tpu.memory_space<vmem>>, vector<16xf32>,
            %get3A_468 = arith.constant 0 : i32
            %get3A_469 = arith.constant 3 : i32
            %get3A_470 = arith.index_cast %and3A_104 : i32 to index
            %get3A_471 = arith.index_cast %get3A_468 : i32 to index
            %get3A_472 = arith.index_cast %get3A_469 : i32 to index
            %get3A_473 = arith.index_cast %add3A_407 : i32 to index
            %get3A_474 = tpu.vector_load %arg7[%get3A_470, %get3A_471, %get3A_472, %get3A_473] {strides = array<i32>} : memref<2x2x4x1408xf32, #tpu.memory_space<vmem>>, vector<16xf32>,
            %swap3A_475 = arith.constant 4 : i32
            %swap3A_476 = arith.index_cast %and3A_104 : i32 to index
            %swap3A_477 = arith.index_cast %shift_right_arithmetic3A_411 : i32 to index
            %swap3A_478 = arith.index_cast %swap3A_475 : i32 to index
            %swap3A_479 = arith.index_cast %mul3A_415 : i32 to index
            %swap3A_480 = tpu.vector_load %arg8[%swap3A_476, %swap3A_477, %swap3A_478, %swap3A_479] {strides = array<i32>} : memref<2x10x8x128xf32, #tpu.memory_space<vmem>>, vector<16xf32>,
            tpu.vector_store %arg8[%swap3A_476, %swap3A_477, %swap3A_478, %swap3A_479], %get3A_474 {strides = array<i32>} : memref<2x10x8x128xf32, #tpu.memory_space<vmem>>, vector<16xf32>,
            %swap3A_481 = arith.constant 0 : i32
            %swap3A_482 = arith.index_cast %and3A_104 : i32 to index
            %swap3A_483 = arith.index_cast %shift_right_arithmetic3A_411 : i32 to index
            %swap3A_484 = arith.index_cast %swap3A_481 : i32 to index
            %swap3A_485 = arith.index_cast %mul3A_415 : i32 to index
            %swap3A_486 = tpu.vector_load %arg9[%swap3A_482, %swap3A_483, %swap3A_484, %swap3A_485] {strides = array<i32>} : memref<2x10x4x128xi32, #tpu.memory_space<vmem>>, vector<16xi32>,
            tpu.vector_store %arg9[%swap3A_482, %swap3A_483, %swap3A_484, %swap3A_485], %broadcast_in_dim3A {strides = array<i32>} : memref<2x10x4x128xi32, #tpu.memory_space<vmem>>, vector<16xi32>,
            %sub3A_487 = arith.constant -2.000000e+00 : f32
            %sub3A_488 = vector.broadcast %sub3A_487 : f32 to vector<16xf32>
            %sub3A_489 = arith.subf %get3A_448, %sub3A_488 : vector<16xf32>
            %mul3A_490 = arith.constant 2.500000e+00 : f32
            %mul3A_491 = vector.broadcast %mul3A_490 : f32 to vector<16xf32>
            %mul3A_492 = arith.mulf %sub3A_489, %mul3A_491 : vector<16xf32>
            %convert_element_type3A_493 = arith.fptosi %mul3A_492 : vector<16xf32> to vector<16xi32>
            %swap3A_494 = arith.constant 1 : i32
            %swap3A_495 = arith.index_cast %and3A_104 : i32 to index
            %swap3A_496 = arith.index_cast %shift_right_arithmetic3A_411 : i32 to index
            %swap3A_497 = arith.index_cast %swap3A_494 : i32 to index
            %swap3A_498 = arith.index_cast %mul3A_415 : i32 to index
            %swap3A_499 = tpu.vector_load %arg9[%swap3A_495, %swap3A_496, %swap3A_497, %swap3A_498] {strides = array<i32>} : memref<2x10x4x128xi32, #tpu.memory_space<vmem>>, vector<16xi32>,
            tpu.vector_store %arg9[%swap3A_495, %swap3A_496, %swap3A_497, %swap3A_498], %convert_element_type3A_493 {strides = array<i32>} : memref<2x10x4x128xi32, #tpu.memory_space<vmem>>, vector<16xi32>,
            %sub3A_500 = arith.constant -1.600000e+01 : f32
            %sub3A_501 = vector.broadcast %sub3A_500 : f32 to vector<16xf32>
            %sub3A_502 = arith.subf %get3A_435, %sub3A_501 : vector<16xf32>
            %mul3A_503 = arith.constant 2.500000e+00 : f32
            %mul3A_504 = vector.broadcast %mul3A_503 : f32 to vector<16xf32>
            %mul3A_505 = arith.mulf %sub3A_502, %mul3A_504 : vector<16xf32>
            %convert_element_type3A_506 = arith.fptosi %mul3A_505 : vector<16xf32> to vector<16xi32>
            %swap3A_507 = arith.constant 2 : i32
            %swap3A_508 = arith.index_cast %and3A_104 : i32 to index
            %swap3A_509 = arith.index_cast %shift_right_arithmetic3A_411 : i32 to index
            %swap3A_510 = arith.index_cast %swap3A_507 : i32 to index
            %swap3A_511 = arith.index_cast %mul3A_415 : i32 to index
            %swap3A_512 = tpu.vector_load %arg9[%swap3A_508, %swap3A_509, %swap3A_510, %swap3A_511] {strides = array<i32>} : memref<2x10x4x128xi32, #tpu.memory_space<vmem>>, vector<16xi32>,
            tpu.vector_store %arg9[%swap3A_508, %swap3A_509, %swap3A_510, %swap3A_511], %convert_element_type3A_506 {strides = array<i32>} : memref<2x10x4x128xi32, #tpu.memory_space<vmem>>, vector<16xi32>,
            %sub3A_513 = arith.constant 0.000000e+00 : f32
            %sub3A_514 = vector.broadcast %sub3A_513 : f32 to vector<16xf32>
            %sub3A_515 = arith.subf %get3A_422, %sub3A_514 : vector<16xf32>
            %mul3A_516 = arith.constant 2.500000e+00 : f32
            %mul3A_517 = vector.broadcast %mul3A_516 : f32 to vector<16xf32>
            %mul3A_518 = arith.mulf %sub3A_515, %mul3A_517 : vector<16xf32>
            %convert_element_type3A_519 = arith.fptosi %mul3A_518 : vector<16xf32> to vector<16xi32>
            %swap3A_520 = arith.constant 3 : i32
            %swap3A_521 = arith.index_cast %and3A_104 : i32 to index
            %swap3A_522 = arith.index_cast %shift_right_arithmetic3A_411 : i32 to index
            %swap3A_523 = arith.index_cast %swap3A_520 : i32 to index
            %swap3A_524 = arith.index_cast %mul3A_415 : i32 to index
            %swap3A_525 = tpu.vector_load %arg9[%swap3A_521, %swap3A_522, %swap3A_523, %swap3A_524] {strides = array<i32>} : memref<2x10x4x128xi32, #tpu.memory_space<vmem>>, vector<16xi32>,
            tpu.vector_store %arg9[%swap3A_521, %swap3A_522, %swap3A_523, %swap3A_524], %convert_element_type3A_519 {strides = array<i32>} : memref<2x10x4x128xi32, #tpu.memory_space<vmem>>, vector<16xi32>,
            %add3A_526 = arith.constant 16 : i32
            %add3A_527 = arith.addi %add3A_407, %add3A_526 : i32
            %scan3A_528 = arith.constant 2 : i32
            %scan3A_529 = arith.addi %scan3A_290, %scan3A_528 : i32
            %shift_right_arithmetic3A_530 = arith.constant 3 : i32
            %shift_right_arithmetic3A_531 = arith.shrsi %scan3A_529, %shift_right_arithmetic3A_530 : i32
            %and3A_532 = arith.constant 7 : i32
            %and3A_533 = arith.andi %scan3A_529, %and3A_532 : i32
            %mul3A_534 = arith.constant 16 : i32
            %mul3A_535 = arith.muli %and3A_533, %mul3A_534 : i32
            %get3A_536 = arith.constant 0 : i32
            %get3A_537 = arith.constant 0 : i32
            %get3A_538 = arith.index_cast %and3A_104 : i32 to index
            %get3A_539 = arith.index_cast %get3A_536 : i32 to index
            %get3A_540 = arith.index_cast %get3A_537 : i32 to index
            %get3A_541 = arith.index_cast %add3A_527 : i32 to index
            %get3A_542 = tpu.vector_load %arg6[%get3A_538, %get3A_539, %get3A_540, %get3A_541] {strides = array<i32>} : memref<2x2x4x1408xf32, #tpu.memory_space<vmem>>, vector<16xf32>,
            %swap3A_543 = arith.constant 0 : i32
            %swap3A_544 = arith.index_cast %and3A_104 : i32 to index
            %swap3A_545 = arith.index_cast %shift_right_arithmetic3A_531 : i32 to index
            %swap3A_546 = arith.index_cast %swap3A_543 : i32 to index
            %swap3A_547 = arith.index_cast %mul3A_535 : i32 to index
            %swap3A_548 = tpu.vector_load %arg8[%swap3A_544, %swap3A_545, %swap3A_546, %swap3A_547] {strides = array<i32>} : memref<2x10x8x128xf32, #tpu.memory_space<vmem>>, vector<16xf32>,
            tpu.vector_store %arg8[%swap3A_544, %swap3A_545, %swap3A_546, %swap3A_547], %get3A_542 {strides = array<i32>} : memref<2x10x8x128xf32, #tpu.memory_space<vmem>>, vector<16xf32>,
            %get3A_549 = arith.constant 0 : i32
            %get3A_550 = arith.constant 1 : i32
            %get3A_551 = arith.index_cast %and3A_104 : i32 to index
            %get3A_552 = arith.index_cast %get3A_549 : i32 to index
            %get3A_553 = arith.index_cast %get3A_550 : i32 to index
            %get3A_554 = arith.index_cast %add3A_527 : i32 to index
            %get3A_555 = tpu.vector_load %arg6[%get3A_551, %get3A_552, %get3A_553, %get3A_554] {strides = array<i32>} : memref<2x2x4x1408xf32, #tpu.memory_space<vmem>>, vector<16xf32>,
            %swap3A_556 = arith.constant 1 : i32
            %swap3A_557 = arith.index_cast %and3A_104 : i32 to index
            %swap3A_558 = arith.index_cast %shift_right_arithmetic3A_531 : i32 to index
            %swap3A_559 = arith.index_cast %swap3A_556 : i32 to index
            %swap3A_560 = arith.index_cast %mul3A_535 : i32 to index
            %swap3A_561 = tpu.vector_load %arg8[%swap3A_557, %swap3A_558, %swap3A_559, %swap3A_560] {strides = array<i32>} : memref<2x10x8x128xf32, #tpu.memory_space<vmem>>, vector<16xf32>,
            tpu.vector_store %arg8[%swap3A_557, %swap3A_558, %swap3A_559, %swap3A_560], %get3A_555 {strides = array<i32>} : memref<2x10x8x128xf32, #tpu.memory_space<vmem>>, vector<16xf32>,
            %get3A_562 = arith.constant 0 : i32
            %get3A_563 = arith.constant 2 : i32
            %get3A_564 = arith.index_cast %and3A_104 : i32 to index
            %get3A_565 = arith.index_cast %get3A_562 : i32 to index
            %get3A_566 = arith.index_cast %get3A_563 : i32 to index
            %get3A_567 = arith.index_cast %add3A_527 : i32 to index
            %get3A_568 = tpu.vector_load %arg6[%get3A_564, %get3A_565, %get3A_566, %get3A_567] {strides = array<i32>} : memref<2x2x4x1408xf32, #tpu.memory_space<vmem>>, vector<16xf32>,
            %swap3A_569 = arith.constant 2 : i32
            %swap3A_570 = arith.index_cast %and3A_104 : i32 to index
            %swap3A_571 = arith.index_cast %shift_right_arithmetic3A_531 : i32 to index
            %swap3A_572 = arith.index_cast %swap3A_569 : i32 to index
            %swap3A_573 = arith.index_cast %mul3A_535 : i32 to index
            %swap3A_574 = tpu.vector_load %arg8[%swap3A_570, %swap3A_571, %swap3A_572, %swap3A_573] {strides = array<i32>} : memref<2x10x8x128xf32, #tpu.memory_space<vmem>>, vector<16xf32>,
            tpu.vector_store %arg8[%swap3A_570, %swap3A_571, %swap3A_572, %swap3A_573], %get3A_568 {strides = array<i32>} : memref<2x10x8x128xf32, #tpu.memory_space<vmem>>, vector<16xf32>,
            %get3A_575 = arith.constant 0 : i32
            %get3A_576 = arith.constant 3 : i32
            %get3A_577 = arith.index_cast %and3A_104 : i32 to index
            %get3A_578 = arith.index_cast %get3A_575 : i32 to index
            %get3A_579 = arith.index_cast %get3A_576 : i32 to index
            %get3A_580 = arith.index_cast %add3A_527 : i32 to index
            %get3A_581 = tpu.vector_load %arg6[%get3A_577, %get3A_578, %get3A_579, %get3A_580] {strides = array<i32>} : memref<2x2x4x1408xf32, #tpu.memory_space<vmem>>, vector<16xf32>,
            %swap3A_582 = arith.constant 3 : i32
            %swap3A_583 = arith.index_cast %and3A_104 : i32 to index
            %swap3A_584 = arith.index_cast %shift_right_arithmetic3A_531 : i32 to index
            %swap3A_585 = arith.index_cast %swap3A_582 : i32 to index
            %swap3A_586 = arith.index_cast %mul3A_535 : i32 to index
            %swap3A_587 = tpu.vector_load %arg8[%swap3A_583, %swap3A_584, %swap3A_585, %swap3A_586] {strides = array<i32>} : memref<2x10x8x128xf32, #tpu.memory_space<vmem>>, vector<16xf32>,
            tpu.vector_store %arg8[%swap3A_583, %swap3A_584, %swap3A_585, %swap3A_586], %get3A_581 {strides = array<i32>} : memref<2x10x8x128xf32, #tpu.memory_space<vmem>>, vector<16xf32>,
            %get3A_588 = arith.constant 0 : i32
            %get3A_589 = arith.constant 3 : i32
            %get3A_590 = arith.index_cast %and3A_104 : i32 to index
            %get3A_591 = arith.index_cast %get3A_588 : i32 to index
            %get3A_592 = arith.index_cast %get3A_589 : i32 to index
            %get3A_593 = arith.index_cast %add3A_527 : i32 to index
            %get3A_594 = tpu.vector_load %arg7[%get3A_590, %get3A_591, %get3A_592, %get3A_593] {strides = array<i32>} : memref<2x2x4x1408xf32, #tpu.memory_space<vmem>>, vector<16xf32>,
            %swap3A_595 = arith.constant 4 : i32
            %swap3A_596 = arith.index_cast %and3A_104 : i32 to index
            %swap3A_597 = arith.index_cast %shift_right_arithmetic3A_531 : i32 to index
            %swap3A_598 = arith.index_cast %swap3A_595 : i32 to index
            %swap3A_599 = arith.index_cast %mul3A_535 : i32 to index
            %swap3A_600 = tpu.vector_load %arg8[%swap3A_596, %swap3A_597, %swap3A_598, %swap3A_599] {strides = array<i32>} : memref<2x10x8x128xf32, #tpu.memory_space<vmem>>, vector<16xf32>,
            tpu.vector_store %arg8[%swap3A_596, %swap3A_597, %swap3A_598, %swap3A_599], %get3A_594 {strides = array<i32>} : memref<2x10x8x128xf32, #tpu.memory_space<vmem>>, vector<16xf32>,
            %swap3A_601 = arith.constant 0 : i32
            %swap3A_602 = arith.index_cast %and3A_104 : i32 to index
            %swap3A_603 = arith.index_cast %shift_right_arithmetic3A_531 : i32 to index
            %swap3A_604 = arith.index_cast %swap3A_601 : i32 to index
            %swap3A_605 = arith.index_cast %mul3A_535 : i32 to index
            %swap3A_606 = tpu.vector_load %arg9[%swap3A_602, %swap3A_603, %swap3A_604, %swap3A_605] {strides = array<i32>} : memref<2x10x4x128xi32, #tpu.memory_space<vmem>>, vector<16xi32>,
            tpu.vector_store %arg9[%swap3A_602, %swap3A_603, %swap3A_604, %swap3A_605], %broadcast_in_dim3A {strides = array<i32>} : memref<2x10x4x128xi32, #tpu.memory_space<vmem>>, vector<16xi32>,
            %sub3A_607 = arith.constant -2.000000e+00 : f32
            %sub3A_608 = vector.broadcast %sub3A_607 : f32 to vector<16xf32>
            %sub3A_609 = arith.subf %get3A_568, %sub3A_608 : vector<16xf32>
            %mul3A_610 = arith.constant 2.500000e+00 : f32
            %mul3A_611 = vector.broadcast %mul3A_610 : f32 to vector<16xf32>
            %mul3A_612 = arith.mulf %sub3A_609, %mul3A_611 : vector<16xf32>
            %convert_element_type3A_613 = arith.fptosi %mul3A_612 : vector<16xf32> to vector<16xi32>
            %swap3A_614 = arith.constant 1 : i32
            %swap3A_615 = arith.index_cast %and3A_104 : i32 to index
            %swap3A_616 = arith.index_cast %shift_right_arithmetic3A_531 : i32 to index
            %swap3A_617 = arith.index_cast %swap3A_614 : i32 to index
            %swap3A_618 = arith.index_cast %mul3A_535 : i32 to index
            %swap3A_619 = tpu.vector_load %arg9[%swap3A_615, %swap3A_616, %swap3A_617, %swap3A_618] {strides = array<i32>} : memref<2x10x4x128xi32, #tpu.memory_space<vmem>>, vector<16xi32>,
            tpu.vector_store %arg9[%swap3A_615, %swap3A_616, %swap3A_617, %swap3A_618], %convert_element_type3A_613 {strides = array<i32>} : memref<2x10x4x128xi32, #tpu.memory_space<vmem>>, vector<16xi32>,
            %sub3A_620 = arith.constant -1.600000e+01 : f32
            %sub3A_621 = vector.broadcast %sub3A_620 : f32 to vector<16xf32>
            %sub3A_622 = arith.subf %get3A_555, %sub3A_621 : vector<16xf32>
            %mul3A_623 = arith.constant 2.500000e+00 : f32
            %mul3A_624 = vector.broadcast %mul3A_623 : f32 to vector<16xf32>
            %mul3A_625 = arith.mulf %sub3A_622, %mul3A_624 : vector<16xf32>
            %convert_element_type3A_626 = arith.fptosi %mul3A_625 : vector<16xf32> to vector<16xi32>
            %swap3A_627 = arith.constant 2 : i32
            %swap3A_628 = arith.index_cast %and3A_104 : i32 to index
            %swap3A_629 = arith.index_cast %shift_right_arithmetic3A_531 : i32 to index
            %swap3A_630 = arith.index_cast %swap3A_627 : i32 to index
            %swap3A_631 = arith.index_cast %mul3A_535 : i32 to index
            %swap3A_632 = tpu.vector_load %arg9[%swap3A_628, %swap3A_629, %swap3A_630, %swap3A_631] {strides = array<i32>} : memref<2x10x4x128xi32, #tpu.memory_space<vmem>>, vector<16xi32>,
            tpu.vector_store %arg9[%swap3A_628, %swap3A_629, %swap3A_630, %swap3A_631], %convert_element_type3A_626 {strides = array<i32>} : memref<2x10x4x128xi32, #tpu.memory_space<vmem>>, vector<16xi32>,
            %sub3A_633 = arith.constant 0.000000e+00 : f32
            %sub3A_634 = vector.broadcast %sub3A_633 : f32 to vector<16xf32>
            %sub3A_635 = arith.subf %get3A_542, %sub3A_634 : vector<16xf32>
            %mul3A_636 = arith.constant 2.500000e+00 : f32
            %mul3A_637 = vector.broadcast %mul3A_636 : f32 to vector<16xf32>
            %mul3A_638 = arith.mulf %sub3A_635, %mul3A_637 : vector<16xf32>
            %convert_element_type3A_639 = arith.fptosi %mul3A_638 : vector<16xf32> to vector<16xi32>
            %swap3A_640 = arith.constant 3 : i32
            %swap3A_641 = arith.index_cast %and3A_104 : i32 to index
            %swap3A_642 = arith.index_cast %shift_right_arithmetic3A_531 : i32 to index
            %swap3A_643 = arith.index_cast %swap3A_640 : i32 to index
            %swap3A_644 = arith.index_cast %mul3A_535 : i32 to index
            %swap3A_645 = tpu.vector_load %arg9[%swap3A_641, %swap3A_642, %swap3A_643, %swap3A_644] {strides = array<i32>} : memref<2x10x4x128xi32, #tpu.memory_space<vmem>>, vector<16xi32>,
            tpu.vector_store %arg9[%swap3A_641, %swap3A_642, %swap3A_643, %swap3A_644], %convert_element_type3A_639 {strides = array<i32>} : memref<2x10x4x128xi32, #tpu.memory_space<vmem>>, vector<16xi32>,
            %add3A_646 = arith.constant 16 : i32
            %add3A_647 = arith.addi %add3A_527, %add3A_646 : i32
            %scan3A_648 = arith.constant 3 : i32
            %scan3A_649 = arith.addi %scan3A_290, %scan3A_648 : i32
            %shift_right_arithmetic3A_650 = arith.constant 3 : i32
            %shift_right_arithmetic3A_651 = arith.shrsi %scan3A_649, %shift_right_arithmetic3A_650 : i32
            %and3A_652 = arith.constant 7 : i32
            %and3A_653 = arith.andi %scan3A_649, %and3A_652 : i32
            %mul3A_654 = arith.constant 16 : i32
            %mul3A_655 = arith.muli %and3A_653, %mul3A_654 : i32
            %get3A_656 = arith.constant 0 : i32
            %get3A_657 = arith.constant 0 : i32
            %get3A_658 = arith.index_cast %and3A_104 : i32 to index
            %get3A_659 = arith.index_cast %get3A_656 : i32 to index
            %get3A_660 = arith.index_cast %get3A_657 : i32 to index
            %get3A_661 = arith.index_cast %add3A_647 : i32 to index
            %get3A_662 = tpu.vector_load %arg6[%get3A_658, %get3A_659, %get3A_660, %get3A_661] {strides = array<i32>} : memref<2x2x4x1408xf32, #tpu.memory_space<vmem>>, vector<16xf32>,
            %swap3A_663 = arith.constant 0 : i32
            %swap3A_664 = arith.index_cast %and3A_104 : i32 to index
            %swap3A_665 = arith.index_cast %shift_right_arithmetic3A_651 : i32 to index
            %swap3A_666 = arith.index_cast %swap3A_663 : i32 to index
            %swap3A_667 = arith.index_cast %mul3A_655 : i32 to index
            %swap3A_668 = tpu.vector_load %arg8[%swap3A_664, %swap3A_665, %swap3A_666, %swap3A_667] {strides = array<i32>} : memref<2x10x8x128xf32, #tpu.memory_space<vmem>>, vector<16xf32>,
            tpu.vector_store %arg8[%swap3A_664, %swap3A_665, %swap3A_666, %swap3A_667], %get3A_662 {strides = array<i32>} : memref<2x10x8x128xf32, #tpu.memory_space<vmem>>, vector<16xf32>,
            %get3A_669 = arith.constant 0 : i32
            %get3A_670 = arith.constant 1 : i32
            %get3A_671 = arith.index_cast %and3A_104 : i32 to index
            %get3A_672 = arith.index_cast %get3A_669 : i32 to index
            %get3A_673 = arith.index_cast %get3A_670 : i32 to index
            %get3A_674 = arith.index_cast %add3A_647 : i32 to index
            %get3A_675 = tpu.vector_load %arg6[%get3A_671, %get3A_672, %get3A_673, %get3A_674] {strides = array<i32>} : memref<2x2x4x1408xf32, #tpu.memory_space<vmem>>, vector<16xf32>,
            %swap3A_676 = arith.constant 1 : i32
            %swap3A_677 = arith.index_cast %and3A_104 : i32 to index
            %swap3A_678 = arith.index_cast %shift_right_arithmetic3A_651 : i32 to index
            %swap3A_679 = arith.index_cast %swap3A_676 : i32 to index
            %swap3A_680 = arith.index_cast %mul3A_655 : i32 to index
            %swap3A_681 = tpu.vector_load %arg8[%swap3A_677, %swap3A_678, %swap3A_679, %swap3A_680] {strides = array<i32>} : memref<2x10x8x128xf32, #tpu.memory_space<vmem>>, vector<16xf32>,
            tpu.vector_store %arg8[%swap3A_677, %swap3A_678, %swap3A_679, %swap3A_680], %get3A_675 {strides = array<i32>} : memref<2x10x8x128xf32, #tpu.memory_space<vmem>>, vector<16xf32>,
            %get3A_682 = arith.constant 0 : i32
            %get3A_683 = arith.constant 2 : i32
            %get3A_684 = arith.index_cast %and3A_104 : i32 to index
            %get3A_685 = arith.index_cast %get3A_682 : i32 to index
            %get3A_686 = arith.index_cast %get3A_683 : i32 to index
            %get3A_687 = arith.index_cast %add3A_647 : i32 to index
            %get3A_688 = tpu.vector_load %arg6[%get3A_684, %get3A_685, %get3A_686, %get3A_687] {strides = array<i32>} : memref<2x2x4x1408xf32, #tpu.memory_space<vmem>>, vector<16xf32>,
            %swap3A_689 = arith.constant 2 : i32
            %swap3A_690 = arith.index_cast %and3A_104 : i32 to index
            %swap3A_691 = arith.index_cast %shift_right_arithmetic3A_651 : i32 to index
            %swap3A_692 = arith.index_cast %swap3A_689 : i32 to index
            %swap3A_693 = arith.index_cast %mul3A_655 : i32 to index
            %swap3A_694 = tpu.vector_load %arg8[%swap3A_690, %swap3A_691, %swap3A_692, %swap3A_693] {strides = array<i32>} : memref<2x10x8x128xf32, #tpu.memory_space<vmem>>, vector<16xf32>,
            tpu.vector_store %arg8[%swap3A_690, %swap3A_691, %swap3A_692, %swap3A_693], %get3A_688 {strides = array<i32>} : memref<2x10x8x128xf32, #tpu.memory_space<vmem>>, vector<16xf32>,
            %get3A_695 = arith.constant 0 : i32
            %get3A_696 = arith.constant 3 : i32
            %get3A_697 = arith.index_cast %and3A_104 : i32 to index
            %get3A_698 = arith.index_cast %get3A_695 : i32 to index
            %get3A_699 = arith.index_cast %get3A_696 : i32 to index
            %get3A_700 = arith.index_cast %add3A_647 : i32 to index
            %get3A_701 = tpu.vector_load %arg6[%get3A_697, %get3A_698, %get3A_699, %get3A_700] {strides = array<i32>} : memref<2x2x4x1408xf32, #tpu.memory_space<vmem>>, vector<16xf32>,
            %swap3A_702 = arith.constant 3 : i32
            %swap3A_703 = arith.index_cast %and3A_104 : i32 to index
            %swap3A_704 = arith.index_cast %shift_right_arithmetic3A_651 : i32 to index
            %swap3A_705 = arith.index_cast %swap3A_702 : i32 to index
            %swap3A_706 = arith.index_cast %mul3A_655 : i32 to index
            %swap3A_707 = tpu.vector_load %arg8[%swap3A_703, %swap3A_704, %swap3A_705, %swap3A_706] {strides = array<i32>} : memref<2x10x8x128xf32, #tpu.memory_space<vmem>>, vector<16xf32>,
            tpu.vector_store %arg8[%swap3A_703, %swap3A_704, %swap3A_705, %swap3A_706], %get3A_701 {strides = array<i32>} : memref<2x10x8x128xf32, #tpu.memory_space<vmem>>, vector<16xf32>,
            %get3A_708 = arith.constant 0 : i32
            %get3A_709 = arith.constant 3 : i32
            %get3A_710 = arith.index_cast %and3A_104 : i32 to index
            %get3A_711 = arith.index_cast %get3A_708 : i32 to index
            %get3A_712 = arith.index_cast %get3A_709 : i32 to index
            %get3A_713 = arith.index_cast %add3A_647 : i32 to index
            %get3A_714 = tpu.vector_load %arg7[%get3A_710, %get3A_711, %get3A_712, %get3A_713] {strides = array<i32>} : memref<2x2x4x1408xf32, #tpu.memory_space<vmem>>, vector<16xf32>,
            %swap3A_715 = arith.constant 4 : i32
            %swap3A_716 = arith.index_cast %and3A_104 : i32 to index
            %swap3A_717 = arith.index_cast %shift_right_arithmetic3A_651 : i32 to index
            %swap3A_718 = arith.index_cast %swap3A_715 : i32 to index
            %swap3A_719 = arith.index_cast %mul3A_655 : i32 to index
            %swap3A_720 = tpu.vector_load %arg8[%swap3A_716, %swap3A_717, %swap3A_718, %swap3A_719] {strides = array<i32>} : memref<2x10x8x128xf32, #tpu.memory_space<vmem>>, vector<16xf32>,
            tpu.vector_store %arg8[%swap3A_716, %swap3A_717, %swap3A_718, %swap3A_719], %get3A_714 {strides = array<i32>} : memref<2x10x8x128xf32, #tpu.memory_space<vmem>>, vector<16xf32>,
            %swap3A_721 = arith.constant 0 : i32
            %swap3A_722 = arith.index_cast %and3A_104 : i32 to index
            %swap3A_723 = arith.index_cast %shift_right_arithmetic3A_651 : i32 to index
            %swap3A_724 = arith.index_cast %swap3A_721 : i32 to index
            %swap3A_725 = arith.index_cast %mul3A_655 : i32 to index
            %swap3A_726 = tpu.vector_load %arg9[%swap3A_722, %swap3A_723, %swap3A_724, %swap3A_725] {strides = array<i32>} : memref<2x10x4x128xi32, #tpu.memory_space<vmem>>, vector<16xi32>,
            tpu.vector_store %arg9[%swap3A_722, %swap3A_723, %swap3A_724, %swap3A_725], %broadcast_in_dim3A {strides = array<i32>} : memref<2x10x4x128xi32, #tpu.memory_space<vmem>>, vector<16xi32>,
            %sub3A_727 = arith.constant -2.000000e+00 : f32
            %sub3A_728 = vector.broadcast %sub3A_727 : f32 to vector<16xf32>
            %sub3A_729 = arith.subf %get3A_688, %sub3A_728 : vector<16xf32>
            %mul3A_730 = arith.constant 2.500000e+00 : f32
            %mul3A_731 = vector.broadcast %mul3A_730 : f32 to vector<16xf32>
            %mul3A_732 = arith.mulf %sub3A_729, %mul3A_731 : vector<16xf32>
            %convert_element_type3A_733 = arith.fptosi %mul3A_732 : vector<16xf32> to vector<16xi32>
            %swap3A_734 = arith.constant 1 : i32
            %swap3A_735 = arith.index_cast %and3A_104 : i32 to index
            %swap3A_736 = arith.index_cast %shift_right_arithmetic3A_651 : i32 to index
            %swap3A_737 = arith.index_cast %swap3A_734 : i32 to index
            %swap3A_738 = arith.index_cast %mul3A_655 : i32 to index
            %swap3A_739 = tpu.vector_load %arg9[%swap3A_735, %swap3A_736, %swap3A_737, %swap3A_738] {strides = array<i32>} : memref<2x10x4x128xi32, #tpu.memory_space<vmem>>, vector<16xi32>,
            tpu.vector_store %arg9[%swap3A_735, %swap3A_736, %swap3A_737, %swap3A_738], %convert_element_type3A_733 {strides = array<i32>} : memref<2x10x4x128xi32, #tpu.memory_space<vmem>>, vector<16xi32>,
            %sub3A_740 = arith.constant -1.600000e+01 : f32
            %sub3A_741 = vector.broadcast %sub3A_740 : f32 to vector<16xf32>
            %sub3A_742 = arith.subf %get3A_675, %sub3A_741 : vector<16xf32>
            %mul3A_743 = arith.constant 2.500000e+00 : f32
            %mul3A_744 = vector.broadcast %mul3A_743 : f32 to vector<16xf32>
            %mul3A_745 = arith.mulf %sub3A_742, %mul3A_744 : vector<16xf32>
            %convert_element_type3A_746 = arith.fptosi %mul3A_745 : vector<16xf32> to vector<16xi32>
            %swap3A_747 = arith.constant 2 : i32
            %swap3A_748 = arith.index_cast %and3A_104 : i32 to index
            %swap3A_749 = arith.index_cast %shift_right_arithmetic3A_651 : i32 to index
            %swap3A_750 = arith.index_cast %swap3A_747 : i32 to index
            %swap3A_751 = arith.index_cast %mul3A_655 : i32 to index
            %swap3A_752 = tpu.vector_load %arg9[%swap3A_748, %swap3A_749, %swap3A_750, %swap3A_751] {strides = array<i32>} : memref<2x10x4x128xi32, #tpu.memory_space<vmem>>, vector<16xi32>,
            tpu.vector_store %arg9[%swap3A_748, %swap3A_749, %swap3A_750, %swap3A_751], %convert_element_type3A_746 {strides = array<i32>} : memref<2x10x4x128xi32, #tpu.memory_space<vmem>>, vector<16xi32>,
            %sub3A_753 = arith.constant 0.000000e+00 : f32
            %sub3A_754 = vector.broadcast %sub3A_753 : f32 to vector<16xf32>
            %sub3A_755 = arith.subf %get3A_662, %sub3A_754 : vector<16xf32>
            %mul3A_756 = arith.constant 2.500000e+00 : f32
            %mul3A_757 = vector.broadcast %mul3A_756 : f32 to vector<16xf32>
            %mul3A_758 = arith.mulf %sub3A_755, %mul3A_757 : vector<16xf32>
            %convert_element_type3A_759 = arith.fptosi %mul3A_758 : vector<16xf32> to vector<16xi32>
            %swap3A_760 = arith.constant 3 : i32
            %swap3A_761 = arith.index_cast %and3A_104 : i32 to index
            %swap3A_762 = arith.index_cast %shift_right_arithmetic3A_651 : i32 to index
            %swap3A_763 = arith.index_cast %swap3A_760 : i32 to index
            %swap3A_764 = arith.index_cast %mul3A_655 : i32 to index
            %swap3A_765 = tpu.vector_load %arg9[%swap3A_761, %swap3A_762, %swap3A_763, %swap3A_764] {strides = array<i32>} : memref<2x10x4x128xi32, #tpu.memory_space<vmem>>, vector<16xi32>,
            tpu.vector_store %arg9[%swap3A_761, %swap3A_762, %swap3A_763, %swap3A_764], %convert_element_type3A_759 {strides = array<i32>} : memref<2x10x4x128xi32, #tpu.memory_space<vmem>>, vector<16xi32>,
            %add3A_766 = arith.constant 16 : i32
            %add3A_767 = arith.addi %add3A_647, %add3A_766 : i32
            %scan3A_768 = arith.constant 4 : i32
            %scan3A_769 = arith.addi %scan3A_290, %scan3A_768 : i32
            %shift_right_arithmetic3A_770 = arith.constant 3 : i32
            %shift_right_arithmetic3A_771 = arith.shrsi %scan3A_769, %shift_right_arithmetic3A_770 : i32
            %and3A_772 = arith.constant 7 : i32
            %and3A_773 = arith.andi %scan3A_769, %and3A_772 : i32
            %mul3A_774 = arith.constant 16 : i32
            %mul3A_775 = arith.muli %and3A_773, %mul3A_774 : i32
            %get3A_776 = arith.constant 0 : i32
            %get3A_777 = arith.constant 0 : i32
            %get3A_778 = arith.index_cast %and3A_104 : i32 to index
            %get3A_779 = arith.index_cast %get3A_776 : i32 to index
            %get3A_780 = arith.index_cast %get3A_777 : i32 to index
            %get3A_781 = arith.index_cast %add3A_767 : i32 to index
            %get3A_782 = tpu.vector_load %arg6[%get3A_778, %get3A_779, %get3A_780, %get3A_781] {strides = array<i32>} : memref<2x2x4x1408xf32, #tpu.memory_space<vmem>>, vector<16xf32>,
            %swap3A_783 = arith.constant 0 : i32
            %swap3A_784 = arith.index_cast %and3A_104 : i32 to index
            %swap3A_785 = arith.index_cast %shift_right_arithmetic3A_771 : i32 to index
            %swap3A_786 = arith.index_cast %swap3A_783 : i32 to index
            %swap3A_787 = arith.index_cast %mul3A_775 : i32 to index
            %swap3A_788 = tpu.vector_load %arg8[%swap3A_784, %swap3A_785, %swap3A_786, %swap3A_787] {strides = array<i32>} : memref<2x10x8x128xf32, #tpu.memory_space<vmem>>, vector<16xf32>,
            tpu.vector_store %arg8[%swap3A_784, %swap3A_785, %swap3A_786, %swap3A_787], %get3A_782 {strides = array<i32>} : memref<2x10x8x128xf32, #tpu.memory_space<vmem>>, vector<16xf32>,
            %get3A_789 = arith.constant 0 : i32
            %get3A_790 = arith.constant 1 : i32
            %get3A_791 = arith.index_cast %and3A_104 : i32 to index
            %get3A_792 = arith.index_cast %get3A_789 : i32 to index
            %get3A_793 = arith.index_cast %get3A_790 : i32 to index
            %get3A_794 = arith.index_cast %add3A_767 : i32 to index
            %get3A_795 = tpu.vector_load %arg6[%get3A_791, %get3A_792, %get3A_793, %get3A_794] {strides = array<i32>} : memref<2x2x4x1408xf32, #tpu.memory_space<vmem>>, vector<16xf32>,
            %swap3A_796 = arith.constant 1 : i32
            %swap3A_797 = arith.index_cast %and3A_104 : i32 to index
            %swap3A_798 = arith.index_cast %shift_right_arithmetic3A_771 : i32 to index
            %swap3A_799 = arith.index_cast %swap3A_796 : i32 to index
            %swap3A_800 = arith.index_cast %mul3A_775 : i32 to index
            %swap3A_801 = tpu.vector_load %arg8[%swap3A_797, %swap3A_798, %swap3A_799, %swap3A_800] {strides = array<i32>} : memref<2x10x8x128xf32, #tpu.memory_space<vmem>>, vector<16xf32>,
            tpu.vector_store %arg8[%swap3A_797, %swap3A_798, %swap3A_799, %swap3A_800], %get3A_795 {strides = array<i32>} : memref<2x10x8x128xf32, #tpu.memory_space<vmem>>, vector<16xf32>,
            %get3A_802 = arith.constant 0 : i32
            %get3A_803 = arith.constant 2 : i32
            %get3A_804 = arith.index_cast %and3A_104 : i32 to index
            %get3A_805 = arith.index_cast %get3A_802 : i32 to index
            %get3A_806 = arith.index_cast %get3A_803 : i32 to index
            %get3A_807 = arith.index_cast %add3A_767 : i32 to index
            %get3A_808 = tpu.vector_load %arg6[%get3A_804, %get3A_805, %get3A_806, %get3A_807] {strides = array<i32>} : memref<2x2x4x1408xf32, #tpu.memory_space<vmem>>, vector<16xf32>,
            %swap3A_809 = arith.constant 2 : i32
            %swap3A_810 = arith.index_cast %and3A_104 : i32 to index
            %swap3A_811 = arith.index_cast %shift_right_arithmetic3A_771 : i32 to index
            %swap3A_812 = arith.index_cast %swap3A_809 : i32 to index
            %swap3A_813 = arith.index_cast %mul3A_775 : i32 to index
            %swap3A_814 = tpu.vector_load %arg8[%swap3A_810, %swap3A_811, %swap3A_812, %swap3A_813] {strides = array<i32>} : memref<2x10x8x128xf32, #tpu.memory_space<vmem>>, vector<16xf32>,
            tpu.vector_store %arg8[%swap3A_810, %swap3A_811, %swap3A_812, %swap3A_813], %get3A_808 {strides = array<i32>} : memref<2x10x8x128xf32, #tpu.memory_space<vmem>>, vector<16xf32>,
            %get3A_815 = arith.constant 0 : i32
            %get3A_816 = arith.constant 3 : i32
            %get3A_817 = arith.index_cast %and3A_104 : i32 to index
            %get3A_818 = arith.index_cast %get3A_815 : i32 to index
            %get3A_819 = arith.index_cast %get3A_816 : i32 to index
            %get3A_820 = arith.index_cast %add3A_767 : i32 to index
            %get3A_821 = tpu.vector_load %arg6[%get3A_817, %get3A_818, %get3A_819, %get3A_820] {strides = array<i32>} : memref<2x2x4x1408xf32, #tpu.memory_space<vmem>>, vector<16xf32>,
            %swap3A_822 = arith.constant 3 : i32
            %swap3A_823 = arith.index_cast %and3A_104 : i32 to index
            %swap3A_824 = arith.index_cast %shift_right_arithmetic3A_771 : i32 to index
            %swap3A_825 = arith.index_cast %swap3A_822 : i32 to index
            %swap3A_826 = arith.index_cast %mul3A_775 : i32 to index
            %swap3A_827 = tpu.vector_load %arg8[%swap3A_823, %swap3A_824, %swap3A_825, %swap3A_826] {strides = array<i32>} : memref<2x10x8x128xf32, #tpu.memory_space<vmem>>, vector<16xf32>,
            tpu.vector_store %arg8[%swap3A_823, %swap3A_824, %swap3A_825, %swap3A_826], %get3A_821 {strides = array<i32>} : memref<2x10x8x128xf32, #tpu.memory_space<vmem>>, vector<16xf32>,
            %get3A_828 = arith.constant 0 : i32
            %get3A_829 = arith.constant 3 : i32
            %get3A_830 = arith.index_cast %and3A_104 : i32 to index
            %get3A_831 = arith.index_cast %get3A_828 : i32 to index
            %get3A_832 = arith.index_cast %get3A_829 : i32 to index
            %get3A_833 = arith.index_cast %add3A_767 : i32 to index
            %get3A_834 = tpu.vector_load %arg7[%get3A_830, %get3A_831, %get3A_832, %get3A_833] {strides = array<i32>} : memref<2x2x4x1408xf32, #tpu.memory_space<vmem>>, vector<16xf32>,
            %swap3A_835 = arith.constant 4 : i32
            %swap3A_836 = arith.index_cast %and3A_104 : i32 to index
            %swap3A_837 = arith.index_cast %shift_right_arithmetic3A_771 : i32 to index
            %swap3A_838 = arith.index_cast %swap3A_835 : i32 to index
            %swap3A_839 = arith.index_cast %mul3A_775 : i32 to index
            %swap3A_840 = tpu.vector_load %arg8[%swap3A_836, %swap3A_837, %swap3A_838, %swap3A_839] {strides = array<i32>} : memref<2x10x8x128xf32, #tpu.memory_space<vmem>>, vector<16xf32>,
            tpu.vector_store %arg8[%swap3A_836, %swap3A_837, %swap3A_838, %swap3A_839], %get3A_834 {strides = array<i32>} : memref<2x10x8x128xf32, #tpu.memory_space<vmem>>, vector<16xf32>,
            %swap3A_841 = arith.constant 0 : i32
            %swap3A_842 = arith.index_cast %and3A_104 : i32 to index
            %swap3A_843 = arith.index_cast %shift_right_arithmetic3A_771 : i32 to index
            %swap3A_844 = arith.index_cast %swap3A_841 : i32 to index
            %swap3A_845 = arith.index_cast %mul3A_775 : i32 to index
            %swap3A_846 = tpu.vector_load %arg9[%swap3A_842, %swap3A_843, %swap3A_844, %swap3A_845] {strides = array<i32>} : memref<2x10x4x128xi32, #tpu.memory_space<vmem>>, vector<16xi32>,
            tpu.vector_store %arg9[%swap3A_842, %swap3A_843, %swap3A_844, %swap3A_845], %broadcast_in_dim3A {strides = array<i32>} : memref<2x10x4x128xi32, #tpu.memory_space<vmem>>, vector<16xi32>,
            %sub3A_847 = arith.constant -2.000000e+00 : f32
            %sub3A_848 = vector.broadcast %sub3A_847 : f32 to vector<16xf32>
            %sub3A_849 = arith.subf %get3A_808, %sub3A_848 : vector<16xf32>
            %mul3A_850 = arith.constant 2.500000e+00 : f32
            %mul3A_851 = vector.broadcast %mul3A_850 : f32 to vector<16xf32>
            %mul3A_852 = arith.mulf %sub3A_849, %mul3A_851 : vector<16xf32>
            %convert_element_type3A_853 = arith.fptosi %mul3A_852 : vector<16xf32> to vector<16xi32>
            %swap3A_854 = arith.constant 1 : i32
            %swap3A_855 = arith.index_cast %and3A_104 : i32 to index
            %swap3A_856 = arith.index_cast %shift_right_arithmetic3A_771 : i32 to index
            %swap3A_857 = arith.index_cast %swap3A_854 : i32 to index
            %swap3A_858 = arith.index_cast %mul3A_775 : i32 to index
            %swap3A_859 = tpu.vector_load %arg9[%swap3A_855, %swap3A_856, %swap3A_857, %swap3A_858] {strides = array<i32>} : memref<2x10x4x128xi32, #tpu.memory_space<vmem>>, vector<16xi32>,
            tpu.vector_store %arg9[%swap3A_855, %swap3A_856, %swap3A_857, %swap3A_858], %convert_element_type3A_853 {strides = array<i32>} : memref<2x10x4x128xi32, #tpu.memory_space<vmem>>, vector<16xi32>,
            %sub3A_860 = arith.constant -1.600000e+01 : f32
            %sub3A_861 = vector.broadcast %sub3A_860 : f32 to vector<16xf32>
            %sub3A_862 = arith.subf %get3A_795, %sub3A_861 : vector<16xf32>
            %mul3A_863 = arith.constant 2.500000e+00 : f32
            %mul3A_864 = vector.broadcast %mul3A_863 : f32 to vector<16xf32>
            %mul3A_865 = arith.mulf %sub3A_862, %mul3A_864 : vector<16xf32>
            %convert_element_type3A_866 = arith.fptosi %mul3A_865 : vector<16xf32> to vector<16xi32>
            %swap3A_867 = arith.constant 2 : i32
            %swap3A_868 = arith.index_cast %and3A_104 : i32 to index
            %swap3A_869 = arith.index_cast %shift_right_arithmetic3A_771 : i32 to index
            %swap3A_870 = arith.index_cast %swap3A_867 : i32 to index
            %swap3A_871 = arith.index_cast %mul3A_775 : i32 to index
            %swap3A_872 = tpu.vector_load %arg9[%swap3A_868, %swap3A_869, %swap3A_870, %swap3A_871] {strides = array<i32>} : memref<2x10x4x128xi32, #tpu.memory_space<vmem>>, vector<16xi32>,
            tpu.vector_store %arg9[%swap3A_868, %swap3A_869, %swap3A_870, %swap3A_871], %convert_element_type3A_866 {strides = array<i32>} : memref<2x10x4x128xi32, #tpu.memory_space<vmem>>, vector<16xi32>,
            %sub3A_873 = arith.constant 0.000000e+00 : f32
            %sub3A_874 = vector.broadcast %sub3A_873 : f32 to vector<16xf32>
            %sub3A_875 = arith.subf %get3A_782, %sub3A_874 : vector<16xf32>
            %mul3A_876 = arith.constant 2.500000e+00 : f32
            %mul3A_877 = vector.broadcast %mul3A_876 : f32 to vector<16xf32>
            %mul3A_878 = arith.mulf %sub3A_875, %mul3A_877 : vector<16xf32>
            %convert_element_type3A_879 = arith.fptosi %mul3A_878 : vector<16xf32> to vector<16xi32>
            %swap3A_880 = arith.constant 3 : i32
            %swap3A_881 = arith.index_cast %and3A_104 : i32 to index
            %swap3A_882 = arith.index_cast %shift_right_arithmetic3A_771 : i32 to index
            %swap3A_883 = arith.index_cast %swap3A_880 : i32 to index
            %swap3A_884 = arith.index_cast %mul3A_775 : i32 to index
            %swap3A_885 = tpu.vector_load %arg9[%swap3A_881, %swap3A_882, %swap3A_883, %swap3A_884] {strides = array<i32>} : memref<2x10x4x128xi32, #tpu.memory_space<vmem>>, vector<16xi32>,
            tpu.vector_store %arg9[%swap3A_881, %swap3A_882, %swap3A_883, %swap3A_884], %convert_element_type3A_879 {strides = array<i32>} : memref<2x10x4x128xi32, #tpu.memory_space<vmem>>, vector<16xi32>,
            %add3A_886 = arith.constant 16 : i32
            %add3A_887 = arith.addi %add3A_767, %add3A_886 : i32
            %scan3A_888 = arith.constant 5 : i32
            %scan3A_889 = arith.addi %scan3A_290, %scan3A_888 : i32
            %shift_right_arithmetic3A_890 = arith.constant 3 : i32
            %shift_right_arithmetic3A_891 = arith.shrsi %scan3A_889, %shift_right_arithmetic3A_890 : i32
            %and3A_892 = arith.constant 7 : i32
            %and3A_893 = arith.andi %scan3A_889, %and3A_892 : i32
            %mul3A_894 = arith.constant 16 : i32
            %mul3A_895 = arith.muli %and3A_893, %mul3A_894 : i32
            %get3A_896 = arith.constant 0 : i32
            %get3A_897 = arith.constant 0 : i32
            %get3A_898 = arith.index_cast %and3A_104 : i32 to index
            %get3A_899 = arith.index_cast %get3A_896 : i32 to index
            %get3A_900 = arith.index_cast %get3A_897 : i32 to index
            %get3A_901 = arith.index_cast %add3A_887 : i32 to index
            %get3A_902 = tpu.vector_load %arg6[%get3A_898, %get3A_899, %get3A_900, %get3A_901] {strides = array<i32>} : memref<2x2x4x1408xf32, #tpu.memory_space<vmem>>, vector<16xf32>,
            %swap3A_903 = arith.constant 0 : i32
            %swap3A_904 = arith.index_cast %and3A_104 : i32 to index
            %swap3A_905 = arith.index_cast %shift_right_arithmetic3A_891 : i32 to index
            %swap3A_906 = arith.index_cast %swap3A_903 : i32 to index
            %swap3A_907 = arith.index_cast %mul3A_895 : i32 to index
            %swap3A_908 = tpu.vector_load %arg8[%swap3A_904, %swap3A_905, %swap3A_906, %swap3A_907] {strides = array<i32>} : memref<2x10x8x128xf32, #tpu.memory_space<vmem>>, vector<16xf32>,
            tpu.vector_store %arg8[%swap3A_904, %swap3A_905, %swap3A_906, %swap3A_907], %get3A_902 {strides = array<i32>} : memref<2x10x8x128xf32, #tpu.memory_space<vmem>>, vector<16xf32>,
            %get3A_909 = arith.constant 0 : i32
            %get3A_910 = arith.constant 1 : i32
            %get3A_911 = arith.index_cast %and3A_104 : i32 to index
            %get3A_912 = arith.index_cast %get3A_909 : i32 to index
            %get3A_913 = arith.index_cast %get3A_910 : i32 to index
            %get3A_914 = arith.index_cast %add3A_887 : i32 to index
            %get3A_915 = tpu.vector_load %arg6[%get3A_911, %get3A_912, %get3A_913, %get3A_914] {strides = array<i32>} : memref<2x2x4x1408xf32, #tpu.memory_space<vmem>>, vector<16xf32>,
            %swap3A_916 = arith.constant 1 : i32
            %swap3A_917 = arith.index_cast %and3A_104 : i32 to index
            %swap3A_918 = arith.index_cast %shift_right_arithmetic3A_891 : i32 to index
            %swap3A_919 = arith.index_cast %swap3A_916 : i32 to index
            %swap3A_920 = arith.index_cast %mul3A_895 : i32 to index
            %swap3A_921 = tpu.vector_load %arg8[%swap3A_917, %swap3A_918, %swap3A_919, %swap3A_920] {strides = array<i32>} : memref<2x10x8x128xf32, #tpu.memory_space<vmem>>, vector<16xf32>,
            tpu.vector_store %arg8[%swap3A_917, %swap3A_918, %swap3A_919, %swap3A_920], %get3A_915 {strides = array<i32>} : memref<2x10x8x128xf32, #tpu.memory_space<vmem>>, vector<16xf32>,
            %get3A_922 = arith.constant 0 : i32
            %get3A_923 = arith.constant 2 : i32
            %get3A_924 = arith.index_cast %and3A_104 : i32 to index
            %get3A_925 = arith.index_cast %get3A_922 : i32 to index
            %get3A_926 = arith.index_cast %get3A_923 : i32 to index
            %get3A_927 = arith.index_cast %add3A_887 : i32 to index
            %get3A_928 = tpu.vector_load %arg6[%get3A_924, %get3A_925, %get3A_926, %get3A_927] {strides = array<i32>} : memref<2x2x4x1408xf32, #tpu.memory_space<vmem>>, vector<16xf32>,
            %swap3A_929 = arith.constant 2 : i32
            %swap3A_930 = arith.index_cast %and3A_104 : i32 to index
            %swap3A_931 = arith.index_cast %shift_right_arithmetic3A_891 : i32 to index
            %swap3A_932 = arith.index_cast %swap3A_929 : i32 to index
            %swap3A_933 = arith.index_cast %mul3A_895 : i32 to index
            %swap3A_934 = tpu.vector_load %arg8[%swap3A_930, %swap3A_931, %swap3A_932, %swap3A_933] {strides = array<i32>} : memref<2x10x8x128xf32, #tpu.memory_space<vmem>>, vector<16xf32>,
            tpu.vector_store %arg8[%swap3A_930, %swap3A_931, %swap3A_932, %swap3A_933], %get3A_928 {strides = array<i32>} : memref<2x10x8x128xf32, #tpu.memory_space<vmem>>, vector<16xf32>,
            %get3A_935 = arith.constant 0 : i32
            %get3A_936 = arith.constant 3 : i32
            %get3A_937 = arith.index_cast %and3A_104 : i32 to index
            %get3A_938 = arith.index_cast %get3A_935 : i32 to index
            %get3A_939 = arith.index_cast %get3A_936 : i32 to index
            %get3A_940 = arith.index_cast %add3A_887 : i32 to index
            %get3A_941 = tpu.vector_load %arg6[%get3A_937, %get3A_938, %get3A_939, %get3A_940] {strides = array<i32>} : memref<2x2x4x1408xf32, #tpu.memory_space<vmem>>, vector<16xf32>,
            %swap3A_942 = arith.constant 3 : i32
            %swap3A_943 = arith.index_cast %and3A_104 : i32 to index
            %swap3A_944 = arith.index_cast %shift_right_arithmetic3A_891 : i32 to index
            %swap3A_945 = arith.index_cast %swap3A_942 : i32 to index
            %swap3A_946 = arith.index_cast %mul3A_895 : i32 to index
            %swap3A_947 = tpu.vector_load %arg8[%swap3A_943, %swap3A_944, %swap3A_945, %swap3A_946] {strides = array<i32>} : memref<2x10x8x128xf32, #tpu.memory_space<vmem>>, vector<16xf32>,
            tpu.vector_store %arg8[%swap3A_943, %swap3A_944, %swap3A_945, %swap3A_946], %get3A_941 {strides = array<i32>} : memref<2x10x8x128xf32, #tpu.memory_space<vmem>>, vector<16xf32>,
            %get3A_948 = arith.constant 0 : i32
            %get3A_949 = arith.constant 3 : i32
            %get3A_950 = arith.index_cast %and3A_104 : i32 to index
            %get3A_951 = arith.index_cast %get3A_948 : i32 to index
            %get3A_952 = arith.index_cast %get3A_949 : i32 to index
            %get3A_953 = arith.index_cast %add3A_887 : i32 to index
            %get3A_954 = tpu.vector_load %arg7[%get3A_950, %get3A_951, %get3A_952, %get3A_953] {strides = array<i32>} : memref<2x2x4x1408xf32, #tpu.memory_space<vmem>>, vector<16xf32>,
            %swap3A_955 = arith.constant 4 : i32
            %swap3A_956 = arith.index_cast %and3A_104 : i32 to index
            %swap3A_957 = arith.index_cast %shift_right_arithmetic3A_891 : i32 to index
            %swap3A_958 = arith.index_cast %swap3A_955 : i32 to index
            %swap3A_959 = arith.index_cast %mul3A_895 : i32 to index
            %swap3A_960 = tpu.vector_load %arg8[%swap3A_956, %swap3A_957, %swap3A_958, %swap3A_959] {strides = array<i32>} : memref<2x10x8x128xf32, #tpu.memory_space<vmem>>, vector<16xf32>,
            tpu.vector_store %arg8[%swap3A_956, %swap3A_957, %swap3A_958, %swap3A_959], %get3A_954 {strides = array<i32>} : memref<2x10x8x128xf32, #tpu.memory_space<vmem>>, vector<16xf32>,
            %swap3A_961 = arith.constant 0 : i32
            %swap3A_962 = arith.index_cast %and3A_104 : i32 to index
            %swap3A_963 = arith.index_cast %shift_right_arithmetic3A_891 : i32 to index
            %swap3A_964 = arith.index_cast %swap3A_961 : i32 to index
            %swap3A_965 = arith.index_cast %mul3A_895 : i32 to index
            %swap3A_966 = tpu.vector_load %arg9[%swap3A_962, %swap3A_963, %swap3A_964, %swap3A_965] {strides = array<i32>} : memref<2x10x4x128xi32, #tpu.memory_space<vmem>>, vector<16xi32>,
            tpu.vector_store %arg9[%swap3A_962, %swap3A_963, %swap3A_964, %swap3A_965], %broadcast_in_dim3A {strides = array<i32>} : memref<2x10x4x128xi32, #tpu.memory_space<vmem>>, vector<16xi32>,
            %sub3A_967 = arith.constant -2.000000e+00 : f32
            %sub3A_968 = vector.broadcast %sub3A_967 : f32 to vector<16xf32>
            %sub3A_969 = arith.subf %get3A_928, %sub3A_968 : vector<16xf32>
            %mul3A_970 = arith.constant 2.500000e+00 : f32
            %mul3A_971 = vector.broadcast %mul3A_970 : f32 to vector<16xf32>
            %mul3A_972 = arith.mulf %sub3A_969, %mul3A_971 : vector<16xf32>
            %convert_element_type3A_973 = arith.fptosi %mul3A_972 : vector<16xf32> to vector<16xi32>
            %swap3A_974 = arith.constant 1 : i32
            %swap3A_975 = arith.index_cast %and3A_104 : i32 to index
            %swap3A_976 = arith.index_cast %shift_right_arithmetic3A_891 : i32 to index
            %swap3A_977 = arith.index_cast %swap3A_974 : i32 to index
            %swap3A_978 = arith.index_cast %mul3A_895 : i32 to index
            %swap3A_979 = tpu.vector_load %arg9[%swap3A_975, %swap3A_976, %swap3A_977, %swap3A_978] {strides = array<i32>} : memref<2x10x4x128xi32, #tpu.memory_space<vmem>>, vector<16xi32>,
            tpu.vector_store %arg9[%swap3A_975, %swap3A_976, %swap3A_977, %swap3A_978], %convert_element_type3A_973 {strides = array<i32>} : memref<2x10x4x128xi32, #tpu.memory_space<vmem>>, vector<16xi32>,
            %sub3A_980 = arith.constant -1.600000e+01 : f32
            %sub3A_981 = vector.broadcast %sub3A_980 : f32 to vector<16xf32>
            %sub3A_982 = arith.subf %get3A_915, %sub3A_981 : vector<16xf32>
            %mul3A_983 = arith.constant 2.500000e+00 : f32
            %mul3A_984 = vector.broadcast %mul3A_983 : f32 to vector<16xf32>
            %mul3A_985 = arith.mulf %sub3A_982, %mul3A_984 : vector<16xf32>
            %convert_element_type3A_986 = arith.fptosi %mul3A_985 : vector<16xf32> to vector<16xi32>
            %swap3A_987 = arith.constant 2 : i32
            %swap3A_988 = arith.index_cast %and3A_104 : i32 to index
            %swap3A_989 = arith.index_cast %shift_right_arithmetic3A_891 : i32 to index
            %swap3A_990 = arith.index_cast %swap3A_987 : i32 to index
            %swap3A_991 = arith.index_cast %mul3A_895 : i32 to index
            %swap3A_992 = tpu.vector_load %arg9[%swap3A_988, %swap3A_989, %swap3A_990, %swap3A_991] {strides = array<i32>} : memref<2x10x4x128xi32, #tpu.memory_space<vmem>>, vector<16xi32>,
            tpu.vector_store %arg9[%swap3A_988, %swap3A_989, %swap3A_990, %swap3A_991], %convert_element_type3A_986 {strides = array<i32>} : memref<2x10x4x128xi32, #tpu.memory_space<vmem>>, vector<16xi32>,
            %sub3A_993 = arith.constant 0.000000e+00 : f32
            %sub3A_994 = vector.broadcast %sub3A_993 : f32 to vector<16xf32>
            %sub3A_995 = arith.subf %get3A_902, %sub3A_994 : vector<16xf32>
            %mul3A_996 = arith.constant 2.500000e+00 : f32
            %mul3A_997 = vector.broadcast %mul3A_996 : f32 to vector<16xf32>
            %mul3A_998 = arith.mulf %sub3A_995, %mul3A_997 : vector<16xf32>
            %convert_element_type3A_999 = arith.fptosi %mul3A_998 : vector<16xf32> to vector<16xi32>
            %swap3A_1000 = arith.constant 3 : i32
            %swap3A_1001 = arith.index_cast %and3A_104 : i32 to index
            %swap3A_1002 = arith.index_cast %shift_right_arithmetic3A_891 : i32 to index
            %swap3A_1003 = arith.index_cast %swap3A_1000 : i32 to index
            %swap3A_1004 = arith.index_cast %mul3A_895 : i32 to index
            %swap3A_1005 = tpu.vector_load %arg9[%swap3A_1001, %swap3A_1002, %swap3A_1003, %swap3A_1004] {strides = array<i32>} : memref<2x10x4x128xi32, #tpu.memory_space<vmem>>, vector<16xi32>,
            tpu.vector_store %arg9[%swap3A_1001, %swap3A_1002, %swap3A_1003, %swap3A_1004], %convert_element_type3A_999 {strides = array<i32>} : memref<2x10x4x128xi32, #tpu.memory_space<vmem>>, vector<16xi32>,
            %add3A_1006 = arith.constant 16 : i32
            %add3A_1007 = arith.addi %add3A_887, %add3A_1006 : i32
            %scan3A_1008 = arith.constant 6 : i32
            %scan3A_1009 = arith.addi %scan3A_290, %scan3A_1008 : i32
            %shift_right_arithmetic3A_1010 = arith.constant 3 : i32
            %shift_right_arithmetic3A_1011 = arith.shrsi %scan3A_1009, %shift_right_arithmetic3A_1010 : i32
            %and3A_1012 = arith.constant 7 : i32
            %and3A_1013 = arith.andi %scan3A_1009, %and3A_1012 : i32
            %mul3A_1014 = arith.constant 16 : i32
            %mul3A_1015 = arith.muli %and3A_1013, %mul3A_1014 : i32
            %get3A_1016 = arith.constant 0 : i32
            %get3A_1017 = arith.constant 0 : i32
            %get3A_1018 = arith.index_cast %and3A_104 : i32 to index
            %get3A_1019 = arith.index_cast %get3A_1016 : i32 to index
            %get3A_1020 = arith.index_cast %get3A_1017 : i32 to index
            %get3A_1021 = arith.index_cast %add3A_1007 : i32 to index
            %get3A_1022 = tpu.vector_load %arg6[%get3A_1018, %get3A_1019, %get3A_1020, %get3A_1021] {strides = array<i32>} : memref<2x2x4x1408xf32, #tpu.memory_space<vmem>>, vector<16xf32>,
            %swap3A_1023 = arith.constant 0 : i32
            %swap3A_1024 = arith.index_cast %and3A_104 : i32 to index
            %swap3A_1025 = arith.index_cast %shift_right_arithmetic3A_1011 : i32 to index
            %swap3A_1026 = arith.index_cast %swap3A_1023 : i32 to index
            %swap3A_1027 = arith.index_cast %mul3A_1015 : i32 to index
            %swap3A_1028 = tpu.vector_load %arg8[%swap3A_1024, %swap3A_1025, %swap3A_1026, %swap3A_1027] {strides = array<i32>} : memref<2x10x8x128xf32, #tpu.memory_space<vmem>>, vector<16xf32>,
            tpu.vector_store %arg8[%swap3A_1024, %swap3A_1025, %swap3A_1026, %swap3A_1027], %get3A_1022 {strides = array<i32>} : memref<2x10x8x128xf32, #tpu.memory_space<vmem>>, vector<16xf32>,
            %get3A_1029 = arith.constant 0 : i32
            %get3A_1030 = arith.constant 1 : i32
            %get3A_1031 = arith.index_cast %and3A_104 : i32 to index
            %get3A_1032 = arith.index_cast %get3A_1029 : i32 to index
            %get3A_1033 = arith.index_cast %get3A_1030 : i32 to index
            %get3A_1034 = arith.index_cast %add3A_1007 : i32 to index
            %get3A_1035 = tpu.vector_load %arg6[%get3A_1031, %get3A_1032, %get3A_1033, %get3A_1034] {strides = array<i32>} : memref<2x2x4x1408xf32, #tpu.memory_space<vmem>>, vector<16xf32>,
            %swap3A_1036 = arith.constant 1 : i32
            %swap3A_1037 = arith.index_cast %and3A_104 : i32 to index
            %swap3A_1038 = arith.index_cast %shift_right_arithmetic3A_1011 : i32 to index
            %swap3A_1039 = arith.index_cast %swap3A_1036 : i32 to index
            %swap3A_1040 = arith.index_cast %mul3A_1015 : i32 to index
            %swap3A_1041 = tpu.vector_load %arg8[%swap3A_1037, %swap3A_1038, %swap3A_1039, %swap3A_1040] {strides = array<i32>} : memref<2x10x8x128xf32, #tpu.memory_space<vmem>>, vector<16xf32>,
            tpu.vector_store %arg8[%swap3A_1037, %swap3A_1038, %swap3A_1039, %swap3A_1040], %get3A_1035 {strides = array<i32>} : memref<2x10x8x128xf32, #tpu.memory_space<vmem>>, vector<16xf32>,
            %get3A_1042 = arith.constant 0 : i32
            %get3A_1043 = arith.constant 2 : i32
            %get3A_1044 = arith.index_cast %and3A_104 : i32 to index
            %get3A_1045 = arith.index_cast %get3A_1042 : i32 to index
            %get3A_1046 = arith.index_cast %get3A_1043 : i32 to index
            %get3A_1047 = arith.index_cast %add3A_1007 : i32 to index
            %get3A_1048 = tpu.vector_load %arg6[%get3A_1044, %get3A_1045, %get3A_1046, %get3A_1047] {strides = array<i32>} : memref<2x2x4x1408xf32, #tpu.memory_space<vmem>>, vector<16xf32>,
            %swap3A_1049 = arith.constant 2 : i32
            %swap3A_1050 = arith.index_cast %and3A_104 : i32 to index
            %swap3A_1051 = arith.index_cast %shift_right_arithmetic3A_1011 : i32 to index
            %swap3A_1052 = arith.index_cast %swap3A_1049 : i32 to index
            %swap3A_1053 = arith.index_cast %mul3A_1015 : i32 to index
            %swap3A_1054 = tpu.vector_load %arg8[%swap3A_1050, %swap3A_1051, %swap3A_1052, %swap3A_1053] {strides = array<i32>} : memref<2x10x8x128xf32, #tpu.memory_space<vmem>>, vector<16xf32>,
            tpu.vector_store %arg8[%swap3A_1050, %swap3A_1051, %swap3A_1052, %swap3A_1053], %get3A_1048 {strides = array<i32>} : memref<2x10x8x128xf32, #tpu.memory_space<vmem>>, vector<16xf32>,
            %get3A_1055 = arith.constant 0 : i32
            %get3A_1056 = arith.constant 3 : i32
            %get3A_1057 = arith.index_cast %and3A_104 : i32 to index
            %get3A_1058 = arith.index_cast %get3A_1055 : i32 to index
            %get3A_1059 = arith.index_cast %get3A_1056 : i32 to index
            %get3A_1060 = arith.index_cast %add3A_1007 : i32 to index
            %get3A_1061 = tpu.vector_load %arg6[%get3A_1057, %get3A_1058, %get3A_1059, %get3A_1060] {strides = array<i32>} : memref<2x2x4x1408xf32, #tpu.memory_space<vmem>>, vector<16xf32>,
            %swap3A_1062 = arith.constant 3 : i32
            %swap3A_1063 = arith.index_cast %and3A_104 : i32 to index
            %swap3A_1064 = arith.index_cast %shift_right_arithmetic3A_1011 : i32 to index
            %swap3A_1065 = arith.index_cast %swap3A_1062 : i32 to index
            %swap3A_1066 = arith.index_cast %mul3A_1015 : i32 to index
            %swap3A_1067 = tpu.vector_load %arg8[%swap3A_1063, %swap3A_1064, %swap3A_1065, %swap3A_1066] {strides = array<i32>} : memref<2x10x8x128xf32, #tpu.memory_space<vmem>>, vector<16xf32>,
            tpu.vector_store %arg8[%swap3A_1063, %swap3A_1064, %swap3A_1065, %swap3A_1066], %get3A_1061 {strides = array<i32>} : memref<2x10x8x128xf32, #tpu.memory_space<vmem>>, vector<16xf32>,
            %get3A_1068 = arith.constant 0 : i32
            %get3A_1069 = arith.constant 3 : i32
            %get3A_1070 = arith.index_cast %and3A_104 : i32 to index
            %get3A_1071 = arith.index_cast %get3A_1068 : i32 to index
            %get3A_1072 = arith.index_cast %get3A_1069 : i32 to index
            %get3A_1073 = arith.index_cast %add3A_1007 : i32 to index
            %get3A_1074 = tpu.vector_load %arg7[%get3A_1070, %get3A_1071, %get3A_1072, %get3A_1073] {strides = array<i32>} : memref<2x2x4x1408xf32, #tpu.memory_space<vmem>>, vector<16xf32>,
            %swap3A_1075 = arith.constant 4 : i32
            %swap3A_1076 = arith.index_cast %and3A_104 : i32 to index
            %swap3A_1077 = arith.index_cast %shift_right_arithmetic3A_1011 : i32 to index
            %swap3A_1078 = arith.index_cast %swap3A_1075 : i32 to index
            %swap3A_1079 = arith.index_cast %mul3A_1015 : i32 to index
            %swap3A_1080 = tpu.vector_load %arg8[%swap3A_1076, %swap3A_1077, %swap3A_1078, %swap3A_1079] {strides = array<i32>} : memref<2x10x8x128xf32, #tpu.memory_space<vmem>>, vector<16xf32>,
            tpu.vector_store %arg8[%swap3A_1076, %swap3A_1077, %swap3A_1078, %swap3A_1079], %get3A_1074 {strides = array<i32>} : memref<2x10x8x128xf32, #tpu.memory_space<vmem>>, vector<16xf32>,
            %swap3A_1081 = arith.constant 0 : i32
            %swap3A_1082 = arith.index_cast %and3A_104 : i32 to index
            %swap3A_1083 = arith.index_cast %shift_right_arithmetic3A_1011 : i32 to index
            %swap3A_1084 = arith.index_cast %swap3A_1081 : i32 to index
            %swap3A_1085 = arith.index_cast %mul3A_1015 : i32 to index
            %swap3A_1086 = tpu.vector_load %arg9[%swap3A_1082, %swap3A_1083, %swap3A_1084, %swap3A_1085] {strides = array<i32>} : memref<2x10x4x128xi32, #tpu.memory_space<vmem>>, vector<16xi32>,
            tpu.vector_store %arg9[%swap3A_1082, %swap3A_1083, %swap3A_1084, %swap3A_1085], %broadcast_in_dim3A {strides = array<i32>} : memref<2x10x4x128xi32, #tpu.memory_space<vmem>>, vector<16xi32>,
            %sub3A_1087 = arith.constant -2.000000e+00 : f32
            %sub3A_1088 = vector.broadcast %sub3A_1087 : f32 to vector<16xf32>
            %sub3A_1089 = arith.subf %get3A_1048, %sub3A_1088 : vector<16xf32>
            %mul3A_1090 = arith.constant 2.500000e+00 : f32
            %mul3A_1091 = vector.broadcast %mul3A_1090 : f32 to vector<16xf32>
            %mul3A_1092 = arith.mulf %sub3A_1089, %mul3A_1091 : vector<16xf32>
            %convert_element_type3A_1093 = arith.fptosi %mul3A_1092 : vector<16xf32> to vector<16xi32>
            %swap3A_1094 = arith.constant 1 : i32
            %swap3A_1095 = arith.index_cast %and3A_104 : i32 to index
            %swap3A_1096 = arith.index_cast %shift_right_arithmetic3A_1011 : i32 to index
            %swap3A_1097 = arith.index_cast %swap3A_1094 : i32 to index
            %swap3A_1098 = arith.index_cast %mul3A_1015 : i32 to index
            %swap3A_1099 = tpu.vector_load %arg9[%swap3A_1095, %swap3A_1096, %swap3A_1097, %swap3A_1098] {strides = array<i32>} : memref<2x10x4x128xi32, #tpu.memory_space<vmem>>, vector<16xi32>,
            tpu.vector_store %arg9[%swap3A_1095, %swap3A_1096, %swap3A_1097, %swap3A_1098], %convert_element_type3A_1093 {strides = array<i32>} : memref<2x10x4x128xi32, #tpu.memory_space<vmem>>, vector<16xi32>,
            %sub3A_1100 = arith.constant -1.600000e+01 : f32
            %sub3A_1101 = vector.broadcast %sub3A_1100 : f32 to vector<16xf32>
            %sub3A_1102 = arith.subf %get3A_1035, %sub3A_1101 : vector<16xf32>
            %mul3A_1103 = arith.constant 2.500000e+00 : f32
            %mul3A_1104 = vector.broadcast %mul3A_1103 : f32 to vector<16xf32>
            %mul3A_1105 = arith.mulf %sub3A_1102, %mul3A_1104 : vector<16xf32>
            %convert_element_type3A_1106 = arith.fptosi %mul3A_1105 : vector<16xf32> to vector<16xi32>
            %swap3A_1107 = arith.constant 2 : i32
            %swap3A_1108 = arith.index_cast %and3A_104 : i32 to index
            %swap3A_1109 = arith.index_cast %shift_right_arithmetic3A_1011 : i32 to index
            %swap3A_1110 = arith.index_cast %swap3A_1107 : i32 to index
            %swap3A_1111 = arith.index_cast %mul3A_1015 : i32 to index
            %swap3A_1112 = tpu.vector_load %arg9[%swap3A_1108, %swap3A_1109, %swap3A_1110, %swap3A_1111] {strides = array<i32>} : memref<2x10x4x128xi32, #tpu.memory_space<vmem>>, vector<16xi32>,
            tpu.vector_store %arg9[%swap3A_1108, %swap3A_1109, %swap3A_1110, %swap3A_1111], %convert_element_type3A_1106 {strides = array<i32>} : memref<2x10x4x128xi32, #tpu.memory_space<vmem>>, vector<16xi32>,
            %sub3A_1113 = arith.constant 0.000000e+00 : f32
            %sub3A_1114 = vector.broadcast %sub3A_1113 : f32 to vector<16xf32>
            %sub3A_1115 = arith.subf %get3A_1022, %sub3A_1114 : vector<16xf32>
            %mul3A_1116 = arith.constant 2.500000e+00 : f32
            %mul3A_1117 = vector.broadcast %mul3A_1116 : f32 to vector<16xf32>
            %mul3A_1118 = arith.mulf %sub3A_1115, %mul3A_1117 : vector<16xf32>
            %convert_element_type3A_1119 = arith.fptosi %mul3A_1118 : vector<16xf32> to vector<16xi32>
            %swap3A_1120 = arith.constant 3 : i32
            %swap3A_1121 = arith.index_cast %and3A_104 : i32 to index
            %swap3A_1122 = arith.index_cast %shift_right_arithmetic3A_1011 : i32 to index
            %swap3A_1123 = arith.index_cast %swap3A_1120 : i32 to index
            %swap3A_1124 = arith.index_cast %mul3A_1015 : i32 to index
            %swap3A_1125 = tpu.vector_load %arg9[%swap3A_1121, %swap3A_1122, %swap3A_1123, %swap3A_1124] {strides = array<i32>} : memref<2x10x4x128xi32, #tpu.memory_space<vmem>>, vector<16xi32>,
            tpu.vector_store %arg9[%swap3A_1121, %swap3A_1122, %swap3A_1123, %swap3A_1124], %convert_element_type3A_1119 {strides = array<i32>} : memref<2x10x4x128xi32, #tpu.memory_space<vmem>>, vector<16xi32>,
            %add3A_1126 = arith.constant 16 : i32
            %add3A_1127 = arith.addi %add3A_1007, %add3A_1126 : i32
            %scan3A_1128 = arith.constant 7 : i32
            %scan3A_1129 = arith.addi %scan3A_290, %scan3A_1128 : i32
            %shift_right_arithmetic3A_1130 = arith.constant 3 : i32
            %shift_right_arithmetic3A_1131 = arith.shrsi %scan3A_1129, %shift_right_arithmetic3A_1130 : i32
            %and3A_1132 = arith.constant 7 : i32
            %and3A_1133 = arith.andi %scan3A_1129, %and3A_1132 : i32
            %mul3A_1134 = arith.constant 16 : i32
            %mul3A_1135 = arith.muli %and3A_1133, %mul3A_1134 : i32
            %get3A_1136 = arith.constant 0 : i32
            %get3A_1137 = arith.constant 0 : i32
            %get3A_1138 = arith.index_cast %and3A_104 : i32 to index
            %get3A_1139 = arith.index_cast %get3A_1136 : i32 to index
            %get3A_1140 = arith.index_cast %get3A_1137 : i32 to index
            %get3A_1141 = arith.index_cast %add3A_1127 : i32 to index
            %get3A_1142 = tpu.vector_load %arg6[%get3A_1138, %get3A_1139, %get3A_1140, %get3A_1141] {strides = array<i32>} : memref<2x2x4x1408xf32, #tpu.memory_space<vmem>>, vector<16xf32>,
            %swap3A_1143 = arith.constant 0 : i32
            %swap3A_1144 = arith.index_cast %and3A_104 : i32 to index
            %swap3A_1145 = arith.index_cast %shift_right_arithmetic3A_1131 : i32 to index
            %swap3A_1146 = arith.index_cast %swap3A_1143 : i32 to index
            %swap3A_1147 = arith.index_cast %mul3A_1135 : i32 to index
            %swap3A_1148 = tpu.vector_load %arg8[%swap3A_1144, %swap3A_1145, %swap3A_1146, %swap3A_1147] {strides = array<i32>} : memref<2x10x8x128xf32, #tpu.memory_space<vmem>>, vector<16xf32>,
            tpu.vector_store %arg8[%swap3A_1144, %swap3A_1145, %swap3A_1146, %swap3A_1147], %get3A_1142 {strides = array<i32>} : memref<2x10x8x128xf32, #tpu.memory_space<vmem>>, vector<16xf32>,
            %get3A_1149 = arith.constant 0 : i32
            %get3A_1150 = arith.constant 1 : i32
            %get3A_1151 = arith.index_cast %and3A_104 : i32 to index
            %get3A_1152 = arith.index_cast %get3A_1149 : i32 to index
            %get3A_1153 = arith.index_cast %get3A_1150 : i32 to index
            %get3A_1154 = arith.index_cast %add3A_1127 : i32 to index
            %get3A_1155 = tpu.vector_load %arg6[%get3A_1151, %get3A_1152, %get3A_1153, %get3A_1154] {strides = array<i32>} : memref<2x2x4x1408xf32, #tpu.memory_space<vmem>>, vector<16xf32>,
            %swap3A_1156 = arith.constant 1 : i32
            %swap3A_1157 = arith.index_cast %and3A_104 : i32 to index
            %swap3A_1158 = arith.index_cast %shift_right_arithmetic3A_1131 : i32 to index
            %swap3A_1159 = arith.index_cast %swap3A_1156 : i32 to index
            %swap3A_1160 = arith.index_cast %mul3A_1135 : i32 to index
            %swap3A_1161 = tpu.vector_load %arg8[%swap3A_1157, %swap3A_1158, %swap3A_1159, %swap3A_1160] {strides = array<i32>} : memref<2x10x8x128xf32, #tpu.memory_space<vmem>>, vector<16xf32>,
            tpu.vector_store %arg8[%swap3A_1157, %swap3A_1158, %swap3A_1159, %swap3A_1160], %get3A_1155 {strides = array<i32>} : memref<2x10x8x128xf32, #tpu.memory_space<vmem>>, vector<16xf32>,
            %get3A_1162 = arith.constant 0 : i32
            %get3A_1163 = arith.constant 2 : i32
            %get3A_1164 = arith.index_cast %and3A_104 : i32 to index
            %get3A_1165 = arith.index_cast %get3A_1162 : i32 to index
            %get3A_1166 = arith.index_cast %get3A_1163 : i32 to index
            %get3A_1167 = arith.index_cast %add3A_1127 : i32 to index
            %get3A_1168 = tpu.vector_load %arg6[%get3A_1164, %get3A_1165, %get3A_1166, %get3A_1167] {strides = array<i32>} : memref<2x2x4x1408xf32, #tpu.memory_space<vmem>>, vector<16xf32>,
            %swap3A_1169 = arith.constant 2 : i32
            %swap3A_1170 = arith.index_cast %and3A_104 : i32 to index
            %swap3A_1171 = arith.index_cast %shift_right_arithmetic3A_1131 : i32 to index
            %swap3A_1172 = arith.index_cast %swap3A_1169 : i32 to index
            %swap3A_1173 = arith.index_cast %mul3A_1135 : i32 to index
            %swap3A_1174 = tpu.vector_load %arg8[%swap3A_1170, %swap3A_1171, %swap3A_1172, %swap3A_1173] {strides = array<i32>} : memref<2x10x8x128xf32, #tpu.memory_space<vmem>>, vector<16xf32>,
            tpu.vector_store %arg8[%swap3A_1170, %swap3A_1171, %swap3A_1172, %swap3A_1173], %get3A_1168 {strides = array<i32>} : memref<2x10x8x128xf32, #tpu.memory_space<vmem>>, vector<16xf32>,
            %get3A_1175 = arith.constant 0 : i32
            %get3A_1176 = arith.constant 3 : i32
            %get3A_1177 = arith.index_cast %and3A_104 : i32 to index
            %get3A_1178 = arith.index_cast %get3A_1175 : i32 to index
            %get3A_1179 = arith.index_cast %get3A_1176 : i32 to index
            %get3A_1180 = arith.index_cast %add3A_1127 : i32 to index
            %get3A_1181 = tpu.vector_load %arg6[%get3A_1177, %get3A_1178, %get3A_1179, %get3A_1180] {strides = array<i32>} : memref<2x2x4x1408xf32, #tpu.memory_space<vmem>>, vector<16xf32>,
            %swap3A_1182 = arith.constant 3 : i32
            %swap3A_1183 = arith.index_cast %and3A_104 : i32 to index
            %swap3A_1184 = arith.index_cast %shift_right_arithmetic3A_1131 : i32 to index
            %swap3A_1185 = arith.index_cast %swap3A_1182 : i32 to index
            %swap3A_1186 = arith.index_cast %mul3A_1135 : i32 to index
            %swap3A_1187 = tpu.vector_load %arg8[%swap3A_1183, %swap3A_1184, %swap3A_1185, %swap3A_1186] {strides = array<i32>} : memref<2x10x8x128xf32, #tpu.memory_space<vmem>>, vector<16xf32>,
            tpu.vector_store %arg8[%swap3A_1183, %swap3A_1184, %swap3A_1185, %swap3A_1186], %get3A_1181 {strides = array<i32>} : memref<2x10x8x128xf32, #tpu.memory_space<vmem>>, vector<16xf32>,
            %get3A_1188 = arith.constant 0 : i32
            %get3A_1189 = arith.constant 3 : i32
            %get3A_1190 = arith.index_cast %and3A_104 : i32 to index
            %get3A_1191 = arith.index_cast %get3A_1188 : i32 to index
            %get3A_1192 = arith.index_cast %get3A_1189 : i32 to index
            %get3A_1193 = arith.index_cast %add3A_1127 : i32 to index
            %get3A_1194 = tpu.vector_load %arg7[%get3A_1190, %get3A_1191, %get3A_1192, %get3A_1193] {strides = array<i32>} : memref<2x2x4x1408xf32, #tpu.memory_space<vmem>>, vector<16xf32>,
            %swap3A_1195 = arith.constant 4 : i32
            %swap3A_1196 = arith.index_cast %and3A_104 : i32 to index
            %swap3A_1197 = arith.index_cast %shift_right_arithmetic3A_1131 : i32 to index
            %swap3A_1198 = arith.index_cast %swap3A_1195 : i32 to index
            %swap3A_1199 = arith.index_cast %mul3A_1135 : i32 to index
            %swap3A_1200 = tpu.vector_load %arg8[%swap3A_1196, %swap3A_1197, %swap3A_1198, %swap3A_1199] {strides = array<i32>} : memref<2x10x8x128xf32, #tpu.memory_space<vmem>>, vector<16xf32>,
            tpu.vector_store %arg8[%swap3A_1196, %swap3A_1197, %swap3A_1198, %swap3A_1199], %get3A_1194 {strides = array<i32>} : memref<2x10x8x128xf32, #tpu.memory_space<vmem>>, vector<16xf32>,
            %swap3A_1201 = arith.constant 0 : i32
            %swap3A_1202 = arith.index_cast %and3A_104 : i32 to index
            %swap3A_1203 = arith.index_cast %shift_right_arithmetic3A_1131 : i32 to index
            %swap3A_1204 = arith.index_cast %swap3A_1201 : i32 to index
            %swap3A_1205 = arith.index_cast %mul3A_1135 : i32 to index
            %swap3A_1206 = tpu.vector_load %arg9[%swap3A_1202, %swap3A_1203, %swap3A_1204, %swap3A_1205] {strides = array<i32>} : memref<2x10x4x128xi32, #tpu.memory_space<vmem>>, vector<16xi32>,
            tpu.vector_store %arg9[%swap3A_1202, %swap3A_1203, %swap3A_1204, %swap3A_1205], %broadcast_in_dim3A {strides = array<i32>} : memref<2x10x4x128xi32, #tpu.memory_space<vmem>>, vector<16xi32>,
            %sub3A_1207 = arith.constant -2.000000e+00 : f32
            %sub3A_1208 = vector.broadcast %sub3A_1207 : f32 to vector<16xf32>
            %sub3A_1209 = arith.subf %get3A_1168, %sub3A_1208 : vector<16xf32>
            %mul3A_1210 = arith.constant 2.500000e+00 : f32
            %mul3A_1211 = vector.broadcast %mul3A_1210 : f32 to vector<16xf32>
            %mul3A_1212 = arith.mulf %sub3A_1209, %mul3A_1211 : vector<16xf32>
            %convert_element_type3A_1213 = arith.fptosi %mul3A_1212 : vector<16xf32> to vector<16xi32>
            %swap3A_1214 = arith.constant 1 : i32
            %swap3A_1215 = arith.index_cast %and3A_104 : i32 to index
            %swap3A_1216 = arith.index_cast %shift_right_arithmetic3A_1131 : i32 to index
            %swap3A_1217 = arith.index_cast %swap3A_1214 : i32 to index
            %swap3A_1218 = arith.index_cast %mul3A_1135 : i32 to index
            %swap3A_1219 = tpu.vector_load %arg9[%swap3A_1215, %swap3A_1216, %swap3A_1217, %swap3A_1218] {strides = array<i32>} : memref<2x10x4x128xi32, #tpu.memory_space<vmem>>, vector<16xi32>,
            tpu.vector_store %arg9[%swap3A_1215, %swap3A_1216, %swap3A_1217, %swap3A_1218], %convert_element_type3A_1213 {strides = array<i32>} : memref<2x10x4x128xi32, #tpu.memory_space<vmem>>, vector<16xi32>,
            %sub3A_1220 = arith.constant -1.600000e+01 : f32
            %sub3A_1221 = vector.broadcast %sub3A_1220 : f32 to vector<16xf32>
            %sub3A_1222 = arith.subf %get3A_1155, %sub3A_1221 : vector<16xf32>
            %mul3A_1223 = arith.constant 2.500000e+00 : f32
            %mul3A_1224 = vector.broadcast %mul3A_1223 : f32 to vector<16xf32>
            %mul3A_1225 = arith.mulf %sub3A_1222, %mul3A_1224 : vector<16xf32>
            %convert_element_type3A_1226 = arith.fptosi %mul3A_1225 : vector<16xf32> to vector<16xi32>
            %swap3A_1227 = arith.constant 2 : i32
            %swap3A_1228 = arith.index_cast %and3A_104 : i32 to index
            %swap3A_1229 = arith.index_cast %shift_right_arithmetic3A_1131 : i32 to index
            %swap3A_1230 = arith.index_cast %swap3A_1227 : i32 to index
            %swap3A_1231 = arith.index_cast %mul3A_1135 : i32 to index
            %swap3A_1232 = tpu.vector_load %arg9[%swap3A_1228, %swap3A_1229, %swap3A_1230, %swap3A_1231] {strides = array<i32>} : memref<2x10x4x128xi32, #tpu.memory_space<vmem>>, vector<16xi32>,
            tpu.vector_store %arg9[%swap3A_1228, %swap3A_1229, %swap3A_1230, %swap3A_1231], %convert_element_type3A_1226 {strides = array<i32>} : memref<2x10x4x128xi32, #tpu.memory_space<vmem>>, vector<16xi32>,
            %sub3A_1233 = arith.constant 0.000000e+00 : f32
            %sub3A_1234 = vector.broadcast %sub3A_1233 : f32 to vector<16xf32>
            %sub3A_1235 = arith.subf %get3A_1142, %sub3A_1234 : vector<16xf32>
            %mul3A_1236 = arith.constant 2.500000e+00 : f32
            %mul3A_1237 = vector.broadcast %mul3A_1236 : f32 to vector<16xf32>
            %mul3A_1238 = arith.mulf %sub3A_1235, %mul3A_1237 : vector<16xf32>
            %convert_element_type3A_1239 = arith.fptosi %mul3A_1238 : vector<16xf32> to vector<16xi32>
            %swap3A_1240 = arith.constant 3 : i32
            %swap3A_1241 = arith.index_cast %and3A_104 : i32 to index
            %swap3A_1242 = arith.index_cast %shift_right_arithmetic3A_1131 : i32 to index
            %swap3A_1243 = arith.index_cast %swap3A_1240 : i32 to index
            %swap3A_1244 = arith.index_cast %mul3A_1135 : i32 to index
            %swap3A_1245 = tpu.vector_load %arg9[%swap3A_1241, %swap3A_1242, %swap3A_1243, %swap3A_1244] {strides = array<i32>} : memref<2x10x4x128xi32, #tpu.memory_space<vmem>>, vector<16xi32>,
            tpu.vector_store %arg9[%swap3A_1241, %swap3A_1242, %swap3A_1243, %swap3A_1244], %convert_element_type3A_1239 {strides = array<i32>} : memref<2x10x4x128xi32, #tpu.memory_space<vmem>>, vector<16xi32>,
            %add3A_1246 = arith.constant 16 : i32
            %add3A_1247 = arith.addi %add3A_1127, %add3A_1246 : i32
            scf.yield %add3A_1247 : i32
          }
          %scan3A_289 = arith.constant 80 : i32
        } else {
        }
        %not3A_234 = arith.constant true
        %not3A_235 = arith.xori %eq3A_227, %not3A_234 : i1
        %not3A_236 = arith.constant true
        %not3A_237 = arith.xori %lt3A_96, %not3A_236 : i1
        %and3A_238 = arith.andi %not3A_235, %not3A_237 : i1
        %convert_element_type3A_239 = arith.extui %and3A_238 : i1 to i32
        %cond3A_240 = arith.constant 0 : i32
        %cond3A_241 = arith.cmpi ne, %convert_element_type3A_239, %cond3A_240 : i32
        scf.if %cond3A_241 {
          %broadcast_in_dim3A_283 = arith.constant 0 : i32
          %broadcast_in_dim3A_284 = vector.broadcast %broadcast_in_dim3A_283 : i32 to vector<16xi32>
          %add3A_285 = vector.broadcast %sub3A_218 : i32 to vector<16xi32>
          %add3A_286 = arith.addi %add3A_285, %iota3A : vector<16xi32>
          %scan3A_287 = arith.constant 0 : i32
          %scan3A_288 = arith.constant 80 : i32
          %scan3A_289 = arith.addi %scan3A_287, %scan3A_288 : i32
          %scan3A_290 = arith.constant 8 : i32
          %scan3A_291 = scf.for %scan3A_293 = %scan3A_287 to %scan3A_289 step %scan3A_290 iter_args(%scan3A_294 = %add3A_286) -> (vector<16xi32>)  : i32 {
            %shift_right_arithmetic3A_295 = arith.constant 3 : i32
            %shift_right_arithmetic3A_296 = arith.shrsi %scan3A_293, %shift_right_arithmetic3A_295 : i32
            %and3A_297 = arith.constant 7 : i32
            %and3A_298 = arith.andi %scan3A_293, %and3A_297 : i32
            %mul3A_299 = arith.constant 16 : i32
            %mul3A_300 = arith.muli %and3A_298, %mul3A_299 : i32
            %broadcast_in_dim3A_301 = arith.constant 0 : i32
            %broadcast_in_dim3A_302 = vector.broadcast %broadcast_in_dim3A_301 : i32 to vector<16xi32>
            %gather3A = tpu.vector_load_idx %arg6[%broadcast_in_dim3A_224, %broadcast_in_dim3A_284, %broadcast_in_dim3A_302, %scan3A_294] : memref<2x2x4x1408xf32, #tpu.memory_space<vmem>>[vector<16xi32>, vector<16xi32>, vector<16xi32>, vector<16xi32>], vector<16xf32>,
            %swap3A = arith.constant 0 : i32
            %swap3A_303 = arith.index_cast %and3A_104 : i32 to index
            %swap3A_304 = arith.index_cast %shift_right_arithmetic3A_296 : i32 to index
            %swap3A_305 = arith.index_cast %swap3A : i32 to index
            %swap3A_306 = arith.index_cast %mul3A_300 : i32 to index
            %swap3A_307 = tpu.vector_load %arg8[%swap3A_303, %swap3A_304, %swap3A_305, %swap3A_306] {strides = array<i32>} : memref<2x10x8x128xf32, #tpu.memory_space<vmem>>, vector<16xf32>,
            tpu.vector_store %arg8[%swap3A_303, %swap3A_304, %swap3A_305, %swap3A_306], %gather3A {strides = array<i32>} : memref<2x10x8x128xf32, #tpu.memory_space<vmem>>, vector<16xf32>,
            %broadcast_in_dim3A_308 = arith.constant 1 : i32
            %broadcast_in_dim3A_309 = vector.broadcast %broadcast_in_dim3A_308 : i32 to vector<16xi32>
            %gather3A_310 = tpu.vector_load_idx %arg6[%broadcast_in_dim3A_224, %broadcast_in_dim3A_284, %broadcast_in_dim3A_309, %scan3A_294] : memref<2x2x4x1408xf32, #tpu.memory_space<vmem>>[vector<16xi32>, vector<16xi32>, vector<16xi32>, vector<16xi32>], vector<16xf32>,
            %swap3A_311 = arith.constant 1 : i32
            %swap3A_312 = arith.index_cast %and3A_104 : i32 to index
            %swap3A_313 = arith.index_cast %shift_right_arithmetic3A_296 : i32 to index
            %swap3A_314 = arith.index_cast %swap3A_311 : i32 to index
            %swap3A_315 = arith.index_cast %mul3A_300 : i32 to index
            %swap3A_316 = tpu.vector_load %arg8[%swap3A_312, %swap3A_313, %swap3A_314, %swap3A_315] {strides = array<i32>} : memref<2x10x8x128xf32, #tpu.memory_space<vmem>>, vector<16xf32>,
            tpu.vector_store %arg8[%swap3A_312, %swap3A_313, %swap3A_314, %swap3A_315], %gather3A_310 {strides = array<i32>} : memref<2x10x8x128xf32, #tpu.memory_space<vmem>>, vector<16xf32>,
            %broadcast_in_dim3A_317 = arith.constant 2 : i32
            %broadcast_in_dim3A_318 = vector.broadcast %broadcast_in_dim3A_317 : i32 to vector<16xi32>
            %gather3A_319 = tpu.vector_load_idx %arg6[%broadcast_in_dim3A_224, %broadcast_in_dim3A_284, %broadcast_in_dim3A_318, %scan3A_294] : memref<2x2x4x1408xf32, #tpu.memory_space<vmem>>[vector<16xi32>, vector<16xi32>, vector<16xi32>, vector<16xi32>], vector<16xf32>,
            %swap3A_320 = arith.constant 2 : i32
            %swap3A_321 = arith.index_cast %and3A_104 : i32 to index
            %swap3A_322 = arith.index_cast %shift_right_arithmetic3A_296 : i32 to index
            %swap3A_323 = arith.index_cast %swap3A_320 : i32 to index
            %swap3A_324 = arith.index_cast %mul3A_300 : i32 to index
            %swap3A_325 = tpu.vector_load %arg8[%swap3A_321, %swap3A_322, %swap3A_323, %swap3A_324] {strides = array<i32>} : memref<2x10x8x128xf32, #tpu.memory_space<vmem>>, vector<16xf32>,
            tpu.vector_store %arg8[%swap3A_321, %swap3A_322, %swap3A_323, %swap3A_324], %gather3A_319 {strides = array<i32>} : memref<2x10x8x128xf32, #tpu.memory_space<vmem>>, vector<16xf32>,
            %broadcast_in_dim3A_326 = arith.constant 3 : i32
            %broadcast_in_dim3A_327 = vector.broadcast %broadcast_in_dim3A_326 : i32 to vector<16xi32>
            %gather3A_328 = tpu.vector_load_idx %arg6[%broadcast_in_dim3A_224, %broadcast_in_dim3A_284, %broadcast_in_dim3A_327, %scan3A_294] : memref<2x2x4x1408xf32, #tpu.memory_space<vmem>>[vector<16xi32>, vector<16xi32>, vector<16xi32>, vector<16xi32>], vector<16xf32>,
            %swap3A_329 = arith.constant 3 : i32
            %swap3A_330 = arith.index_cast %and3A_104 : i32 to index
            %swap3A_331 = arith.index_cast %shift_right_arithmetic3A_296 : i32 to index
            %swap3A_332 = arith.index_cast %swap3A_329 : i32 to index
            %swap3A_333 = arith.index_cast %mul3A_300 : i32 to index
            %swap3A_334 = tpu.vector_load %arg8[%swap3A_330, %swap3A_331, %swap3A_332, %swap3A_333] {strides = array<i32>} : memref<2x10x8x128xf32, #tpu.memory_space<vmem>>, vector<16xf32>,
            tpu.vector_store %arg8[%swap3A_330, %swap3A_331, %swap3A_332, %swap3A_333], %gather3A_328 {strides = array<i32>} : memref<2x10x8x128xf32, #tpu.memory_space<vmem>>, vector<16xf32>,
            %broadcast_in_dim3A_335 = arith.constant 3 : i32
            %broadcast_in_dim3A_336 = vector.broadcast %broadcast_in_dim3A_335 : i32 to vector<16xi32>
            %gather3A_337 = tpu.vector_load_idx %arg7[%broadcast_in_dim3A_224, %broadcast_in_dim3A_284, %broadcast_in_dim3A_336, %scan3A_294] : memref<2x2x4x1408xf32, #tpu.memory_space<vmem>>[vector<16xi32>, vector<16xi32>, vector<16xi32>, vector<16xi32>], vector<16xf32>,
            %swap3A_338 = arith.constant 4 : i32
            %swap3A_339 = arith.index_cast %and3A_104 : i32 to index
            %swap3A_340 = arith.index_cast %shift_right_arithmetic3A_296 : i32 to index
            %swap3A_341 = arith.index_cast %swap3A_338 : i32 to index
            %swap3A_342 = arith.index_cast %mul3A_300 : i32 to index
            %swap3A_343 = tpu.vector_load %arg8[%swap3A_339, %swap3A_340, %swap3A_341, %swap3A_342] {strides = array<i32>} : memref<2x10x8x128xf32, #tpu.memory_space<vmem>>, vector<16xf32>,
            tpu.vector_store %arg8[%swap3A_339, %swap3A_340, %swap3A_341, %swap3A_342], %gather3A_337 {strides = array<i32>} : memref<2x10x8x128xf32, #tpu.memory_space<vmem>>, vector<16xf32>,
            %swap3A_344 = arith.constant 0 : i32
            %swap3A_345 = arith.index_cast %and3A_104 : i32 to index
            %swap3A_346 = arith.index_cast %shift_right_arithmetic3A_296 : i32 to index
            %swap3A_347 = arith.index_cast %swap3A_344 : i32 to index
            %swap3A_348 = arith.index_cast %mul3A_300 : i32 to index
            %swap3A_349 = tpu.vector_load %arg9[%swap3A_345, %swap3A_346, %swap3A_347, %swap3A_348] {strides = array<i32>} : memref<2x10x4x128xi32, #tpu.memory_space<vmem>>, vector<16xi32>,
            tpu.vector_store %arg9[%swap3A_345, %swap3A_346, %swap3A_347, %swap3A_348], %broadcast_in_dim3A {strides = array<i32>} : memref<2x10x4x128xi32, #tpu.memory_space<vmem>>, vector<16xi32>,
            %sub3A_350 = arith.constant -2.000000e+00 : f32
            %sub3A_351 = vector.broadcast %sub3A_350 : f32 to vector<16xf32>
            %sub3A_352 = arith.subf %gather3A_319, %sub3A_351 : vector<16xf32>
            %mul3A_353 = arith.constant 2.500000e+00 : f32
            %mul3A_354 = vector.broadcast %mul3A_353 : f32 to vector<16xf32>
            %mul3A_355 = arith.mulf %sub3A_352, %mul3A_354 : vector<16xf32>
            %convert_element_type3A_356 = arith.fptosi %mul3A_355 : vector<16xf32> to vector<16xi32>
            %swap3A_357 = arith.constant 1 : i32
            %swap3A_358 = arith.index_cast %and3A_104 : i32 to index
            %swap3A_359 = arith.index_cast %shift_right_arithmetic3A_296 : i32 to index
            %swap3A_360 = arith.index_cast %swap3A_357 : i32 to index
            %swap3A_361 = arith.index_cast %mul3A_300 : i32 to index
            %swap3A_362 = tpu.vector_load %arg9[%swap3A_358, %swap3A_359, %swap3A_360, %swap3A_361] {strides = array<i32>} : memref<2x10x4x128xi32, #tpu.memory_space<vmem>>, vector<16xi32>,
            tpu.vector_store %arg9[%swap3A_358, %swap3A_359, %swap3A_360, %swap3A_361], %convert_element_type3A_356 {strides = array<i32>} : memref<2x10x4x128xi32, #tpu.memory_space<vmem>>, vector<16xi32>,
            %sub3A_363 = arith.constant -1.600000e+01 : f32
            %sub3A_364 = vector.broadcast %sub3A_363 : f32 to vector<16xf32>
            %sub3A_365 = arith.subf %gather3A_310, %sub3A_364 : vector<16xf32>
            %mul3A_366 = arith.constant 2.500000e+00 : f32
            %mul3A_367 = vector.broadcast %mul3A_366 : f32 to vector<16xf32>
            %mul3A_368 = arith.mulf %sub3A_365, %mul3A_367 : vector<16xf32>
            %convert_element_type3A_369 = arith.fptosi %mul3A_368 : vector<16xf32> to vector<16xi32>
            %swap3A_370 = arith.constant 2 : i32
            %swap3A_371 = arith.index_cast %and3A_104 : i32 to index
            %swap3A_372 = arith.index_cast %shift_right_arithmetic3A_296 : i32 to index
            %swap3A_373 = arith.index_cast %swap3A_370 : i32 to index
            %swap3A_374 = arith.index_cast %mul3A_300 : i32 to index
            %swap3A_375 = tpu.vector_load %arg9[%swap3A_371, %swap3A_372, %swap3A_373, %swap3A_374] {strides = array<i32>} : memref<2x10x4x128xi32, #tpu.memory_space<vmem>>, vector<16xi32>,
            tpu.vector_store %arg9[%swap3A_371, %swap3A_372, %swap3A_373, %swap3A_374], %convert_element_type3A_369 {strides = array<i32>} : memref<2x10x4x128xi32, #tpu.memory_space<vmem>>, vector<16xi32>,
            %sub3A_376 = arith.constant 0.000000e+00 : f32
            %sub3A_377 = vector.broadcast %sub3A_376 : f32 to vector<16xf32>
            %sub3A_378 = arith.subf %gather3A, %sub3A_377 : vector<16xf32>
            %mul3A_379 = arith.constant 2.500000e+00 : f32
            %mul3A_380 = vector.broadcast %mul3A_379 : f32 to vector<16xf32>
            %mul3A_381 = arith.mulf %sub3A_378, %mul3A_380 : vector<16xf32>
            %convert_element_type3A_382 = arith.fptosi %mul3A_381 : vector<16xf32> to vector<16xi32>
            %swap3A_383 = arith.constant 3 : i32
            %swap3A_384 = arith.index_cast %and3A_104 : i32 to index
            %swap3A_385 = arith.index_cast %shift_right_arithmetic3A_296 : i32 to index
            %swap3A_386 = arith.index_cast %swap3A_383 : i32 to index
            %swap3A_387 = arith.index_cast %mul3A_300 : i32 to index
            %swap3A_388 = tpu.vector_load %arg9[%swap3A_384, %swap3A_385, %swap3A_386, %swap3A_387] {strides = array<i32>} : memref<2x10x4x128xi32, #tpu.memory_space<vmem>>, vector<16xi32>,
            tpu.vector_store %arg9[%swap3A_384, %swap3A_385, %swap3A_386, %swap3A_387], %convert_element_type3A_382 {strides = array<i32>} : memref<2x10x4x128xi32, #tpu.memory_space<vmem>>, vector<16xi32>,
            %add3A_389 = arith.constant 16 : i32
            %add3A_390 = vector.broadcast %add3A_389 : i32 to vector<16xi32>
            %add3A_391 = arith.addi %scan3A_294, %add3A_390 : vector<16xi32>
            %scan3A_392 = arith.constant 1 : i32
            %scan3A_393 = arith.addi %scan3A_293, %scan3A_392 : i32
            %shift_right_arithmetic3A_394 = arith.constant 3 : i32
            %shift_right_arithmetic3A_395 = arith.shrsi %scan3A_393, %shift_right_arithmetic3A_394 : i32
            %and3A_396 = arith.constant 7 : i32
            %and3A_397 = arith.andi %scan3A_393, %and3A_396 : i32
            %mul3A_398 = arith.constant 16 : i32
            %mul3A_399 = arith.muli %and3A_397, %mul3A_398 : i32
            %broadcast_in_dim3A_400 = arith.constant 0 : i32
            %broadcast_in_dim3A_401 = vector.broadcast %broadcast_in_dim3A_400 : i32 to vector<16xi32>
            %gather3A_402 = tpu.vector_load_idx %arg6[%broadcast_in_dim3A_224, %broadcast_in_dim3A_284, %broadcast_in_dim3A_401, %add3A_391] : memref<2x2x4x1408xf32, #tpu.memory_space<vmem>>[vector<16xi32>, vector<16xi32>, vector<16xi32>, vector<16xi32>], vector<16xf32>,
            %swap3A_403 = arith.constant 0 : i32
            %swap3A_404 = arith.index_cast %and3A_104 : i32 to index
            %swap3A_405 = arith.index_cast %shift_right_arithmetic3A_395 : i32 to index
            %swap3A_406 = arith.index_cast %swap3A_403 : i32 to index
            %swap3A_407 = arith.index_cast %mul3A_399 : i32 to index
            %swap3A_408 = tpu.vector_load %arg8[%swap3A_404, %swap3A_405, %swap3A_406, %swap3A_407] {strides = array<i32>} : memref<2x10x8x128xf32, #tpu.memory_space<vmem>>, vector<16xf32>,
            tpu.vector_store %arg8[%swap3A_404, %swap3A_405, %swap3A_406, %swap3A_407], %gather3A_402 {strides = array<i32>} : memref<2x10x8x128xf32, #tpu.memory_space<vmem>>, vector<16xf32>,
            %broadcast_in_dim3A_409 = arith.constant 1 : i32
            %broadcast_in_dim3A_410 = vector.broadcast %broadcast_in_dim3A_409 : i32 to vector<16xi32>
            %gather3A_411 = tpu.vector_load_idx %arg6[%broadcast_in_dim3A_224, %broadcast_in_dim3A_284, %broadcast_in_dim3A_410, %add3A_391] : memref<2x2x4x1408xf32, #tpu.memory_space<vmem>>[vector<16xi32>, vector<16xi32>, vector<16xi32>, vector<16xi32>], vector<16xf32>,
            %swap3A_412 = arith.constant 1 : i32
            %swap3A_413 = arith.index_cast %and3A_104 : i32 to index
            %swap3A_414 = arith.index_cast %shift_right_arithmetic3A_395 : i32 to index
            %swap3A_415 = arith.index_cast %swap3A_412 : i32 to index
            %swap3A_416 = arith.index_cast %mul3A_399 : i32 to index
            %swap3A_417 = tpu.vector_load %arg8[%swap3A_413, %swap3A_414, %swap3A_415, %swap3A_416] {strides = array<i32>} : memref<2x10x8x128xf32, #tpu.memory_space<vmem>>, vector<16xf32>,
            tpu.vector_store %arg8[%swap3A_413, %swap3A_414, %swap3A_415, %swap3A_416], %gather3A_411 {strides = array<i32>} : memref<2x10x8x128xf32, #tpu.memory_space<vmem>>, vector<16xf32>,
            %broadcast_in_dim3A_418 = arith.constant 2 : i32
            %broadcast_in_dim3A_419 = vector.broadcast %broadcast_in_dim3A_418 : i32 to vector<16xi32>
            %gather3A_420 = tpu.vector_load_idx %arg6[%broadcast_in_dim3A_224, %broadcast_in_dim3A_284, %broadcast_in_dim3A_419, %add3A_391] : memref<2x2x4x1408xf32, #tpu.memory_space<vmem>>[vector<16xi32>, vector<16xi32>, vector<16xi32>, vector<16xi32>], vector<16xf32>,
            %swap3A_421 = arith.constant 2 : i32
            %swap3A_422 = arith.index_cast %and3A_104 : i32 to index
            %swap3A_423 = arith.index_cast %shift_right_arithmetic3A_395 : i32 to index
            %swap3A_424 = arith.index_cast %swap3A_421 : i32 to index
            %swap3A_425 = arith.index_cast %mul3A_399 : i32 to index
            %swap3A_426 = tpu.vector_load %arg8[%swap3A_422, %swap3A_423, %swap3A_424, %swap3A_425] {strides = array<i32>} : memref<2x10x8x128xf32, #tpu.memory_space<vmem>>, vector<16xf32>,
            tpu.vector_store %arg8[%swap3A_422, %swap3A_423, %swap3A_424, %swap3A_425], %gather3A_420 {strides = array<i32>} : memref<2x10x8x128xf32, #tpu.memory_space<vmem>>, vector<16xf32>,
            %broadcast_in_dim3A_427 = arith.constant 3 : i32
            %broadcast_in_dim3A_428 = vector.broadcast %broadcast_in_dim3A_427 : i32 to vector<16xi32>
            %gather3A_429 = tpu.vector_load_idx %arg6[%broadcast_in_dim3A_224, %broadcast_in_dim3A_284, %broadcast_in_dim3A_428, %add3A_391] : memref<2x2x4x1408xf32, #tpu.memory_space<vmem>>[vector<16xi32>, vector<16xi32>, vector<16xi32>, vector<16xi32>], vector<16xf32>,
            %swap3A_430 = arith.constant 3 : i32
            %swap3A_431 = arith.index_cast %and3A_104 : i32 to index
            %swap3A_432 = arith.index_cast %shift_right_arithmetic3A_395 : i32 to index
            %swap3A_433 = arith.index_cast %swap3A_430 : i32 to index
            %swap3A_434 = arith.index_cast %mul3A_399 : i32 to index
            %swap3A_435 = tpu.vector_load %arg8[%swap3A_431, %swap3A_432, %swap3A_433, %swap3A_434] {strides = array<i32>} : memref<2x10x8x128xf32, #tpu.memory_space<vmem>>, vector<16xf32>,
            tpu.vector_store %arg8[%swap3A_431, %swap3A_432, %swap3A_433, %swap3A_434], %gather3A_429 {strides = array<i32>} : memref<2x10x8x128xf32, #tpu.memory_space<vmem>>, vector<16xf32>,
            %broadcast_in_dim3A_436 = arith.constant 3 : i32
            %broadcast_in_dim3A_437 = vector.broadcast %broadcast_in_dim3A_436 : i32 to vector<16xi32>
            %gather3A_438 = tpu.vector_load_idx %arg7[%broadcast_in_dim3A_224, %broadcast_in_dim3A_284, %broadcast_in_dim3A_437, %add3A_391] : memref<2x2x4x1408xf32, #tpu.memory_space<vmem>>[vector<16xi32>, vector<16xi32>, vector<16xi32>, vector<16xi32>], vector<16xf32>,
            %swap3A_439 = arith.constant 4 : i32
            %swap3A_440 = arith.index_cast %and3A_104 : i32 to index
            %swap3A_441 = arith.index_cast %shift_right_arithmetic3A_395 : i32 to index
            %swap3A_442 = arith.index_cast %swap3A_439 : i32 to index
            %swap3A_443 = arith.index_cast %mul3A_399 : i32 to index
            %swap3A_444 = tpu.vector_load %arg8[%swap3A_440, %swap3A_441, %swap3A_442, %swap3A_443] {strides = array<i32>} : memref<2x10x8x128xf32, #tpu.memory_space<vmem>>, vector<16xf32>,
            tpu.vector_store %arg8[%swap3A_440, %swap3A_441, %swap3A_442, %swap3A_443], %gather3A_438 {strides = array<i32>} : memref<2x10x8x128xf32, #tpu.memory_space<vmem>>, vector<16xf32>,
            %swap3A_445 = arith.constant 0 : i32
            %swap3A_446 = arith.index_cast %and3A_104 : i32 to index
            %swap3A_447 = arith.index_cast %shift_right_arithmetic3A_395 : i32 to index
            %swap3A_448 = arith.index_cast %swap3A_445 : i32 to index
            %swap3A_449 = arith.index_cast %mul3A_399 : i32 to index
            %swap3A_450 = tpu.vector_load %arg9[%swap3A_446, %swap3A_447, %swap3A_448, %swap3A_449] {strides = array<i32>} : memref<2x10x4x128xi32, #tpu.memory_space<vmem>>, vector<16xi32>,
            tpu.vector_store %arg9[%swap3A_446, %swap3A_447, %swap3A_448, %swap3A_449], %broadcast_in_dim3A {strides = array<i32>} : memref<2x10x4x128xi32, #tpu.memory_space<vmem>>, vector<16xi32>,
            %sub3A_451 = arith.constant -2.000000e+00 : f32
            %sub3A_452 = vector.broadcast %sub3A_451 : f32 to vector<16xf32>
            %sub3A_453 = arith.subf %gather3A_420, %sub3A_452 : vector<16xf32>
            %mul3A_454 = arith.constant 2.500000e+00 : f32
            %mul3A_455 = vector.broadcast %mul3A_454 : f32 to vector<16xf32>
            %mul3A_456 = arith.mulf %sub3A_453, %mul3A_455 : vector<16xf32>
            %convert_element_type3A_457 = arith.fptosi %mul3A_456 : vector<16xf32> to vector<16xi32>
            %swap3A_458 = arith.constant 1 : i32
            %swap3A_459 = arith.index_cast %and3A_104 : i32 to index
            %swap3A_460 = arith.index_cast %shift_right_arithmetic3A_395 : i32 to index
            %swap3A_461 = arith.index_cast %swap3A_458 : i32 to index
            %swap3A_462 = arith.index_cast %mul3A_399 : i32 to index
            %swap3A_463 = tpu.vector_load %arg9[%swap3A_459, %swap3A_460, %swap3A_461, %swap3A_462] {strides = array<i32>} : memref<2x10x4x128xi32, #tpu.memory_space<vmem>>, vector<16xi32>,
            tpu.vector_store %arg9[%swap3A_459, %swap3A_460, %swap3A_461, %swap3A_462], %convert_element_type3A_457 {strides = array<i32>} : memref<2x10x4x128xi32, #tpu.memory_space<vmem>>, vector<16xi32>,
            %sub3A_464 = arith.constant -1.600000e+01 : f32
            %sub3A_465 = vector.broadcast %sub3A_464 : f32 to vector<16xf32>
            %sub3A_466 = arith.subf %gather3A_411, %sub3A_465 : vector<16xf32>
            %mul3A_467 = arith.constant 2.500000e+00 : f32
            %mul3A_468 = vector.broadcast %mul3A_467 : f32 to vector<16xf32>
            %mul3A_469 = arith.mulf %sub3A_466, %mul3A_468 : vector<16xf32>
            %convert_element_type3A_470 = arith.fptosi %mul3A_469 : vector<16xf32> to vector<16xi32>
            %swap3A_471 = arith.constant 2 : i32
            %swap3A_472 = arith.index_cast %and3A_104 : i32 to index
            %swap3A_473 = arith.index_cast %shift_right_arithmetic3A_395 : i32 to index
            %swap3A_474 = arith.index_cast %swap3A_471 : i32 to index
            %swap3A_475 = arith.index_cast %mul3A_399 : i32 to index
            %swap3A_476 = tpu.vector_load %arg9[%swap3A_472, %swap3A_473, %swap3A_474, %swap3A_475] {strides = array<i32>} : memref<2x10x4x128xi32, #tpu.memory_space<vmem>>, vector<16xi32>,
            tpu.vector_store %arg9[%swap3A_472, %swap3A_473, %swap3A_474, %swap3A_475], %convert_element_type3A_470 {strides = array<i32>} : memref<2x10x4x128xi32, #tpu.memory_space<vmem>>, vector<16xi32>,
            %sub3A_477 = arith.constant 0.000000e+00 : f32
            %sub3A_478 = vector.broadcast %sub3A_477 : f32 to vector<16xf32>
            %sub3A_479 = arith.subf %gather3A_402, %sub3A_478 : vector<16xf32>
            %mul3A_480 = arith.constant 2.500000e+00 : f32
            %mul3A_481 = vector.broadcast %mul3A_480 : f32 to vector<16xf32>
            %mul3A_482 = arith.mulf %sub3A_479, %mul3A_481 : vector<16xf32>
            %convert_element_type3A_483 = arith.fptosi %mul3A_482 : vector<16xf32> to vector<16xi32>
            %swap3A_484 = arith.constant 3 : i32
            %swap3A_485 = arith.index_cast %and3A_104 : i32 to index
            %swap3A_486 = arith.index_cast %shift_right_arithmetic3A_395 : i32 to index
            %swap3A_487 = arith.index_cast %swap3A_484 : i32 to index
            %swap3A_488 = arith.index_cast %mul3A_399 : i32 to index
            %swap3A_489 = tpu.vector_load %arg9[%swap3A_485, %swap3A_486, %swap3A_487, %swap3A_488] {strides = array<i32>} : memref<2x10x4x128xi32, #tpu.memory_space<vmem>>, vector<16xi32>,
            tpu.vector_store %arg9[%swap3A_485, %swap3A_486, %swap3A_487, %swap3A_488], %convert_element_type3A_483 {strides = array<i32>} : memref<2x10x4x128xi32, #tpu.memory_space<vmem>>, vector<16xi32>,
            %add3A_490 = arith.constant 16 : i32
            %add3A_491 = vector.broadcast %add3A_490 : i32 to vector<16xi32>
            %add3A_492 = arith.addi %add3A_391, %add3A_491 : vector<16xi32>
            %scan3A_493 = arith.constant 2 : i32
            %scan3A_494 = arith.addi %scan3A_293, %scan3A_493 : i32
            %shift_right_arithmetic3A_495 = arith.constant 3 : i32
            %shift_right_arithmetic3A_496 = arith.shrsi %scan3A_494, %shift_right_arithmetic3A_495 : i32
            %and3A_497 = arith.constant 7 : i32
            %and3A_498 = arith.andi %scan3A_494, %and3A_497 : i32
            %mul3A_499 = arith.constant 16 : i32
            %mul3A_500 = arith.muli %and3A_498, %mul3A_499 : i32
            %broadcast_in_dim3A_501 = arith.constant 0 : i32
            %broadcast_in_dim3A_502 = vector.broadcast %broadcast_in_dim3A_501 : i32 to vector<16xi32>
            %gather3A_503 = tpu.vector_load_idx %arg6[%broadcast_in_dim3A_224, %broadcast_in_dim3A_284, %broadcast_in_dim3A_502, %add3A_492] : memref<2x2x4x1408xf32, #tpu.memory_space<vmem>>[vector<16xi32>, vector<16xi32>, vector<16xi32>, vector<16xi32>], vector<16xf32>,
            %swap3A_504 = arith.constant 0 : i32
            %swap3A_505 = arith.index_cast %and3A_104 : i32 to index
            %swap3A_506 = arith.index_cast %shift_right_arithmetic3A_496 : i32 to index
            %swap3A_507 = arith.index_cast %swap3A_504 : i32 to index
            %swap3A_508 = arith.index_cast %mul3A_500 : i32 to index
            %swap3A_509 = tpu.vector_load %arg8[%swap3A_505, %swap3A_506, %swap3A_507, %swap3A_508] {strides = array<i32>} : memref<2x10x8x128xf32, #tpu.memory_space<vmem>>, vector<16xf32>,
            tpu.vector_store %arg8[%swap3A_505, %swap3A_506, %swap3A_507, %swap3A_508], %gather3A_503 {strides = array<i32>} : memref<2x10x8x128xf32, #tpu.memory_space<vmem>>, vector<16xf32>,
            %broadcast_in_dim3A_510 = arith.constant 1 : i32
            %broadcast_in_dim3A_511 = vector.broadcast %broadcast_in_dim3A_510 : i32 to vector<16xi32>
            %gather3A_512 = tpu.vector_load_idx %arg6[%broadcast_in_dim3A_224, %broadcast_in_dim3A_284, %broadcast_in_dim3A_511, %add3A_492] : memref<2x2x4x1408xf32, #tpu.memory_space<vmem>>[vector<16xi32>, vector<16xi32>, vector<16xi32>, vector<16xi32>], vector<16xf32>,
            %swap3A_513 = arith.constant 1 : i32
            %swap3A_514 = arith.index_cast %and3A_104 : i32 to index
            %swap3A_515 = arith.index_cast %shift_right_arithmetic3A_496 : i32 to index
            %swap3A_516 = arith.index_cast %swap3A_513 : i32 to index
            %swap3A_517 = arith.index_cast %mul3A_500 : i32 to index
            %swap3A_518 = tpu.vector_load %arg8[%swap3A_514, %swap3A_515, %swap3A_516, %swap3A_517] {strides = array<i32>} : memref<2x10x8x128xf32, #tpu.memory_space<vmem>>, vector<16xf32>,
            tpu.vector_store %arg8[%swap3A_514, %swap3A_515, %swap3A_516, %swap3A_517], %gather3A_512 {strides = array<i32>} : memref<2x10x8x128xf32, #tpu.memory_space<vmem>>, vector<16xf32>,
            %broadcast_in_dim3A_519 = arith.constant 2 : i32
            %broadcast_in_dim3A_520 = vector.broadcast %broadcast_in_dim3A_519 : i32 to vector<16xi32>
            %gather3A_521 = tpu.vector_load_idx %arg6[%broadcast_in_dim3A_224, %broadcast_in_dim3A_284, %broadcast_in_dim3A_520, %add3A_492] : memref<2x2x4x1408xf32, #tpu.memory_space<vmem>>[vector<16xi32>, vector<16xi32>, vector<16xi32>, vector<16xi32>], vector<16xf32>,
            %swap3A_522 = arith.constant 2 : i32
            %swap3A_523 = arith.index_cast %and3A_104 : i32 to index
            %swap3A_524 = arith.index_cast %shift_right_arithmetic3A_496 : i32 to index
            %swap3A_525 = arith.index_cast %swap3A_522 : i32 to index
            %swap3A_526 = arith.index_cast %mul3A_500 : i32 to index
            %swap3A_527 = tpu.vector_load %arg8[%swap3A_523, %swap3A_524, %swap3A_525, %swap3A_526] {strides = array<i32>} : memref<2x10x8x128xf32, #tpu.memory_space<vmem>>, vector<16xf32>,
            tpu.vector_store %arg8[%swap3A_523, %swap3A_524, %swap3A_525, %swap3A_526], %gather3A_521 {strides = array<i32>} : memref<2x10x8x128xf32, #tpu.memory_space<vmem>>, vector<16xf32>,
            %broadcast_in_dim3A_528 = arith.constant 3 : i32
            %broadcast_in_dim3A_529 = vector.broadcast %broadcast_in_dim3A_528 : i32 to vector<16xi32>
            %gather3A_530 = tpu.vector_load_idx %arg6[%broadcast_in_dim3A_224, %broadcast_in_dim3A_284, %broadcast_in_dim3A_529, %add3A_492] : memref<2x2x4x1408xf32, #tpu.memory_space<vmem>>[vector<16xi32>, vector<16xi32>, vector<16xi32>, vector<16xi32>], vector<16xf32>,
            %swap3A_531 = arith.constant 3 : i32
            %swap3A_532 = arith.index_cast %and3A_104 : i32 to index
            %swap3A_533 = arith.index_cast %shift_right_arithmetic3A_496 : i32 to index
            %swap3A_534 = arith.index_cast %swap3A_531 : i32 to index
            %swap3A_535 = arith.index_cast %mul3A_500 : i32 to index
            %swap3A_536 = tpu.vector_load %arg8[%swap3A_532, %swap3A_533, %swap3A_534, %swap3A_535] {strides = array<i32>} : memref<2x10x8x128xf32, #tpu.memory_space<vmem>>, vector<16xf32>,
            tpu.vector_store %arg8[%swap3A_532, %swap3A_533, %swap3A_534, %swap3A_535], %gather3A_530 {strides = array<i32>} : memref<2x10x8x128xf32, #tpu.memory_space<vmem>>, vector<16xf32>,
            %broadcast_in_dim3A_537 = arith.constant 3 : i32
            %broadcast_in_dim3A_538 = vector.broadcast %broadcast_in_dim3A_537 : i32 to vector<16xi32>
            %gather3A_539 = tpu.vector_load_idx %arg7[%broadcast_in_dim3A_224, %broadcast_in_dim3A_284, %broadcast_in_dim3A_538, %add3A_492] : memref<2x2x4x1408xf32, #tpu.memory_space<vmem>>[vector<16xi32>, vector<16xi32>, vector<16xi32>, vector<16xi32>], vector<16xf32>,
            %swap3A_540 = arith.constant 4 : i32
            %swap3A_541 = arith.index_cast %and3A_104 : i32 to index
            %swap3A_542 = arith.index_cast %shift_right_arithmetic3A_496 : i32 to index
            %swap3A_543 = arith.index_cast %swap3A_540 : i32 to index
            %swap3A_544 = arith.index_cast %mul3A_500 : i32 to index
            %swap3A_545 = tpu.vector_load %arg8[%swap3A_541, %swap3A_542, %swap3A_543, %swap3A_544] {strides = array<i32>} : memref<2x10x8x128xf32, #tpu.memory_space<vmem>>, vector<16xf32>,
            tpu.vector_store %arg8[%swap3A_541, %swap3A_542, %swap3A_543, %swap3A_544], %gather3A_539 {strides = array<i32>} : memref<2x10x8x128xf32, #tpu.memory_space<vmem>>, vector<16xf32>,
            %swap3A_546 = arith.constant 0 : i32
            %swap3A_547 = arith.index_cast %and3A_104 : i32 to index
            %swap3A_548 = arith.index_cast %shift_right_arithmetic3A_496 : i32 to index
            %swap3A_549 = arith.index_cast %swap3A_546 : i32 to index
            %swap3A_550 = arith.index_cast %mul3A_500 : i32 to index
            %swap3A_551 = tpu.vector_load %arg9[%swap3A_547, %swap3A_548, %swap3A_549, %swap3A_550] {strides = array<i32>} : memref<2x10x4x128xi32, #tpu.memory_space<vmem>>, vector<16xi32>,
            tpu.vector_store %arg9[%swap3A_547, %swap3A_548, %swap3A_549, %swap3A_550], %broadcast_in_dim3A {strides = array<i32>} : memref<2x10x4x128xi32, #tpu.memory_space<vmem>>, vector<16xi32>,
            %sub3A_552 = arith.constant -2.000000e+00 : f32
            %sub3A_553 = vector.broadcast %sub3A_552 : f32 to vector<16xf32>
            %sub3A_554 = arith.subf %gather3A_521, %sub3A_553 : vector<16xf32>
            %mul3A_555 = arith.constant 2.500000e+00 : f32
            %mul3A_556 = vector.broadcast %mul3A_555 : f32 to vector<16xf32>
            %mul3A_557 = arith.mulf %sub3A_554, %mul3A_556 : vector<16xf32>
            %convert_element_type3A_558 = arith.fptosi %mul3A_557 : vector<16xf32> to vector<16xi32>
            %swap3A_559 = arith.constant 1 : i32
            %swap3A_560 = arith.index_cast %and3A_104 : i32 to index
            %swap3A_561 = arith.index_cast %shift_right_arithmetic3A_496 : i32 to index
            %swap3A_562 = arith.index_cast %swap3A_559 : i32 to index
            %swap3A_563 = arith.index_cast %mul3A_500 : i32 to index
            %swap3A_564 = tpu.vector_load %arg9[%swap3A_560, %swap3A_561, %swap3A_562, %swap3A_563] {strides = array<i32>} : memref<2x10x4x128xi32, #tpu.memory_space<vmem>>, vector<16xi32>,
            tpu.vector_store %arg9[%swap3A_560, %swap3A_561, %swap3A_562, %swap3A_563], %convert_element_type3A_558 {strides = array<i32>} : memref<2x10x4x128xi32, #tpu.memory_space<vmem>>, vector<16xi32>,
            %sub3A_565 = arith.constant -1.600000e+01 : f32
            %sub3A_566 = vector.broadcast %sub3A_565 : f32 to vector<16xf32>
            %sub3A_567 = arith.subf %gather3A_512, %sub3A_566 : vector<16xf32>
            %mul3A_568 = arith.constant 2.500000e+00 : f32
            %mul3A_569 = vector.broadcast %mul3A_568 : f32 to vector<16xf32>
            %mul3A_570 = arith.mulf %sub3A_567, %mul3A_569 : vector<16xf32>
            %convert_element_type3A_571 = arith.fptosi %mul3A_570 : vector<16xf32> to vector<16xi32>
            %swap3A_572 = arith.constant 2 : i32
            %swap3A_573 = arith.index_cast %and3A_104 : i32 to index
            %swap3A_574 = arith.index_cast %shift_right_arithmetic3A_496 : i32 to index
            %swap3A_575 = arith.index_cast %swap3A_572 : i32 to index
            %swap3A_576 = arith.index_cast %mul3A_500 : i32 to index
            %swap3A_577 = tpu.vector_load %arg9[%swap3A_573, %swap3A_574, %swap3A_575, %swap3A_576] {strides = array<i32>} : memref<2x10x4x128xi32, #tpu.memory_space<vmem>>, vector<16xi32>,
            tpu.vector_store %arg9[%swap3A_573, %swap3A_574, %swap3A_575, %swap3A_576], %convert_element_type3A_571 {strides = array<i32>} : memref<2x10x4x128xi32, #tpu.memory_space<vmem>>, vector<16xi32>,
            %sub3A_578 = arith.constant 0.000000e+00 : f32
            %sub3A_579 = vector.broadcast %sub3A_578 : f32 to vector<16xf32>
            %sub3A_580 = arith.subf %gather3A_503, %sub3A_579 : vector<16xf32>
            %mul3A_581 = arith.constant 2.500000e+00 : f32
            %mul3A_582 = vector.broadcast %mul3A_581 : f32 to vector<16xf32>
            %mul3A_583 = arith.mulf %sub3A_580, %mul3A_582 : vector<16xf32>
            %convert_element_type3A_584 = arith.fptosi %mul3A_583 : vector<16xf32> to vector<16xi32>
            %swap3A_585 = arith.constant 3 : i32
            %swap3A_586 = arith.index_cast %and3A_104 : i32 to index
            %swap3A_587 = arith.index_cast %shift_right_arithmetic3A_496 : i32 to index
            %swap3A_588 = arith.index_cast %swap3A_585 : i32 to index
            %swap3A_589 = arith.index_cast %mul3A_500 : i32 to index
            %swap3A_590 = tpu.vector_load %arg9[%swap3A_586, %swap3A_587, %swap3A_588, %swap3A_589] {strides = array<i32>} : memref<2x10x4x128xi32, #tpu.memory_space<vmem>>, vector<16xi32>,
            tpu.vector_store %arg9[%swap3A_586, %swap3A_587, %swap3A_588, %swap3A_589], %convert_element_type3A_584 {strides = array<i32>} : memref<2x10x4x128xi32, #tpu.memory_space<vmem>>, vector<16xi32>,
            %add3A_591 = arith.constant 16 : i32
            %add3A_592 = vector.broadcast %add3A_591 : i32 to vector<16xi32>
            %add3A_593 = arith.addi %add3A_492, %add3A_592 : vector<16xi32>
            %scan3A_594 = arith.constant 3 : i32
            %scan3A_595 = arith.addi %scan3A_293, %scan3A_594 : i32
            %shift_right_arithmetic3A_596 = arith.constant 3 : i32
            %shift_right_arithmetic3A_597 = arith.shrsi %scan3A_595, %shift_right_arithmetic3A_596 : i32
            %and3A_598 = arith.constant 7 : i32
            %and3A_599 = arith.andi %scan3A_595, %and3A_598 : i32
            %mul3A_600 = arith.constant 16 : i32
            %mul3A_601 = arith.muli %and3A_599, %mul3A_600 : i32
            %broadcast_in_dim3A_602 = arith.constant 0 : i32
            %broadcast_in_dim3A_603 = vector.broadcast %broadcast_in_dim3A_602 : i32 to vector<16xi32>
            %gather3A_604 = tpu.vector_load_idx %arg6[%broadcast_in_dim3A_224, %broadcast_in_dim3A_284, %broadcast_in_dim3A_603, %add3A_593] : memref<2x2x4x1408xf32, #tpu.memory_space<vmem>>[vector<16xi32>, vector<16xi32>, vector<16xi32>, vector<16xi32>], vector<16xf32>,
            %swap3A_605 = arith.constant 0 : i32
            %swap3A_606 = arith.index_cast %and3A_104 : i32 to index
            %swap3A_607 = arith.index_cast %shift_right_arithmetic3A_597 : i32 to index
            %swap3A_608 = arith.index_cast %swap3A_605 : i32 to index
            %swap3A_609 = arith.index_cast %mul3A_601 : i32 to index
            %swap3A_610 = tpu.vector_load %arg8[%swap3A_606, %swap3A_607, %swap3A_608, %swap3A_609] {strides = array<i32>} : memref<2x10x8x128xf32, #tpu.memory_space<vmem>>, vector<16xf32>,
            tpu.vector_store %arg8[%swap3A_606, %swap3A_607, %swap3A_608, %swap3A_609], %gather3A_604 {strides = array<i32>} : memref<2x10x8x128xf32, #tpu.memory_space<vmem>>, vector<16xf32>,
            %broadcast_in_dim3A_611 = arith.constant 1 : i32
            %broadcast_in_dim3A_612 = vector.broadcast %broadcast_in_dim3A_611 : i32 to vector<16xi32>
            %gather3A_613 = tpu.vector_load_idx %arg6[%broadcast_in_dim3A_224, %broadcast_in_dim3A_284, %broadcast_in_dim3A_612, %add3A_593] : memref<2x2x4x1408xf32, #tpu.memory_space<vmem>>[vector<16xi32>, vector<16xi32>, vector<16xi32>, vector<16xi32>], vector<16xf32>,
            %swap3A_614 = arith.constant 1 : i32
            %swap3A_615 = arith.index_cast %and3A_104 : i32 to index
            %swap3A_616 = arith.index_cast %shift_right_arithmetic3A_597 : i32 to index
            %swap3A_617 = arith.index_cast %swap3A_614 : i32 to index
            %swap3A_618 = arith.index_cast %mul3A_601 : i32 to index
            %swap3A_619 = tpu.vector_load %arg8[%swap3A_615, %swap3A_616, %swap3A_617, %swap3A_618] {strides = array<i32>} : memref<2x10x8x128xf32, #tpu.memory_space<vmem>>, vector<16xf32>,
            tpu.vector_store %arg8[%swap3A_615, %swap3A_616, %swap3A_617, %swap3A_618], %gather3A_613 {strides = array<i32>} : memref<2x10x8x128xf32, #tpu.memory_space<vmem>>, vector<16xf32>,
            %broadcast_in_dim3A_620 = arith.constant 2 : i32
            %broadcast_in_dim3A_621 = vector.broadcast %broadcast_in_dim3A_620 : i32 to vector<16xi32>
            %gather3A_622 = tpu.vector_load_idx %arg6[%broadcast_in_dim3A_224, %broadcast_in_dim3A_284, %broadcast_in_dim3A_621, %add3A_593] : memref<2x2x4x1408xf32, #tpu.memory_space<vmem>>[vector<16xi32>, vector<16xi32>, vector<16xi32>, vector<16xi32>], vector<16xf32>,
            %swap3A_623 = arith.constant 2 : i32
            %swap3A_624 = arith.index_cast %and3A_104 : i32 to index
            %swap3A_625 = arith.index_cast %shift_right_arithmetic3A_597 : i32 to index
            %swap3A_626 = arith.index_cast %swap3A_623 : i32 to index
            %swap3A_627 = arith.index_cast %mul3A_601 : i32 to index
            %swap3A_628 = tpu.vector_load %arg8[%swap3A_624, %swap3A_625, %swap3A_626, %swap3A_627] {strides = array<i32>} : memref<2x10x8x128xf32, #tpu.memory_space<vmem>>, vector<16xf32>,
            tpu.vector_store %arg8[%swap3A_624, %swap3A_625, %swap3A_626, %swap3A_627], %gather3A_622 {strides = array<i32>} : memref<2x10x8x128xf32, #tpu.memory_space<vmem>>, vector<16xf32>,
            %broadcast_in_dim3A_629 = arith.constant 3 : i32
            %broadcast_in_dim3A_630 = vector.broadcast %broadcast_in_dim3A_629 : i32 to vector<16xi32>
            %gather3A_631 = tpu.vector_load_idx %arg6[%broadcast_in_dim3A_224, %broadcast_in_dim3A_284, %broadcast_in_dim3A_630, %add3A_593] : memref<2x2x4x1408xf32, #tpu.memory_space<vmem>>[vector<16xi32>, vector<16xi32>, vector<16xi32>, vector<16xi32>], vector<16xf32>,
            %swap3A_632 = arith.constant 3 : i32
            %swap3A_633 = arith.index_cast %and3A_104 : i32 to index
            %swap3A_634 = arith.index_cast %shift_right_arithmetic3A_597 : i32 to index
            %swap3A_635 = arith.index_cast %swap3A_632 : i32 to index
            %swap3A_636 = arith.index_cast %mul3A_601 : i32 to index
            %swap3A_637 = tpu.vector_load %arg8[%swap3A_633, %swap3A_634, %swap3A_635, %swap3A_636] {strides = array<i32>} : memref<2x10x8x128xf32, #tpu.memory_space<vmem>>, vector<16xf32>,
            tpu.vector_store %arg8[%swap3A_633, %swap3A_634, %swap3A_635, %swap3A_636], %gather3A_631 {strides = array<i32>} : memref<2x10x8x128xf32, #tpu.memory_space<vmem>>, vector<16xf32>,
            %broadcast_in_dim3A_638 = arith.constant 3 : i32
            %broadcast_in_dim3A_639 = vector.broadcast %broadcast_in_dim3A_638 : i32 to vector<16xi32>
            %gather3A_640 = tpu.vector_load_idx %arg7[%broadcast_in_dim3A_224, %broadcast_in_dim3A_284, %broadcast_in_dim3A_639, %add3A_593] : memref<2x2x4x1408xf32, #tpu.memory_space<vmem>>[vector<16xi32>, vector<16xi32>, vector<16xi32>, vector<16xi32>], vector<16xf32>,
            %swap3A_641 = arith.constant 4 : i32
            %swap3A_642 = arith.index_cast %and3A_104 : i32 to index
            %swap3A_643 = arith.index_cast %shift_right_arithmetic3A_597 : i32 to index
            %swap3A_644 = arith.index_cast %swap3A_641 : i32 to index
            %swap3A_645 = arith.index_cast %mul3A_601 : i32 to index
            %swap3A_646 = tpu.vector_load %arg8[%swap3A_642, %swap3A_643, %swap3A_644, %swap3A_645] {strides = array<i32>} : memref<2x10x8x128xf32, #tpu.memory_space<vmem>>, vector<16xf32>,
            tpu.vector_store %arg8[%swap3A_642, %swap3A_643, %swap3A_644, %swap3A_645], %gather3A_640 {strides = array<i32>} : memref<2x10x8x128xf32, #tpu.memory_space<vmem>>, vector<16xf32>,
            %swap3A_647 = arith.constant 0 : i32
            %swap3A_648 = arith.index_cast %and3A_104 : i32 to index
            %swap3A_649 = arith.index_cast %shift_right_arithmetic3A_597 : i32 to index
            %swap3A_650 = arith.index_cast %swap3A_647 : i32 to index
            %swap3A_651 = arith.index_cast %mul3A_601 : i32 to index
            %swap3A_652 = tpu.vector_load %arg9[%swap3A_648, %swap3A_649, %swap3A_650, %swap3A_651] {strides = array<i32>} : memref<2x10x4x128xi32, #tpu.memory_space<vmem>>, vector<16xi32>,
            tpu.vector_store %arg9[%swap3A_648, %swap3A_649, %swap3A_650, %swap3A_651], %broadcast_in_dim3A {strides = array<i32>} : memref<2x10x4x128xi32, #tpu.memory_space<vmem>>, vector<16xi32>,
            %sub3A_653 = arith.constant -2.000000e+00 : f32
            %sub3A_654 = vector.broadcast %sub3A_653 : f32 to vector<16xf32>
            %sub3A_655 = arith.subf %gather3A_622, %sub3A_654 : vector<16xf32>
            %mul3A_656 = arith.constant 2.500000e+00 : f32
            %mul3A_657 = vector.broadcast %mul3A_656 : f32 to vector<16xf32>
            %mul3A_658 = arith.mulf %sub3A_655, %mul3A_657 : vector<16xf32>
            %convert_element_type3A_659 = arith.fptosi %mul3A_658 : vector<16xf32> to vector<16xi32>
            %swap3A_660 = arith.constant 1 : i32
            %swap3A_661 = arith.index_cast %and3A_104 : i32 to index
            %swap3A_662 = arith.index_cast %shift_right_arithmetic3A_597 : i32 to index
            %swap3A_663 = arith.index_cast %swap3A_660 : i32 to index
            %swap3A_664 = arith.index_cast %mul3A_601 : i32 to index
            %swap3A_665 = tpu.vector_load %arg9[%swap3A_661, %swap3A_662, %swap3A_663, %swap3A_664] {strides = array<i32>} : memref<2x10x4x128xi32, #tpu.memory_space<vmem>>, vector<16xi32>,
            tpu.vector_store %arg9[%swap3A_661, %swap3A_662, %swap3A_663, %swap3A_664], %convert_element_type3A_659 {strides = array<i32>} : memref<2x10x4x128xi32, #tpu.memory_space<vmem>>, vector<16xi32>,
            %sub3A_666 = arith.constant -1.600000e+01 : f32
            %sub3A_667 = vector.broadcast %sub3A_666 : f32 to vector<16xf32>
            %sub3A_668 = arith.subf %gather3A_613, %sub3A_667 : vector<16xf32>
            %mul3A_669 = arith.constant 2.500000e+00 : f32
            %mul3A_670 = vector.broadcast %mul3A_669 : f32 to vector<16xf32>
            %mul3A_671 = arith.mulf %sub3A_668, %mul3A_670 : vector<16xf32>
            %convert_element_type3A_672 = arith.fptosi %mul3A_671 : vector<16xf32> to vector<16xi32>
            %swap3A_673 = arith.constant 2 : i32
            %swap3A_674 = arith.index_cast %and3A_104 : i32 to index
            %swap3A_675 = arith.index_cast %shift_right_arithmetic3A_597 : i32 to index
            %swap3A_676 = arith.index_cast %swap3A_673 : i32 to index
            %swap3A_677 = arith.index_cast %mul3A_601 : i32 to index
            %swap3A_678 = tpu.vector_load %arg9[%swap3A_674, %swap3A_675, %swap3A_676, %swap3A_677] {strides = array<i32>} : memref<2x10x4x128xi32, #tpu.memory_space<vmem>>, vector<16xi32>,
            tpu.vector_store %arg9[%swap3A_674, %swap3A_675, %swap3A_676, %swap3A_677], %convert_element_type3A_672 {strides = array<i32>} : memref<2x10x4x128xi32, #tpu.memory_space<vmem>>, vector<16xi32>,
            %sub3A_679 = arith.constant 0.000000e+00 : f32
            %sub3A_680 = vector.broadcast %sub3A_679 : f32 to vector<16xf32>
            %sub3A_681 = arith.subf %gather3A_604, %sub3A_680 : vector<16xf32>
            %mul3A_682 = arith.constant 2.500000e+00 : f32
            %mul3A_683 = vector.broadcast %mul3A_682 : f32 to vector<16xf32>
            %mul3A_684 = arith.mulf %sub3A_681, %mul3A_683 : vector<16xf32>
            %convert_element_type3A_685 = arith.fptosi %mul3A_684 : vector<16xf32> to vector<16xi32>
            %swap3A_686 = arith.constant 3 : i32
            %swap3A_687 = arith.index_cast %and3A_104 : i32 to index
            %swap3A_688 = arith.index_cast %shift_right_arithmetic3A_597 : i32 to index
            %swap3A_689 = arith.index_cast %swap3A_686 : i32 to index
            %swap3A_690 = arith.index_cast %mul3A_601 : i32 to index
            %swap3A_691 = tpu.vector_load %arg9[%swap3A_687, %swap3A_688, %swap3A_689, %swap3A_690] {strides = array<i32>} : memref<2x10x4x128xi32, #tpu.memory_space<vmem>>, vector<16xi32>,
            tpu.vector_store %arg9[%swap3A_687, %swap3A_688, %swap3A_689, %swap3A_690], %convert_element_type3A_685 {strides = array<i32>} : memref<2x10x4x128xi32, #tpu.memory_space<vmem>>, vector<16xi32>,
            %add3A_692 = arith.constant 16 : i32
            %add3A_693 = vector.broadcast %add3A_692 : i32 to vector<16xi32>
            %add3A_694 = arith.addi %add3A_593, %add3A_693 : vector<16xi32>
            %scan3A_695 = arith.constant 4 : i32
            %scan3A_696 = arith.addi %scan3A_293, %scan3A_695 : i32
            %shift_right_arithmetic3A_697 = arith.constant 3 : i32
            %shift_right_arithmetic3A_698 = arith.shrsi %scan3A_696, %shift_right_arithmetic3A_697 : i32
            %and3A_699 = arith.constant 7 : i32
            %and3A_700 = arith.andi %scan3A_696, %and3A_699 : i32
            %mul3A_701 = arith.constant 16 : i32
            %mul3A_702 = arith.muli %and3A_700, %mul3A_701 : i32
            %broadcast_in_dim3A_703 = arith.constant 0 : i32
            %broadcast_in_dim3A_704 = vector.broadcast %broadcast_in_dim3A_703 : i32 to vector<16xi32>
            %gather3A_705 = tpu.vector_load_idx %arg6[%broadcast_in_dim3A_224, %broadcast_in_dim3A_284, %broadcast_in_dim3A_704, %add3A_694] : memref<2x2x4x1408xf32, #tpu.memory_space<vmem>>[vector<16xi32>, vector<16xi32>, vector<16xi32>, vector<16xi32>], vector<16xf32>,
            %swap3A_706 = arith.constant 0 : i32
            %swap3A_707 = arith.index_cast %and3A_104 : i32 to index
            %swap3A_708 = arith.index_cast %shift_right_arithmetic3A_698 : i32 to index
            %swap3A_709 = arith.index_cast %swap3A_706 : i32 to index
            %swap3A_710 = arith.index_cast %mul3A_702 : i32 to index
            %swap3A_711 = tpu.vector_load %arg8[%swap3A_707, %swap3A_708, %swap3A_709, %swap3A_710] {strides = array<i32>} : memref<2x10x8x128xf32, #tpu.memory_space<vmem>>, vector<16xf32>,
            tpu.vector_store %arg8[%swap3A_707, %swap3A_708, %swap3A_709, %swap3A_710], %gather3A_705 {strides = array<i32>} : memref<2x10x8x128xf32, #tpu.memory_space<vmem>>, vector<16xf32>,
            %broadcast_in_dim3A_712 = arith.constant 1 : i32
            %broadcast_in_dim3A_713 = vector.broadcast %broadcast_in_dim3A_712 : i32 to vector<16xi32>
            %gather3A_714 = tpu.vector_load_idx %arg6[%broadcast_in_dim3A_224, %broadcast_in_dim3A_284, %broadcast_in_dim3A_713, %add3A_694] : memref<2x2x4x1408xf32, #tpu.memory_space<vmem>>[vector<16xi32>, vector<16xi32>, vector<16xi32>, vector<16xi32>], vector<16xf32>,
            %swap3A_715 = arith.constant 1 : i32
            %swap3A_716 = arith.index_cast %and3A_104 : i32 to index
            %swap3A_717 = arith.index_cast %shift_right_arithmetic3A_698 : i32 to index
            %swap3A_718 = arith.index_cast %swap3A_715 : i32 to index
            %swap3A_719 = arith.index_cast %mul3A_702 : i32 to index
            %swap3A_720 = tpu.vector_load %arg8[%swap3A_716, %swap3A_717, %swap3A_718, %swap3A_719] {strides = array<i32>} : memref<2x10x8x128xf32, #tpu.memory_space<vmem>>, vector<16xf32>,
            tpu.vector_store %arg8[%swap3A_716, %swap3A_717, %swap3A_718, %swap3A_719], %gather3A_714 {strides = array<i32>} : memref<2x10x8x128xf32, #tpu.memory_space<vmem>>, vector<16xf32>,
            %broadcast_in_dim3A_721 = arith.constant 2 : i32
            %broadcast_in_dim3A_722 = vector.broadcast %broadcast_in_dim3A_721 : i32 to vector<16xi32>
            %gather3A_723 = tpu.vector_load_idx %arg6[%broadcast_in_dim3A_224, %broadcast_in_dim3A_284, %broadcast_in_dim3A_722, %add3A_694] : memref<2x2x4x1408xf32, #tpu.memory_space<vmem>>[vector<16xi32>, vector<16xi32>, vector<16xi32>, vector<16xi32>], vector<16xf32>,
            %swap3A_724 = arith.constant 2 : i32
            %swap3A_725 = arith.index_cast %and3A_104 : i32 to index
            %swap3A_726 = arith.index_cast %shift_right_arithmetic3A_698 : i32 to index
            %swap3A_727 = arith.index_cast %swap3A_724 : i32 to index
            %swap3A_728 = arith.index_cast %mul3A_702 : i32 to index
            %swap3A_729 = tpu.vector_load %arg8[%swap3A_725, %swap3A_726, %swap3A_727, %swap3A_728] {strides = array<i32>} : memref<2x10x8x128xf32, #tpu.memory_space<vmem>>, vector<16xf32>,
            tpu.vector_store %arg8[%swap3A_725, %swap3A_726, %swap3A_727, %swap3A_728], %gather3A_723 {strides = array<i32>} : memref<2x10x8x128xf32, #tpu.memory_space<vmem>>, vector<16xf32>,
            %broadcast_in_dim3A_730 = arith.constant 3 : i32
            %broadcast_in_dim3A_731 = vector.broadcast %broadcast_in_dim3A_730 : i32 to vector<16xi32>
            %gather3A_732 = tpu.vector_load_idx %arg6[%broadcast_in_dim3A_224, %broadcast_in_dim3A_284, %broadcast_in_dim3A_731, %add3A_694] : memref<2x2x4x1408xf32, #tpu.memory_space<vmem>>[vector<16xi32>, vector<16xi32>, vector<16xi32>, vector<16xi32>], vector<16xf32>,
            %swap3A_733 = arith.constant 3 : i32
            %swap3A_734 = arith.index_cast %and3A_104 : i32 to index
            %swap3A_735 = arith.index_cast %shift_right_arithmetic3A_698 : i32 to index
            %swap3A_736 = arith.index_cast %swap3A_733 : i32 to index
            %swap3A_737 = arith.index_cast %mul3A_702 : i32 to index
            %swap3A_738 = tpu.vector_load %arg8[%swap3A_734, %swap3A_735, %swap3A_736, %swap3A_737] {strides = array<i32>} : memref<2x10x8x128xf32, #tpu.memory_space<vmem>>, vector<16xf32>,
            tpu.vector_store %arg8[%swap3A_734, %swap3A_735, %swap3A_736, %swap3A_737], %gather3A_732 {strides = array<i32>} : memref<2x10x8x128xf32, #tpu.memory_space<vmem>>, vector<16xf32>,
            %broadcast_in_dim3A_739 = arith.constant 3 : i32
            %broadcast_in_dim3A_740 = vector.broadcast %broadcast_in_dim3A_739 : i32 to vector<16xi32>
            %gather3A_741 = tpu.vector_load_idx %arg7[%broadcast_in_dim3A_224, %broadcast_in_dim3A_284, %broadcast_in_dim3A_740, %add3A_694] : memref<2x2x4x1408xf32, #tpu.memory_space<vmem>>[vector<16xi32>, vector<16xi32>, vector<16xi32>, vector<16xi32>], vector<16xf32>,
            %swap3A_742 = arith.constant 4 : i32
            %swap3A_743 = arith.index_cast %and3A_104 : i32 to index
            %swap3A_744 = arith.index_cast %shift_right_arithmetic3A_698 : i32 to index
            %swap3A_745 = arith.index_cast %swap3A_742 : i32 to index
            %swap3A_746 = arith.index_cast %mul3A_702 : i32 to index
            %swap3A_747 = tpu.vector_load %arg8[%swap3A_743, %swap3A_744, %swap3A_745, %swap3A_746] {strides = array<i32>} : memref<2x10x8x128xf32, #tpu.memory_space<vmem>>, vector<16xf32>,
            tpu.vector_store %arg8[%swap3A_743, %swap3A_744, %swap3A_745, %swap3A_746], %gather3A_741 {strides = array<i32>} : memref<2x10x8x128xf32, #tpu.memory_space<vmem>>, vector<16xf32>,
            %swap3A_748 = arith.constant 0 : i32
            %swap3A_749 = arith.index_cast %and3A_104 : i32 to index
            %swap3A_750 = arith.index_cast %shift_right_arithmetic3A_698 : i32 to index
            %swap3A_751 = arith.index_cast %swap3A_748 : i32 to index
            %swap3A_752 = arith.index_cast %mul3A_702 : i32 to index
            %swap3A_753 = tpu.vector_load %arg9[%swap3A_749, %swap3A_750, %swap3A_751, %swap3A_752] {strides = array<i32>} : memref<2x10x4x128xi32, #tpu.memory_space<vmem>>, vector<16xi32>,
            tpu.vector_store %arg9[%swap3A_749, %swap3A_750, %swap3A_751, %swap3A_752], %broadcast_in_dim3A {strides = array<i32>} : memref<2x10x4x128xi32, #tpu.memory_space<vmem>>, vector<16xi32>,
            %sub3A_754 = arith.constant -2.000000e+00 : f32
            %sub3A_755 = vector.broadcast %sub3A_754 : f32 to vector<16xf32>
            %sub3A_756 = arith.subf %gather3A_723, %sub3A_755 : vector<16xf32>
            %mul3A_757 = arith.constant 2.500000e+00 : f32
            %mul3A_758 = vector.broadcast %mul3A_757 : f32 to vector<16xf32>
            %mul3A_759 = arith.mulf %sub3A_756, %mul3A_758 : vector<16xf32>
            %convert_element_type3A_760 = arith.fptosi %mul3A_759 : vector<16xf32> to vector<16xi32>
            %swap3A_761 = arith.constant 1 : i32
            %swap3A_762 = arith.index_cast %and3A_104 : i32 to index
            %swap3A_763 = arith.index_cast %shift_right_arithmetic3A_698 : i32 to index
            %swap3A_764 = arith.index_cast %swap3A_761 : i32 to index
            %swap3A_765 = arith.index_cast %mul3A_702 : i32 to index
            %swap3A_766 = tpu.vector_load %arg9[%swap3A_762, %swap3A_763, %swap3A_764, %swap3A_765] {strides = array<i32>} : memref<2x10x4x128xi32, #tpu.memory_space<vmem>>, vector<16xi32>,
            tpu.vector_store %arg9[%swap3A_762, %swap3A_763, %swap3A_764, %swap3A_765], %convert_element_type3A_760 {strides = array<i32>} : memref<2x10x4x128xi32, #tpu.memory_space<vmem>>, vector<16xi32>,
            %sub3A_767 = arith.constant -1.600000e+01 : f32
            %sub3A_768 = vector.broadcast %sub3A_767 : f32 to vector<16xf32>
            %sub3A_769 = arith.subf %gather3A_714, %sub3A_768 : vector<16xf32>
            %mul3A_770 = arith.constant 2.500000e+00 : f32
            %mul3A_771 = vector.broadcast %mul3A_770 : f32 to vector<16xf32>
            %mul3A_772 = arith.mulf %sub3A_769, %mul3A_771 : vector<16xf32>
            %convert_element_type3A_773 = arith.fptosi %mul3A_772 : vector<16xf32> to vector<16xi32>
            %swap3A_774 = arith.constant 2 : i32
            %swap3A_775 = arith.index_cast %and3A_104 : i32 to index
            %swap3A_776 = arith.index_cast %shift_right_arithmetic3A_698 : i32 to index
            %swap3A_777 = arith.index_cast %swap3A_774 : i32 to index
            %swap3A_778 = arith.index_cast %mul3A_702 : i32 to index
            %swap3A_779 = tpu.vector_load %arg9[%swap3A_775, %swap3A_776, %swap3A_777, %swap3A_778] {strides = array<i32>} : memref<2x10x4x128xi32, #tpu.memory_space<vmem>>, vector<16xi32>,
            tpu.vector_store %arg9[%swap3A_775, %swap3A_776, %swap3A_777, %swap3A_778], %convert_element_type3A_773 {strides = array<i32>} : memref<2x10x4x128xi32, #tpu.memory_space<vmem>>, vector<16xi32>,
            %sub3A_780 = arith.constant 0.000000e+00 : f32
            %sub3A_781 = vector.broadcast %sub3A_780 : f32 to vector<16xf32>
            %sub3A_782 = arith.subf %gather3A_705, %sub3A_781 : vector<16xf32>
            %mul3A_783 = arith.constant 2.500000e+00 : f32
            %mul3A_784 = vector.broadcast %mul3A_783 : f32 to vector<16xf32>
            %mul3A_785 = arith.mulf %sub3A_782, %mul3A_784 : vector<16xf32>
            %convert_element_type3A_786 = arith.fptosi %mul3A_785 : vector<16xf32> to vector<16xi32>
            %swap3A_787 = arith.constant 3 : i32
            %swap3A_788 = arith.index_cast %and3A_104 : i32 to index
            %swap3A_789 = arith.index_cast %shift_right_arithmetic3A_698 : i32 to index
            %swap3A_790 = arith.index_cast %swap3A_787 : i32 to index
            %swap3A_791 = arith.index_cast %mul3A_702 : i32 to index
            %swap3A_792 = tpu.vector_load %arg9[%swap3A_788, %swap3A_789, %swap3A_790, %swap3A_791] {strides = array<i32>} : memref<2x10x4x128xi32, #tpu.memory_space<vmem>>, vector<16xi32>,
            tpu.vector_store %arg9[%swap3A_788, %swap3A_789, %swap3A_790, %swap3A_791], %convert_element_type3A_786 {strides = array<i32>} : memref<2x10x4x128xi32, #tpu.memory_space<vmem>>, vector<16xi32>,
            %add3A_793 = arith.constant 16 : i32
            %add3A_794 = vector.broadcast %add3A_793 : i32 to vector<16xi32>
            %add3A_795 = arith.addi %add3A_694, %add3A_794 : vector<16xi32>
            %scan3A_796 = arith.constant 5 : i32
            %scan3A_797 = arith.addi %scan3A_293, %scan3A_796 : i32
            %shift_right_arithmetic3A_798 = arith.constant 3 : i32
            %shift_right_arithmetic3A_799 = arith.shrsi %scan3A_797, %shift_right_arithmetic3A_798 : i32
            %and3A_800 = arith.constant 7 : i32
            %and3A_801 = arith.andi %scan3A_797, %and3A_800 : i32
            %mul3A_802 = arith.constant 16 : i32
            %mul3A_803 = arith.muli %and3A_801, %mul3A_802 : i32
            %broadcast_in_dim3A_804 = arith.constant 0 : i32
            %broadcast_in_dim3A_805 = vector.broadcast %broadcast_in_dim3A_804 : i32 to vector<16xi32>
            %gather3A_806 = tpu.vector_load_idx %arg6[%broadcast_in_dim3A_224, %broadcast_in_dim3A_284, %broadcast_in_dim3A_805, %add3A_795] : memref<2x2x4x1408xf32, #tpu.memory_space<vmem>>[vector<16xi32>, vector<16xi32>, vector<16xi32>, vector<16xi32>], vector<16xf32>,
            %swap3A_807 = arith.constant 0 : i32
            %swap3A_808 = arith.index_cast %and3A_104 : i32 to index
            %swap3A_809 = arith.index_cast %shift_right_arithmetic3A_799 : i32 to index
            %swap3A_810 = arith.index_cast %swap3A_807 : i32 to index
            %swap3A_811 = arith.index_cast %mul3A_803 : i32 to index
            %swap3A_812 = tpu.vector_load %arg8[%swap3A_808, %swap3A_809, %swap3A_810, %swap3A_811] {strides = array<i32>} : memref<2x10x8x128xf32, #tpu.memory_space<vmem>>, vector<16xf32>,
            tpu.vector_store %arg8[%swap3A_808, %swap3A_809, %swap3A_810, %swap3A_811], %gather3A_806 {strides = array<i32>} : memref<2x10x8x128xf32, #tpu.memory_space<vmem>>, vector<16xf32>,
            %broadcast_in_dim3A_813 = arith.constant 1 : i32
            %broadcast_in_dim3A_814 = vector.broadcast %broadcast_in_dim3A_813 : i32 to vector<16xi32>
            %gather3A_815 = tpu.vector_load_idx %arg6[%broadcast_in_dim3A_224, %broadcast_in_dim3A_284, %broadcast_in_dim3A_814, %add3A_795] : memref<2x2x4x1408xf32, #tpu.memory_space<vmem>>[vector<16xi32>, vector<16xi32>, vector<16xi32>, vector<16xi32>], vector<16xf32>,
            %swap3A_816 = arith.constant 1 : i32
            %swap3A_817 = arith.index_cast %and3A_104 : i32 to index
            %swap3A_818 = arith.index_cast %shift_right_arithmetic3A_799 : i32 to index
            %swap3A_819 = arith.index_cast %swap3A_816 : i32 to index
            %swap3A_820 = arith.index_cast %mul3A_803 : i32 to index
            %swap3A_821 = tpu.vector_load %arg8[%swap3A_817, %swap3A_818, %swap3A_819, %swap3A_820] {strides = array<i32>} : memref<2x10x8x128xf32, #tpu.memory_space<vmem>>, vector<16xf32>,
            tpu.vector_store %arg8[%swap3A_817, %swap3A_818, %swap3A_819, %swap3A_820], %gather3A_815 {strides = array<i32>} : memref<2x10x8x128xf32, #tpu.memory_space<vmem>>, vector<16xf32>,
            %broadcast_in_dim3A_822 = arith.constant 2 : i32
            %broadcast_in_dim3A_823 = vector.broadcast %broadcast_in_dim3A_822 : i32 to vector<16xi32>
            %gather3A_824 = tpu.vector_load_idx %arg6[%broadcast_in_dim3A_224, %broadcast_in_dim3A_284, %broadcast_in_dim3A_823, %add3A_795] : memref<2x2x4x1408xf32, #tpu.memory_space<vmem>>[vector<16xi32>, vector<16xi32>, vector<16xi32>, vector<16xi32>], vector<16xf32>,
            %swap3A_825 = arith.constant 2 : i32
            %swap3A_826 = arith.index_cast %and3A_104 : i32 to index
            %swap3A_827 = arith.index_cast %shift_right_arithmetic3A_799 : i32 to index
            %swap3A_828 = arith.index_cast %swap3A_825 : i32 to index
            %swap3A_829 = arith.index_cast %mul3A_803 : i32 to index
            %swap3A_830 = tpu.vector_load %arg8[%swap3A_826, %swap3A_827, %swap3A_828, %swap3A_829] {strides = array<i32>} : memref<2x10x8x128xf32, #tpu.memory_space<vmem>>, vector<16xf32>,
            tpu.vector_store %arg8[%swap3A_826, %swap3A_827, %swap3A_828, %swap3A_829], %gather3A_824 {strides = array<i32>} : memref<2x10x8x128xf32, #tpu.memory_space<vmem>>, vector<16xf32>,
            %broadcast_in_dim3A_831 = arith.constant 3 : i32
            %broadcast_in_dim3A_832 = vector.broadcast %broadcast_in_dim3A_831 : i32 to vector<16xi32>
            %gather3A_833 = tpu.vector_load_idx %arg6[%broadcast_in_dim3A_224, %broadcast_in_dim3A_284, %broadcast_in_dim3A_832, %add3A_795] : memref<2x2x4x1408xf32, #tpu.memory_space<vmem>>[vector<16xi32>, vector<16xi32>, vector<16xi32>, vector<16xi32>], vector<16xf32>,
            %swap3A_834 = arith.constant 3 : i32
            %swap3A_835 = arith.index_cast %and3A_104 : i32 to index
            %swap3A_836 = arith.index_cast %shift_right_arithmetic3A_799 : i32 to index
            %swap3A_837 = arith.index_cast %swap3A_834 : i32 to index
            %swap3A_838 = arith.index_cast %mul3A_803 : i32 to index
            %swap3A_839 = tpu.vector_load %arg8[%swap3A_835, %swap3A_836, %swap3A_837, %swap3A_838] {strides = array<i32>} : memref<2x10x8x128xf32, #tpu.memory_space<vmem>>, vector<16xf32>,
            tpu.vector_store %arg8[%swap3A_835, %swap3A_836, %swap3A_837, %swap3A_838], %gather3A_833 {strides = array<i32>} : memref<2x10x8x128xf32, #tpu.memory_space<vmem>>, vector<16xf32>,
            %broadcast_in_dim3A_840 = arith.constant 3 : i32
            %broadcast_in_dim3A_841 = vector.broadcast %broadcast_in_dim3A_840 : i32 to vector<16xi32>
            %gather3A_842 = tpu.vector_load_idx %arg7[%broadcast_in_dim3A_224, %broadcast_in_dim3A_284, %broadcast_in_dim3A_841, %add3A_795] : memref<2x2x4x1408xf32, #tpu.memory_space<vmem>>[vector<16xi32>, vector<16xi32>, vector<16xi32>, vector<16xi32>], vector<16xf32>,
            %swap3A_843 = arith.constant 4 : i32
            %swap3A_844 = arith.index_cast %and3A_104 : i32 to index
            %swap3A_845 = arith.index_cast %shift_right_arithmetic3A_799 : i32 to index
            %swap3A_846 = arith.index_cast %swap3A_843 : i32 to index
            %swap3A_847 = arith.index_cast %mul3A_803 : i32 to index
            %swap3A_848 = tpu.vector_load %arg8[%swap3A_844, %swap3A_845, %swap3A_846, %swap3A_847] {strides = array<i32>} : memref<2x10x8x128xf32, #tpu.memory_space<vmem>>, vector<16xf32>,
            tpu.vector_store %arg8[%swap3A_844, %swap3A_845, %swap3A_846, %swap3A_847], %gather3A_842 {strides = array<i32>} : memref<2x10x8x128xf32, #tpu.memory_space<vmem>>, vector<16xf32>,
            %swap3A_849 = arith.constant 0 : i32
            %swap3A_850 = arith.index_cast %and3A_104 : i32 to index
            %swap3A_851 = arith.index_cast %shift_right_arithmetic3A_799 : i32 to index
            %swap3A_852 = arith.index_cast %swap3A_849 : i32 to index
            %swap3A_853 = arith.index_cast %mul3A_803 : i32 to index
            %swap3A_854 = tpu.vector_load %arg9[%swap3A_850, %swap3A_851, %swap3A_852, %swap3A_853] {strides = array<i32>} : memref<2x10x4x128xi32, #tpu.memory_space<vmem>>, vector<16xi32>,
            tpu.vector_store %arg9[%swap3A_850, %swap3A_851, %swap3A_852, %swap3A_853], %broadcast_in_dim3A {strides = array<i32>} : memref<2x10x4x128xi32, #tpu.memory_space<vmem>>, vector<16xi32>,
            %sub3A_855 = arith.constant -2.000000e+00 : f32
            %sub3A_856 = vector.broadcast %sub3A_855 : f32 to vector<16xf32>
            %sub3A_857 = arith.subf %gather3A_824, %sub3A_856 : vector<16xf32>
            %mul3A_858 = arith.constant 2.500000e+00 : f32
            %mul3A_859 = vector.broadcast %mul3A_858 : f32 to vector<16xf32>
            %mul3A_860 = arith.mulf %sub3A_857, %mul3A_859 : vector<16xf32>
            %convert_element_type3A_861 = arith.fptosi %mul3A_860 : vector<16xf32> to vector<16xi32>
            %swap3A_862 = arith.constant 1 : i32
            %swap3A_863 = arith.index_cast %and3A_104 : i32 to index
            %swap3A_864 = arith.index_cast %shift_right_arithmetic3A_799 : i32 to index
            %swap3A_865 = arith.index_cast %swap3A_862 : i32 to index
            %swap3A_866 = arith.index_cast %mul3A_803 : i32 to index
            %swap3A_867 = tpu.vector_load %arg9[%swap3A_863, %swap3A_864, %swap3A_865, %swap3A_866] {strides = array<i32>} : memref<2x10x4x128xi32, #tpu.memory_space<vmem>>, vector<16xi32>,
            tpu.vector_store %arg9[%swap3A_863, %swap3A_864, %swap3A_865, %swap3A_866], %convert_element_type3A_861 {strides = array<i32>} : memref<2x10x4x128xi32, #tpu.memory_space<vmem>>, vector<16xi32>,
            %sub3A_868 = arith.constant -1.600000e+01 : f32
            %sub3A_869 = vector.broadcast %sub3A_868 : f32 to vector<16xf32>
            %sub3A_870 = arith.subf %gather3A_815, %sub3A_869 : vector<16xf32>
            %mul3A_871 = arith.constant 2.500000e+00 : f32
            %mul3A_872 = vector.broadcast %mul3A_871 : f32 to vector<16xf32>
            %mul3A_873 = arith.mulf %sub3A_870, %mul3A_872 : vector<16xf32>
            %convert_element_type3A_874 = arith.fptosi %mul3A_873 : vector<16xf32> to vector<16xi32>
            %swap3A_875 = arith.constant 2 : i32
            %swap3A_876 = arith.index_cast %and3A_104 : i32 to index
            %swap3A_877 = arith.index_cast %shift_right_arithmetic3A_799 : i32 to index
            %swap3A_878 = arith.index_cast %swap3A_875 : i32 to index
            %swap3A_879 = arith.index_cast %mul3A_803 : i32 to index
            %swap3A_880 = tpu.vector_load %arg9[%swap3A_876, %swap3A_877, %swap3A_878, %swap3A_879] {strides = array<i32>} : memref<2x10x4x128xi32, #tpu.memory_space<vmem>>, vector<16xi32>,
            tpu.vector_store %arg9[%swap3A_876, %swap3A_877, %swap3A_878, %swap3A_879], %convert_element_type3A_874 {strides = array<i32>} : memref<2x10x4x128xi32, #tpu.memory_space<vmem>>, vector<16xi32>,
            %sub3A_881 = arith.constant 0.000000e+00 : f32
            %sub3A_882 = vector.broadcast %sub3A_881 : f32 to vector<16xf32>
            %sub3A_883 = arith.subf %gather3A_806, %sub3A_882 : vector<16xf32>
            %mul3A_884 = arith.constant 2.500000e+00 : f32
            %mul3A_885 = vector.broadcast %mul3A_884 : f32 to vector<16xf32>
            %mul3A_886 = arith.mulf %sub3A_883, %mul3A_885 : vector<16xf32>
            %convert_element_type3A_887 = arith.fptosi %mul3A_886 : vector<16xf32> to vector<16xi32>
            %swap3A_888 = arith.constant 3 : i32
            %swap3A_889 = arith.index_cast %and3A_104 : i32 to index
            %swap3A_890 = arith.index_cast %shift_right_arithmetic3A_799 : i32 to index
            %swap3A_891 = arith.index_cast %swap3A_888 : i32 to index
            %swap3A_892 = arith.index_cast %mul3A_803 : i32 to index
            %swap3A_893 = tpu.vector_load %arg9[%swap3A_889, %swap3A_890, %swap3A_891, %swap3A_892] {strides = array<i32>} : memref<2x10x4x128xi32, #tpu.memory_space<vmem>>, vector<16xi32>,
            tpu.vector_store %arg9[%swap3A_889, %swap3A_890, %swap3A_891, %swap3A_892], %convert_element_type3A_887 {strides = array<i32>} : memref<2x10x4x128xi32, #tpu.memory_space<vmem>>, vector<16xi32>,
            %add3A_894 = arith.constant 16 : i32
            %add3A_895 = vector.broadcast %add3A_894 : i32 to vector<16xi32>
            %add3A_896 = arith.addi %add3A_795, %add3A_895 : vector<16xi32>
            %scan3A_897 = arith.constant 6 : i32
            %scan3A_898 = arith.addi %scan3A_293, %scan3A_897 : i32
            %shift_right_arithmetic3A_899 = arith.constant 3 : i32
            %shift_right_arithmetic3A_900 = arith.shrsi %scan3A_898, %shift_right_arithmetic3A_899 : i32
            %and3A_901 = arith.constant 7 : i32
            %and3A_902 = arith.andi %scan3A_898, %and3A_901 : i32
            %mul3A_903 = arith.constant 16 : i32
            %mul3A_904 = arith.muli %and3A_902, %mul3A_903 : i32
            %broadcast_in_dim3A_905 = arith.constant 0 : i32
            %broadcast_in_dim3A_906 = vector.broadcast %broadcast_in_dim3A_905 : i32 to vector<16xi32>
            %gather3A_907 = tpu.vector_load_idx %arg6[%broadcast_in_dim3A_224, %broadcast_in_dim3A_284, %broadcast_in_dim3A_906, %add3A_896] : memref<2x2x4x1408xf32, #tpu.memory_space<vmem>>[vector<16xi32>, vector<16xi32>, vector<16xi32>, vector<16xi32>], vector<16xf32>,
            %swap3A_908 = arith.constant 0 : i32
            %swap3A_909 = arith.index_cast %and3A_104 : i32 to index
            %swap3A_910 = arith.index_cast %shift_right_arithmetic3A_900 : i32 to index
            %swap3A_911 = arith.index_cast %swap3A_908 : i32 to index
            %swap3A_912 = arith.index_cast %mul3A_904 : i32 to index
            %swap3A_913 = tpu.vector_load %arg8[%swap3A_909, %swap3A_910, %swap3A_911, %swap3A_912] {strides = array<i32>} : memref<2x10x8x128xf32, #tpu.memory_space<vmem>>, vector<16xf32>,
            tpu.vector_store %arg8[%swap3A_909, %swap3A_910, %swap3A_911, %swap3A_912], %gather3A_907 {strides = array<i32>} : memref<2x10x8x128xf32, #tpu.memory_space<vmem>>, vector<16xf32>,
            %broadcast_in_dim3A_914 = arith.constant 1 : i32
            %broadcast_in_dim3A_915 = vector.broadcast %broadcast_in_dim3A_914 : i32 to vector<16xi32>
            %gather3A_916 = tpu.vector_load_idx %arg6[%broadcast_in_dim3A_224, %broadcast_in_dim3A_284, %broadcast_in_dim3A_915, %add3A_896] : memref<2x2x4x1408xf32, #tpu.memory_space<vmem>>[vector<16xi32>, vector<16xi32>, vector<16xi32>, vector<16xi32>], vector<16xf32>,
            %swap3A_917 = arith.constant 1 : i32
            %swap3A_918 = arith.index_cast %and3A_104 : i32 to index
            %swap3A_919 = arith.index_cast %shift_right_arithmetic3A_900 : i32 to index
            %swap3A_920 = arith.index_cast %swap3A_917 : i32 to index
            %swap3A_921 = arith.index_cast %mul3A_904 : i32 to index
            %swap3A_922 = tpu.vector_load %arg8[%swap3A_918, %swap3A_919, %swap3A_920, %swap3A_921] {strides = array<i32>} : memref<2x10x8x128xf32, #tpu.memory_space<vmem>>, vector<16xf32>,
            tpu.vector_store %arg8[%swap3A_918, %swap3A_919, %swap3A_920, %swap3A_921], %gather3A_916 {strides = array<i32>} : memref<2x10x8x128xf32, #tpu.memory_space<vmem>>, vector<16xf32>,
            %broadcast_in_dim3A_923 = arith.constant 2 : i32
            %broadcast_in_dim3A_924 = vector.broadcast %broadcast_in_dim3A_923 : i32 to vector<16xi32>
            %gather3A_925 = tpu.vector_load_idx %arg6[%broadcast_in_dim3A_224, %broadcast_in_dim3A_284, %broadcast_in_dim3A_924, %add3A_896] : memref<2x2x4x1408xf32, #tpu.memory_space<vmem>>[vector<16xi32>, vector<16xi32>, vector<16xi32>, vector<16xi32>], vector<16xf32>,
            %swap3A_926 = arith.constant 2 : i32
            %swap3A_927 = arith.index_cast %and3A_104 : i32 to index
            %swap3A_928 = arith.index_cast %shift_right_arithmetic3A_900 : i32 to index
            %swap3A_929 = arith.index_cast %swap3A_926 : i32 to index
            %swap3A_930 = arith.index_cast %mul3A_904 : i32 to index
            %swap3A_931 = tpu.vector_load %arg8[%swap3A_927, %swap3A_928, %swap3A_929, %swap3A_930] {strides = array<i32>} : memref<2x10x8x128xf32, #tpu.memory_space<vmem>>, vector<16xf32>,
            tpu.vector_store %arg8[%swap3A_927, %swap3A_928, %swap3A_929, %swap3A_930], %gather3A_925 {strides = array<i32>} : memref<2x10x8x128xf32, #tpu.memory_space<vmem>>, vector<16xf32>,
            %broadcast_in_dim3A_932 = arith.constant 3 : i32
            %broadcast_in_dim3A_933 = vector.broadcast %broadcast_in_dim3A_932 : i32 to vector<16xi32>
            %gather3A_934 = tpu.vector_load_idx %arg6[%broadcast_in_dim3A_224, %broadcast_in_dim3A_284, %broadcast_in_dim3A_933, %add3A_896] : memref<2x2x4x1408xf32, #tpu.memory_space<vmem>>[vector<16xi32>, vector<16xi32>, vector<16xi32>, vector<16xi32>], vector<16xf32>,
            %swap3A_935 = arith.constant 3 : i32
            %swap3A_936 = arith.index_cast %and3A_104 : i32 to index
            %swap3A_937 = arith.index_cast %shift_right_arithmetic3A_900 : i32 to index
            %swap3A_938 = arith.index_cast %swap3A_935 : i32 to index
            %swap3A_939 = arith.index_cast %mul3A_904 : i32 to index
            %swap3A_940 = tpu.vector_load %arg8[%swap3A_936, %swap3A_937, %swap3A_938, %swap3A_939] {strides = array<i32>} : memref<2x10x8x128xf32, #tpu.memory_space<vmem>>, vector<16xf32>,
            tpu.vector_store %arg8[%swap3A_936, %swap3A_937, %swap3A_938, %swap3A_939], %gather3A_934 {strides = array<i32>} : memref<2x10x8x128xf32, #tpu.memory_space<vmem>>, vector<16xf32>,
            %broadcast_in_dim3A_941 = arith.constant 3 : i32
            %broadcast_in_dim3A_942 = vector.broadcast %broadcast_in_dim3A_941 : i32 to vector<16xi32>
            %gather3A_943 = tpu.vector_load_idx %arg7[%broadcast_in_dim3A_224, %broadcast_in_dim3A_284, %broadcast_in_dim3A_942, %add3A_896] : memref<2x2x4x1408xf32, #tpu.memory_space<vmem>>[vector<16xi32>, vector<16xi32>, vector<16xi32>, vector<16xi32>], vector<16xf32>,
            %swap3A_944 = arith.constant 4 : i32
            %swap3A_945 = arith.index_cast %and3A_104 : i32 to index
            %swap3A_946 = arith.index_cast %shift_right_arithmetic3A_900 : i32 to index
            %swap3A_947 = arith.index_cast %swap3A_944 : i32 to index
            %swap3A_948 = arith.index_cast %mul3A_904 : i32 to index
            %swap3A_949 = tpu.vector_load %arg8[%swap3A_945, %swap3A_946, %swap3A_947, %swap3A_948] {strides = array<i32>} : memref<2x10x8x128xf32, #tpu.memory_space<vmem>>, vector<16xf32>,
            tpu.vector_store %arg8[%swap3A_945, %swap3A_946, %swap3A_947, %swap3A_948], %gather3A_943 {strides = array<i32>} : memref<2x10x8x128xf32, #tpu.memory_space<vmem>>, vector<16xf32>,
            %swap3A_950 = arith.constant 0 : i32
            %swap3A_951 = arith.index_cast %and3A_104 : i32 to index
            %swap3A_952 = arith.index_cast %shift_right_arithmetic3A_900 : i32 to index
            %swap3A_953 = arith.index_cast %swap3A_950 : i32 to index
            %swap3A_954 = arith.index_cast %mul3A_904 : i32 to index
            %swap3A_955 = tpu.vector_load %arg9[%swap3A_951, %swap3A_952, %swap3A_953, %swap3A_954] {strides = array<i32>} : memref<2x10x4x128xi32, #tpu.memory_space<vmem>>, vector<16xi32>,
            tpu.vector_store %arg9[%swap3A_951, %swap3A_952, %swap3A_953, %swap3A_954], %broadcast_in_dim3A {strides = array<i32>} : memref<2x10x4x128xi32, #tpu.memory_space<vmem>>, vector<16xi32>,
            %sub3A_956 = arith.constant -2.000000e+00 : f32
            %sub3A_957 = vector.broadcast %sub3A_956 : f32 to vector<16xf32>
            %sub3A_958 = arith.subf %gather3A_925, %sub3A_957 : vector<16xf32>
            %mul3A_959 = arith.constant 2.500000e+00 : f32
            %mul3A_960 = vector.broadcast %mul3A_959 : f32 to vector<16xf32>
            %mul3A_961 = arith.mulf %sub3A_958, %mul3A_960 : vector<16xf32>
            %convert_element_type3A_962 = arith.fptosi %mul3A_961 : vector<16xf32> to vector<16xi32>
            %swap3A_963 = arith.constant 1 : i32
            %swap3A_964 = arith.index_cast %and3A_104 : i32 to index
            %swap3A_965 = arith.index_cast %shift_right_arithmetic3A_900 : i32 to index
            %swap3A_966 = arith.index_cast %swap3A_963 : i32 to index
            %swap3A_967 = arith.index_cast %mul3A_904 : i32 to index
            %swap3A_968 = tpu.vector_load %arg9[%swap3A_964, %swap3A_965, %swap3A_966, %swap3A_967] {strides = array<i32>} : memref<2x10x4x128xi32, #tpu.memory_space<vmem>>, vector<16xi32>,
            tpu.vector_store %arg9[%swap3A_964, %swap3A_965, %swap3A_966, %swap3A_967], %convert_element_type3A_962 {strides = array<i32>} : memref<2x10x4x128xi32, #tpu.memory_space<vmem>>, vector<16xi32>,
            %sub3A_969 = arith.constant -1.600000e+01 : f32
            %sub3A_970 = vector.broadcast %sub3A_969 : f32 to vector<16xf32>
            %sub3A_971 = arith.subf %gather3A_916, %sub3A_970 : vector<16xf32>
            %mul3A_972 = arith.constant 2.500000e+00 : f32
            %mul3A_973 = vector.broadcast %mul3A_972 : f32 to vector<16xf32>
            %mul3A_974 = arith.mulf %sub3A_971, %mul3A_973 : vector<16xf32>
            %convert_element_type3A_975 = arith.fptosi %mul3A_974 : vector<16xf32> to vector<16xi32>
            %swap3A_976 = arith.constant 2 : i32
            %swap3A_977 = arith.index_cast %and3A_104 : i32 to index
            %swap3A_978 = arith.index_cast %shift_right_arithmetic3A_900 : i32 to index
            %swap3A_979 = arith.index_cast %swap3A_976 : i32 to index
            %swap3A_980 = arith.index_cast %mul3A_904 : i32 to index
            %swap3A_981 = tpu.vector_load %arg9[%swap3A_977, %swap3A_978, %swap3A_979, %swap3A_980] {strides = array<i32>} : memref<2x10x4x128xi32, #tpu.memory_space<vmem>>, vector<16xi32>,
            tpu.vector_store %arg9[%swap3A_977, %swap3A_978, %swap3A_979, %swap3A_980], %convert_element_type3A_975 {strides = array<i32>} : memref<2x10x4x128xi32, #tpu.memory_space<vmem>>, vector<16xi32>,
            %sub3A_982 = arith.constant 0.000000e+00 : f32
            %sub3A_983 = vector.broadcast %sub3A_982 : f32 to vector<16xf32>
            %sub3A_984 = arith.subf %gather3A_907, %sub3A_983 : vector<16xf32>
            %mul3A_985 = arith.constant 2.500000e+00 : f32
            %mul3A_986 = vector.broadcast %mul3A_985 : f32 to vector<16xf32>
            %mul3A_987 = arith.mulf %sub3A_984, %mul3A_986 : vector<16xf32>
            %convert_element_type3A_988 = arith.fptosi %mul3A_987 : vector<16xf32> to vector<16xi32>
            %swap3A_989 = arith.constant 3 : i32
            %swap3A_990 = arith.index_cast %and3A_104 : i32 to index
            %swap3A_991 = arith.index_cast %shift_right_arithmetic3A_900 : i32 to index
            %swap3A_992 = arith.index_cast %swap3A_989 : i32 to index
            %swap3A_993 = arith.index_cast %mul3A_904 : i32 to index
            %swap3A_994 = tpu.vector_load %arg9[%swap3A_990, %swap3A_991, %swap3A_992, %swap3A_993] {strides = array<i32>} : memref<2x10x4x128xi32, #tpu.memory_space<vmem>>, vector<16xi32>,
            tpu.vector_store %arg9[%swap3A_990, %swap3A_991, %swap3A_992, %swap3A_993], %convert_element_type3A_988 {strides = array<i32>} : memref<2x10x4x128xi32, #tpu.memory_space<vmem>>, vector<16xi32>,
            %add3A_995 = arith.constant 16 : i32
            %add3A_996 = vector.broadcast %add3A_995 : i32 to vector<16xi32>
            %add3A_997 = arith.addi %add3A_896, %add3A_996 : vector<16xi32>
            %scan3A_998 = arith.constant 7 : i32
            %scan3A_999 = arith.addi %scan3A_293, %scan3A_998 : i32
            %shift_right_arithmetic3A_1000 = arith.constant 3 : i32
            %shift_right_arithmetic3A_1001 = arith.shrsi %scan3A_999, %shift_right_arithmetic3A_1000 : i32
            %and3A_1002 = arith.constant 7 : i32
            %and3A_1003 = arith.andi %scan3A_999, %and3A_1002 : i32
            %mul3A_1004 = arith.constant 16 : i32
            %mul3A_1005 = arith.muli %and3A_1003, %mul3A_1004 : i32
            %broadcast_in_dim3A_1006 = arith.constant 0 : i32
            %broadcast_in_dim3A_1007 = vector.broadcast %broadcast_in_dim3A_1006 : i32 to vector<16xi32>
            %gather3A_1008 = tpu.vector_load_idx %arg6[%broadcast_in_dim3A_224, %broadcast_in_dim3A_284, %broadcast_in_dim3A_1007, %add3A_997] : memref<2x2x4x1408xf32, #tpu.memory_space<vmem>>[vector<16xi32>, vector<16xi32>, vector<16xi32>, vector<16xi32>], vector<16xf32>,
            %swap3A_1009 = arith.constant 0 : i32
            %swap3A_1010 = arith.index_cast %and3A_104 : i32 to index
            %swap3A_1011 = arith.index_cast %shift_right_arithmetic3A_1001 : i32 to index
            %swap3A_1012 = arith.index_cast %swap3A_1009 : i32 to index
            %swap3A_1013 = arith.index_cast %mul3A_1005 : i32 to index
            %swap3A_1014 = tpu.vector_load %arg8[%swap3A_1010, %swap3A_1011, %swap3A_1012, %swap3A_1013] {strides = array<i32>} : memref<2x10x8x128xf32, #tpu.memory_space<vmem>>, vector<16xf32>,
            tpu.vector_store %arg8[%swap3A_1010, %swap3A_1011, %swap3A_1012, %swap3A_1013], %gather3A_1008 {strides = array<i32>} : memref<2x10x8x128xf32, #tpu.memory_space<vmem>>, vector<16xf32>,
            %broadcast_in_dim3A_1015 = arith.constant 1 : i32
            %broadcast_in_dim3A_1016 = vector.broadcast %broadcast_in_dim3A_1015 : i32 to vector<16xi32>
            %gather3A_1017 = tpu.vector_load_idx %arg6[%broadcast_in_dim3A_224, %broadcast_in_dim3A_284, %broadcast_in_dim3A_1016, %add3A_997] : memref<2x2x4x1408xf32, #tpu.memory_space<vmem>>[vector<16xi32>, vector<16xi32>, vector<16xi32>, vector<16xi32>], vector<16xf32>,
            %swap3A_1018 = arith.constant 1 : i32
            %swap3A_1019 = arith.index_cast %and3A_104 : i32 to index
            %swap3A_1020 = arith.index_cast %shift_right_arithmetic3A_1001 : i32 to index
            %swap3A_1021 = arith.index_cast %swap3A_1018 : i32 to index
            %swap3A_1022 = arith.index_cast %mul3A_1005 : i32 to index
            %swap3A_1023 = tpu.vector_load %arg8[%swap3A_1019, %swap3A_1020, %swap3A_1021, %swap3A_1022] {strides = array<i32>} : memref<2x10x8x128xf32, #tpu.memory_space<vmem>>, vector<16xf32>,
            tpu.vector_store %arg8[%swap3A_1019, %swap3A_1020, %swap3A_1021, %swap3A_1022], %gather3A_1017 {strides = array<i32>} : memref<2x10x8x128xf32, #tpu.memory_space<vmem>>, vector<16xf32>,
            %broadcast_in_dim3A_1024 = arith.constant 2 : i32
            %broadcast_in_dim3A_1025 = vector.broadcast %broadcast_in_dim3A_1024 : i32 to vector<16xi32>
            %gather3A_1026 = tpu.vector_load_idx %arg6[%broadcast_in_dim3A_224, %broadcast_in_dim3A_284, %broadcast_in_dim3A_1025, %add3A_997] : memref<2x2x4x1408xf32, #tpu.memory_space<vmem>>[vector<16xi32>, vector<16xi32>, vector<16xi32>, vector<16xi32>], vector<16xf32>,
            %swap3A_1027 = arith.constant 2 : i32
            %swap3A_1028 = arith.index_cast %and3A_104 : i32 to index
            %swap3A_1029 = arith.index_cast %shift_right_arithmetic3A_1001 : i32 to index
            %swap3A_1030 = arith.index_cast %swap3A_1027 : i32 to index
            %swap3A_1031 = arith.index_cast %mul3A_1005 : i32 to index
            %swap3A_1032 = tpu.vector_load %arg8[%swap3A_1028, %swap3A_1029, %swap3A_1030, %swap3A_1031] {strides = array<i32>} : memref<2x10x8x128xf32, #tpu.memory_space<vmem>>, vector<16xf32>,
            tpu.vector_store %arg8[%swap3A_1028, %swap3A_1029, %swap3A_1030, %swap3A_1031], %gather3A_1026 {strides = array<i32>} : memref<2x10x8x128xf32, #tpu.memory_space<vmem>>, vector<16xf32>,
            %broadcast_in_dim3A_1033 = arith.constant 3 : i32
            %broadcast_in_dim3A_1034 = vector.broadcast %broadcast_in_dim3A_1033 : i32 to vector<16xi32>
            %gather3A_1035 = tpu.vector_load_idx %arg6[%broadcast_in_dim3A_224, %broadcast_in_dim3A_284, %broadcast_in_dim3A_1034, %add3A_997] : memref<2x2x4x1408xf32, #tpu.memory_space<vmem>>[vector<16xi32>, vector<16xi32>, vector<16xi32>, vector<16xi32>], vector<16xf32>,
            %swap3A_1036 = arith.constant 3 : i32
            %swap3A_1037 = arith.index_cast %and3A_104 : i32 to index
            %swap3A_1038 = arith.index_cast %shift_right_arithmetic3A_1001 : i32 to index
            %swap3A_1039 = arith.index_cast %swap3A_1036 : i32 to index
            %swap3A_1040 = arith.index_cast %mul3A_1005 : i32 to index
            %swap3A_1041 = tpu.vector_load %arg8[%swap3A_1037, %swap3A_1038, %swap3A_1039, %swap3A_1040] {strides = array<i32>} : memref<2x10x8x128xf32, #tpu.memory_space<vmem>>, vector<16xf32>,
            tpu.vector_store %arg8[%swap3A_1037, %swap3A_1038, %swap3A_1039, %swap3A_1040], %gather3A_1035 {strides = array<i32>} : memref<2x10x8x128xf32, #tpu.memory_space<vmem>>, vector<16xf32>,
            %broadcast_in_dim3A_1042 = arith.constant 3 : i32
            %broadcast_in_dim3A_1043 = vector.broadcast %broadcast_in_dim3A_1042 : i32 to vector<16xi32>
            %gather3A_1044 = tpu.vector_load_idx %arg7[%broadcast_in_dim3A_224, %broadcast_in_dim3A_284, %broadcast_in_dim3A_1043, %add3A_997] : memref<2x2x4x1408xf32, #tpu.memory_space<vmem>>[vector<16xi32>, vector<16xi32>, vector<16xi32>, vector<16xi32>], vector<16xf32>,
            %swap3A_1045 = arith.constant 4 : i32
            %swap3A_1046 = arith.index_cast %and3A_104 : i32 to index
            %swap3A_1047 = arith.index_cast %shift_right_arithmetic3A_1001 : i32 to index
            %swap3A_1048 = arith.index_cast %swap3A_1045 : i32 to index
            %swap3A_1049 = arith.index_cast %mul3A_1005 : i32 to index
            %swap3A_1050 = tpu.vector_load %arg8[%swap3A_1046, %swap3A_1047, %swap3A_1048, %swap3A_1049] {strides = array<i32>} : memref<2x10x8x128xf32, #tpu.memory_space<vmem>>, vector<16xf32>,
            tpu.vector_store %arg8[%swap3A_1046, %swap3A_1047, %swap3A_1048, %swap3A_1049], %gather3A_1044 {strides = array<i32>} : memref<2x10x8x128xf32, #tpu.memory_space<vmem>>, vector<16xf32>,
            %swap3A_1051 = arith.constant 0 : i32
            %swap3A_1052 = arith.index_cast %and3A_104 : i32 to index
            %swap3A_1053 = arith.index_cast %shift_right_arithmetic3A_1001 : i32 to index
            %swap3A_1054 = arith.index_cast %swap3A_1051 : i32 to index
            %swap3A_1055 = arith.index_cast %mul3A_1005 : i32 to index
            %swap3A_1056 = tpu.vector_load %arg9[%swap3A_1052, %swap3A_1053, %swap3A_1054, %swap3A_1055] {strides = array<i32>} : memref<2x10x4x128xi32, #tpu.memory_space<vmem>>, vector<16xi32>,
            tpu.vector_store %arg9[%swap3A_1052, %swap3A_1053, %swap3A_1054, %swap3A_1055], %broadcast_in_dim3A {strides = array<i32>} : memref<2x10x4x128xi32, #tpu.memory_space<vmem>>, vector<16xi32>,
            %sub3A_1057 = arith.constant -2.000000e+00 : f32
            %sub3A_1058 = vector.broadcast %sub3A_1057 : f32 to vector<16xf32>
            %sub3A_1059 = arith.subf %gather3A_1026, %sub3A_1058 : vector<16xf32>
            %mul3A_1060 = arith.constant 2.500000e+00 : f32
            %mul3A_1061 = vector.broadcast %mul3A_1060 : f32 to vector<16xf32>
            %mul3A_1062 = arith.mulf %sub3A_1059, %mul3A_1061 : vector<16xf32>
            %convert_element_type3A_1063 = arith.fptosi %mul3A_1062 : vector<16xf32> to vector<16xi32>
            %swap3A_1064 = arith.constant 1 : i32
            %swap3A_1065 = arith.index_cast %and3A_104 : i32 to index
            %swap3A_1066 = arith.index_cast %shift_right_arithmetic3A_1001 : i32 to index
            %swap3A_1067 = arith.index_cast %swap3A_1064 : i32 to index
            %swap3A_1068 = arith.index_cast %mul3A_1005 : i32 to index
            %swap3A_1069 = tpu.vector_load %arg9[%swap3A_1065, %swap3A_1066, %swap3A_1067, %swap3A_1068] {strides = array<i32>} : memref<2x10x4x128xi32, #tpu.memory_space<vmem>>, vector<16xi32>,
            tpu.vector_store %arg9[%swap3A_1065, %swap3A_1066, %swap3A_1067, %swap3A_1068], %convert_element_type3A_1063 {strides = array<i32>} : memref<2x10x4x128xi32, #tpu.memory_space<vmem>>, vector<16xi32>,
            %sub3A_1070 = arith.constant -1.600000e+01 : f32
            %sub3A_1071 = vector.broadcast %sub3A_1070 : f32 to vector<16xf32>
            %sub3A_1072 = arith.subf %gather3A_1017, %sub3A_1071 : vector<16xf32>
            %mul3A_1073 = arith.constant 2.500000e+00 : f32
            %mul3A_1074 = vector.broadcast %mul3A_1073 : f32 to vector<16xf32>
            %mul3A_1075 = arith.mulf %sub3A_1072, %mul3A_1074 : vector<16xf32>
            %convert_element_type3A_1076 = arith.fptosi %mul3A_1075 : vector<16xf32> to vector<16xi32>
            %swap3A_1077 = arith.constant 2 : i32
            %swap3A_1078 = arith.index_cast %and3A_104 : i32 to index
            %swap3A_1079 = arith.index_cast %shift_right_arithmetic3A_1001 : i32 to index
            %swap3A_1080 = arith.index_cast %swap3A_1077 : i32 to index
            %swap3A_1081 = arith.index_cast %mul3A_1005 : i32 to index
            %swap3A_1082 = tpu.vector_load %arg9[%swap3A_1078, %swap3A_1079, %swap3A_1080, %swap3A_1081] {strides = array<i32>} : memref<2x10x4x128xi32, #tpu.memory_space<vmem>>, vector<16xi32>,
            tpu.vector_store %arg9[%swap3A_1078, %swap3A_1079, %swap3A_1080, %swap3A_1081], %convert_element_type3A_1076 {strides = array<i32>} : memref<2x10x4x128xi32, #tpu.memory_space<vmem>>, vector<16xi32>,
            %sub3A_1083 = arith.constant 0.000000e+00 : f32
            %sub3A_1084 = vector.broadcast %sub3A_1083 : f32 to vector<16xf32>
            %sub3A_1085 = arith.subf %gather3A_1008, %sub3A_1084 : vector<16xf32>
            %mul3A_1086 = arith.constant 2.500000e+00 : f32
            %mul3A_1087 = vector.broadcast %mul3A_1086 : f32 to vector<16xf32>
            %mul3A_1088 = arith.mulf %sub3A_1085, %mul3A_1087 : vector<16xf32>
            %convert_element_type3A_1089 = arith.fptosi %mul3A_1088 : vector<16xf32> to vector<16xi32>
            %swap3A_1090 = arith.constant 3 : i32
            %swap3A_1091 = arith.index_cast %and3A_104 : i32 to index
            %swap3A_1092 = arith.index_cast %shift_right_arithmetic3A_1001 : i32 to index
            %swap3A_1093 = arith.index_cast %swap3A_1090 : i32 to index
            %swap3A_1094 = arith.index_cast %mul3A_1005 : i32 to index
            %swap3A_1095 = tpu.vector_load %arg9[%swap3A_1091, %swap3A_1092, %swap3A_1093, %swap3A_1094] {strides = array<i32>} : memref<2x10x4x128xi32, #tpu.memory_space<vmem>>, vector<16xi32>,
            tpu.vector_store %arg9[%swap3A_1091, %swap3A_1092, %swap3A_1093, %swap3A_1094], %convert_element_type3A_1089 {strides = array<i32>} : memref<2x10x4x128xi32, #tpu.memory_space<vmem>>, vector<16xi32>,
            %add3A_1096 = arith.constant 16 : i32
            %add3A_1097 = vector.broadcast %add3A_1096 : i32 to vector<16xi32>
            %add3A_1098 = arith.addi %add3A_997, %add3A_1097 : vector<16xi32>
            scf.yield %add3A_1098 : vector<16xi32>
          }
          %scan3A_292 = arith.constant 80 : i32
        } else {
        }
        %convert_element_type3A_242 = arith.extui %lt3A_96 : i1 to i32
        %cond3A_243 = arith.constant 0 : i32
        %cond3A_244 = arith.cmpi ne, %convert_element_type3A_242, %cond3A_243 : i32
        scf.if %cond3A_244 {
          %add3A_283 = vector.broadcast %mul3A_60 : i32 to vector<16xi32>
          %add3A_284 = arith.addi %add3A_283, %iota3A : vector<16xi32>
          %scan3A_285 = arith.constant 0 : i32
          %scan3A_286 = arith.constant 80 : i32
          %scan3A_287 = arith.addi %scan3A_285, %scan3A_286 : i32
          %scan3A_288 = arith.constant 4 : i32
          %scan3A_289 = scf.for %scan3A_291 = %scan3A_285 to %scan3A_287 step %scan3A_288 iter_args(%scan3A_292 = %add3A_284) -> (vector<16xi32>)  : i32 {
            %shift_right_arithmetic3A_293 = arith.constant 3 : i32
            %shift_right_arithmetic3A_294 = arith.shrsi %scan3A_291, %shift_right_arithmetic3A_293 : i32
            %and3A_295 = arith.constant 7 : i32
            %and3A_296 = arith.andi %scan3A_291, %and3A_295 : i32
            %mul3A_297 = arith.constant 16 : i32
            %mul3A_298 = arith.muli %and3A_296, %mul3A_297 : i32
            %ge3A_299 = arith.cmpi sge, %scan3A_292, %broadcast_in_dim3A_222 : vector<16xi32>
            %convert_element_type3A_300 = arith.extui %ge3A_299 : vector<16xi1> to vector<16xi32>
            %sub3A_301 = arith.subi %scan3A_292, %broadcast_in_dim3A_222 : vector<16xi32>
            %sub3A_302 = arith.subi %scan3A_292, %broadcast_in_dim3A_223 : vector<16xi32>
            %select_n3A = arith.select %ge3A_299, %sub3A_301, %sub3A_302 : vector<16xi1>, vector<16xi32>
            %broadcast_in_dim3A_303 = arith.constant 0 : i32
            %broadcast_in_dim3A_304 = vector.broadcast %broadcast_in_dim3A_303 : i32 to vector<16xi32>
            %gather3A = tpu.vector_load_idx %arg6[%broadcast_in_dim3A_224, %convert_element_type3A_300, %broadcast_in_dim3A_304, %select_n3A] : memref<2x2x4x1408xf32, #tpu.memory_space<vmem>>[vector<16xi32>, vector<16xi32>, vector<16xi32>, vector<16xi32>], vector<16xf32>,
            %swap3A = arith.constant 0 : i32
            %swap3A_305 = arith.index_cast %and3A_104 : i32 to index
            %swap3A_306 = arith.index_cast %shift_right_arithmetic3A_294 : i32 to index
            %swap3A_307 = arith.index_cast %swap3A : i32 to index
            %swap3A_308 = arith.index_cast %mul3A_298 : i32 to index
            %swap3A_309 = tpu.vector_load %arg8[%swap3A_305, %swap3A_306, %swap3A_307, %swap3A_308] {strides = array<i32>} : memref<2x10x8x128xf32, #tpu.memory_space<vmem>>, vector<16xf32>,
            tpu.vector_store %arg8[%swap3A_305, %swap3A_306, %swap3A_307, %swap3A_308], %gather3A {strides = array<i32>} : memref<2x10x8x128xf32, #tpu.memory_space<vmem>>, vector<16xf32>,
            %broadcast_in_dim3A_310 = arith.constant 1 : i32
            %broadcast_in_dim3A_311 = vector.broadcast %broadcast_in_dim3A_310 : i32 to vector<16xi32>
            %gather3A_312 = tpu.vector_load_idx %arg6[%broadcast_in_dim3A_224, %convert_element_type3A_300, %broadcast_in_dim3A_311, %select_n3A] : memref<2x2x4x1408xf32, #tpu.memory_space<vmem>>[vector<16xi32>, vector<16xi32>, vector<16xi32>, vector<16xi32>], vector<16xf32>,
            %swap3A_313 = arith.constant 1 : i32
            %swap3A_314 = arith.index_cast %and3A_104 : i32 to index
            %swap3A_315 = arith.index_cast %shift_right_arithmetic3A_294 : i32 to index
            %swap3A_316 = arith.index_cast %swap3A_313 : i32 to index
            %swap3A_317 = arith.index_cast %mul3A_298 : i32 to index
            %swap3A_318 = tpu.vector_load %arg8[%swap3A_314, %swap3A_315, %swap3A_316, %swap3A_317] {strides = array<i32>} : memref<2x10x8x128xf32, #tpu.memory_space<vmem>>, vector<16xf32>,
            tpu.vector_store %arg8[%swap3A_314, %swap3A_315, %swap3A_316, %swap3A_317], %gather3A_312 {strides = array<i32>} : memref<2x10x8x128xf32, #tpu.memory_space<vmem>>, vector<16xf32>,
            %broadcast_in_dim3A_319 = arith.constant 2 : i32
            %broadcast_in_dim3A_320 = vector.broadcast %broadcast_in_dim3A_319 : i32 to vector<16xi32>
            %gather3A_321 = tpu.vector_load_idx %arg6[%broadcast_in_dim3A_224, %convert_element_type3A_300, %broadcast_in_dim3A_320, %select_n3A] : memref<2x2x4x1408xf32, #tpu.memory_space<vmem>>[vector<16xi32>, vector<16xi32>, vector<16xi32>, vector<16xi32>], vector<16xf32>,
            %swap3A_322 = arith.constant 2 : i32
            %swap3A_323 = arith.index_cast %and3A_104 : i32 to index
            %swap3A_324 = arith.index_cast %shift_right_arithmetic3A_294 : i32 to index
            %swap3A_325 = arith.index_cast %swap3A_322 : i32 to index
            %swap3A_326 = arith.index_cast %mul3A_298 : i32 to index
            %swap3A_327 = tpu.vector_load %arg8[%swap3A_323, %swap3A_324, %swap3A_325, %swap3A_326] {strides = array<i32>} : memref<2x10x8x128xf32, #tpu.memory_space<vmem>>, vector<16xf32>,
            tpu.vector_store %arg8[%swap3A_323, %swap3A_324, %swap3A_325, %swap3A_326], %gather3A_321 {strides = array<i32>} : memref<2x10x8x128xf32, #tpu.memory_space<vmem>>, vector<16xf32>,
            %broadcast_in_dim3A_328 = arith.constant 3 : i32
            %broadcast_in_dim3A_329 = vector.broadcast %broadcast_in_dim3A_328 : i32 to vector<16xi32>
            %gather3A_330 = tpu.vector_load_idx %arg6[%broadcast_in_dim3A_224, %convert_element_type3A_300, %broadcast_in_dim3A_329, %select_n3A] : memref<2x2x4x1408xf32, #tpu.memory_space<vmem>>[vector<16xi32>, vector<16xi32>, vector<16xi32>, vector<16xi32>], vector<16xf32>,
            %swap3A_331 = arith.constant 3 : i32
            %swap3A_332 = arith.index_cast %and3A_104 : i32 to index
            %swap3A_333 = arith.index_cast %shift_right_arithmetic3A_294 : i32 to index
            %swap3A_334 = arith.index_cast %swap3A_331 : i32 to index
            %swap3A_335 = arith.index_cast %mul3A_298 : i32 to index
            %swap3A_336 = tpu.vector_load %arg8[%swap3A_332, %swap3A_333, %swap3A_334, %swap3A_335] {strides = array<i32>} : memref<2x10x8x128xf32, #tpu.memory_space<vmem>>, vector<16xf32>,
            tpu.vector_store %arg8[%swap3A_332, %swap3A_333, %swap3A_334, %swap3A_335], %gather3A_330 {strides = array<i32>} : memref<2x10x8x128xf32, #tpu.memory_space<vmem>>, vector<16xf32>,
            %broadcast_in_dim3A_337 = arith.constant 3 : i32
            %broadcast_in_dim3A_338 = vector.broadcast %broadcast_in_dim3A_337 : i32 to vector<16xi32>
            %gather3A_339 = tpu.vector_load_idx %arg7[%broadcast_in_dim3A_224, %convert_element_type3A_300, %broadcast_in_dim3A_338, %select_n3A] : memref<2x2x4x1408xf32, #tpu.memory_space<vmem>>[vector<16xi32>, vector<16xi32>, vector<16xi32>, vector<16xi32>], vector<16xf32>,
            %swap3A_340 = arith.constant 4 : i32
            %swap3A_341 = arith.index_cast %and3A_104 : i32 to index
            %swap3A_342 = arith.index_cast %shift_right_arithmetic3A_294 : i32 to index
            %swap3A_343 = arith.index_cast %swap3A_340 : i32 to index
            %swap3A_344 = arith.index_cast %mul3A_298 : i32 to index
            %swap3A_345 = tpu.vector_load %arg8[%swap3A_341, %swap3A_342, %swap3A_343, %swap3A_344] {strides = array<i32>} : memref<2x10x8x128xf32, #tpu.memory_space<vmem>>, vector<16xf32>,
            tpu.vector_store %arg8[%swap3A_341, %swap3A_342, %swap3A_343, %swap3A_344], %gather3A_339 {strides = array<i32>} : memref<2x10x8x128xf32, #tpu.memory_space<vmem>>, vector<16xf32>,
            %select_n3A_346 = arith.select %ge3A_299, %broadcast_in_dim3A_221, %broadcast_in_dim3A : vector<16xi1>, vector<16xi32>
            %swap3A_347 = arith.constant 0 : i32
            %swap3A_348 = arith.index_cast %and3A_104 : i32 to index
            %swap3A_349 = arith.index_cast %shift_right_arithmetic3A_294 : i32 to index
            %swap3A_350 = arith.index_cast %swap3A_347 : i32 to index
            %swap3A_351 = arith.index_cast %mul3A_298 : i32 to index
            %swap3A_352 = tpu.vector_load %arg9[%swap3A_348, %swap3A_349, %swap3A_350, %swap3A_351] {strides = array<i32>} : memref<2x10x4x128xi32, #tpu.memory_space<vmem>>, vector<16xi32>,
            tpu.vector_store %arg9[%swap3A_348, %swap3A_349, %swap3A_350, %swap3A_351], %select_n3A_346 {strides = array<i32>} : memref<2x10x4x128xi32, #tpu.memory_space<vmem>>, vector<16xi32>,
            %sub3A_353 = arith.constant -2.000000e+00 : f32
            %sub3A_354 = vector.broadcast %sub3A_353 : f32 to vector<16xf32>
            %sub3A_355 = arith.subf %gather3A_321, %sub3A_354 : vector<16xf32>
            %mul3A_356 = arith.constant 2.500000e+00 : f32
            %mul3A_357 = vector.broadcast %mul3A_356 : f32 to vector<16xf32>
            %mul3A_358 = arith.mulf %sub3A_355, %mul3A_357 : vector<16xf32>
            %convert_element_type3A_359 = arith.fptosi %mul3A_358 : vector<16xf32> to vector<16xi32>
            %swap3A_360 = arith.constant 1 : i32
            %swap3A_361 = arith.index_cast %and3A_104 : i32 to index
            %swap3A_362 = arith.index_cast %shift_right_arithmetic3A_294 : i32 to index
            %swap3A_363 = arith.index_cast %swap3A_360 : i32 to index
            %swap3A_364 = arith.index_cast %mul3A_298 : i32 to index
            %swap3A_365 = tpu.vector_load %arg9[%swap3A_361, %swap3A_362, %swap3A_363, %swap3A_364] {strides = array<i32>} : memref<2x10x4x128xi32, #tpu.memory_space<vmem>>, vector<16xi32>,
            tpu.vector_store %arg9[%swap3A_361, %swap3A_362, %swap3A_363, %swap3A_364], %convert_element_type3A_359 {strides = array<i32>} : memref<2x10x4x128xi32, #tpu.memory_space<vmem>>, vector<16xi32>,
            %sub3A_366 = arith.constant -1.600000e+01 : f32
            %sub3A_367 = vector.broadcast %sub3A_366 : f32 to vector<16xf32>
            %sub3A_368 = arith.subf %gather3A_312, %sub3A_367 : vector<16xf32>
            %mul3A_369 = arith.constant 2.500000e+00 : f32
            %mul3A_370 = vector.broadcast %mul3A_369 : f32 to vector<16xf32>
            %mul3A_371 = arith.mulf %sub3A_368, %mul3A_370 : vector<16xf32>
            %convert_element_type3A_372 = arith.fptosi %mul3A_371 : vector<16xf32> to vector<16xi32>
            %swap3A_373 = arith.constant 2 : i32
            %swap3A_374 = arith.index_cast %and3A_104 : i32 to index
            %swap3A_375 = arith.index_cast %shift_right_arithmetic3A_294 : i32 to index
            %swap3A_376 = arith.index_cast %swap3A_373 : i32 to index
            %swap3A_377 = arith.index_cast %mul3A_298 : i32 to index
            %swap3A_378 = tpu.vector_load %arg9[%swap3A_374, %swap3A_375, %swap3A_376, %swap3A_377] {strides = array<i32>} : memref<2x10x4x128xi32, #tpu.memory_space<vmem>>, vector<16xi32>,
            tpu.vector_store %arg9[%swap3A_374, %swap3A_375, %swap3A_376, %swap3A_377], %convert_element_type3A_372 {strides = array<i32>} : memref<2x10x4x128xi32, #tpu.memory_space<vmem>>, vector<16xi32>,
            %sub3A_379 = arith.constant 0.000000e+00 : f32
            %sub3A_380 = vector.broadcast %sub3A_379 : f32 to vector<16xf32>
            %sub3A_381 = arith.subf %gather3A, %sub3A_380 : vector<16xf32>
            %mul3A_382 = arith.constant 2.500000e+00 : f32
            %mul3A_383 = vector.broadcast %mul3A_382 : f32 to vector<16xf32>
            %mul3A_384 = arith.mulf %sub3A_381, %mul3A_383 : vector<16xf32>
            %convert_element_type3A_385 = arith.fptosi %mul3A_384 : vector<16xf32> to vector<16xi32>
            %swap3A_386 = arith.constant 3 : i32
            %swap3A_387 = arith.index_cast %and3A_104 : i32 to index
            %swap3A_388 = arith.index_cast %shift_right_arithmetic3A_294 : i32 to index
            %swap3A_389 = arith.index_cast %swap3A_386 : i32 to index
            %swap3A_390 = arith.index_cast %mul3A_298 : i32 to index
            %swap3A_391 = tpu.vector_load %arg9[%swap3A_387, %swap3A_388, %swap3A_389, %swap3A_390] {strides = array<i32>} : memref<2x10x4x128xi32, #tpu.memory_space<vmem>>, vector<16xi32>,
            tpu.vector_store %arg9[%swap3A_387, %swap3A_388, %swap3A_389, %swap3A_390], %convert_element_type3A_385 {strides = array<i32>} : memref<2x10x4x128xi32, #tpu.memory_space<vmem>>, vector<16xi32>,
            %add3A_392 = arith.constant 16 : i32
            %add3A_393 = vector.broadcast %add3A_392 : i32 to vector<16xi32>
            %add3A_394 = arith.addi %scan3A_292, %add3A_393 : vector<16xi32>
            %scan3A_395 = arith.constant 1 : i32
            %scan3A_396 = arith.addi %scan3A_291, %scan3A_395 : i32
            %shift_right_arithmetic3A_397 = arith.constant 3 : i32
            %shift_right_arithmetic3A_398 = arith.shrsi %scan3A_396, %shift_right_arithmetic3A_397 : i32
            %and3A_399 = arith.constant 7 : i32
            %and3A_400 = arith.andi %scan3A_396, %and3A_399 : i32
            %mul3A_401 = arith.constant 16 : i32
            %mul3A_402 = arith.muli %and3A_400, %mul3A_401 : i32
            %ge3A_403 = arith.cmpi sge, %add3A_394, %broadcast_in_dim3A_222 : vector<16xi32>
            %convert_element_type3A_404 = arith.extui %ge3A_403 : vector<16xi1> to vector<16xi32>
            %sub3A_405 = arith.subi %add3A_394, %broadcast_in_dim3A_222 : vector<16xi32>
            %sub3A_406 = arith.subi %add3A_394, %broadcast_in_dim3A_223 : vector<16xi32>
            %select_n3A_407 = arith.select %ge3A_403, %sub3A_405, %sub3A_406 : vector<16xi1>, vector<16xi32>
            %broadcast_in_dim3A_408 = arith.constant 0 : i32
            %broadcast_in_dim3A_409 = vector.broadcast %broadcast_in_dim3A_408 : i32 to vector<16xi32>
            %gather3A_410 = tpu.vector_load_idx %arg6[%broadcast_in_dim3A_224, %convert_element_type3A_404, %broadcast_in_dim3A_409, %select_n3A_407] : memref<2x2x4x1408xf32, #tpu.memory_space<vmem>>[vector<16xi32>, vector<16xi32>, vector<16xi32>, vector<16xi32>], vector<16xf32>,
            %swap3A_411 = arith.constant 0 : i32
            %swap3A_412 = arith.index_cast %and3A_104 : i32 to index
            %swap3A_413 = arith.index_cast %shift_right_arithmetic3A_398 : i32 to index
            %swap3A_414 = arith.index_cast %swap3A_411 : i32 to index
            %swap3A_415 = arith.index_cast %mul3A_402 : i32 to index
            %swap3A_416 = tpu.vector_load %arg8[%swap3A_412, %swap3A_413, %swap3A_414, %swap3A_415] {strides = array<i32>} : memref<2x10x8x128xf32, #tpu.memory_space<vmem>>, vector<16xf32>,
            tpu.vector_store %arg8[%swap3A_412, %swap3A_413, %swap3A_414, %swap3A_415], %gather3A_410 {strides = array<i32>} : memref<2x10x8x128xf32, #tpu.memory_space<vmem>>, vector<16xf32>,
            %broadcast_in_dim3A_417 = arith.constant 1 : i32
            %broadcast_in_dim3A_418 = vector.broadcast %broadcast_in_dim3A_417 : i32 to vector<16xi32>
            %gather3A_419 = tpu.vector_load_idx %arg6[%broadcast_in_dim3A_224, %convert_element_type3A_404, %broadcast_in_dim3A_418, %select_n3A_407] : memref<2x2x4x1408xf32, #tpu.memory_space<vmem>>[vector<16xi32>, vector<16xi32>, vector<16xi32>, vector<16xi32>], vector<16xf32>,
            %swap3A_420 = arith.constant 1 : i32
            %swap3A_421 = arith.index_cast %and3A_104 : i32 to index
            %swap3A_422 = arith.index_cast %shift_right_arithmetic3A_398 : i32 to index
            %swap3A_423 = arith.index_cast %swap3A_420 : i32 to index
            %swap3A_424 = arith.index_cast %mul3A_402 : i32 to index
            %swap3A_425 = tpu.vector_load %arg8[%swap3A_421, %swap3A_422, %swap3A_423, %swap3A_424] {strides = array<i32>} : memref<2x10x8x128xf32, #tpu.memory_space<vmem>>, vector<16xf32>,
            tpu.vector_store %arg8[%swap3A_421, %swap3A_422, %swap3A_423, %swap3A_424], %gather3A_419 {strides = array<i32>} : memref<2x10x8x128xf32, #tpu.memory_space<vmem>>, vector<16xf32>,
            %broadcast_in_dim3A_426 = arith.constant 2 : i32
            %broadcast_in_dim3A_427 = vector.broadcast %broadcast_in_dim3A_426 : i32 to vector<16xi32>
            %gather3A_428 = tpu.vector_load_idx %arg6[%broadcast_in_dim3A_224, %convert_element_type3A_404, %broadcast_in_dim3A_427, %select_n3A_407] : memref<2x2x4x1408xf32, #tpu.memory_space<vmem>>[vector<16xi32>, vector<16xi32>, vector<16xi32>, vector<16xi32>], vector<16xf32>,
            %swap3A_429 = arith.constant 2 : i32
            %swap3A_430 = arith.index_cast %and3A_104 : i32 to index
            %swap3A_431 = arith.index_cast %shift_right_arithmetic3A_398 : i32 to index
            %swap3A_432 = arith.index_cast %swap3A_429 : i32 to index
            %swap3A_433 = arith.index_cast %mul3A_402 : i32 to index
            %swap3A_434 = tpu.vector_load %arg8[%swap3A_430, %swap3A_431, %swap3A_432, %swap3A_433] {strides = array<i32>} : memref<2x10x8x128xf32, #tpu.memory_space<vmem>>, vector<16xf32>,
            tpu.vector_store %arg8[%swap3A_430, %swap3A_431, %swap3A_432, %swap3A_433], %gather3A_428 {strides = array<i32>} : memref<2x10x8x128xf32, #tpu.memory_space<vmem>>, vector<16xf32>,
            %broadcast_in_dim3A_435 = arith.constant 3 : i32
            %broadcast_in_dim3A_436 = vector.broadcast %broadcast_in_dim3A_435 : i32 to vector<16xi32>
            %gather3A_437 = tpu.vector_load_idx %arg6[%broadcast_in_dim3A_224, %convert_element_type3A_404, %broadcast_in_dim3A_436, %select_n3A_407] : memref<2x2x4x1408xf32, #tpu.memory_space<vmem>>[vector<16xi32>, vector<16xi32>, vector<16xi32>, vector<16xi32>], vector<16xf32>,
            %swap3A_438 = arith.constant 3 : i32
            %swap3A_439 = arith.index_cast %and3A_104 : i32 to index
            %swap3A_440 = arith.index_cast %shift_right_arithmetic3A_398 : i32 to index
            %swap3A_441 = arith.index_cast %swap3A_438 : i32 to index
            %swap3A_442 = arith.index_cast %mul3A_402 : i32 to index
            %swap3A_443 = tpu.vector_load %arg8[%swap3A_439, %swap3A_440, %swap3A_441, %swap3A_442] {strides = array<i32>} : memref<2x10x8x128xf32, #tpu.memory_space<vmem>>, vector<16xf32>,
            tpu.vector_store %arg8[%swap3A_439, %swap3A_440, %swap3A_441, %swap3A_442], %gather3A_437 {strides = array<i32>} : memref<2x10x8x128xf32, #tpu.memory_space<vmem>>, vector<16xf32>,
            %broadcast_in_dim3A_444 = arith.constant 3 : i32
            %broadcast_in_dim3A_445 = vector.broadcast %broadcast_in_dim3A_444 : i32 to vector<16xi32>
            %gather3A_446 = tpu.vector_load_idx %arg7[%broadcast_in_dim3A_224, %convert_element_type3A_404, %broadcast_in_dim3A_445, %select_n3A_407] : memref<2x2x4x1408xf32, #tpu.memory_space<vmem>>[vector<16xi32>, vector<16xi32>, vector<16xi32>, vector<16xi32>], vector<16xf32>,
            %swap3A_447 = arith.constant 4 : i32
            %swap3A_448 = arith.index_cast %and3A_104 : i32 to index
            %swap3A_449 = arith.index_cast %shift_right_arithmetic3A_398 : i32 to index
            %swap3A_450 = arith.index_cast %swap3A_447 : i32 to index
            %swap3A_451 = arith.index_cast %mul3A_402 : i32 to index
            %swap3A_452 = tpu.vector_load %arg8[%swap3A_448, %swap3A_449, %swap3A_450, %swap3A_451] {strides = array<i32>} : memref<2x10x8x128xf32, #tpu.memory_space<vmem>>, vector<16xf32>,
            tpu.vector_store %arg8[%swap3A_448, %swap3A_449, %swap3A_450, %swap3A_451], %gather3A_446 {strides = array<i32>} : memref<2x10x8x128xf32, #tpu.memory_space<vmem>>, vector<16xf32>,
            %select_n3A_453 = arith.select %ge3A_403, %broadcast_in_dim3A_221, %broadcast_in_dim3A : vector<16xi1>, vector<16xi32>
            %swap3A_454 = arith.constant 0 : i32
            %swap3A_455 = arith.index_cast %and3A_104 : i32 to index
            %swap3A_456 = arith.index_cast %shift_right_arithmetic3A_398 : i32 to index
            %swap3A_457 = arith.index_cast %swap3A_454 : i32 to index
            %swap3A_458 = arith.index_cast %mul3A_402 : i32 to index
            %swap3A_459 = tpu.vector_load %arg9[%swap3A_455, %swap3A_456, %swap3A_457, %swap3A_458] {strides = array<i32>} : memref<2x10x4x128xi32, #tpu.memory_space<vmem>>, vector<16xi32>,
            tpu.vector_store %arg9[%swap3A_455, %swap3A_456, %swap3A_457, %swap3A_458], %select_n3A_453 {strides = array<i32>} : memref<2x10x4x128xi32, #tpu.memory_space<vmem>>, vector<16xi32>,
            %sub3A_460 = arith.constant -2.000000e+00 : f32
            %sub3A_461 = vector.broadcast %sub3A_460 : f32 to vector<16xf32>
            %sub3A_462 = arith.subf %gather3A_428, %sub3A_461 : vector<16xf32>
            %mul3A_463 = arith.constant 2.500000e+00 : f32
            %mul3A_464 = vector.broadcast %mul3A_463 : f32 to vector<16xf32>
            %mul3A_465 = arith.mulf %sub3A_462, %mul3A_464 : vector<16xf32>
            %convert_element_type3A_466 = arith.fptosi %mul3A_465 : vector<16xf32> to vector<16xi32>
            %swap3A_467 = arith.constant 1 : i32
            %swap3A_468 = arith.index_cast %and3A_104 : i32 to index
            %swap3A_469 = arith.index_cast %shift_right_arithmetic3A_398 : i32 to index
            %swap3A_470 = arith.index_cast %swap3A_467 : i32 to index
            %swap3A_471 = arith.index_cast %mul3A_402 : i32 to index
            %swap3A_472 = tpu.vector_load %arg9[%swap3A_468, %swap3A_469, %swap3A_470, %swap3A_471] {strides = array<i32>} : memref<2x10x4x128xi32, #tpu.memory_space<vmem>>, vector<16xi32>,
            tpu.vector_store %arg9[%swap3A_468, %swap3A_469, %swap3A_470, %swap3A_471], %convert_element_type3A_466 {strides = array<i32>} : memref<2x10x4x128xi32, #tpu.memory_space<vmem>>, vector<16xi32>,
            %sub3A_473 = arith.constant -1.600000e+01 : f32
            %sub3A_474 = vector.broadcast %sub3A_473 : f32 to vector<16xf32>
            %sub3A_475 = arith.subf %gather3A_419, %sub3A_474 : vector<16xf32>
            %mul3A_476 = arith.constant 2.500000e+00 : f32
            %mul3A_477 = vector.broadcast %mul3A_476 : f32 to vector<16xf32>
            %mul3A_478 = arith.mulf %sub3A_475, %mul3A_477 : vector<16xf32>
            %convert_element_type3A_479 = arith.fptosi %mul3A_478 : vector<16xf32> to vector<16xi32>
            %swap3A_480 = arith.constant 2 : i32
            %swap3A_481 = arith.index_cast %and3A_104 : i32 to index
            %swap3A_482 = arith.index_cast %shift_right_arithmetic3A_398 : i32 to index
            %swap3A_483 = arith.index_cast %swap3A_480 : i32 to index
            %swap3A_484 = arith.index_cast %mul3A_402 : i32 to index
            %swap3A_485 = tpu.vector_load %arg9[%swap3A_481, %swap3A_482, %swap3A_483, %swap3A_484] {strides = array<i32>} : memref<2x10x4x128xi32, #tpu.memory_space<vmem>>, vector<16xi32>,
            tpu.vector_store %arg9[%swap3A_481, %swap3A_482, %swap3A_483, %swap3A_484], %convert_element_type3A_479 {strides = array<i32>} : memref<2x10x4x128xi32, #tpu.memory_space<vmem>>, vector<16xi32>,
            %sub3A_486 = arith.constant 0.000000e+00 : f32
            %sub3A_487 = vector.broadcast %sub3A_486 : f32 to vector<16xf32>
            %sub3A_488 = arith.subf %gather3A_410, %sub3A_487 : vector<16xf32>
            %mul3A_489 = arith.constant 2.500000e+00 : f32
            %mul3A_490 = vector.broadcast %mul3A_489 : f32 to vector<16xf32>
            %mul3A_491 = arith.mulf %sub3A_488, %mul3A_490 : vector<16xf32>
            %convert_element_type3A_492 = arith.fptosi %mul3A_491 : vector<16xf32> to vector<16xi32>
            %swap3A_493 = arith.constant 3 : i32
            %swap3A_494 = arith.index_cast %and3A_104 : i32 to index
            %swap3A_495 = arith.index_cast %shift_right_arithmetic3A_398 : i32 to index
            %swap3A_496 = arith.index_cast %swap3A_493 : i32 to index
            %swap3A_497 = arith.index_cast %mul3A_402 : i32 to index
            %swap3A_498 = tpu.vector_load %arg9[%swap3A_494, %swap3A_495, %swap3A_496, %swap3A_497] {strides = array<i32>} : memref<2x10x4x128xi32, #tpu.memory_space<vmem>>, vector<16xi32>,
            tpu.vector_store %arg9[%swap3A_494, %swap3A_495, %swap3A_496, %swap3A_497], %convert_element_type3A_492 {strides = array<i32>} : memref<2x10x4x128xi32, #tpu.memory_space<vmem>>, vector<16xi32>,
            %add3A_499 = arith.constant 16 : i32
            %add3A_500 = vector.broadcast %add3A_499 : i32 to vector<16xi32>
            %add3A_501 = arith.addi %add3A_394, %add3A_500 : vector<16xi32>
            %scan3A_502 = arith.constant 2 : i32
            %scan3A_503 = arith.addi %scan3A_291, %scan3A_502 : i32
            %shift_right_arithmetic3A_504 = arith.constant 3 : i32
            %shift_right_arithmetic3A_505 = arith.shrsi %scan3A_503, %shift_right_arithmetic3A_504 : i32
            %and3A_506 = arith.constant 7 : i32
            %and3A_507 = arith.andi %scan3A_503, %and3A_506 : i32
            %mul3A_508 = arith.constant 16 : i32
            %mul3A_509 = arith.muli %and3A_507, %mul3A_508 : i32
            %ge3A_510 = arith.cmpi sge, %add3A_501, %broadcast_in_dim3A_222 : vector<16xi32>
            %convert_element_type3A_511 = arith.extui %ge3A_510 : vector<16xi1> to vector<16xi32>
            %sub3A_512 = arith.subi %add3A_501, %broadcast_in_dim3A_222 : vector<16xi32>
            %sub3A_513 = arith.subi %add3A_501, %broadcast_in_dim3A_223 : vector<16xi32>
            %select_n3A_514 = arith.select %ge3A_510, %sub3A_512, %sub3A_513 : vector<16xi1>, vector<16xi32>
            %broadcast_in_dim3A_515 = arith.constant 0 : i32
            %broadcast_in_dim3A_516 = vector.broadcast %broadcast_in_dim3A_515 : i32 to vector<16xi32>
            %gather3A_517 = tpu.vector_load_idx %arg6[%broadcast_in_dim3A_224, %convert_element_type3A_511, %broadcast_in_dim3A_516, %select_n3A_514] : memref<2x2x4x1408xf32, #tpu.memory_space<vmem>>[vector<16xi32>, vector<16xi32>, vector<16xi32>, vector<16xi32>], vector<16xf32>,
            %swap3A_518 = arith.constant 0 : i32
            %swap3A_519 = arith.index_cast %and3A_104 : i32 to index
            %swap3A_520 = arith.index_cast %shift_right_arithmetic3A_505 : i32 to index
            %swap3A_521 = arith.index_cast %swap3A_518 : i32 to index
            %swap3A_522 = arith.index_cast %mul3A_509 : i32 to index
            %swap3A_523 = tpu.vector_load %arg8[%swap3A_519, %swap3A_520, %swap3A_521, %swap3A_522] {strides = array<i32>} : memref<2x10x8x128xf32, #tpu.memory_space<vmem>>, vector<16xf32>,
            tpu.vector_store %arg8[%swap3A_519, %swap3A_520, %swap3A_521, %swap3A_522], %gather3A_517 {strides = array<i32>} : memref<2x10x8x128xf32, #tpu.memory_space<vmem>>, vector<16xf32>,
            %broadcast_in_dim3A_524 = arith.constant 1 : i32
            %broadcast_in_dim3A_525 = vector.broadcast %broadcast_in_dim3A_524 : i32 to vector<16xi32>
            %gather3A_526 = tpu.vector_load_idx %arg6[%broadcast_in_dim3A_224, %convert_element_type3A_511, %broadcast_in_dim3A_525, %select_n3A_514] : memref<2x2x4x1408xf32, #tpu.memory_space<vmem>>[vector<16xi32>, vector<16xi32>, vector<16xi32>, vector<16xi32>], vector<16xf32>,
            %swap3A_527 = arith.constant 1 : i32
            %swap3A_528 = arith.index_cast %and3A_104 : i32 to index
            %swap3A_529 = arith.index_cast %shift_right_arithmetic3A_505 : i32 to index
            %swap3A_530 = arith.index_cast %swap3A_527 : i32 to index
            %swap3A_531 = arith.index_cast %mul3A_509 : i32 to index
            %swap3A_532 = tpu.vector_load %arg8[%swap3A_528, %swap3A_529, %swap3A_530, %swap3A_531] {strides = array<i32>} : memref<2x10x8x128xf32, #tpu.memory_space<vmem>>, vector<16xf32>,
            tpu.vector_store %arg8[%swap3A_528, %swap3A_529, %swap3A_530, %swap3A_531], %gather3A_526 {strides = array<i32>} : memref<2x10x8x128xf32, #tpu.memory_space<vmem>>, vector<16xf32>,
            %broadcast_in_dim3A_533 = arith.constant 2 : i32
            %broadcast_in_dim3A_534 = vector.broadcast %broadcast_in_dim3A_533 : i32 to vector<16xi32>
            %gather3A_535 = tpu.vector_load_idx %arg6[%broadcast_in_dim3A_224, %convert_element_type3A_511, %broadcast_in_dim3A_534, %select_n3A_514] : memref<2x2x4x1408xf32, #tpu.memory_space<vmem>>[vector<16xi32>, vector<16xi32>, vector<16xi32>, vector<16xi32>], vector<16xf32>,
            %swap3A_536 = arith.constant 2 : i32
            %swap3A_537 = arith.index_cast %and3A_104 : i32 to index
            %swap3A_538 = arith.index_cast %shift_right_arithmetic3A_505 : i32 to index
            %swap3A_539 = arith.index_cast %swap3A_536 : i32 to index
            %swap3A_540 = arith.index_cast %mul3A_509 : i32 to index
            %swap3A_541 = tpu.vector_load %arg8[%swap3A_537, %swap3A_538, %swap3A_539, %swap3A_540] {strides = array<i32>} : memref<2x10x8x128xf32, #tpu.memory_space<vmem>>, vector<16xf32>,
            tpu.vector_store %arg8[%swap3A_537, %swap3A_538, %swap3A_539, %swap3A_540], %gather3A_535 {strides = array<i32>} : memref<2x10x8x128xf32, #tpu.memory_space<vmem>>, vector<16xf32>,
            %broadcast_in_dim3A_542 = arith.constant 3 : i32
            %broadcast_in_dim3A_543 = vector.broadcast %broadcast_in_dim3A_542 : i32 to vector<16xi32>
            %gather3A_544 = tpu.vector_load_idx %arg6[%broadcast_in_dim3A_224, %convert_element_type3A_511, %broadcast_in_dim3A_543, %select_n3A_514] : memref<2x2x4x1408xf32, #tpu.memory_space<vmem>>[vector<16xi32>, vector<16xi32>, vector<16xi32>, vector<16xi32>], vector<16xf32>,
            %swap3A_545 = arith.constant 3 : i32
            %swap3A_546 = arith.index_cast %and3A_104 : i32 to index
            %swap3A_547 = arith.index_cast %shift_right_arithmetic3A_505 : i32 to index
            %swap3A_548 = arith.index_cast %swap3A_545 : i32 to index
            %swap3A_549 = arith.index_cast %mul3A_509 : i32 to index
            %swap3A_550 = tpu.vector_load %arg8[%swap3A_546, %swap3A_547, %swap3A_548, %swap3A_549] {strides = array<i32>} : memref<2x10x8x128xf32, #tpu.memory_space<vmem>>, vector<16xf32>,
            tpu.vector_store %arg8[%swap3A_546, %swap3A_547, %swap3A_548, %swap3A_549], %gather3A_544 {strides = array<i32>} : memref<2x10x8x128xf32, #tpu.memory_space<vmem>>, vector<16xf32>,
            %broadcast_in_dim3A_551 = arith.constant 3 : i32
            %broadcast_in_dim3A_552 = vector.broadcast %broadcast_in_dim3A_551 : i32 to vector<16xi32>
            %gather3A_553 = tpu.vector_load_idx %arg7[%broadcast_in_dim3A_224, %convert_element_type3A_511, %broadcast_in_dim3A_552, %select_n3A_514] : memref<2x2x4x1408xf32, #tpu.memory_space<vmem>>[vector<16xi32>, vector<16xi32>, vector<16xi32>, vector<16xi32>], vector<16xf32>,
            %swap3A_554 = arith.constant 4 : i32
            %swap3A_555 = arith.index_cast %and3A_104 : i32 to index
            %swap3A_556 = arith.index_cast %shift_right_arithmetic3A_505 : i32 to index
            %swap3A_557 = arith.index_cast %swap3A_554 : i32 to index
            %swap3A_558 = arith.index_cast %mul3A_509 : i32 to index
            %swap3A_559 = tpu.vector_load %arg8[%swap3A_555, %swap3A_556, %swap3A_557, %swap3A_558] {strides = array<i32>} : memref<2x10x8x128xf32, #tpu.memory_space<vmem>>, vector<16xf32>,
            tpu.vector_store %arg8[%swap3A_555, %swap3A_556, %swap3A_557, %swap3A_558], %gather3A_553 {strides = array<i32>} : memref<2x10x8x128xf32, #tpu.memory_space<vmem>>, vector<16xf32>,
            %select_n3A_560 = arith.select %ge3A_510, %broadcast_in_dim3A_221, %broadcast_in_dim3A : vector<16xi1>, vector<16xi32>
            %swap3A_561 = arith.constant 0 : i32
            %swap3A_562 = arith.index_cast %and3A_104 : i32 to index
            %swap3A_563 = arith.index_cast %shift_right_arithmetic3A_505 : i32 to index
            %swap3A_564 = arith.index_cast %swap3A_561 : i32 to index
            %swap3A_565 = arith.index_cast %mul3A_509 : i32 to index
            %swap3A_566 = tpu.vector_load %arg9[%swap3A_562, %swap3A_563, %swap3A_564, %swap3A_565] {strides = array<i32>} : memref<2x10x4x128xi32, #tpu.memory_space<vmem>>, vector<16xi32>,
            tpu.vector_store %arg9[%swap3A_562, %swap3A_563, %swap3A_564, %swap3A_565], %select_n3A_560 {strides = array<i32>} : memref<2x10x4x128xi32, #tpu.memory_space<vmem>>, vector<16xi32>,
            %sub3A_567 = arith.constant -2.000000e+00 : f32
            %sub3A_568 = vector.broadcast %sub3A_567 : f32 to vector<16xf32>
            %sub3A_569 = arith.subf %gather3A_535, %sub3A_568 : vector<16xf32>
            %mul3A_570 = arith.constant 2.500000e+00 : f32
            %mul3A_571 = vector.broadcast %mul3A_570 : f32 to vector<16xf32>
            %mul3A_572 = arith.mulf %sub3A_569, %mul3A_571 : vector<16xf32>
            %convert_element_type3A_573 = arith.fptosi %mul3A_572 : vector<16xf32> to vector<16xi32>
            %swap3A_574 = arith.constant 1 : i32
            %swap3A_575 = arith.index_cast %and3A_104 : i32 to index
            %swap3A_576 = arith.index_cast %shift_right_arithmetic3A_505 : i32 to index
            %swap3A_577 = arith.index_cast %swap3A_574 : i32 to index
            %swap3A_578 = arith.index_cast %mul3A_509 : i32 to index
            %swap3A_579 = tpu.vector_load %arg9[%swap3A_575, %swap3A_576, %swap3A_577, %swap3A_578] {strides = array<i32>} : memref<2x10x4x128xi32, #tpu.memory_space<vmem>>, vector<16xi32>,
            tpu.vector_store %arg9[%swap3A_575, %swap3A_576, %swap3A_577, %swap3A_578], %convert_element_type3A_573 {strides = array<i32>} : memref<2x10x4x128xi32, #tpu.memory_space<vmem>>, vector<16xi32>,
            %sub3A_580 = arith.constant -1.600000e+01 : f32
            %sub3A_581 = vector.broadcast %sub3A_580 : f32 to vector<16xf32>
            %sub3A_582 = arith.subf %gather3A_526, %sub3A_581 : vector<16xf32>
            %mul3A_583 = arith.constant 2.500000e+00 : f32
            %mul3A_584 = vector.broadcast %mul3A_583 : f32 to vector<16xf32>
            %mul3A_585 = arith.mulf %sub3A_582, %mul3A_584 : vector<16xf32>
            %convert_element_type3A_586 = arith.fptosi %mul3A_585 : vector<16xf32> to vector<16xi32>
            %swap3A_587 = arith.constant 2 : i32
            %swap3A_588 = arith.index_cast %and3A_104 : i32 to index
            %swap3A_589 = arith.index_cast %shift_right_arithmetic3A_505 : i32 to index
            %swap3A_590 = arith.index_cast %swap3A_587 : i32 to index
            %swap3A_591 = arith.index_cast %mul3A_509 : i32 to index
            %swap3A_592 = tpu.vector_load %arg9[%swap3A_588, %swap3A_589, %swap3A_590, %swap3A_591] {strides = array<i32>} : memref<2x10x4x128xi32, #tpu.memory_space<vmem>>, vector<16xi32>,
            tpu.vector_store %arg9[%swap3A_588, %swap3A_589, %swap3A_590, %swap3A_591], %convert_element_type3A_586 {strides = array<i32>} : memref<2x10x4x128xi32, #tpu.memory_space<vmem>>, vector<16xi32>,
            %sub3A_593 = arith.constant 0.000000e+00 : f32
            %sub3A_594 = vector.broadcast %sub3A_593 : f32 to vector<16xf32>
            %sub3A_595 = arith.subf %gather3A_517, %sub3A_594 : vector<16xf32>
            %mul3A_596 = arith.constant 2.500000e+00 : f32
            %mul3A_597 = vector.broadcast %mul3A_596 : f32 to vector<16xf32>
            %mul3A_598 = arith.mulf %sub3A_595, %mul3A_597 : vector<16xf32>
            %convert_element_type3A_599 = arith.fptosi %mul3A_598 : vector<16xf32> to vector<16xi32>
            %swap3A_600 = arith.constant 3 : i32
            %swap3A_601 = arith.index_cast %and3A_104 : i32 to index
            %swap3A_602 = arith.index_cast %shift_right_arithmetic3A_505 : i32 to index
            %swap3A_603 = arith.index_cast %swap3A_600 : i32 to index
            %swap3A_604 = arith.index_cast %mul3A_509 : i32 to index
            %swap3A_605 = tpu.vector_load %arg9[%swap3A_601, %swap3A_602, %swap3A_603, %swap3A_604] {strides = array<i32>} : memref<2x10x4x128xi32, #tpu.memory_space<vmem>>, vector<16xi32>,
            tpu.vector_store %arg9[%swap3A_601, %swap3A_602, %swap3A_603, %swap3A_604], %convert_element_type3A_599 {strides = array<i32>} : memref<2x10x4x128xi32, #tpu.memory_space<vmem>>, vector<16xi32>,
            %add3A_606 = arith.constant 16 : i32
            %add3A_607 = vector.broadcast %add3A_606 : i32 to vector<16xi32>
            %add3A_608 = arith.addi %add3A_501, %add3A_607 : vector<16xi32>
            %scan3A_609 = arith.constant 3 : i32
            %scan3A_610 = arith.addi %scan3A_291, %scan3A_609 : i32
            %shift_right_arithmetic3A_611 = arith.constant 3 : i32
            %shift_right_arithmetic3A_612 = arith.shrsi %scan3A_610, %shift_right_arithmetic3A_611 : i32
            %and3A_613 = arith.constant 7 : i32
            %and3A_614 = arith.andi %scan3A_610, %and3A_613 : i32
            %mul3A_615 = arith.constant 16 : i32
            %mul3A_616 = arith.muli %and3A_614, %mul3A_615 : i32
            %ge3A_617 = arith.cmpi sge, %add3A_608, %broadcast_in_dim3A_222 : vector<16xi32>
            %convert_element_type3A_618 = arith.extui %ge3A_617 : vector<16xi1> to vector<16xi32>
            %sub3A_619 = arith.subi %add3A_608, %broadcast_in_dim3A_222 : vector<16xi32>
            %sub3A_620 = arith.subi %add3A_608, %broadcast_in_dim3A_223 : vector<16xi32>
            %select_n3A_621 = arith.select %ge3A_617, %sub3A_619, %sub3A_620 : vector<16xi1>, vector<16xi32>
            %broadcast_in_dim3A_622 = arith.constant 0 : i32
            %broadcast_in_dim3A_623 = vector.broadcast %broadcast_in_dim3A_622 : i32 to vector<16xi32>
            %gather3A_624 = tpu.vector_load_idx %arg6[%broadcast_in_dim3A_224, %convert_element_type3A_618, %broadcast_in_dim3A_623, %select_n3A_621] : memref<2x2x4x1408xf32, #tpu.memory_space<vmem>>[vector<16xi32>, vector<16xi32>, vector<16xi32>, vector<16xi32>], vector<16xf32>,
            %swap3A_625 = arith.constant 0 : i32
            %swap3A_626 = arith.index_cast %and3A_104 : i32 to index
            %swap3A_627 = arith.index_cast %shift_right_arithmetic3A_612 : i32 to index
            %swap3A_628 = arith.index_cast %swap3A_625 : i32 to index
            %swap3A_629 = arith.index_cast %mul3A_616 : i32 to index
            %swap3A_630 = tpu.vector_load %arg8[%swap3A_626, %swap3A_627, %swap3A_628, %swap3A_629] {strides = array<i32>} : memref<2x10x8x128xf32, #tpu.memory_space<vmem>>, vector<16xf32>,
            tpu.vector_store %arg8[%swap3A_626, %swap3A_627, %swap3A_628, %swap3A_629], %gather3A_624 {strides = array<i32>} : memref<2x10x8x128xf32, #tpu.memory_space<vmem>>, vector<16xf32>,
            %broadcast_in_dim3A_631 = arith.constant 1 : i32
            %broadcast_in_dim3A_632 = vector.broadcast %broadcast_in_dim3A_631 : i32 to vector<16xi32>
            %gather3A_633 = tpu.vector_load_idx %arg6[%broadcast_in_dim3A_224, %convert_element_type3A_618, %broadcast_in_dim3A_632, %select_n3A_621] : memref<2x2x4x1408xf32, #tpu.memory_space<vmem>>[vector<16xi32>, vector<16xi32>, vector<16xi32>, vector<16xi32>], vector<16xf32>,
            %swap3A_634 = arith.constant 1 : i32
            %swap3A_635 = arith.index_cast %and3A_104 : i32 to index
            %swap3A_636 = arith.index_cast %shift_right_arithmetic3A_612 : i32 to index
            %swap3A_637 = arith.index_cast %swap3A_634 : i32 to index
            %swap3A_638 = arith.index_cast %mul3A_616 : i32 to index
            %swap3A_639 = tpu.vector_load %arg8[%swap3A_635, %swap3A_636, %swap3A_637, %swap3A_638] {strides = array<i32>} : memref<2x10x8x128xf32, #tpu.memory_space<vmem>>, vector<16xf32>,
            tpu.vector_store %arg8[%swap3A_635, %swap3A_636, %swap3A_637, %swap3A_638], %gather3A_633 {strides = array<i32>} : memref<2x10x8x128xf32, #tpu.memory_space<vmem>>, vector<16xf32>,
            %broadcast_in_dim3A_640 = arith.constant 2 : i32
            %broadcast_in_dim3A_641 = vector.broadcast %broadcast_in_dim3A_640 : i32 to vector<16xi32>
            %gather3A_642 = tpu.vector_load_idx %arg6[%broadcast_in_dim3A_224, %convert_element_type3A_618, %broadcast_in_dim3A_641, %select_n3A_621] : memref<2x2x4x1408xf32, #tpu.memory_space<vmem>>[vector<16xi32>, vector<16xi32>, vector<16xi32>, vector<16xi32>], vector<16xf32>,
            %swap3A_643 = arith.constant 2 : i32
            %swap3A_644 = arith.index_cast %and3A_104 : i32 to index
            %swap3A_645 = arith.index_cast %shift_right_arithmetic3A_612 : i32 to index
            %swap3A_646 = arith.index_cast %swap3A_643 : i32 to index
            %swap3A_647 = arith.index_cast %mul3A_616 : i32 to index
            %swap3A_648 = tpu.vector_load %arg8[%swap3A_644, %swap3A_645, %swap3A_646, %swap3A_647] {strides = array<i32>} : memref<2x10x8x128xf32, #tpu.memory_space<vmem>>, vector<16xf32>,
            tpu.vector_store %arg8[%swap3A_644, %swap3A_645, %swap3A_646, %swap3A_647], %gather3A_642 {strides = array<i32>} : memref<2x10x8x128xf32, #tpu.memory_space<vmem>>, vector<16xf32>,
            %broadcast_in_dim3A_649 = arith.constant 3 : i32
            %broadcast_in_dim3A_650 = vector.broadcast %broadcast_in_dim3A_649 : i32 to vector<16xi32>
            %gather3A_651 = tpu.vector_load_idx %arg6[%broadcast_in_dim3A_224, %convert_element_type3A_618, %broadcast_in_dim3A_650, %select_n3A_621] : memref<2x2x4x1408xf32, #tpu.memory_space<vmem>>[vector<16xi32>, vector<16xi32>, vector<16xi32>, vector<16xi32>], vector<16xf32>,
            %swap3A_652 = arith.constant 3 : i32
            %swap3A_653 = arith.index_cast %and3A_104 : i32 to index
            %swap3A_654 = arith.index_cast %shift_right_arithmetic3A_612 : i32 to index
            %swap3A_655 = arith.index_cast %swap3A_652 : i32 to index
            %swap3A_656 = arith.index_cast %mul3A_616 : i32 to index
            %swap3A_657 = tpu.vector_load %arg8[%swap3A_653, %swap3A_654, %swap3A_655, %swap3A_656] {strides = array<i32>} : memref<2x10x8x128xf32, #tpu.memory_space<vmem>>, vector<16xf32>,
            tpu.vector_store %arg8[%swap3A_653, %swap3A_654, %swap3A_655, %swap3A_656], %gather3A_651 {strides = array<i32>} : memref<2x10x8x128xf32, #tpu.memory_space<vmem>>, vector<16xf32>,
            %broadcast_in_dim3A_658 = arith.constant 3 : i32
            %broadcast_in_dim3A_659 = vector.broadcast %broadcast_in_dim3A_658 : i32 to vector<16xi32>
            %gather3A_660 = tpu.vector_load_idx %arg7[%broadcast_in_dim3A_224, %convert_element_type3A_618, %broadcast_in_dim3A_659, %select_n3A_621] : memref<2x2x4x1408xf32, #tpu.memory_space<vmem>>[vector<16xi32>, vector<16xi32>, vector<16xi32>, vector<16xi32>], vector<16xf32>,
            %swap3A_661 = arith.constant 4 : i32
            %swap3A_662 = arith.index_cast %and3A_104 : i32 to index
            %swap3A_663 = arith.index_cast %shift_right_arithmetic3A_612 : i32 to index
            %swap3A_664 = arith.index_cast %swap3A_661 : i32 to index
            %swap3A_665 = arith.index_cast %mul3A_616 : i32 to index
            %swap3A_666 = tpu.vector_load %arg8[%swap3A_662, %swap3A_663, %swap3A_664, %swap3A_665] {strides = array<i32>} : memref<2x10x8x128xf32, #tpu.memory_space<vmem>>, vector<16xf32>,
            tpu.vector_store %arg8[%swap3A_662, %swap3A_663, %swap3A_664, %swap3A_665], %gather3A_660 {strides = array<i32>} : memref<2x10x8x128xf32, #tpu.memory_space<vmem>>, vector<16xf32>,
            %select_n3A_667 = arith.select %ge3A_617, %broadcast_in_dim3A_221, %broadcast_in_dim3A : vector<16xi1>, vector<16xi32>
            %swap3A_668 = arith.constant 0 : i32
            %swap3A_669 = arith.index_cast %and3A_104 : i32 to index
            %swap3A_670 = arith.index_cast %shift_right_arithmetic3A_612 : i32 to index
            %swap3A_671 = arith.index_cast %swap3A_668 : i32 to index
            %swap3A_672 = arith.index_cast %mul3A_616 : i32 to index
            %swap3A_673 = tpu.vector_load %arg9[%swap3A_669, %swap3A_670, %swap3A_671, %swap3A_672] {strides = array<i32>} : memref<2x10x4x128xi32, #tpu.memory_space<vmem>>, vector<16xi32>,
            tpu.vector_store %arg9[%swap3A_669, %swap3A_670, %swap3A_671, %swap3A_672], %select_n3A_667 {strides = array<i32>} : memref<2x10x4x128xi32, #tpu.memory_space<vmem>>, vector<16xi32>,
            %sub3A_674 = arith.constant -2.000000e+00 : f32
            %sub3A_675 = vector.broadcast %sub3A_674 : f32 to vector<16xf32>
            %sub3A_676 = arith.subf %gather3A_642, %sub3A_675 : vector<16xf32>
            %mul3A_677 = arith.constant 2.500000e+00 : f32
            %mul3A_678 = vector.broadcast %mul3A_677 : f32 to vector<16xf32>
            %mul3A_679 = arith.mulf %sub3A_676, %mul3A_678 : vector<16xf32>
            %convert_element_type3A_680 = arith.fptosi %mul3A_679 : vector<16xf32> to vector<16xi32>
            %swap3A_681 = arith.constant 1 : i32
            %swap3A_682 = arith.index_cast %and3A_104 : i32 to index
            %swap3A_683 = arith.index_cast %shift_right_arithmetic3A_612 : i32 to index
            %swap3A_684 = arith.index_cast %swap3A_681 : i32 to index
            %swap3A_685 = arith.index_cast %mul3A_616 : i32 to index
            %swap3A_686 = tpu.vector_load %arg9[%swap3A_682, %swap3A_683, %swap3A_684, %swap3A_685] {strides = array<i32>} : memref<2x10x4x128xi32, #tpu.memory_space<vmem>>, vector<16xi32>,
            tpu.vector_store %arg9[%swap3A_682, %swap3A_683, %swap3A_684, %swap3A_685], %convert_element_type3A_680 {strides = array<i32>} : memref<2x10x4x128xi32, #tpu.memory_space<vmem>>, vector<16xi32>,
            %sub3A_687 = arith.constant -1.600000e+01 : f32
            %sub3A_688 = vector.broadcast %sub3A_687 : f32 to vector<16xf32>
            %sub3A_689 = arith.subf %gather3A_633, %sub3A_688 : vector<16xf32>
            %mul3A_690 = arith.constant 2.500000e+00 : f32
            %mul3A_691 = vector.broadcast %mul3A_690 : f32 to vector<16xf32>
            %mul3A_692 = arith.mulf %sub3A_689, %mul3A_691 : vector<16xf32>
            %convert_element_type3A_693 = arith.fptosi %mul3A_692 : vector<16xf32> to vector<16xi32>
            %swap3A_694 = arith.constant 2 : i32
            %swap3A_695 = arith.index_cast %and3A_104 : i32 to index
            %swap3A_696 = arith.index_cast %shift_right_arithmetic3A_612 : i32 to index
            %swap3A_697 = arith.index_cast %swap3A_694 : i32 to index
            %swap3A_698 = arith.index_cast %mul3A_616 : i32 to index
            %swap3A_699 = tpu.vector_load %arg9[%swap3A_695, %swap3A_696, %swap3A_697, %swap3A_698] {strides = array<i32>} : memref<2x10x4x128xi32, #tpu.memory_space<vmem>>, vector<16xi32>,
            tpu.vector_store %arg9[%swap3A_695, %swap3A_696, %swap3A_697, %swap3A_698], %convert_element_type3A_693 {strides = array<i32>} : memref<2x10x4x128xi32, #tpu.memory_space<vmem>>, vector<16xi32>,
            %sub3A_700 = arith.constant 0.000000e+00 : f32
            %sub3A_701 = vector.broadcast %sub3A_700 : f32 to vector<16xf32>
            %sub3A_702 = arith.subf %gather3A_624, %sub3A_701 : vector<16xf32>
            %mul3A_703 = arith.constant 2.500000e+00 : f32
            %mul3A_704 = vector.broadcast %mul3A_703 : f32 to vector<16xf32>
            %mul3A_705 = arith.mulf %sub3A_702, %mul3A_704 : vector<16xf32>
            %convert_element_type3A_706 = arith.fptosi %mul3A_705 : vector<16xf32> to vector<16xi32>
            %swap3A_707 = arith.constant 3 : i32
            %swap3A_708 = arith.index_cast %and3A_104 : i32 to index
            %swap3A_709 = arith.index_cast %shift_right_arithmetic3A_612 : i32 to index
            %swap3A_710 = arith.index_cast %swap3A_707 : i32 to index
            %swap3A_711 = arith.index_cast %mul3A_616 : i32 to index
            %swap3A_712 = tpu.vector_load %arg9[%swap3A_708, %swap3A_709, %swap3A_710, %swap3A_711] {strides = array<i32>} : memref<2x10x4x128xi32, #tpu.memory_space<vmem>>, vector<16xi32>,
            tpu.vector_store %arg9[%swap3A_708, %swap3A_709, %swap3A_710, %swap3A_711], %convert_element_type3A_706 {strides = array<i32>} : memref<2x10x4x128xi32, #tpu.memory_space<vmem>>, vector<16xi32>,
            %add3A_713 = arith.constant 16 : i32
            %add3A_714 = vector.broadcast %add3A_713 : i32 to vector<16xi32>
            %add3A_715 = arith.addi %add3A_608, %add3A_714 : vector<16xi32>
            scf.yield %add3A_715 : vector<16xi32>
          }
          %scan3A_290 = arith.constant 80 : i32
        } else {
        }
        %mul3A_245 = arith.constant 32 : i32
        %mul3A_246 = arith.muli %mul3A_245, %scan3A_54 : i32
        %add3A_247 = arith.addi %add3A, %mul3A_246 : i32
        %mul3A_248 = arith.constant 10 : i32
        %mul3A_249 = arith.muli %add3A_247, %mul3A_248 : i32
        %and3A_250 = arith.constant 1 : i32
        %and3A_251 = arith.andi %scan3A_54, %and3A_250 : i32
        %dma_start3A = arith.constant 0 : i32
        %dma_start3A_252 = arith.constant 0 : i32
        %dma_start3A_253 = arith.constant 0 : i32
        %dma_start3A_254 = tpu.memref_slice %arg8[%and3A_251, %dma_start3A, %dma_start3A_252, %dma_start3A_253] : memref<2x10x8x128xf32, #tpu.memory_space<vmem>> -> memref<1x10x8x128xf32, #tpu.memory_space<vmem>>
        %dma_start3A_255 = tpu.memref_squeeze %dma_start3A_254 : memref<1x10x8x128xf32, #tpu.memory_space<vmem>> -> memref<10x8x128xf32, #tpu.memory_space<vmem>>
        %dma_start3A_256 = arith.constant 0 : i32
        %dma_start3A_257 = arith.constant 0 : i32
        %dma_start3A_258 = tpu.memref_slice %arg4[%mul3A_249, %dma_start3A_256, %dma_start3A_257] : memref<31250x8x128xf32, #tpu.memory_space<hbm>> -> memref<10x8x128xf32, #tpu.memory_space<hbm>>
        %dma_start3A_259 = arith.constant 0 : i32
        %dma_start3A_260 = arith.constant 0 : i32
        %dma_start3A_261 = tpu.memref_slice %arg4[%mul3A_249, %dma_start3A_259, %dma_start3A_260] : memref<31250x8x128xf32, #tpu.memory_space<hbm>> -> memref<10x8x128xf32, #tpu.memory_space<hbm>>
        %dma_start3A_262 = arith.constant 0 : i32
        %dma_start3A_263 = arith.constant 0 : i32
        %dma_start3A_264 = arith.constant 0 : i32
        %dma_start3A_265 = tpu.memref_slice %arg8[%and3A_251, %dma_start3A_262, %dma_start3A_263, %dma_start3A_264] : memref<2x10x8x128xf32, #tpu.memory_space<vmem>> -> memref<1x10x8x128xf32, #tpu.memory_space<vmem>>
        %dma_start3A_266 = tpu.memref_squeeze %dma_start3A_265 : memref<1x10x8x128xf32, #tpu.memory_space<vmem>> -> memref<10x8x128xf32, #tpu.memory_space<vmem>>
        tpu.enqueue_dma source(%dma_start3A_266 : memref<10x8x128xf32, #tpu.memory_space<vmem>>) target(%dma_start3A_261 : memref<10x8x128xf32, #tpu.memory_space<hbm>>) target_semaphore(%arg11 : memref<!tpu.dma_semaphore, #tpu.memory_space<semaphore_mem>>)
        %dma_start3A_267 = arith.constant 0 : i32
        %dma_start3A_268 = arith.constant 0 : i32
        %dma_start3A_269 = arith.constant 0 : i32
        %dma_start3A_270 = tpu.memref_slice %arg9[%and3A_251, %dma_start3A_267, %dma_start3A_268, %dma_start3A_269] : memref<2x10x4x128xi32, #tpu.memory_space<vmem>> -> memref<1x10x4x128xi32, #tpu.memory_space<vmem>>
        %dma_start3A_271 = tpu.memref_squeeze %dma_start3A_270 : memref<1x10x4x128xi32, #tpu.memory_space<vmem>> -> memref<10x4x128xi32, #tpu.memory_space<vmem>>
        %dma_start3A_272 = arith.constant 0 : i32
        %dma_start3A_273 = arith.constant 0 : i32
        %dma_start3A_274 = tpu.memref_slice %arg5[%mul3A_249, %dma_start3A_272, %dma_start3A_273] : memref<31250x4x128xi32, #tpu.memory_space<hbm>> -> memref<10x4x128xi32, #tpu.memory_space<hbm>>
        %dma_start3A_275 = arith.constant 0 : i32
        %dma_start3A_276 = arith.constant 0 : i32
        %dma_start3A_277 = tpu.memref_slice %arg5[%mul3A_249, %dma_start3A_275, %dma_start3A_276] : memref<31250x4x128xi32, #tpu.memory_space<hbm>> -> memref<10x4x128xi32, #tpu.memory_space<hbm>>
        %dma_start3A_278 = arith.constant 0 : i32
        %dma_start3A_279 = arith.constant 0 : i32
        %dma_start3A_280 = arith.constant 0 : i32
        %dma_start3A_281 = tpu.memref_slice %arg9[%and3A_251, %dma_start3A_278, %dma_start3A_279, %dma_start3A_280] : memref<2x10x4x128xi32, #tpu.memory_space<vmem>> -> memref<1x10x4x128xi32, #tpu.memory_space<vmem>>
        %dma_start3A_282 = tpu.memref_squeeze %dma_start3A_281 : memref<1x10x4x128xi32, #tpu.memory_space<vmem>> -> memref<10x4x128xi32, #tpu.memory_space<vmem>>
        tpu.enqueue_dma source(%dma_start3A_282 : memref<10x4x128xi32, #tpu.memory_space<vmem>>) target(%dma_start3A_277 : memref<10x4x128xi32, #tpu.memory_space<hbm>>) target_semaphore(%arg11 : memref<!tpu.dma_semaphore, #tpu.memory_space<semaphore_mem>>)
      } else {
      }
      %scan3A_110 = arith.constant 0 : i32
      scf.yield %scan3A_110 : i32
    }
    %scan3A_10 = arith.constant 98 : i32
    %sub3A = arith.constant 3124 : i32
    %sub3A_11 = arith.subi %sub3A, %add3A : i32
    %shift_right_arithmetic3A = arith.constant 5 : i32
    %shift_right_arithmetic3A_12 = arith.shrsi %sub3A_11, %shift_right_arithmetic3A : i32
    %ge3A = arith.constant 1 : i32
    %ge3A_13 = arith.cmpi sge, %shift_right_arithmetic3A_12, %ge3A : i32
    %convert_element_type3A_14 = arith.extui %ge3A_13 : i1 to i32
    %cond3A_15 = arith.constant 0 : i32
    %cond3A_16 = arith.cmpi ne, %convert_element_type3A_14, %cond3A_15 : i32
    scf.if %cond3A_16 {
      %sub3A_54 = arith.constant 1 : i32
      %sub3A_55 = arith.subi %shift_right_arithmetic3A_12, %sub3A_54 : i32
      %mul3A_56 = arith.constant 32 : i32
      %mul3A_57 = arith.muli %mul3A_56, %sub3A_55 : i32
      %add3A_58 = arith.addi %add3A, %mul3A_57 : i32
      %mul3A_59 = arith.constant 10 : i32
      %mul3A_60 = arith.muli %add3A_58, %mul3A_59 : i32
      %and3A_61 = arith.constant 1 : i32
      %and3A_62 = arith.andi %sub3A_55, %and3A_61 : i32
      %dma_wait3A_63 = arith.constant 0 : i32
      %dma_wait3A_64 = arith.constant 0 : i32
      %dma_wait3A_65 = arith.constant 0 : i32
      %dma_wait3A_66 = tpu.memref_slice %arg8[%and3A_62, %dma_wait3A_63, %dma_wait3A_64, %dma_wait3A_65] : memref<2x10x8x128xf32, #tpu.memory_space<vmem>> -> memref<1x10x8x128xf32, #tpu.memory_space<vmem>>
      %dma_wait3A_67 = tpu.memref_squeeze %dma_wait3A_66 : memref<1x10x8x128xf32, #tpu.memory_space<vmem>> -> memref<10x8x128xf32, #tpu.memory_space<vmem>>
      %dma_wait3A_68 = arith.constant 0 : i32
      %dma_wait3A_69 = arith.constant 0 : i32
      %dma_wait3A_70 = tpu.memref_slice %arg4[%mul3A_60, %dma_wait3A_68, %dma_wait3A_69] : memref<31250x8x128xf32, #tpu.memory_space<hbm>> -> memref<10x8x128xf32, #tpu.memory_space<hbm>>
      %dma_wait3A_71 = arith.constant 0 : i32
      %dma_wait3A_72 = arith.constant 0 : i32
      %dma_wait3A_73 = tpu.memref_slice %arg4[%mul3A_60, %dma_wait3A_71, %dma_wait3A_72] : memref<31250x8x128xf32, #tpu.memory_space<hbm>> -> memref<10x8x128xf32, #tpu.memory_space<hbm>>
      %dma_wait3A_74 = arith.constant 0 : i32
      %dma_wait3A_75 = arith.constant 0 : i32
      %dma_wait3A_76 = arith.constant 0 : i32
      %dma_wait3A_77 = tpu.memref_slice %arg8[%and3A_62, %dma_wait3A_74, %dma_wait3A_75, %dma_wait3A_76] : memref<2x10x8x128xf32, #tpu.memory_space<vmem>> -> memref<1x10x8x128xf32, #tpu.memory_space<vmem>>
      %dma_wait3A_78 = tpu.memref_squeeze %dma_wait3A_77 : memref<1x10x8x128xf32, #tpu.memory_space<vmem>> -> memref<10x8x128xf32, #tpu.memory_space<vmem>>
      tpu.wait_dma2 semaphore(%arg11 : memref<!tpu.dma_semaphore, #tpu.memory_space<semaphore_mem>>) src(%dma_wait3A_78 : memref<10x8x128xf32, #tpu.memory_space<vmem>>) dst(%dma_wait3A_73 : memref<10x8x128xf32, #tpu.memory_space<hbm>>)
      %dma_wait3A_79 = arith.constant 0 : i32
      %dma_wait3A_80 = arith.constant 0 : i32
      %dma_wait3A_81 = arith.constant 0 : i32
      %dma_wait3A_82 = tpu.memref_slice %arg9[%and3A_62, %dma_wait3A_79, %dma_wait3A_80, %dma_wait3A_81] : memref<2x10x4x128xi32, #tpu.memory_space<vmem>> -> memref<1x10x4x128xi32, #tpu.memory_space<vmem>>
      %dma_wait3A_83 = tpu.memref_squeeze %dma_wait3A_82 : memref<1x10x4x128xi32, #tpu.memory_space<vmem>> -> memref<10x4x128xi32, #tpu.memory_space<vmem>>
      %dma_wait3A_84 = arith.constant 0 : i32
      %dma_wait3A_85 = arith.constant 0 : i32
      %dma_wait3A_86 = tpu.memref_slice %arg5[%mul3A_60, %dma_wait3A_84, %dma_wait3A_85] : memref<31250x4x128xi32, #tpu.memory_space<hbm>> -> memref<10x4x128xi32, #tpu.memory_space<hbm>>
      %dma_wait3A_87 = arith.constant 0 : i32
      %dma_wait3A_88 = arith.constant 0 : i32
      %dma_wait3A_89 = tpu.memref_slice %arg5[%mul3A_60, %dma_wait3A_87, %dma_wait3A_88] : memref<31250x4x128xi32, #tpu.memory_space<hbm>> -> memref<10x4x128xi32, #tpu.memory_space<hbm>>
      %dma_wait3A_90 = arith.constant 0 : i32
      %dma_wait3A_91 = arith.constant 0 : i32
      %dma_wait3A_92 = arith.constant 0 : i32
      %dma_wait3A_93 = tpu.memref_slice %arg9[%and3A_62, %dma_wait3A_90, %dma_wait3A_91, %dma_wait3A_92] : memref<2x10x4x128xi32, #tpu.memory_space<vmem>> -> memref<1x10x4x128xi32, #tpu.memory_space<vmem>>
      %dma_wait3A_94 = tpu.memref_squeeze %dma_wait3A_93 : memref<1x10x4x128xi32, #tpu.memory_space<vmem>> -> memref<10x4x128xi32, #tpu.memory_space<vmem>>
      tpu.wait_dma2 semaphore(%arg11 : memref<!tpu.dma_semaphore, #tpu.memory_space<semaphore_mem>>) src(%dma_wait3A_94 : memref<10x4x128xi32, #tpu.memory_space<vmem>>) dst(%dma_wait3A_89 : memref<10x4x128xi32, #tpu.memory_space<hbm>>)
    } else {
    }
    %mul3A_17 = arith.constant 32 : i32
    %mul3A_18 = arith.muli %mul3A_17, %shift_right_arithmetic3A_12 : i32
    %add3A_19 = arith.addi %add3A, %mul3A_18 : i32
    %mul3A_20 = arith.constant 10 : i32
    %mul3A_21 = arith.muli %add3A_19, %mul3A_20 : i32
    %and3A = arith.constant 1 : i32
    %and3A_22 = arith.andi %shift_right_arithmetic3A_12, %and3A : i32
    %dma_wait3A = arith.constant 0 : i32
    %dma_wait3A_23 = arith.constant 0 : i32
    %dma_wait3A_24 = arith.constant 0 : i32
    %dma_wait3A_25 = tpu.memref_slice %arg8[%and3A_22, %dma_wait3A, %dma_wait3A_23, %dma_wait3A_24] : memref<2x10x8x128xf32, #tpu.memory_space<vmem>> -> memref<1x10x8x128xf32, #tpu.memory_space<vmem>>
    %dma_wait3A_26 = tpu.memref_squeeze %dma_wait3A_25 : memref<1x10x8x128xf32, #tpu.memory_space<vmem>> -> memref<10x8x128xf32, #tpu.memory_space<vmem>>
    %dma_wait3A_27 = arith.constant 0 : i32
    %dma_wait3A_28 = arith.constant 0 : i32
    %dma_wait3A_29 = tpu.memref_slice %arg4[%mul3A_21, %dma_wait3A_27, %dma_wait3A_28] : memref<31250x8x128xf32, #tpu.memory_space<hbm>> -> memref<10x8x128xf32, #tpu.memory_space<hbm>>
    %dma_wait3A_30 = arith.constant 0 : i32
    %dma_wait3A_31 = arith.constant 0 : i32
    %dma_wait3A_32 = tpu.memref_slice %arg4[%mul3A_21, %dma_wait3A_30, %dma_wait3A_31] : memref<31250x8x128xf32, #tpu.memory_space<hbm>> -> memref<10x8x128xf32, #tpu.memory_space<hbm>>
    %dma_wait3A_33 = arith.constant 0 : i32
    %dma_wait3A_34 = arith.constant 0 : i32
    %dma_wait3A_35 = arith.constant 0 : i32
    %dma_wait3A_36 = tpu.memref_slice %arg8[%and3A_22, %dma_wait3A_33, %dma_wait3A_34, %dma_wait3A_35] : memref<2x10x8x128xf32, #tpu.memory_space<vmem>> -> memref<1x10x8x128xf32, #tpu.memory_space<vmem>>
    %dma_wait3A_37 = tpu.memref_squeeze %dma_wait3A_36 : memref<1x10x8x128xf32, #tpu.memory_space<vmem>> -> memref<10x8x128xf32, #tpu.memory_space<vmem>>
    tpu.wait_dma2 semaphore(%arg11 : memref<!tpu.dma_semaphore, #tpu.memory_space<semaphore_mem>>) src(%dma_wait3A_37 : memref<10x8x128xf32, #tpu.memory_space<vmem>>) dst(%dma_wait3A_32 : memref<10x8x128xf32, #tpu.memory_space<hbm>>)
    %dma_wait3A_38 = arith.constant 0 : i32
    %dma_wait3A_39 = arith.constant 0 : i32
    %dma_wait3A_40 = arith.constant 0 : i32
    %dma_wait3A_41 = tpu.memref_slice %arg9[%and3A_22, %dma_wait3A_38, %dma_wait3A_39, %dma_wait3A_40] : memref<2x10x4x128xi32, #tpu.memory_space<vmem>> -> memref<1x10x4x128xi32, #tpu.memory_space<vmem>>
    %dma_wait3A_42 = tpu.memref_squeeze %dma_wait3A_41 : memref<1x10x4x128xi32, #tpu.memory_space<vmem>> -> memref<10x4x128xi32, #tpu.memory_space<vmem>>
    %dma_wait3A_43 = arith.constant 0 : i32
    %dma_wait3A_44 = arith.constant 0 : i32
    %dma_wait3A_45 = tpu.memref_slice %arg5[%mul3A_21, %dma_wait3A_43, %dma_wait3A_44] : memref<31250x4x128xi32, #tpu.memory_space<hbm>> -> memref<10x4x128xi32, #tpu.memory_space<hbm>>
    %dma_wait3A_46 = arith.constant 0 : i32
    %dma_wait3A_47 = arith.constant 0 : i32
    %dma_wait3A_48 = tpu.memref_slice %arg5[%mul3A_21, %dma_wait3A_46, %dma_wait3A_47] : memref<31250x4x128xi32, #tpu.memory_space<hbm>> -> memref<10x4x128xi32, #tpu.memory_space<hbm>>
    %dma_wait3A_49 = arith.constant 0 : i32
    %dma_wait3A_50 = arith.constant 0 : i32
    %dma_wait3A_51 = arith.constant 0 : i32
    %dma_wait3A_52 = tpu.memref_slice %arg9[%and3A_22, %dma_wait3A_49, %dma_wait3A_50, %dma_wait3A_51] : memref<2x10x4x128xi32, #tpu.memory_space<vmem>> -> memref<1x10x4x128xi32, #tpu.memory_space<vmem>>
    %dma_wait3A_53 = tpu.memref_squeeze %dma_wait3A_52 : memref<1x10x4x128xi32, #tpu.memory_space<vmem>> -> memref<10x4x128xi32, #tpu.memory_space<vmem>>
    tpu.wait_dma2 semaphore(%arg11 : memref<!tpu.dma_semaphore, #tpu.memory_space<semaphore_mem>>) src(%dma_wait3A_53 : memref<10x4x128xi32, #tpu.memory_space<vmem>>) dst(%dma_wait3A_48 : memref<10x4x128xi32, #tpu.memory_space<hbm>>)
    return
  }
}

</mosaic_0001>

<sc_bundles>
// kernel: kernel.3.cloned.1.call-start
scs
__scs_entry_jumppad:
0x0: {  	(pc) =	sbr.rel $0x88, $3  }
0x1: {  	(tag) =	ssettag $0x0;
	lr =	simm.s32 $0x1  }
0x2: {  	[smem:$0x3F9F] =	sst lr;
	_ =	strace $0xD0000000  }
0x3: {  	_ = 	snop  }
0x4: {  	_ = 	snop  }
0x5: {  	_ = 	snop  }
0x6: {  	_ = 	snop  }
0x7: {  	_ = 	snop  }
__scs_overlays_trampoline_lowered:
0x8: {  	[smem:$0x3FAE] =	sst s0  }
0x9: {  	[smem:$0x3FAF] =	sst s1  }
0xa: {  	[smem:$0x3FB0] =	sst s2  }
0xb: {  	[smem:$0x3FB1] =	sst s3  }
0xc: {  	[smem:$0x3FB2] =	sst s4  }
0xd: {  	[smem:$0x3FB3] =	sst s5  }
0xe: {  	[smem:$0x3FB4] =	sst s6  }
0xf: {  	[smem:$0x3FB5] =	sst s7  }
0x10: {  	[smem:$0x3FB6] =	sst s8  }
0x11: {  	[smem:$0x3FB7] =	sst s9;
	s0 =	simm.s32 @!p0 $0x0  }
0x12: {  	s1 =	sld [smem:$0x3F9D];
	s0 =	simm.s32 @p0 $0x1  }
0x13: {  	[smem:$0x3FB8] =	sst s0;
	s0 =	simm.s32 @!p1 $0x0  }
0x14: {  	s2 =	sld [smem:$0x3F9C];
	s0 =	simm.s32 @p1 $0x1  }
0x15: {  	[smem:$0x3FB9] =	sst s0;
	s0 =	simm.s32 @!p2 $0x0  }
0x16: {  	s3 =	sld [smem:$0x3FDB];
	s0 =	simm.s32 @p2 $0x1  }
0x17: {  	s4 =	simm.s32 $0x1BF5;
	[smem:$0x3FBB] =	sst s0  }
0x18: {  	s0 =	sld [smem:$0x3F9E];
	_ =	swait.ge [sflag:s4], $0x0  }
0x19: {  	s7 =	sld [smem:$0x3F9F]  }
0x1a: {  	s8 =	sadd.s32 $0xFFFFE003, lr  }
0x1b: {  	s9 =	sadd.s32 $0xFFFFFEF7, lr;
	s5 =	simm.s32 $0xFFFFFFFF;
	p2 =	slt.u32 s8, $0xFFFFF086  }
0x1c: {  	p1 =	slt.u32 s9, $0xF7A;
	s5 =	simm.s32 @!p2 $0x0  }
0x1d: {  	s5 =	simm.s32 @p1 $0x1;
	p0 =	seq.s32 s7, s2  }
0x1e: {  	s7 =	smul.u32 @!p0 $0xF7A, s2;
	p2 =	seq.s32 @!p0 s5, $0x0  }
0x1f: {  	s9 =	smul.u32 $0xF7A, s1;
	s8 =	simm.s32 @!p0 $0x1BF5;
	p2 =	por !p2, p0  }
0x20: {  	[sflag:s8] =	ssyncset.s32 @!p0 $0xFFFFF086;
	s6 =	sadd.s32 @!p0 s3, s7;
	s7 =	simm.s32 @!p0 $0x108  }
0x21: {  	s3 =	sadd.s32 s3, s9;
	s6 =	sadd.s32 @!p0 $0x88, s6;
	s7 =	simm.s32 @p2 $0x1082  }
0x22: {  	[simem:s7], [sflag:s8] =	dma.local @!p0 [hbm:s6], $0xF7A  }
0x23: {  	s9 =	sor.u32 $0xD0000000, s2;
	s6 =	simm.s32 $0x108;
	_ =	swait.ge @!p0 [sflag:s8], $0x0  }
0x24: {  	s3 =	sadd.s32 $0x88, s3;
	s6 =	simm.s32 @!p1 $0x1082;
	[sflag:s4] =	ssyncset.s32 $0xFFFFF086  }
0x25: {  	[simem:s6], [sflag:s4] =	dma.local [hbm:s3], $0xF7A  }
0x26: {  	[smem:$0x3F9F] =	sst s1;
	(tag) =	ssettag s2;
	_ =	strace s9  }
0x27: {  	s1 =	sld [smem:$0x3FAF]  }
0x28: {  	s2 =	sld [smem:$0x3FB0]  }
0x29: {  	s4 =	sld [smem:$0x3FB2]  }
0x2a: {  	p0 =	seq.s32 s5, $0x0;
	s5 =	sld [smem:$0x3FB3]  }
0x2b: {  	s6 =	sld [smem:$0x3FB4]  }
0x2c: {  	s7 =	sld [smem:$0x3FB5]  }
0x2d: {  	s3 =	simm.s32 $0x108;
	s8 =	sld [smem:$0x3FB6]  }
0x2e: {  	s3 =	simm.s32 @!p0 $0x1082;
	s9 =	sld [smem:$0x3FB7]  }
0x2f: {  	lr =	sadd.s32 s0, s3;
	s0 =	sld [smem:$0x3FAE]  }
0x30: {  	s3 =	sld [smem:$0x3FB1]  }
0x31: {  	[smem:$0x3FBA] =	sst s10  }
0x32: {  	s10 =	sld [smem:$0x3FB8];
	_ =	sdelay $0x3  }
0x33: {  	p0 =	seq.s32 s10, $0x1;
	s10 =	sld [smem:$0x3FBA];
	_ =	sdelay $0x3  }
0x34: {  	[smem:$0x3FBA] =	sst s10  }
0x35: {  	s10 =	sld [smem:$0x3FB9];
	_ =	sdelay $0x3  }
0x36: {  	p1 =	seq.s32 s10, $0x1;
	s10 =	sld [smem:$0x3FBA];
	_ =	sdelay $0x3  }
0x37: {  	[smem:$0x3FBA] =	sst s10  }
0x38: {  	s10 =	sld [smem:$0x3FBB]  }
0x39: {  	_ = 	snop;
	(pc) =	sbr.ind lr, $3  }
0x3a: {  	_ = 	snop  }
0x3b: {  	_ = 	snop  }
0x3c: {  	p2 =	seq.s32 s10, $0x1;
	s10 =	sld [smem:$0x3FBA]  }
0x3d: {  	_ =	shalt  }
0x3e: {  	_ =	shalt  }
0x3f: {  	_ =	shalt  }
0x40: {  	_ =	shalt  }
0x41: {  	_ =	shalt  }
0x42: {  	_ =	shalt  }
0x43: {  	_ =	shalt  }
0x44: {  	_ =	shalt  }
0x45: {  	_ =	shalt  }
0x46: {  	_ =	shalt  }
0x47: {  	_ =	shalt  }
0x48: {  	_ =	shalt  }
0x49: {  	_ =	shalt  }
0x4a: {  	_ =	shalt  }
0x4b: {  	_ =	shalt  }
0x4c: {  	_ =	shalt  }
0x4d: {  	_ =	shalt  }
0x4e: {  	_ =	shalt  }
0x4f: {  	_ =	shalt  }
0x50: {  	_ =	shalt  }
0x51: {  	_ =	shalt  }
0x52: {  	_ =	shalt  }
0x53: {  	_ =	shalt  }
0x54: {  	_ =	shalt  }
0x55: {  	_ =	shalt  }
0x56: {  	_ =	shalt  }
0x57: {  	_ =	shalt  }
0x58: {  	_ =	shalt  }
0x59: {  	_ =	shalt  }
0x5a: {  	_ =	shalt  }
0x5b: {  	_ =	shalt  }
0x5c: {  	_ =	shalt  }
0x5d: {  	_ =	shalt  }
0x5e: {  	_ =	shalt  }
0x5f: {  	_ =	shalt  }
0x60: {  	_ =	shalt  }
0x61: {  	_ =	shalt  }
0x62: {  	_ =	shalt  }
0x63: {  	_ =	shalt  }
0x64: {  	_ =	shalt  }
0x65: {  	_ =	shalt  }
0x66: {  	_ =	shalt  }
0x67: {  	_ =	shalt  }
0x68: {  	_ =	shalt  }
0x69: {  	_ =	shalt  }
0x6a: {  	_ =	shalt  }
0x6b: {  	_ =	shalt  }
0x6c: {  	_ =	shalt  }
0x6d: {  	_ =	shalt  }
0x6e: {  	_ =	shalt  }
0x6f: {  	_ =	shalt  }
0x70: {  	_ =	shalt  }
0x71: {  	_ =	shalt  }
0x72: {  	_ =	shalt  }
0x73: {  	_ =	shalt  }
0x74: {  	_ =	shalt  }
0x75: {  	_ =	shalt  }
0x76: {  	_ =	shalt  }
0x77: {  	_ =	shalt  }
0x78: {  	_ =	shalt  }
0x79: {  	_ =	shalt  }
0x7a: {  	_ =	shalt  }
0x7b: {  	_ =	shalt  }
0x7c: {  	_ =	shalt  }
0x7d: {  	_ =	shalt  }
0x7e: {  	_ =	shalt  }
0x7f: {  	_ =	shalt  }
0x80: {  	_ =	shalt  }
0x81: {  	_ =	shalt  }
0x82: {  	_ =	shalt  }
0x83: {  	_ =	shalt  }
0x84: {  	_ =	shalt  }
0x85: {  	_ =	shalt  }
0x86: {  	_ =	shalt  }
0x87: {  	_ =	shalt  }
.Lfunc_end0:
.L_simem_size_0:
called_computation_lowered:
.L_overlay_start_0:
0x88: {  	s2 =	sld [smem:$0x3FD9]  }
0x89: {  	s3 =	sld [smem:$0x3FFE];
	_ =	sdelay $0x1  }
0x8a: {  	s1 =	srdreg.scid  }
0x8b: {  	s0 =	sand.u32 $0x1, s1  }
0x8c: {  	s15 =	sshll.u32 s0, $0xA;
	s2 =	sadd.s32 s3, s2  }
0x8d: {  	s2 =	sadd.s32 s2, s15  }
0x8e: {  	[smem:$0x3FC6] =	sst s2  }
0x8f: {  	_ = 	snop  }
0x90: {  	s2 =	sld [smem:$0x3FD0];
	_ =	sdelay $0x1  }
0x91: {  	s16 =	sld [smem:$0x3FC9]  }
0x92: {  	s5 =	simm.s32 $0xA;
	s6 =	simm.s32 $0x10;
	s4 =	sld [smem:$0x3FC8]  }
0x93: {  	[smem:s6], [sflag:s5] =	dma.local [hbm:s2], $0x1  }
0x94: {  	_ =	swait.eq [sflag:s5], $0x1  }
0x95: {  	[sflag:s5] =	ssyncset.done $0x0  }
0x96: {  	s17 =	sld [smem:$0x10];
	[sflag:s5] =	ssyncadd.s32 $0xFFFFFFFF  }
0x97: {  	s18 =	sld [smem:$0x11];
	(tm) =	ssettm $0x1  }
0x98: {  	s19 =	sld [smem:$0x3FFB];
	_ =	sdelay $0x3  }
0x99: {  	_ =	strace s19  }
0x9a: {  	s6 =	sld [smem:$0x3FFC];
	_ =	sdelay $0x3  }
0x9b: {  	_ =	strace s6  }
0x9c: {  	s6 =	sld [smem:$0x3FFD];
	_ =	sdelay $0x3  }
0x9d: {  	_ =	strace s6  }
0x9e: {  	_ =	strace $0x8FFFFFFF  }
0x9f: {  	s20 =	sld [smem:$0x3FDB];
	_ =	sdelay $0x1  }
0xa0: {  	s7 =	simm.s32 $_scs_section_size  }
0xa1: {  	s8 =	simm.s32 $_size__tile_overlayer_lowered;
	s9 =	simm.s32 $_tile_overlayer_lowered  }
0xa2: {  	s23 =	simm.s32 $0x1BFF;
	s22 =	sshll.u32 s9, $0x1;
	s6 =	sadd.s32 s7, s20  }
0xa3: {  	s10 =	simm.s32 $0x0;
	s21 =	sshll.u32 s8, $0x1;
	s8 =	sadd.s32 s22, s6  }
0xa4: {  	[timem:s10], [sflag:s23] =	dma.local [hbm:s8], s21  }
0xa5: {  	_ =	swait.ge [sflag:s23], s21  }
0xa6: {  	s7 =	ssub.s32 $0x0, s21;
	[sflag:s23] =	ssyncset.done $0x0  }
0xa7: {  	[sflag:s23] =	ssyncadd.s32 s7;
	_ =	sdelay $0x1  }
0xa8: {  	s24 =	simm.s32 $0x1B8B  }
0xa9: {  	_ =	swait.ge [sflag:s24], $0x1  }
0xaa: {  	[sflag:s24] =	ssyncset.done $0x0  }
0xab: {  	s25 =	simm.s32 $0x1B8E;
	[sflag:s24] =	ssyncadd.s32 $0xFFFFFFFF  }
0xac: {  	s26 =	simm.s32 $execute0_lowered;
	[smem:$0x3FD2] =	sst s25  }
0xad: {  	s7 =	sshll.u32 s26, $0x1;
	_ =	strace $0x80000046;
	[dreg:$0x1] =	wrdreg $0xFFFFFFFF  }
0xae: {  	s28 =	simm.s32 $_size_execute0_lowered;
	s6 =	sadd.s32 s6, s7;
	[dreg:$0x0] =	wrdreg $0x0  }
0xaf: {  	s7 =	sshll.u32 s28, $0x1;
	[dreg:$0x2] =	wrdreg s6  }
0xb0: {  	[dreg:$0x3] =	wrdreg s7  }
0xb1: {  	[dreg:$0x4] =	wrdreg $0xC0  }
0xb2: {  	_ =	task [dreg:s10], $0x5FFFF  }
0xb3: {  	[dreg:$0x1] =	wrdreg $0xFFFFFFFF  }
0xb4: {  	[dreg:$0x0] =	wrdreg $0x60  }
0xb5: {  	[dreg:$0x2] =	wrdreg s16  }
0xb6: {  	[dreg:$0x3] =	wrdreg s4  }
0xb7: {  	[dreg:$0x4] =	wrdreg s17  }
0xb8: {  	[dreg:$0x5] =	wrdreg s18  }
0xb9: {  	[dreg:$0x6] =	wrdreg $0x9  }
0xba: {  	_ =	task.clear_ibuf [dreg:s10], $0x7FFFF;
	_ =	strace $0x90000046  }
0xbb: {  	s29 =	simm.s32 $0x9;
	_ =	strace $0x80000048  }
0xbc: {  	_ =	swait.ge [sflag:s29], $0x1  }
0xbd: {  	[sflag:s29] =	ssyncadd.s32 $0xFFFFFFFF  }
0xbe: {  	_ =	strace $0x90000048  }
0xbf: {  	_ =	sfence  }
0xc0: {  	s30 =	sld [smem:$0x0];
	_ =	sdelay $0x2  }
0xc1: {  	s31 =	sshll.u32 s1, $0xD;
	s1 =	sshrl.u32 s1, $0x2  }
0xc2: {  	s3 =	sand.u32 $0x4000, s31;
	s1 =	sadd.s32 s1, s30  }
0xc3: {  	s0 =	sor.u32 s3, s0;
	s1 =	sshll.u32 s1, $0x11  }
0xc4: {  	s0 =	sor.u32 s1, s0  }
0xc5: {  	s0 =	sadd.s32 $0x8F2B, s0  }
0xc6: {  	[sflag:s0] =	ssyncadd.remote.s32 $0x1  }
0xc7: {  	_ =	sfence.sel $0xFFFF  }
0xc8: {  	[dreg:$0x0] =	wrdreg $0xFFFFFFFF;
	(pc) =	sbr.abs _section_cstart, $3  }
0xc9: {  	[dreg:$0x1] =	wrdreg $0xFFFFFFFF  }
0xca: {  	_ =	task.clear_ibuf [dreg:s10], $0x2FFFF;
	_ =	strace $0x9FFFFFFF  }
0xcb: {  	(tm) =	ssettm $0x7FFFFFFF  }
tec
execute0_lowered:
.L_overlay_start_1:
0x0: {  	(tag) =	ssettag $0x1  }
0x1: {  	s14 =	rddreg [dreg:$0x0]  }
0x2: {  	s0 =	srdreg.scid;
	s15 =	rddreg [dreg:$0x1]  }
0x3: {  	s6 =	stileid.u32;
	s17 =	rddreg [dreg:$0x2]  }
0x4: {  	s19 =	rddreg [dreg:$0x3];
	s7 =	simm.s32 $0x0;
	s2 =	smul.u32 $0xA00, s6  }
0x5: {  	s0 =	sand.u32 $0x1, s0;
	s1 =	sshll.u32 s6, $0x1;
	s29 =	smul.u32 $0x2800, s6  }
0x6: {  	[smem:$0x7FF] =	sst s7;
	s18 =	sor.u32 s0, s1;
	s4 =	smul.u32 $0x500, s0  }
0x7: {  	s3 =	ssub.s32 $0x2, s0;
	_ =	strace $0x80000047;
	s0 =	smul.u32 $0x1400, s0  }
0x8: {  	s1 =	smul.u32 $0x280, s18;
	[dreg:$0x5] =	wrdreg s18;
	s2 =	sadd.s32 s4, s2  }
0x9: {  	s0 =	sadd.s32 s0, s29;
	[dreg:$0x7] =	wrdreg s2  }
0xa: {  	s5 =	sshrl.u32 s3, $0x1;
	s22 =	sadd.s32 s14, s1;
	[dreg:$0x16] =	wrdreg s0  }
0xb: {  	s3 =	ssub.s32 s3, s5;
	s1 =	sadd.s32 s15, s1;
	[dreg:$0x6] =	wrdreg s22  }
0xc: {  	s23 =	smax.u32 s3, $0x1;
	[dreg:$0x8] =	wrdreg s1  }
0xd: {  	s24 =	sor.u32 $0x20, s2;
	[dreg:$0x9] =	wrdreg s23  }
0xe: {  	s25 =	sor.u32 $0x30, s2;
	[dreg:$0xa] =	wrdreg s24  }
0xf: {  	s26 =	sor.u32 $0x40, s2;
	[dreg:$0xc] =	wrdreg s25  }
0x10: {  	s30 =	sor.u32 $0x50, s2;
	[dreg:$0xd] =	wrdreg s26  }
0x11: {  	s4 =	sor.u32 $0x60, s2;
	[dreg:$0x10] =	wrdreg s30  }
0x12: {  	s2 =	sor.u32 $0x70, s2;
	[dreg:$0x11] =	wrdreg s4  }
0x13: {  	s1 =	sshll.u32 s24, $0x2;
	[dreg:$0x14] =	wrdreg s2  }
0x14: {  	s28 =	sshll.u32 s26, $0x2;
	[dreg:$0xb] =	wrdreg s1  }
.Ltmp0:
0x15: {  	s3 =	sshll.u32 s30, $0x2;
	[dreg:$0xf] =	wrdreg s28;
	(pc) =	sbr.rel .LBB2_1-.Ltmp0, $4  }
0x16: {  	s31 =	sshll.u32 s4, $0x2;
	[dreg:$0x12] =	wrdreg s3  }
0x17: {  	s2 =	sshll.u32 s2, $0x2;
	[dreg:$0x13] =	wrdreg s31  }
0x18: {  	s20 =	simm.s32 $0x1;
	s1 =	sshll.u32 s25, $0x2;
	[dreg:$0x15] =	wrdreg s2  }
0x19: {  	v0 =	vlaneseq.u32;
	v1 =	vimm.s32 $0x1600;
	s25 =	simm.s32 $0x5800;
	s2 =	simm.s32 $0x0;
	[dreg:$0xe] =	wrdreg s1  }
.LBB2_12:
0x1a: {  	s1 =	simm.s32 $0x2  }
0x1b: {  	_ =	swait.ge [sflag:s1], $0x2800  }
0x1c: {  	[sflag:s1] =	ssyncset.done $0x0  }
0x1d: {  	[sflag:s1] =	ssyncadd.s32 $0xFFFFD800  }
0x1e: {  	_ =	swait.ge [sflag:s1], $0x1400  }
0x1f: {  	[sflag:s1] =	ssyncset.done $0x0  }
0x20: {  	[sflag:s1] =	ssyncadd.s32 $0xFFFFEC00  }
0x21: {  	_ =	swait.ge [sflag:s1], $0x2800  }
0x22: {  	[sflag:s1] =	ssyncset.done $0x0  }
0x23: {  	[sflag:s1] =	ssyncadd.s32 $0xFFFFD800  }
0x24: {  	_ =	swait.ge [sflag:s1], $0x1400  }
0x25: {  	s2 =	rddreg [dreg:$0x17]  }
0x26: {  	s0 =	rddreg [dreg:$0x9];
	s2 =	sadd.s32 $0x1, s2  }
0x27: {  	p0 =	sne.s32 s2, s0  }
.Ltmp1:
0x28: {  	_ = 	snop;
	(pc) =	sbr.rel @!p0 .LBB2_13-.Ltmp1, $3  }
0x29: {  	_ =	sdelay $0x1  }
0x2a: {  	[sflag:s1] =	ssyncset.done $0x0  }
0x2b: {  	[sflag:s1] =	ssyncadd.s32 $0xFFFFEC00  }
.LBB2_1:
0x2c: {  	[dreg:$0x17] =	wrdreg s2  }
0x2d: {  	s0 =	rddreg [dreg:$0x6]  }
0x2e: {  	s26 =	rddreg [dreg:$0x8]  }
0x2f: {  	s21 =	rddreg [dreg:$0x16]  }
0x30: {  	s30 =	rddreg [dreg:$0x15]  }
0x31: {  	s23 =	rddreg [dreg:$0x11]  }
0x32: {  	s31 =	rddreg [dreg:$0x13]  }
0x33: {  	s22 =	rddreg [dreg:$0x10]  }
0x34: {  	s28 =	rddreg [dreg:$0x12]  }
0x35: {  	s29 =	rddreg [dreg:$0xd]  }
0x36: {  	s2 =	rddreg [dreg:$0xf]  }
0x37: {  	s3 =	rddreg [dreg:$0xc]  }
0x38: {  	s4 =	rddreg [dreg:$0xe]  }
0x39: {  	s13 =	rddreg [dreg:$0xa]  }
.Ltmp2:
0x3a: {  	s9 =	rddreg [dreg:$0x7];
	(pc) =	sbr.rel .LBB2_2-.Ltmp2, $4  }
0x3b: {  	[tilespmem:s7], [sflag:$0x1] =	stream.linear.gather [hbm4b:s0+s7], $0x1600, $0x38;
	[tilespmem:$0x12800] =	vst v63  }
0x3c: {  	s24 =	rddreg [dreg:$0xb]  }
0x3d: {  	[tilespmem:s25], [sflag:$0x1] =	stream.linear.gather [hbm4b:s26+s7], $0x1600, $0x38;
	[tilespmem:$0x12800] =	vst v63  }
0x3e: {  	p0 =	por $0x0, $0x0;
	s0 =	simm.s32 $0x0;
	s26 =	rddreg [dreg:$0x14]  }
.LBB2_6:
0x3f: {  	[tilespmem:s28+$0xFFFFFFB0] =	vst v4  }
0x40: {  	v5 =	vld [tilespmem:s12+$0x100];
	_ =	sdelay $0x3  }
0x41: {  	s0 =	sor.u32 s11, s14  }
0x42: {  	s1 =	sor.u32 $0x180, s0;
	[tilespmem:s28+$0x30] =	vst v5  }
0x43: {  	v6 =	vld [tilespmem:s1+$0x0];
	_ =	sdelay $0x2  }
0x44: {  	s14 =	rddreg [dreg:$0x0]  }
0x45: {  	s15 =	rddreg [dreg:$0x1]  }
0x46: {  	s17 =	rddreg [dreg:$0x2];
	[tilespmem:s28+$0xB0] =	vst v6  }
0x47: {  	s18 =	rddreg [dreg:$0x5];
	v6 =	vld [tilespmem:s0+$0x5980]  }
0x48: {  	s19 =	rddreg [dreg:$0x3];
	v5 =	vadd.f32 $2.000000000e+00, v5  }
0x49: {  	v63 =	vadd.f32 $1.600000000e+01, v4;
	s21 =	rddreg [dreg:$0x18]  }
0x4a: {  	s26 =	rddreg [dreg:$0x19];
	v5 =	vmul.f32 $2.500000000e+00, v5  }
0x4b: {  	v3 =	vcvt.f32.s32 v3;
	s30 =	rddreg [dreg:$0x1a];
	v4 =	vmul.f32 $2.500000000e+00, v63  }
0x4c: {  	s23 =	rddreg [dreg:$0x1b];
	v5 =	vtrunc.f32 v5;
	[tilespmem:s28+$0x130] =	vst v6  }
0x4d: {  	s31 =	rddreg [dreg:$0x1c];
	v4 =	vtrunc.f32 v4;
	v5 =	vcvt.f32.s32 v5;
	[tilespmem:s4+$0xF0] =	vst v3  }
0x4e: {  	s22 =	rddreg [dreg:$0x1d];
	v3 =	vcvt.f32.s32 v4;
	[tilespmem:s4+$0xFFFFFF70] =	vst v2  }
0x4f: {  	s29 =	rddreg [dreg:$0x1f];
	[tilespmem:s4+$0xFFFFFFF0] =	vst v5  }
0x50: {  	s20 =	simm.s32 $0x1;
	s28 =	rddreg [dreg:$0x1e];
	[tilespmem:s4+$0x70] =	vst v3  }
.LBB2_10:
0x51: {  	s0 =	sld [smem:$0x7F6]  }
0x52: {  	s1 =	sld [smem:$0x7FD]  }
0x53: {  	s13 =	smul.u32 $0x280, s16;
	s16 =	sld [smem:$0x7F7]  }
0x54: {  	s2 =	sld [smem:$0x7FA]  }
0x55: {  	s3 =	sld [smem:$0x7F9];
	s0 =	sshrl.u32 s0, $0x2  }
0x56: {  	s4 =	sld [smem:$0x7F8];
	s1 =	sadd.s32 s17, s1;
	s0 =	sadd.s32 $0xB000, s0  }
0x57: {  	[hbm4b:s1+s7] =	stream.linear.scatter [tilespmem:s0], [sflag:$0x2], $0x2800, $0x38;
	[tilespmem:$0x12800] =	vst v63  }
0x58: {  	s10 =	sld [smem:$0x7FB];
	s1 =	sshrl.u32 s16, $0x2  }
0x59: {  	s0 =	sadd.s32 s19, s13;
	s13 =	sld [smem:$0x7FC];
	s1 =	sor.u32 $0x10000, s1  }
0x5a: {  	[hbm4b:s0+s7] =	stream.linear.scatter [tilespmem:s1], [sflag:$0x2], $0x1400, $0x38;
	[tilespmem:$0x12800] =	vst v63  }
.LBB2_11:
0x5b: {  	s24 =	sadd.s32 $0x28000, s24;
	s9 =	sadd.s32 $0xA000, s9;
	p1 =	sne.s32 s10, $0x62  }
.Ltmp3:
0x5c: {  	s4 =	sadd.s32 $0x28000, s4;
	s3 =	sadd.s32 $0xA000, s3;
	(pc) =	sbr.rel @!p1 .LBB2_12-.Ltmp3, $4  }
0x5d: {  	s2 =	sadd.s32 $0x28000, s2;
	s29 =	sadd.s32 $0xA000, s29;
	s28 =	sadd.s32 $0x28000, s28  }
0x5e: {  	s22 =	sadd.s32 $0xA000, s22;
	s31 =	sadd.s32 $0x28000, s31;
	s23 =	sadd.s32 $0xA000, s23  }
0x5f: {  	s30 =	sadd.s32 $0x28000, s30;
	s26 =	sadd.s32 $0xA000, s26;
	s21 =	sadd.s32 $0x28000, s21  }
0x60: {  	p0 =	por !p0, !p0;
	s0 =	smov.u32 s10;
	s13 =	sadd.s32 $0xA000, s13  }
.LBB2_2:
0x61: {  	s1 =	sshll.u32 s0, $0x5  }
0x62: {  	s16 =	sor.u32 s18, s1  }
0x63: {  	p1 =	sgt.u32 s16, $0xC34  }
.Ltmp4:
0x64: {  	_ = 	snop;
	(pc) =	sbr.rel @p1 .LBB2_11-.Ltmp4, $2  }
0x65: {  	_ =	sdelay $0x2  }
0x66: {  	s10 =	sadd.s32 $0x1, s0  }
0x67: {  	s1 =	sshll.u32 s10, $0x5  }
0x68: {  	[smem:$0x7F8] =	sst s4;
	s1 =	sor.u32 s18, s1  }
0x69: {  	[smem:$0x7F9] =	sst s3;
	p1 =	sgt.u32 s1, $0xC34  }
0x6a: {  	[smem:$0x7FA] =	sst s2;
	p2 =	sgt.u32 @!p1 s1, $0x186  }
0x6b: {  	[smem:$0x7FB] =	sst s10;
	s2 =	simm.s32 @!p1 $0x1;
	p2 =	por !p2, p1  }
0x6c: {  	s3 =	simm.s32 @!p1 $0x1;
	s2 =	simm.s32 @p2 $0x0;
	p2 =	sgt.u32 @!p1 s1, $0x30D  }
0x6d: {  	p3 =	sgt.u32 @!p1 s1, $0x493;
	s4 =	simm.s32 @!p1 $0x1;
	p2 =	por !p2, p1  }
0x6e: {  	s5 =	simm.s32 @!p1 $0x1;
	s3 =	simm.s32 @p2 $0x0;
	p2 =	por !p3, p1  }
0x6f: {  	s2 =	sadd.s32 @!p1 s3, s2;
	s4 =	simm.s32 @p2 $0x0;
	p2 =	sgt.u32 @!p1 s1, $0x61A  }
0x70: {  	s2 =	sadd.s32 @!p1 s4, s2;
	p2 =	por !p2, p1;
	s4 =	simm.s32 @!p1 $0x1  }
0x71: {  	p3 =	sgt.u32 @!p1 s1, $0x7A1;
	s3 =	simm.s32 @!p1 $0x1;
	s4 =	simm.s32 @p2 $0x0  }
0x72: {  	p2 =	por !p3, p1;
	p3 =	sgt.u32 @!p1 s1, $0xAAE;
	s2 =	sadd.s32 @!p1 s4, s2  }
0x73: {  	s5 =	simm.s32 @p2 $0x0;
	p2 =	sgt.u32 @!p1 s1, $0x927;
	s4 =	simm.s32 @!p1 $0x1  }
0x74: {  	s1 =	smul.u32 @!p1 $0x500, s1;
	p2 =	por !p2, p1;
	s2 =	sadd.s32 @!p1 s5, s2  }
0x75: {  	s5 =	simm.s32 $0x1;
	s4 =	simm.s32 @p2 $0x0;
	p2 =	por !p3, p1  }
0x76: {  	p3 =	sgt.u32 s16, $0x186;
	s2 =	sadd.s32 @!p1 s4, s2;
	s3 =	simm.s32 @p2 $0x0  }
0x77: {  	s4 =	simm.s32 $0x1;
	p2 =	sgt.u32 s16, $0x30D;
	s2 =	sadd.s32 @!p1 s3, s2  }
0x78: {  	s4 =	simm.s32 @!p3 $0x0;
	s5 =	simm.s32 @!p2 $0x0;
	s3 =	smul.u32 @!p1 $0xFFF85EE0, s2  }
0x79: {  	s6 =	sadd.s32 @!p1 $0x1, s2;
	s4 =	sadd.s32 s5, s4;
	s2 =	smul.u32 @!p1 $0x1E8600, s2  }
0x7a: {  	s5 =	sand.u32 @!p1 $0x1, s10;
	s8 =	smul.u32 @!p1 $0x7A120, s6;
	s3 =	sadd.s32 @!p1 s1, s3  }
0x7b: {  	p3 =	seq.s32 @!p1 s5, $0x1;
	s1 =	sadd.s32 @!p1 $0x500, s1;
	s3 =	sshll.u32 @!p1 s3, $0x2  }
0x7c: {  	s5 =	simm.s32 @!p1 $0x0;
	p2 =	sge.u32 @!p1 s8, s1;
	s3 =	sand.u32 @!p1 $0x7FFFFE00, s3  }
0x7d: {  	p3 =	por !p3, p1;
	p2 =	por p2, p1;
	s1 =	sadd.s32 @!p1 s2, s3  }
0x7e: {  	s2 =	simm.s32 @!p1 $0x2C00;
	s6 =	smul.u32 @!p2 $0x3D0C0, s6;
	s1 =	sshrl.u32 @!p1 s1, $0x3  }
0x7f: {  	s2 =	simm.s32 @p3 $0x0;
	p3 =	sgt.u32 s16, $0x493;
	s3 =	sadd.s32 @!p1 s14, s1  }
0x80: {  	[tilespmem:s2], [sflag:$0x1] =	stream.linear.gather @!p1 [hbm4b:s3+s5], $0x1600, $0x38;
	[tilespmem:$0x12800] =	vst v63  }
0x81: {  	s8 =	sadd.s32 @!p1 $0x5800, s2;
	s1 =	sadd.s32 @!p1 s15, s1;
	s3 =	simm.s32 $0x1  }
0x82: {  	[tilespmem:s8], [sflag:$0x1] =	stream.linear.gather @!p1 [hbm4b:s1+s5], $0x1600, $0x38;
	[tilespmem:$0x12800] =	vst v63  }
0x83: {  	s3 =	simm.s32 @!p3 $0x0;
	s1 =	sadd.s32 @!p2 $0x1600, s2;
	s5 =	sadd.s32 @!p2 s14, s6  }
0x84: {  	s8 =	simm.s32 @!p2 $0x0;
	p1 =	slt.u32 s0, $0x2;
	s11 =	sadd.s32 s3, s4  }
0x85: {  	[tilespmem:s1], [sflag:$0x1] =	stream.linear.gather @!p2 [hbm4b:s5+s8], $0x1600, $0x38;
	[tilespmem:$0x12800] =	vst v63  }
0x86: {  	s4 =	simm.s32 $0x1;
	s1 =	sadd.s32 @!p2 $0x6E00, s2;
	s2 =	sadd.s32 @!p2 s15, s6  }
0x87: {  	[tilespmem:s1], [sflag:$0x1] =	stream.linear.gather @!p2 [hbm4b:s2+s8], $0x1600, $0x38;
	[tilespmem:$0x12800] =	vst v63  }
0x88: {  	s3 =	simm.s32 @!p1 $0x2;
	p2 =	sgt.u32 s16, $0x61A;
	s1 =	simm.s32 $0x1  }
0x89: {  	s2 =	simm.s32 $0x1;
	s1 =	simm.s32 @!p2 $0x0;
	_ =	swait.ge @!p1 [sflag:s3], $0x2800  }
0x8a: {  	p2 =	sgt.u32 s16, $0x7A1;
	s1 =	sadd.s32 s1, s11;
	[sflag:s3] =	ssyncset.done @!p1 $0x0  }
0x8b: {  	s4 =	simm.s32 @!p2 $0x0;
	p2 =	sgt.u32 s16, $0x927;
	[sflag:s3] =	ssyncadd.s32 @!p1 $0xFFFFD800  }
0x8c: {  	s1 =	sadd.s32 s4, s1;
	s2 =	simm.s32 @!p2 $0x0;
	_ =	swait.ge @!p1 [sflag:s3], $0x1400  }
0x8d: {  	p2 =	sgt.u32 s16, $0xAAE;
	s4 =	simm.s32 $0x1;
	[sflag:s3] =	ssyncset.done @!p1 $0x0  }
0x8e: {  	s1 =	sadd.s32 s2, s1;
	s4 =	simm.s32 @!p2 $0x0;
	[sflag:s3] =	ssyncadd.s32 @!p1 $0xFFFFEC00  }
0x8f: {  	s5 =	smul.u32 $0x500, s16;
	s6 =	sadd.s32 s4, s1;
	_ =	swait.ge [sflag:s20], $0x1600  }
0x90: {  	s1 =	smul.u32 $0x7A120, s6;
	[sflag:s20] =	ssyncset.done $0x0  }
0x91: {  	[sflag:s20] =	ssyncadd.s32 $0xFFFFEA00  }
0x92: {  	s12 =	sadd.s32 $0x500, s5;
	s3 =	sadd.s32 $0x7A120, s1;
	_ =	swait.ge [sflag:s20], $0x1600  }
0x93: {  	p1 =	sge.u32 s3, s12;
	[sflag:s20] =	ssyncset.done $0x0  }
0x94: {  	s4 =	simm.s32 @!p1 $0x1;
	[sflag:s20] =	ssyncadd.s32 $0xFFFFEA00  }
0x95: {  	p2 =	slt.u32 s3, s12;
	_ =	swait.ge @!p1 [sflag:s4], $0x1600  }
.Ltmp5:
0x96: {  	[sflag:s4] =	ssyncset.done @!p1 $0x0;
	(pc) =	sbr.rel @!p2 .LBB2_4-.Ltmp5, $4  }
0x97: {  	[sflag:s4] =	ssyncadd.s32 @!p1 $0xFFFFEA00  }
0x98: {  	_ =	swait.ge @!p1 [sflag:s4], $0x1600  }
0x99: {  	[sflag:s4] =	ssyncset.done @!p1 $0x0;
	[smem:$0x7FC] =	sst s13  }
0x9a: {  	s2 =	sand.u32 $0x1, s0;
	v2 =	vmov s6;
	[smem:$0x7FD] =	sst s5;
	[sflag:s4] =	ssyncadd.s32 @!p1 $0xFFFFEA00  }
0x9b: {  	s0 =	ssub.s32 s5, s1  }
0x9c: {  	s0 =	sand.u32 $0xFFFFFF80, s0  }
0x9d: {  	v3 =	vmov s3;
	v6 =	vmov s2;
	v4 =	vor.u32 s5, v0;
	s0 =	sadd.s32 s1, s0  }
0x9e: {  	v6 =	vmul.u32 $0x2C00, v6;
	vm1 =	vlt.s32 v4, v3;
	v5 =	vmov s0  }
0x9f: {  	v7 =	vsel vm1, v5, v3  }
0xa0: {  	v6 =	vbroadcast v6, $0x0;
	v7 =	vsub.s32 v4, v7  }
0xa1: {  	v8 =	vsel vm1, $0x0, v1;
	v9 =	vshll.u32 v7, $0x2  }
0xa2: {  	v8 =	vadd.s32 v6, v8;
	v9 =	vand.u32 $0xFFFFFE00, v9  }
0xa3: {  	v7 =	vand.u32 $0x7F, v7;
	v8 =	vadd.s32 v9, v8  }
0xa4: {  	v7 =	vor.u32 v7, v8;
	_ =	sdelay $0x3  }
0xa5: {  	s8 =	smul.u32 $0xA000, s2  }
0xa6: {  	v8 =	vld.idx.msk [tilespmem:v7+s7+$0x0], $0xffff  }
0xa7: {  	s10 =	simm.s32 $0x0;
	s0 =	sshrl.u32 s8, $0x2;
	v9 =	vor.u32 $0x80, v7  }
0xa8: {  	s3 =	sand.u32 $0x3FFFFC00, s10;
	s1 =	simm.s32 $0x0;
	s0 =	sadd.s32 $0xB000, s0  }
0xa9: {  	s5 =	sand.u32 $0x40, s1;
	s4 =	sadd.s32 s3, s0  }
0xaa: {  	[smem:$0x7F6] =	sst s8;
	s8 =	sadd.s32 s5, s4  }
0xab: {  	[tilespmem:s8+$0x0] =	vst v8  }
0xac: {  	v9 =	vld.idx.msk [tilespmem:v9+s7+$0x0], $0xffff  }
0xad: {  	v10 =	vor.u32 $0x100, v7;
	_ =	sdelay $0x3  }
0xae: {  	[tilespmem:s8+$0x80] =	vst v9  }
0xaf: {  	v10 =	vld.idx.msk [tilespmem:v10+s7+$0x0], $0xffff  }
0xb0: {  	v7 =	vor.u32 $0x180, v7;
	_ =	sdelay $0x3  }
0xb1: {  	[tilespmem:s8+$0x100] =	vst v10  }
0xb2: {  	v11 =	vld.idx.msk [tilespmem:v7+s7+$0x0], $0xffff;
	_ =	sdelay $0x3  }
0xb3: {  	v12 =	vadd.s32 $0x10, v4;
	v8 =	vmul.f32 $2.500000000e+00, v8  }
0xb4: {  	vm0 =	vlt.s32 v12, v3;
	[tilespmem:s8+$0x180] =	vst v11  }
0xb5: {  	s11 =	smul.u32 $0x5000, s2;
	v8 =	vtrunc.f32 v8;
	v9 =	vadd.f32 $1.600000000e+01, v9;
	v11 =	vsel vm0, v5, v3;
	v7 =	vld.idx.msk [tilespmem:v7+s25+$0x0], $0xffff  }
0xb6: {  	v8 =	vcvt.f32.s32 v8;
	v10 =	vadd.f32 $2.000000000e+00, v10;
	v11 =	vsub.s32 v12, v11  }
0xb7: {  	s12 =	simm.s32 $0x0;
	s2 =	sshrl.u32 s11, $0x2;
	v9 =	vmul.f32 $2.500000000e+00, v9;
	v12 =	vsel vm0, $0x0, v1;
	v13 =	vshll.u32 v11, $0x2  }
0xb8: {  	s2 =	sor.u32 $0x10000, s2;
	s3 =	sand.u32 $0x3FFFFE00, s12;
	v10 =	vmul.f32 $2.500000000e+00, v10;
	v12 =	vadd.s32 v6, v12;
	v13 =	vand.u32 $0xFFFFFE00, v13  }
0xb9: {  	s3 =	sadd.s32 s3, s2;
	v9 =	vtrunc.f32 v9;
	v11 =	vand.u32 $0x7F, v11;
	v12 =	vadd.s32 v13, v12  }
0xba: {  	s13 =	sadd.s32 s5, s3;
	v9 =	vcvt.f32.s32 v9;
	v10 =	vtrunc.f32 v10;
	v11 =	vor.u32 v11, v12;
	[tilespmem:s8+$0x200] =	vst v7  }
0xbb: {  	s6 =	sadd.s32 $0x1, s6;
	v10 =	vcvt.f32.s32 v10;
	[tilespmem:s13+$0x180] =	vst v8  }
0xbc: {  	v7 =	vmov s6;
	[tilespmem:s13+$0x100] =	vst v9  }
0xbd: {  	v8 =	vsel vm1, v2, v7;
	[tilespmem:s13+$0x80] =	vst v10  }
0xbe: {  	[tilespmem:s13+$0x0] =	vst v8  }
0xbf: {  	v8 =	vld.idx.msk [tilespmem:v11+s7+$0x0], $0xffff  }
0xc0: {  	v9 =	vor.u32 $0x80, v11;
	_ =	sdelay $0x1  }
0xc1: {  	s10 =	sor.u32 $0x10, s5  }
0xc2: {  	[smem:$0x7F7] =	sst s11;
	s11 =	sadd.s32 s10, s4  }
0xc3: {  	[tilespmem:s11+$0x0] =	vst v8  }
0xc4: {  	v9 =	vld.idx.msk [tilespmem:v9+s7+$0x0], $0xffff  }
0xc5: {  	v10 =	vor.u32 $0x100, v11;
	_ =	sdelay $0x3  }
0xc6: {  	[tilespmem:s11+$0x80] =	vst v9  }
0xc7: {  	v10 =	vld.idx.msk [tilespmem:v10+s7+$0x0], $0xffff  }
0xc8: {  	v11 =	vor.u32 $0x180, v11;
	_ =	sdelay $0x3  }
0xc9: {  	[tilespmem:s11+$0x100] =	vst v10  }
0xca: {  	v12 =	vld.idx.msk [tilespmem:v11+s7+$0x0], $0xffff;
	_ =	sdelay $0x3  }
0xcb: {  	v13 =	vadd.s32 $0x20, v4  }
0xcc: {  	vm1 =	vlt.s32 v13, v3;
	v8 =	vmul.f32 $2.500000000e+00, v8;
	[tilespmem:s11+$0x180] =	vst v12  }
0xcd: {  	v10 =	vadd.f32 $2.000000000e+00, v10;
	v12 =	vsel vm1, v5, v3;
	v11 =	vld.idx.msk [tilespmem:v11+s25+$0x0], $0xffff  }
0xce: {  	v8 =	vtrunc.f32 v8;
	v9 =	vadd.f32 $1.600000000e+01, v9;
	v12 =	vsub.s32 v13, v12  }
0xcf: {  	v10 =	vmul.f32 $2.500000000e+00, v10;
	v13 =	vsel vm1, $0x0, v1;
	v14 =	vshll.u32 v12, $0x2  }
0xd0: {  	v9 =	vmul.f32 $2.500000000e+00, v9;
	v13 =	vadd.s32 v6, v13;
	v14 =	vand.u32 $0xFFFFFE00, v14  }
0xd1: {  	v10 =	vtrunc.f32 v10;
	v12 =	vand.u32 $0x7F, v12;
	v13 =	vadd.s32 v14, v13  }
0xd2: {  	s6 =	sadd.s32 s10, s3;
	v10 =	vcvt.f32.s32 v10;
	v12 =	vor.u32 v12, v13;
	[tilespmem:s11+$0x200] =	vst v11;
	v11 =	vsel vm0, v2, v7  }
0xd3: {  	v8 =	vcvt.f32.s32 v8;
	v9 =	vtrunc.f32 v9;
	[tilespmem:s6+$0x0] =	vst v11  }
0xd4: {  	v9 =	vcvt.f32.s32 v9;
	[tilespmem:s6+$0x80] =	vst v10  }
0xd5: {  	[tilespmem:s6+$0x180] =	vst v8  }
0xd6: {  	[tilespmem:s6+$0x100] =	vst v9  }
0xd7: {  	v8 =	vld.idx.msk [tilespmem:v12+s7+$0x0], $0xffff  }
0xd8: {  	v9 =	vor.u32 $0x80, v12;
	_ =	sdelay $0x1  }
0xd9: {  	s12 =	sor.u32 $0x20, s5  }
0xda: {  	s13 =	sadd.s32 s12, s4  }
0xdb: {  	[tilespmem:s13+$0x0] =	vst v8  }
0xdc: {  	v9 =	vld.idx.msk [tilespmem:v9+s7+$0x0], $0xffff  }
0xdd: {  	v10 =	vor.u32 $0x100, v12;
	_ =	sdelay $0x3  }
0xde: {  	[tilespmem:s13+$0x80] =	vst v9  }
0xdf: {  	v10 =	vld.idx.msk [tilespmem:v10+s7+$0x0], $0xffff  }
0xe0: {  	v11 =	vor.u32 $0x180, v12;
	_ =	sdelay $0x3  }
0xe1: {  	[tilespmem:s13+$0x100] =	vst v10  }
0xe2: {  	v12 =	vld.idx.msk [tilespmem:v11+s7+$0x0], $0xffff;
	_ =	sdelay $0x3  }
0xe3: {  	v13 =	vadd.s32 $0x30, v4;
	v9 =	vadd.f32 $1.600000000e+01, v9  }
0xe4: {  	vm0 =	vlt.s32 v13, v3;
	[tilespmem:s13+$0x180] =	vst v12  }
0xe5: {  	v9 =	vmul.f32 $2.500000000e+00, v9;
	v12 =	vsel vm0, v5, v3;
	v11 =	vld.idx.msk [tilespmem:v11+s25+$0x0], $0xffff  }
0xe6: {  	v8 =	vmul.f32 $2.500000000e+00, v8;
	v10 =	vadd.f32 $2.000000000e+00, v10;
	v12 =	vsub.s32 v13, v12  }
0xe7: {  	v9 =	vtrunc.f32 v9;
	v13 =	vsel vm0, $0x0, v1;
	v14 =	vshll.u32 v12, $0x2  }
0xe8: {  	v10 =	vmul.f32 $2.500000000e+00, v10;
	v13 =	vadd.s32 v6, v13;
	v14 =	vand.u32 $0xFFFFFE00, v14  }
0xe9: {  	v9 =	vcvt.f32.s32 v9;
	v12 =	vand.u32 $0x7F, v12;
	v13 =	vadd.s32 v14, v13  }
0xea: {  	s6 =	sadd.s32 s12, s3;
	v10 =	vtrunc.f32 v10;
	[tilespmem:s13+$0x200] =	vst v11;
	v11 =	vor.u32 v12, v13  }
0xeb: {  	v8 =	vtrunc.f32 v8;
	v10 =	vcvt.f32.s32 v10;
	v12 =	vsel vm1, v2, v7;
	[tilespmem:s6+$0x100] =	vst v9  }
0xec: {  	v8 =	vcvt.f32.s32 v8;
	[tilespmem:s6+$0x0] =	vst v12  }
0xed: {  	[tilespmem:s6+$0x80] =	vst v10  }
0xee: {  	[tilespmem:s6+$0x180] =	vst v8  }
0xef: {  	v8 =	vld.idx.msk [tilespmem:v11+s7+$0x0], $0xffff  }
0xf0: {  	v9 =	vor.u32 $0x80, v11;
	_ =	sdelay $0x1  }
0xf1: {  	s5 =	sor.u32 $0x30, s5  }
0xf2: {  	s8 =	sadd.s32 s5, s4  }
0xf3: {  	[tilespmem:s8+$0x0] =	vst v8  }
0xf4: {  	v9 =	vld.idx.msk [tilespmem:v9+s7+$0x0], $0xffff  }
0xf5: {  	v10 =	vor.u32 $0x100, v11;
	_ =	sdelay $0x3  }
0xf6: {  	[tilespmem:s8+$0x80] =	vst v9  }
0xf7: {  	v10 =	vld.idx.msk [tilespmem:v10+s7+$0x0], $0xffff;
	_ =	sdelay $0x1  }
0xf8: {  	v11 =	vor.u32 $0x180, v11;
	_ =	sdelay $0x2  }
0xf9: {  	v12 =	vadd.f32 $2.000000000e+00, v10  }
0xfa: {  	v9 =	vadd.f32 $1.600000000e+01, v9;
	[tilespmem:s8+$0x100] =	vst v10  }
0xfb: {  	v8 =	vmul.f32 $2.500000000e+00, v8;
	v13 =	vmul.f32 $2.500000000e+00, v12;
	v12 =	vld.idx.msk [tilespmem:v11+s7+$0x0], $0xffff  }
0xfc: {  	v9 =	vmul.f32 $2.500000000e+00, v9  }
0xfd: {  	v8 =	vtrunc.f32 v8  }
0xfe: {  	s4 =	simm.s32 $0x0;
	v9 =	vtrunc.f32 v9;
	v10 =	vtrunc.f32 v13  }
.LBB2_8:
0xff: {  	s4 =	sadd.s32 $0x4, s4;
	v4 =	vadd.s32 $0x40, v4;
	s1 =	sadd.s32 $0x40, s1  }
0x100: {  	s6 =	sshll.u32 s4, $0x7;
	s10 =	sshll.u32 s4, $0x6;
	p1 =	slt.u32 s4, $0x4C;
	[tilespmem:s8+$0x180] =	vst v12  }
0x101: {  	vm1 =	vlt.s32 v4, v3;
	s6 =	sand.u32 $0x3FFFFC00, s6;
	s13 =	sand.u32 $0x3FFFFE00, s10;
	v11 =	vld.idx.msk [tilespmem:v11+s25+$0x0], $0xffff  }
0x102: {  	v12 =	vsel vm1, v5, v3;
	v13 =	vsel vm1, $0x0, v1;
	s6 =	sadd.s32 s6, s0  }
0x103: {  	v12 =	vsub.s32 v4, v12  }
0x104: {  	v14 =	vshll.u32 v12, $0x2  }
0x105: {  	v13 =	vadd.s32 v6, v13;
	v14 =	vand.u32 $0xFFFFFE00, v14  }
0x106: {  	v8 =	vcvt.f32.s32 v8;
	v12 =	vand.u32 $0x7F, v12;
	v13 =	vadd.s32 v14, v13  }
0x107: {  	s3 =	sadd.s32 s5, s3;
	v12 =	vor.u32 v12, v13;
	[tilespmem:s8+$0x200] =	vst v11  }
0x108: {  	v10 =	vcvt.f32.s32 v10;
	v9 =	vcvt.f32.s32 v9;
	v11 =	vsel vm0, v2, v7;
	[tilespmem:s3+$0x180] =	vst v8  }
0x109: {  	[tilespmem:s3+$0x0] =	vst v11  }
0x10a: {  	[tilespmem:s3+$0x80] =	vst v10  }
0x10b: {  	[tilespmem:s3+$0x100] =	vst v9  }
0x10c: {  	v8 =	vld.idx.msk [tilespmem:v12+s7+$0x0], $0xffff;
	_ =	sdelay $0x1  }
0x10d: {  	v9 =	vor.u32 $0x80, v12;
	_ =	sdelay $0x1  }
0x10e: {  	s11 =	sand.u32 $0x40, s1  }
0x10f: {  	s10 =	sor.u32 $0x10, s11;
	s12 =	sadd.s32 s11, s6;
	s8 =	sor.u32 $0x20, s11  }
0x110: {  	s5 =	sor.u32 $0x30, s11;
	[tilespmem:s12+$0x0] =	vst v8;
	v8 =	vmul.f32 $2.500000000e+00, v8  }
0x111: {  	v9 =	vld.idx.msk [tilespmem:v9+s7+$0x0], $0xffff  }
0x112: {  	v8 =	vtrunc.f32 v8  }
0x113: {  	v10 =	vor.u32 $0x100, v12;
	_ =	sdelay $0x3  }
0x114: {  	[tilespmem:s12+$0x80] =	vst v9;
	v9 =	vadd.f32 $1.600000000e+01, v9  }
0x115: {  	v10 =	vld.idx.msk [tilespmem:v10+s7+$0x0], $0xffff  }
0x116: {  	v9 =	vmul.f32 $2.500000000e+00, v9  }
0x117: {  	v11 =	vor.u32 $0x180, v12  }
0x118: {  	v9 =	vtrunc.f32 v9;
	_ =	sdelay $0x2  }
0x119: {  	[tilespmem:s12+$0x100] =	vst v10;
	v10 =	vadd.f32 $2.000000000e+00, v10  }
0x11a: {  	v12 =	vld.idx.msk [tilespmem:v11+s7+$0x0], $0xffff  }
0x11b: {  	v10 =	vmul.f32 $2.500000000e+00, v10;
	_ =	sdelay $0x1  }
0x11c: {  	v10 =	vtrunc.f32 v10;
	_ =	sdelay $0x2  }
0x11d: {  	[tilespmem:s12+$0x180] =	vst v12;
	v12 =	vadd.s32 $0x10, v4  }
0x11e: {  	v11 =	vld.idx.msk [tilespmem:v11+s25+$0x0], $0xffff;
	vm0 =	vlt.s32 v12, v3  }
0x11f: {  	v13 =	vsel vm0, v5, v3;
	v14 =	vsel vm0, $0x0, v1  }
0x120: {  	v12 =	vsub.s32 v12, v13  }
0x121: {  	v13 =	vshll.u32 v12, $0x2  }
0x122: {  	v14 =	vadd.s32 v6, v14;
	v13 =	vand.u32 $0xFFFFFE00, v13  }
0x123: {  	s3 =	sadd.s32 s13, s2;
	v8 =	vcvt.f32.s32 v8;
	v12 =	vand.u32 $0x7F, v12;
	v13 =	vadd.s32 v13, v14  }
0x124: {  	s11 =	sadd.s32 s11, s3;
	v9 =	vcvt.f32.s32 v9;
	[tilespmem:s12+$0x200] =	vst v11;
	v11 =	vor.u32 v12, v13  }
0x125: {  	[tilespmem:s11+$0x180] =	vst v8  }
0x126: {  	v10 =	vcvt.f32.s32 v10;
	v8 =	vsel vm1, v2, v7;
	[tilespmem:s11+$0x100] =	vst v9  }
0x127: {  	[tilespmem:s11+$0x0] =	vst v8  }
0x128: {  	[tilespmem:s11+$0x80] =	vst v10  }
0x129: {  	v8 =	vld.idx.msk [tilespmem:v11+s7+$0x0], $0xffff;
	_ =	sdelay $0x1  }
0x12a: {  	v9 =	vor.u32 $0x80, v11;
	_ =	sdelay $0x2  }
0x12b: {  	s11 =	sadd.s32 s10, s6  }
0x12c: {  	[tilespmem:s11+$0x0] =	vst v8;
	v8 =	vmul.f32 $2.500000000e+00, v8  }
0x12d: {  	v9 =	vld.idx.msk [tilespmem:v9+s7+$0x0], $0xffff  }
0x12e: {  	v8 =	vtrunc.f32 v8  }
0x12f: {  	v10 =	vor.u32 $0x100, v11;
	_ =	sdelay $0x3  }
0x130: {  	[tilespmem:s11+$0x80] =	vst v9;
	v9 =	vadd.f32 $1.600000000e+01, v9  }
0x131: {  	v10 =	vld.idx.msk [tilespmem:v10+s7+$0x0], $0xffff  }
0x132: {  	v9 =	vmul.f32 $2.500000000e+00, v9  }
0x133: {  	v11 =	vor.u32 $0x180, v11  }
0x134: {  	v9 =	vtrunc.f32 v9;
	_ =	sdelay $0x2  }
0x135: {  	[tilespmem:s11+$0x100] =	vst v10;
	v10 =	vadd.f32 $2.000000000e+00, v10  }
0x136: {  	v12 =	vld.idx.msk [tilespmem:v11+s7+$0x0], $0xffff  }
0x137: {  	v10 =	vmul.f32 $2.500000000e+00, v10;
	_ =	sdelay $0x1  }
0x138: {  	v10 =	vtrunc.f32 v10;
	_ =	sdelay $0x2  }
0x139: {  	[tilespmem:s11+$0x180] =	vst v12;
	v12 =	vadd.s32 $0x20, v4  }
0x13a: {  	v11 =	vld.idx.msk [tilespmem:v11+s25+$0x0], $0xffff;
	vm1 =	vlt.s32 v12, v3  }
0x13b: {  	v13 =	vsel vm1, v5, v3;
	v14 =	vsel vm1, $0x0, v1  }
0x13c: {  	v12 =	vsub.s32 v12, v13  }
0x13d: {  	v13 =	vshll.u32 v12, $0x2  }
0x13e: {  	v14 =	vadd.s32 v6, v14;
	v13 =	vand.u32 $0xFFFFFE00, v13  }
0x13f: {  	v12 =	vand.u32 $0x7F, v12;
	v13 =	vadd.s32 v13, v14  }
0x140: {  	s10 =	sadd.s32 s10, s3;
	v10 =	vcvt.f32.s32 v10;
	[tilespmem:s11+$0x200] =	vst v11;
	v11 =	vsel vm0, v2, v7;
	v12 =	vor.u32 v12, v13  }
0x141: {  	v8 =	vcvt.f32.s32 v8;
	[tilespmem:s10+$0x0] =	vst v11  }
0x142: {  	v9 =	vcvt.f32.s32 v9;
	[tilespmem:s10+$0x80] =	vst v10  }
0x143: {  	[tilespmem:s10+$0x180] =	vst v8  }
0x144: {  	[tilespmem:s10+$0x100] =	vst v9  }
0x145: {  	v8 =	vld.idx.msk [tilespmem:v12+s7+$0x0], $0xffff;
	_ =	sdelay $0x1  }
0x146: {  	v9 =	vor.u32 $0x80, v12;
	_ =	sdelay $0x2  }
0x147: {  	s10 =	sadd.s32 s8, s6  }
0x148: {  	[tilespmem:s10+$0x0] =	vst v8;
	v8 =	vmul.f32 $2.500000000e+00, v8  }
0x149: {  	v9 =	vld.idx.msk [tilespmem:v9+s7+$0x0], $0xffff  }
0x14a: {  	v8 =	vtrunc.f32 v8  }
0x14b: {  	v10 =	vor.u32 $0x100, v12;
	_ =	sdelay $0x3  }
0x14c: {  	[tilespmem:s10+$0x80] =	vst v9;
	v9 =	vadd.f32 $1.600000000e+01, v9  }
0x14d: {  	v10 =	vld.idx.msk [tilespmem:v10+s7+$0x0], $0xffff  }
0x14e: {  	v9 =	vmul.f32 $2.500000000e+00, v9  }
0x14f: {  	v11 =	vor.u32 $0x180, v12  }
0x150: {  	v9 =	vtrunc.f32 v9;
	_ =	sdelay $0x2  }
0x151: {  	[tilespmem:s10+$0x100] =	vst v10;
	v10 =	vadd.f32 $2.000000000e+00, v10  }
0x152: {  	v12 =	vld.idx.msk [tilespmem:v11+s7+$0x0], $0xffff  }
0x153: {  	v10 =	vmul.f32 $2.500000000e+00, v10;
	_ =	sdelay $0x1  }
0x154: {  	v10 =	vtrunc.f32 v10;
	_ =	sdelay $0x2  }
0x155: {  	[tilespmem:s10+$0x180] =	vst v12;
	v12 =	vadd.s32 $0x30, v4  }
0x156: {  	v11 =	vld.idx.msk [tilespmem:v11+s25+$0x0], $0xffff;
	vm0 =	vlt.s32 v12, v3  }
0x157: {  	v13 =	vsel vm0, v5, v3;
	v14 =	vsel vm0, $0x0, v1  }
0x158: {  	v12 =	vsub.s32 v12, v13  }
0x159: {  	v13 =	vshll.u32 v12, $0x2  }
0x15a: {  	v14 =	vadd.s32 v6, v14;
	v13 =	vand.u32 $0xFFFFFE00, v13  }
0x15b: {  	v9 =	vcvt.f32.s32 v9;
	v12 =	vand.u32 $0x7F, v12;
	v13 =	vadd.s32 v13, v14  }
0x15c: {  	s8 =	sadd.s32 s8, s3;
	[tilespmem:s10+$0x200] =	vst v11;
	v11 =	vor.u32 v12, v13  }
0x15d: {  	v10 =	vcvt.f32.s32 v10;
	v12 =	vsel vm1, v2, v7;
	[tilespmem:s8+$0x100] =	vst v9  }
0x15e: {  	v8 =	vcvt.f32.s32 v8;
	[tilespmem:s8+$0x0] =	vst v12  }
0x15f: {  	[tilespmem:s8+$0x80] =	vst v10  }
0x160: {  	[tilespmem:s8+$0x180] =	vst v8  }
0x161: {  	v8 =	vld.idx.msk [tilespmem:v11+s7+$0x0], $0xffff;
	_ =	sdelay $0x1  }
0x162: {  	v9 =	vor.u32 $0x80, v11;
	_ =	sdelay $0x2  }
0x163: {  	s8 =	sadd.s32 s5, s6  }
0x164: {  	[tilespmem:s8+$0x0] =	vst v8;
	v8 =	vmul.f32 $2.500000000e+00, v8  }
0x165: {  	v9 =	vld.idx.msk [tilespmem:v9+s7+$0x0], $0xffff  }
0x166: {  	v8 =	vtrunc.f32 v8  }
0x167: {  	v10 =	vor.u32 $0x100, v11;
	_ =	sdelay $0x3  }
0x168: {  	[tilespmem:s8+$0x80] =	vst v9;
	v9 =	vadd.f32 $1.600000000e+01, v9  }
0x169: {  	v10 =	vld.idx.msk [tilespmem:v10+s7+$0x0], $0xffff  }
0x16a: {  	v9 =	vmul.f32 $2.500000000e+00, v9  }
0x16b: {  	v11 =	vor.u32 $0x180, v11  }
0x16c: {  	v9 =	vtrunc.f32 v9;
	_ =	sdelay $0x2  }
.Ltmp6:
0x16d: {  	[tilespmem:s8+$0x100] =	vst v10;
	v10 =	vadd.f32 $2.000000000e+00, v10;
	(pc) =	sbr.rel @p1 .LBB2_8-.Ltmp6, $3  }
0x16e: {  	v12 =	vld.idx.msk [tilespmem:v11+s7+$0x0], $0xffff  }
0x16f: {  	v10 =	vmul.f32 $2.500000000e+00, v10;
	_ =	sdelay $0x1  }
0x170: {  	v10 =	vtrunc.f32 v10  }
0x171: {  	_ =	sdelay $0x2  }
0x172: {  	[tilespmem:s8+$0x180] =	vst v12  }
0x173: {  	v3 =	vld.idx.msk [tilespmem:v11+s25+$0x0], $0xffff;
	_ =	sdelay $0x3  }
0x174: {  	v4 =	vcvt.f32.s32 v8  }
.Ltmp7:
0x175: {  	s0 =	sadd.s32 s5, s3;
	[tilespmem:s8+$0x200] =	vst v3;
	(pc) =	sbr.rel .LBB2_10-.Ltmp7, $4  }
0x176: {  	v2 =	vsel vm0, v2, v7;
	v63 =	vcvt.f32.s32 v9;
	[tilespmem:s0+$0x180] =	vst v4  }
0x177: {  	v3 =	vcvt.f32.s32 v10;
	[tilespmem:s0+$0x0] =	vst v2  }
0x178: {  	[tilespmem:s0+$0x100] =	vst v63  }
0x179: {  	[tilespmem:s0+$0x80] =	vst v3  }
.LBB2_4:
0x17a: {  	s0 =	ssub.s32 s9, s1  }
0x17b: {  	s14 =	smov.u32 s22;
	s22 =	smul.u32 $0xFFE17B80, s6;
	s1 =	sshll.u32 s0, $0x2  }
0x17c: {  	s3 =	smul.u32 $0xFFF85EE0, s6;
	s10 =	sand.u32 $0xFFFFFE00, s1  }
0x17d: {  	s19 =	smov.u32 s29;
	s5 =	sand.u32 $0xFFFFFF80, s0;
	s0 =	ssub.s32 s21, s10  }
0x17e: {  	s29 =	smul.u32 $0x2C00, s2;
	s8 =	ssub.s32 s9, s5;
	s17 =	sadd.s32 s0, s22  }
0x17f: {  	s4 =	sadd.s32 s8, s3;
	s1 =	sand.u32 $0xFFFFFE00, s17  }
0x180: {  	s18 =	sand.u32 $0x60, s4;
	s1 =	sadd.s32 s29, s1  }
0x181: {  	s4 =	simm.s32 $0x1;
	s11 =	sadd.s32 s18, s1  }
0x182: {  	s4 =	simm.s32 @!p0 $0x0;
	v3 =	vld [tilespmem:s11+$0x0]  }
0x183: {  	s12 =	smul.u32 $0xA000, s4;
	_ =	sdelay $0x1  }
0x184: {  	s12 =	sshrl.u32 s12, $0x2  }
0x185: {  	s17 =	smov.u32 s28;
	s28 =	sadd.s32 $0xB140, s12  }
0x186: {  	[tilespmem:s28+$0xFFFFFEC0] =	vst v3  }
0x187: {  	v4 =	vld [tilespmem:s11+$0x80];
	_ =	sdelay $0x4  }
0x188: {  	[tilespmem:s28+$0xFFFFFF40] =	vst v4  }
0x189: {  	v5 =	vld [tilespmem:s11+$0x100];
	_ =	sdelay $0x3  }
0x18a: {  	s20 =	sor.u32 s18, s1  }
0x18b: {  	[dreg:$0x18] =	wrdreg s21;
	s21 =	sor.u32 $0x180, s20;
	[tilespmem:s28+$0xFFFFFFC0] =	vst v5  }
0x18c: {  	v6 =	vld [tilespmem:s21+$0x0];
	_ =	sdelay $0x4  }
0x18d: {  	[tilespmem:s28+$0x40] =	vst v6  }
0x18e: {  	v3 =	vmul.f32 $2.500000000e+00, v3;
	v4 =	vadd.f32 $1.600000000e+01, v4;
	v6 =	vld [tilespmem:s20+$0x5980];
	_ =	sdelay $0x1  }
0x18f: {  	s4 =	smul.u32 $0x5000, s4;
	v3 =	vtrunc.f32 v3;
	v4 =	vmul.f32 $2.500000000e+00, v4;
	v5 =	vadd.f32 $2.000000000e+00, v5  }
0x190: {  	v3 =	vcvt.f32.s32 v3  }
0x191: {  	s4 =	sshrl.u32 s4, $0x2;
	v4 =	vtrunc.f32 v4;
	v5 =	vmul.f32 $2.500000000e+00, v5  }
0x192: {  	s4 =	sor.u32 $0x10100, s4;
	v4 =	vcvt.f32.s32 v4;
	[tilespmem:s28+$0xC0] =	vst v6  }
0x193: {  	v5 =	vtrunc.f32 v5;
	[tilespmem:s4+$0x80] =	vst v3  }
0x194: {  	v3 =	vcvt.f32.s32 v5;
	[tilespmem:s4+$0x0] =	vst v4  }
0x195: {  	s6 =	sor.u32 $0x10, s18;
	[tilespmem:s4+$0xFFFFFF00] =	vst v2  }
0x196: {  	s12 =	sadd.s32 s6, s1;
	[tilespmem:s4+$0xFFFFFF80] =	vst v3  }
0x197: {  	v3 =	vld [tilespmem:s12+$0x0];
	_ =	sdelay $0x4  }
0x198: {  	[tilespmem:s28+$0xFFFFFED0] =	vst v3  }
0x199: {  	v4 =	vld [tilespmem:s12+$0x80];
	_ =	sdelay $0x4  }
0x19a: {  	[tilespmem:s28+$0xFFFFFF50] =	vst v4  }
0x19b: {  	v5 =	vld [tilespmem:s12+$0x100];
	_ =	sdelay $0x3  }
0x19c: {  	s1 =	sor.u32 s6, s1  }
0x19d: {  	s6 =	sor.u32 $0x180, s1;
	[tilespmem:s28+$0xFFFFFFD0] =	vst v5  }
0x19e: {  	v6 =	vld [tilespmem:s6+$0x0];
	_ =	sdelay $0x4  }
0x19f: {  	[tilespmem:s28+$0x50] =	vst v6  }
0x1a0: {  	v5 =	vadd.f32 $2.000000000e+00, v5;
	v6 =	vld [tilespmem:s1+$0x5980];
	_ =	sdelay $0x1  }
0x1a1: {  	v4 =	vadd.f32 $1.600000000e+01, v4;
	v5 =	vmul.f32 $2.500000000e+00, v5  }
0x1a2: {  	v3 =	vmul.f32 $2.500000000e+00, v3  }
0x1a3: {  	v4 =	vmul.f32 $2.500000000e+00, v4;
	v5 =	vtrunc.f32 v5  }
0x1a4: {  	v3 =	vtrunc.f32 v3;
	s6 =	ssub.s32 s24, s10;
	v5 =	vcvt.f32.s32 v5;
	[tilespmem:s28+$0xD0] =	vst v6  }
0x1a5: {  	v3 =	vcvt.f32.s32 v3;
	v4 =	vtrunc.f32 v4;
	s15 =	sadd.s32 s6, s22;
	s1 =	ssub.s32 s13, s5;
	[tilespmem:s4+$0xFFFFFF10] =	vst v2  }
0x1a6: {  	v4 =	vcvt.f32.s32 v4;
	s11 =	sand.u32 $0xFFFFFE00, s15;
	s18 =	sadd.s32 s1, s3;
	[tilespmem:s4+$0xFFFFFF90] =	vst v5  }
0x1a7: {  	s11 =	sadd.s32 s29, s11;
	s12 =	sand.u32 $0x60, s18;
	[tilespmem:s4+$0x90] =	vst v3  }
0x1a8: {  	s20 =	sadd.s32 s12, s11;
	[tilespmem:s4+$0x10] =	vst v4  }
0x1a9: {  	v3 =	vld [tilespmem:s20+$0x0];
	_ =	sdelay $0x4  }
0x1aa: {  	[tilespmem:s28+$0xFFFFFEE0] =	vst v3  }
0x1ab: {  	v4 =	vld [tilespmem:s20+$0x80];
	_ =	sdelay $0x4  }
0x1ac: {  	[tilespmem:s28+$0xFFFFFF60] =	vst v4  }
0x1ad: {  	v5 =	vld [tilespmem:s20+$0x100];
	_ =	sdelay $0x3  }
0x1ae: {  	s11 =	sor.u32 s11, s12  }
0x1af: {  	s12 =	sor.u32 $0x180, s11;
	[tilespmem:s28+$0xFFFFFFE0] =	vst v5  }
0x1b0: {  	v6 =	vld [tilespmem:s12+$0x0];
	_ =	sdelay $0x4  }
0x1b1: {  	[tilespmem:s28+$0x60] =	vst v6  }
0x1b2: {  	v3 =	vmul.f32 $2.500000000e+00, v3;
	v5 =	vadd.f32 $2.000000000e+00, v5;
	v6 =	vld [tilespmem:s11+$0x5980];
	_ =	sdelay $0x1  }
0x1b3: {  	s21 =	sld [smem:$0x7F8];
	v3 =	vtrunc.f32 v3;
	v4 =	vadd.f32 $1.600000000e+01, v4;
	v5 =	vmul.f32 $2.500000000e+00, v5  }
0x1b4: {  	v3 =	vcvt.f32.s32 v3;
	s12 =	sld [smem:$0x7F9]  }
0x1b5: {  	v4 =	vmul.f32 $2.500000000e+00, v4;
	v5 =	vtrunc.f32 v5  }
0x1b6: {  	s15 =	ssub.s32 s21, s10;
	v5 =	vcvt.f32.s32 v5;
	[tilespmem:s28+$0xE0] =	vst v6  }
0x1b7: {  	s13 =	sadd.s32 s15, s22;
	v4 =	vtrunc.f32 v4;
	s18 =	ssub.s32 s12, s5;
	[tilespmem:s4+$0xA0] =	vst v3  }
0x1b8: {  	s20 =	sadd.s32 s18, s3;
	s11 =	sand.u32 $0xFFFFFE00, s13;
	[tilespmem:s4+$0xFFFFFFA0] =	vst v5;
	v3 =	vcvt.f32.s32 v4  }
0x1b9: {  	s12 =	sand.u32 $0x70, s20;
	s11 =	sadd.s32 s29, s11;
	[tilespmem:s4+$0xFFFFFF20] =	vst v2  }
0x1ba: {  	s21 =	sadd.s32 s12, s11;
	[tilespmem:s4+$0x20] =	vst v3  }
0x1bb: {  	v3 =	vld [tilespmem:s21+$0x0];
	_ =	sdelay $0x4  }
0x1bc: {  	[tilespmem:s28+$0xFFFFFEF0] =	vst v3  }
0x1bd: {  	v4 =	vld [tilespmem:s21+$0x80];
	_ =	sdelay $0x4  }
0x1be: {  	[tilespmem:s28+$0xFFFFFF70] =	vst v4  }
0x1bf: {  	v5 =	vld [tilespmem:s21+$0x100];
	_ =	sdelay $0x3  }
0x1c0: {  	s11 =	sor.u32 s11, s12  }
0x1c1: {  	s12 =	sor.u32 $0x180, s11;
	[tilespmem:s28+$0xFFFFFFF0] =	vst v5  }
0x1c2: {  	v6 =	vld [tilespmem:s12+$0x0];
	_ =	sdelay $0x4  }
0x1c3: {  	v5 =	vadd.f32 $2.000000000e+00, v5;
	[tilespmem:s28+$0x70] =	vst v6  }
0x1c4: {  	v6 =	vld [tilespmem:s11+$0x5980]  }
0x1c5: {  	v4 =	vadd.f32 $1.600000000e+01, v4;
	v5 =	vmul.f32 $2.500000000e+00, v5  }
0x1c6: {  	v3 =	vmul.f32 $2.500000000e+00, v3;
	s12 =	sld [smem:$0x7FA]  }
0x1c7: {  	v4 =	vmul.f32 $2.500000000e+00, v4;
	v5 =	vtrunc.f32 v5  }
0x1c8: {  	v3 =	vtrunc.f32 v3;
	v5 =	vcvt.f32.s32 v5  }
0x1c9: {  	v3 =	vcvt.f32.s32 v3;
	v4 =	vtrunc.f32 v4;
	s20 =	ssub.s32 s12, s10;
	[tilespmem:s28+$0xF0] =	vst v6  }
0x1ca: {  	[dreg:$0x1f] =	wrdreg s19;
	s19 =	ssub.s32 s19, s5;
	v4 =	vcvt.f32.s32 v4;
	s11 =	sadd.s32 s20, s22;
	[tilespmem:s4+$0xFFFFFFB0] =	vst v5  }
0x1cb: {  	s13 =	sadd.s32 s19, s3;
	s11 =	sand.u32 $0xFFFFFE00, s11;
	[tilespmem:s4+$0xB0] =	vst v3  }
0x1cc: {  	s12 =	sand.u32 $0x60, s13;
	s11 =	sadd.s32 s29, s11;
	[tilespmem:s4+$0x30] =	vst v4  }
0x1cd: {  	s21 =	sadd.s32 s12, s11;
	[tilespmem:s4+$0xFFFFFF30] =	vst v2  }
0x1ce: {  	v3 =	vld [tilespmem:s21+$0x0];
	_ =	sdelay $0x4  }
0x1cf: {  	[tilespmem:s28+$0xFFFFFF00] =	vst v3  }
0x1d0: {  	v4 =	vld [tilespmem:s21+$0x80];
	_ =	sdelay $0x4  }
0x1d1: {  	[tilespmem:s28+$0xFFFFFF80] =	vst v4  }
0x1d2: {  	v5 =	vld [tilespmem:s21+$0x100];
	_ =	sdelay $0x3  }
0x1d3: {  	s11 =	sor.u32 s11, s12  }
0x1d4: {  	s12 =	sor.u32 $0x180, s11;
	[tilespmem:s28+$0x0] =	vst v5  }
0x1d5: {  	v6 =	vld [tilespmem:s12+$0x0];
	_ =	sdelay $0x4  }
0x1d6: {  	v5 =	vadd.f32 $2.000000000e+00, v5;
	[tilespmem:s28+$0x80] =	vst v6  }
0x1d7: {  	v6 =	vld [tilespmem:s11+$0x5980]  }
0x1d8: {  	v3 =	vmul.f32 $2.500000000e+00, v3;
	v5 =	vmul.f32 $2.500000000e+00, v5  }
0x1d9: {  	v4 =	vadd.f32 $1.600000000e+01, v4  }
0x1da: {  	v3 =	vtrunc.f32 v3;
	v5 =	vtrunc.f32 v5  }
0x1db: {  	v4 =	vmul.f32 $2.500000000e+00, v4;
	v5 =	vcvt.f32.s32 v5  }
0x1dc: {  	v3 =	vcvt.f32.s32 v3;
	s21 =	ssub.s32 s17, s10;
	[tilespmem:s28+$0x100] =	vst v6  }
0x1dd: {  	[dreg:$0x1e] =	wrdreg s17;
	s17 =	ssub.s32 s14, s5;
	v4 =	vtrunc.f32 v4;
	s12 =	sadd.s32 s21, s22;
	[tilespmem:s4+$0xFFFFFFC0] =	vst v5  }
0x1de: {  	s13 =	sadd.s32 s17, s3;
	v4 =	vcvt.f32.s32 v4;
	s11 =	sand.u32 $0xFFFFFE00, s12;
	[tilespmem:s4+$0xC0] =	vst v3  }
0x1df: {  	s12 =	sand.u32 $0x70, s13;
	s11 =	sadd.s32 s29, s11;
	[tilespmem:s4+$0xFFFFFF40] =	vst v2  }
0x1e0: {  	[dreg:$0x1d] =	wrdreg s14;
	s14 =	sadd.s32 s12, s11;
	[tilespmem:s4+$0x40] =	vst v4  }
0x1e1: {  	v3 =	vld [tilespmem:s14+$0x0];
	_ =	sdelay $0x4  }
0x1e2: {  	[tilespmem:s28+$0xFFFFFF10] =	vst v3  }
0x1e3: {  	v4 =	vld [tilespmem:s14+$0x80];
	_ =	sdelay $0x4  }
0x1e4: {  	[tilespmem:s28+$0xFFFFFF90] =	vst v4  }
0x1e5: {  	v5 =	vld [tilespmem:s14+$0x100];
	_ =	sdelay $0x3  }
0x1e6: {  	s11 =	sor.u32 s11, s12  }
0x1e7: {  	s12 =	sor.u32 $0x180, s11;
	[tilespmem:s28+$0x10] =	vst v5  }
0x1e8: {  	v6 =	vld [tilespmem:s12+$0x0];
	_ =	sdelay $0x4  }
0x1e9: {  	v5 =	vadd.f32 $2.000000000e+00, v5;
	[tilespmem:s28+$0x90] =	vst v6  }
0x1ea: {  	v6 =	vld [tilespmem:s11+$0x5980]  }
0x1eb: {  	v3 =	vmul.f32 $2.500000000e+00, v3;
	v5 =	vmul.f32 $2.500000000e+00, v5  }
0x1ec: {  	v4 =	vadd.f32 $1.600000000e+01, v4  }
0x1ed: {  	v3 =	vtrunc.f32 v3;
	v5 =	vtrunc.f32 v5  }
0x1ee: {  	v4 =	vmul.f32 $2.500000000e+00, v4;
	v5 =	vcvt.f32.s32 v5  }
0x1ef: {  	s13 =	ssub.s32 s31, s10;
	v3 =	vcvt.f32.s32 v3;
	[tilespmem:s28+$0x110] =	vst v6  }
0x1f0: {  	[dreg:$0x1b] =	wrdreg s23;
	s23 =	ssub.s32 s23, s5;
	v4 =	vtrunc.f32 v4;
	s12 =	sadd.s32 s13, s22;
	[tilespmem:s4+$0xFFFFFFD0] =	vst v5  }
0x1f1: {  	s14 =	sadd.s32 s23, s3;
	v4 =	vcvt.f32.s32 v4;
	s11 =	sand.u32 $0xFFFFFE00, s12;
	[tilespmem:s4+$0xD0] =	vst v3  }
0x1f2: {  	s12 =	sand.u32 $0x60, s14;
	s11 =	sadd.s32 s29, s11;
	[tilespmem:s4+$0xFFFFFF50] =	vst v2  }
0x1f3: {  	s14 =	sadd.s32 s12, s11;
	[tilespmem:s4+$0x50] =	vst v4  }
0x1f4: {  	v3 =	vld [tilespmem:s14+$0x0];
	_ =	sdelay $0x4  }
0x1f5: {  	[tilespmem:s28+$0xFFFFFF20] =	vst v3  }
0x1f6: {  	v4 =	vld [tilespmem:s14+$0x80];
	_ =	sdelay $0x4  }
0x1f7: {  	[tilespmem:s28+$0xFFFFFFA0] =	vst v4  }
0x1f8: {  	v5 =	vld [tilespmem:s14+$0x100];
	_ =	sdelay $0x3  }
0x1f9: {  	s11 =	sor.u32 s11, s12  }
0x1fa: {  	s12 =	sor.u32 $0x180, s11;
	[tilespmem:s28+$0x20] =	vst v5  }
0x1fb: {  	v6 =	vld [tilespmem:s12+$0x0];
	_ =	sdelay $0x4  }
0x1fc: {  	v5 =	vadd.f32 $2.000000000e+00, v5;
	[tilespmem:s28+$0xA0] =	vst v6  }
0x1fd: {  	v4 =	vadd.f32 $1.600000000e+01, v4;
	v6 =	vld [tilespmem:s11+$0x5980]  }
0x1fe: {  	v5 =	vmul.f32 $2.500000000e+00, v5  }
0x1ff: {  	v4 =	vmul.f32 $2.500000000e+00, v4  }
0x200: {  	v3 =	vmul.f32 $2.500000000e+00, v3;
	v5 =	vtrunc.f32 v5  }
0x201: {  	v4 =	vtrunc.f32 v4;
	v5 =	vcvt.f32.s32 v5  }
0x202: {  	[dreg:$0x1a] =	wrdreg s30;
	s30 =	ssub.s32 s30, s10;
	v4 =	vcvt.f32.s32 v4;
	[tilespmem:s28+$0x120] =	vst v6  }
0x203: {  	s10 =	ssub.s32 s26, s5;
	v3 =	vtrunc.f32 v3;
	s12 =	sadd.s32 s30, s22;
	[tilespmem:s4+$0xFFFFFFE0] =	vst v5  }
0x204: {  	v3 =	vcvt.f32.s32 v3;
	s14 =	sadd.s32 s10, s3;
	s5 =	sand.u32 $0xFFFFFE00, s12;
	[tilespmem:s4+$0x60] =	vst v4  }
0x205: {  	s14 =	sand.u32 $0x70, s14;
	s11 =	sadd.s32 s29, s5;
	[tilespmem:s4+$0xFFFFFF60] =	vst v2  }
0x206: {  	s12 =	sadd.s32 s14, s11;
	[tilespmem:s4+$0xE0] =	vst v3  }
0x207: {  	v3 =	vld [tilespmem:s12+$0x0]  }
0x208: {  	[dreg:$0x19] =	wrdreg s26;
	s26 =	smul.u32 $0xA000, s2  }
0x209: {  	[dreg:$0x1c] =	wrdreg s31  }
0x20a: {  	s0 =	sadd.s32 $0x200, s0;
	[smem:$0x7F6] =	sst s26;
	s26 =	smul.u32 $0x5000, s2  }
0x20b: {  	s18 =	sadd.s32 $0x80, s18;
	s20 =	sadd.s32 $0x200, s20;
	s31 =	sadd.s32 $0x80, s19  }
0x20c: {  	s19 =	sadd.s32 $0x80, s17;
	s2 =	simm.s32 $0x0;
	[smem:$0x7F7] =	sst s26;
	[tilespmem:s28+$0xFFFFFF30] =	vst v3  }
0x20d: {  	s26 =	sadd.s32 $0x80, s10;
	s13 =	sadd.s32 $0x200, s13;
	s10 =	sadd.s32 $0x80, s8;
	v5 =	vmul.f32 $2.500000000e+00, v3;
	v4 =	vld [tilespmem:s12+$0x80]  }
0x20e: {  	s8 =	sadd.s32 $0x80, s23;
	s23 =	sadd.s32 $0x200, s21;
	s21 =	sadd.s32 $0x200, s15  }
0x20f: {  	s15 =	sadd.s32 $0x400, s28;
	s30 =	sadd.s32 $0x200, s30;
	s5 =	sadd.s32 $0x200, s4;
	v3 =	vtrunc.f32 v5  }
.LBB2_5:
0x210: {  	s2 =	sadd.s32 $0x8, s2;
	s6 =	sadd.s32 $0x200, s6;
	s1 =	sadd.s32 $0x80, s1  }
0x211: {  	p1 =	slt.u32 s2, $0x48  }
0x212: {  	[tilespmem:s28+$0xFFFFFFB0] =	vst v4;
	v4 =	vadd.f32 $1.600000000e+01, v4  }
0x213: {  	v5 =	vld [tilespmem:s12+$0x100]  }
0x214: {  	v4 =	vmul.f32 $2.500000000e+00, v4;
	_ =	sdelay $0x1  }
0x215: {  	v4 =	vtrunc.f32 v4  }
0x216: {  	s11 =	sor.u32 s11, s14  }
0x217: {  	s12 =	sor.u32 $0x180, s11;
	[tilespmem:s28+$0x30] =	vst v5;
	v5 =	vadd.f32 $2.000000000e+00, v5  }
0x218: {  	v6 =	vld [tilespmem:s12+$0x0]  }
0x219: {  	v5 =	vmul.f32 $2.500000000e+00, v5;
	_ =	sdelay $0x1  }
0x21a: {  	v5 =	vtrunc.f32 v5;
	_ =	sdelay $0x1  }
0x21b: {  	[tilespmem:s28+$0xB0] =	vst v6  }
0x21c: {  	v6 =	vld [tilespmem:s11+$0x5980];
	_ =	sdelay $0x3  }
0x21d: {  	v3 =	vcvt.f32.s32 v3  }
0x21e: {  	[tilespmem:s28+$0x130] =	vst v6;
	s28 =	smov.u32 s15  }
0x21f: {  	v4 =	vcvt.f32.s32 v4;
	v5 =	vcvt.f32.s32 v5;
	s11 =	sadd.s32 s0, s22;
	[tilespmem:s4+$0xF0] =	vst v3  }
0x220: {  	s12 =	sadd.s32 s10, s3;
	s11 =	sand.u32 $0xFFFFFE00, s11;
	[tilespmem:s4+$0xFFFFFF70] =	vst v2  }
0x221: {  	s12 =	sand.u32 $0x60, s12;
	s11 =	sadd.s32 s29, s11;
	[tilespmem:s4+$0xFFFFFFF0] =	vst v5  }
0x222: {  	s14 =	sadd.s32 s12, s11;
	[tilespmem:s4+$0x70] =	vst v4;
	s4 =	smov.u32 s5  }
0x223: {  	v3 =	vld [tilespmem:s14+$0x0];
	_ =	sdelay $0x4  }
0x224: {  	[tilespmem:s15+$0xFFFFFEC0] =	vst v3;
	v3 =	vmul.f32 $2.500000000e+00, v3  }
0x225: {  	v4 =	vld [tilespmem:s14+$0x80]  }
0x226: {  	v3 =	vtrunc.f32 v3;
	_ =	sdelay $0x3  }
0x227: {  	[tilespmem:s15+$0xFFFFFF40] =	vst v4;
	v4 =	vadd.f32 $1.600000000e+01, v4  }
0x228: {  	v5 =	vld [tilespmem:s14+$0x100]  }
0x229: {  	v4 =	vmul.f32 $2.500000000e+00, v4;
	_ =	sdelay $0x1  }
0x22a: {  	v4 =	vtrunc.f32 v4  }
0x22b: {  	s14 =	sor.u32 s12, s11  }
0x22c: {  	s17 =	sor.u32 $0x180, s14;
	[tilespmem:s15+$0xFFFFFFC0] =	vst v5;
	v5 =	vadd.f32 $2.000000000e+00, v5  }
0x22d: {  	v6 =	vld [tilespmem:s17+$0x0]  }
0x22e: {  	v5 =	vmul.f32 $2.500000000e+00, v5;
	_ =	sdelay $0x1  }
0x22f: {  	v5 =	vtrunc.f32 v5;
	_ =	sdelay $0x1  }
0x230: {  	[tilespmem:s15+$0x40] =	vst v6  }
0x231: {  	v6 =	vld [tilespmem:s14+$0x5980];
	_ =	sdelay $0x3  }
0x232: {  	v3 =	vcvt.f32.s32 v3  }
0x233: {  	v4 =	vcvt.f32.s32 v4;
	[tilespmem:s15+$0xC0] =	vst v6  }
0x234: {  	[tilespmem:s5+$0x80] =	vst v3  }
0x235: {  	v3 =	vcvt.f32.s32 v5;
	[tilespmem:s5+$0x0] =	vst v4  }
0x236: {  	s12 =	sor.u32 $0x10, s12;
	[tilespmem:s5+$0xFFFFFF00] =	vst v2  }
0x237: {  	s14 =	sadd.s32 s12, s11;
	s11 =	sor.u32 s12, s11;
	[tilespmem:s5+$0xFFFFFF80] =	vst v3  }
0x238: {  	v3 =	vld [tilespmem:s14+$0x0];
	_ =	sdelay $0x4  }
0x239: {  	[tilespmem:s15+$0xFFFFFED0] =	vst v3;
	v3 =	vmul.f32 $2.500000000e+00, v3  }
0x23a: {  	v4 =	vld [tilespmem:s14+$0x80]  }
0x23b: {  	v3 =	vtrunc.f32 v3;
	_ =	sdelay $0x3  }
0x23c: {  	[tilespmem:s15+$0xFFFFFF50] =	vst v4;
	v4 =	vadd.f32 $1.600000000e+01, v4  }
0x23d: {  	v5 =	vld [tilespmem:s14+$0x100]  }
0x23e: {  	v4 =	vmul.f32 $2.500000000e+00, v4;
	_ =	sdelay $0x1  }
0x23f: {  	v4 =	vtrunc.f32 v4;
	_ =	sdelay $0x1  }
0x240: {  	s12 =	sor.u32 $0x180, s11;
	[tilespmem:s15+$0xFFFFFFD0] =	vst v5;
	v5 =	vadd.f32 $2.000000000e+00, v5  }
0x241: {  	v6 =	vld [tilespmem:s12+$0x0]  }
0x242: {  	v5 =	vmul.f32 $2.500000000e+00, v5;
	_ =	sdelay $0x1  }
0x243: {  	v5 =	vtrunc.f32 v5;
	_ =	sdelay $0x1  }
0x244: {  	[tilespmem:s15+$0x50] =	vst v6  }
0x245: {  	v6 =	vld [tilespmem:s11+$0x5980];
	_ =	sdelay $0x4  }
0x246: {  	v5 =	vcvt.f32.s32 v5;
	[tilespmem:s15+$0xD0] =	vst v6  }
0x247: {  	v3 =	vcvt.f32.s32 v3;
	s11 =	sadd.s32 s6, s22;
	[tilespmem:s5+$0xFFFFFF10] =	vst v2  }
0x248: {  	v4 =	vcvt.f32.s32 v4;
	s12 =	sadd.s32 s1, s3;
	s11 =	sand.u32 $0xFFFFFE00, s11;
	[tilespmem:s5+$0xFFFFFF90] =	vst v5  }
0x249: {  	s12 =	sand.u32 $0x60, s12;
	s11 =	sadd.s32 s29, s11;
	[tilespmem:s5+$0x90] =	vst v3  }
0x24a: {  	s14 =	sadd.s32 s12, s11;
	[tilespmem:s5+$0x10] =	vst v4  }
0x24b: {  	v3 =	vld [tilespmem:s14+$0x0];
	_ =	sdelay $0x4  }
0x24c: {  	[tilespmem:s15+$0xFFFFFEE0] =	vst v3;
	v3 =	vmul.f32 $2.500000000e+00, v3  }
0x24d: {  	v4 =	vld [tilespmem:s14+$0x80]  }
0x24e: {  	v3 =	vtrunc.f32 v3;
	_ =	sdelay $0x3  }
0x24f: {  	[tilespmem:s15+$0xFFFFFF60] =	vst v4;
	v4 =	vadd.f32 $1.600000000e+01, v4  }
0x250: {  	v5 =	vld [tilespmem:s14+$0x100]  }
0x251: {  	v4 =	vmul.f32 $2.500000000e+00, v4;
	_ =	sdelay $0x1  }
0x252: {  	v4 =	vtrunc.f32 v4  }
0x253: {  	s11 =	sor.u32 s11, s12  }
0x254: {  	s12 =	sor.u32 $0x180, s11;
	[tilespmem:s15+$0xFFFFFFE0] =	vst v5;
	v5 =	vadd.f32 $2.000000000e+00, v5  }
0x255: {  	v6 =	vld [tilespmem:s12+$0x0]  }
0x256: {  	v5 =	vmul.f32 $2.500000000e+00, v5;
	_ =	sdelay $0x1  }
0x257: {  	v5 =	vtrunc.f32 v5;
	_ =	sdelay $0x1  }
0x258: {  	[tilespmem:s15+$0x60] =	vst v6  }
0x259: {  	v6 =	vld [tilespmem:s11+$0x5980];
	_ =	sdelay $0x3  }
0x25a: {  	v3 =	vcvt.f32.s32 v3  }
0x25b: {  	v5 =	vcvt.f32.s32 v5;
	[tilespmem:s15+$0xE0] =	vst v6  }
0x25c: {  	s11 =	sadd.s32 s21, s22;
	[tilespmem:s5+$0xA0] =	vst v3  }
0x25d: {  	s12 =	sadd.s32 s18, s3;
	s11 =	sand.u32 $0xFFFFFE00, s11;
	v3 =	vcvt.f32.s32 v4;
	[tilespmem:s5+$0xFFFFFFA0] =	vst v5  }
0x25e: {  	s12 =	sand.u32 $0x70, s12;
	s11 =	sadd.s32 s29, s11;
	[tilespmem:s5+$0xFFFFFF20] =	vst v2  }
0x25f: {  	s14 =	sadd.s32 s12, s11;
	[tilespmem:s5+$0x20] =	vst v3  }
0x260: {  	v3 =	vld [tilespmem:s14+$0x0];
	_ =	sdelay $0x4  }
0x261: {  	[tilespmem:s15+$0xFFFFFEF0] =	vst v3;
	v3 =	vmul.f32 $2.500000000e+00, v3  }
0x262: {  	v4 =	vld [tilespmem:s14+$0x80]  }
0x263: {  	v3 =	vtrunc.f32 v3;
	_ =	sdelay $0x3  }
0x264: {  	[tilespmem:s15+$0xFFFFFF70] =	vst v4;
	v4 =	vadd.f32 $1.600000000e+01, v4  }
0x265: {  	v5 =	vld [tilespmem:s14+$0x100]  }
0x266: {  	v4 =	vmul.f32 $2.500000000e+00, v4;
	_ =	sdelay $0x1  }
0x267: {  	v4 =	vtrunc.f32 v4  }
0x268: {  	s11 =	sor.u32 s11, s12  }
0x269: {  	s12 =	sor.u32 $0x180, s11;
	[tilespmem:s15+$0xFFFFFFF0] =	vst v5;
	v5 =	vadd.f32 $2.000000000e+00, v5  }
0x26a: {  	v6 =	vld [tilespmem:s12+$0x0]  }
0x26b: {  	v5 =	vmul.f32 $2.500000000e+00, v5;
	_ =	sdelay $0x1  }
0x26c: {  	v5 =	vtrunc.f32 v5;
	_ =	sdelay $0x1  }
0x26d: {  	[tilespmem:s15+$0x70] =	vst v6  }
0x26e: {  	v6 =	vld [tilespmem:s11+$0x5980];
	_ =	sdelay $0x3  }
0x26f: {  	v5 =	vcvt.f32.s32 v5  }
0x270: {  	v3 =	vcvt.f32.s32 v3;
	[tilespmem:s15+$0xF0] =	vst v6  }
0x271: {  	v4 =	vcvt.f32.s32 v4;
	s11 =	sadd.s32 s20, s22;
	[tilespmem:s5+$0xFFFFFFB0] =	vst v5  }
0x272: {  	s12 =	sadd.s32 s31, s3;
	s11 =	sand.u32 $0xFFFFFE00, s11;
	[tilespmem:s5+$0xB0] =	vst v3  }
0x273: {  	s12 =	sand.u32 $0x60, s12;
	s11 =	sadd.s32 s29, s11;
	[tilespmem:s5+$0x30] =	vst v4  }
0x274: {  	s14 =	sadd.s32 s12, s11;
	s11 =	sor.u32 s11, s12;
	[tilespmem:s5+$0xFFFFFF30] =	vst v2  }
0x275: {  	v3 =	vld [tilespmem:s14+$0x0];
	_ =	sdelay $0x4  }
0x276: {  	[tilespmem:s15+$0xFFFFFF00] =	vst v3;
	v3 =	vmul.f32 $2.500000000e+00, v3  }
0x277: {  	v4 =	vld [tilespmem:s14+$0x80]  }
0x278: {  	v3 =	vtrunc.f32 v3;
	_ =	sdelay $0x3  }
0x279: {  	[tilespmem:s15+$0xFFFFFF80] =	vst v4;
	v4 =	vadd.f32 $1.600000000e+01, v4  }
0x27a: {  	v5 =	vld [tilespmem:s14+$0x100]  }
0x27b: {  	v4 =	vmul.f32 $2.500000000e+00, v4;
	_ =	sdelay $0x1  }
0x27c: {  	v4 =	vtrunc.f32 v4;
	_ =	sdelay $0x1  }
0x27d: {  	s12 =	sor.u32 $0x180, s11;
	[tilespmem:s15+$0x0] =	vst v5;
	v5 =	vadd.f32 $2.000000000e+00, v5  }
0x27e: {  	v6 =	vld [tilespmem:s12+$0x0]  }
0x27f: {  	v5 =	vmul.f32 $2.500000000e+00, v5;
	_ =	sdelay $0x1  }
0x280: {  	v5 =	vtrunc.f32 v5;
	_ =	sdelay $0x1  }
0x281: {  	[tilespmem:s15+$0x80] =	vst v6  }
0x282: {  	v6 =	vld [tilespmem:s11+$0x5980];
	_ =	sdelay $0x3  }
0x283: {  	v5 =	vcvt.f32.s32 v5  }
0x284: {  	v3 =	vcvt.f32.s32 v3;
	[tilespmem:s15+$0x100] =	vst v6  }
0x285: {  	s11 =	sadd.s32 s23, s22;
	[tilespmem:s5+$0xFFFFFFC0] =	vst v5  }
0x286: {  	v4 =	vcvt.f32.s32 v4;
	s12 =	sadd.s32 s19, s3;
	s11 =	sand.u32 $0xFFFFFE00, s11;
	[tilespmem:s5+$0xC0] =	vst v3  }
0x287: {  	s12 =	sand.u32 $0x70, s12;
	s11 =	sadd.s32 s29, s11;
	[tilespmem:s5+$0xFFFFFF40] =	vst v2  }
0x288: {  	s14 =	sadd.s32 s12, s11;
	[tilespmem:s5+$0x40] =	vst v4  }
0x289: {  	v3 =	vld [tilespmem:s14+$0x0];
	_ =	sdelay $0x4  }
0x28a: {  	[tilespmem:s15+$0xFFFFFF10] =	vst v3;
	v3 =	vmul.f32 $2.500000000e+00, v3  }
0x28b: {  	v4 =	vld [tilespmem:s14+$0x80]  }
0x28c: {  	v3 =	vtrunc.f32 v3;
	_ =	sdelay $0x3  }
0x28d: {  	[tilespmem:s15+$0xFFFFFF90] =	vst v4;
	v4 =	vadd.f32 $1.600000000e+01, v4  }
0x28e: {  	v5 =	vld [tilespmem:s14+$0x100]  }
0x28f: {  	v4 =	vmul.f32 $2.500000000e+00, v4;
	_ =	sdelay $0x1  }
0x290: {  	v4 =	vtrunc.f32 v4  }
0x291: {  	s11 =	sor.u32 s11, s12  }
0x292: {  	s12 =	sor.u32 $0x180, s11;
	[tilespmem:s15+$0x10] =	vst v5;
	v5 =	vadd.f32 $2.000000000e+00, v5  }
0x293: {  	v6 =	vld [tilespmem:s12+$0x0]  }
0x294: {  	v5 =	vmul.f32 $2.500000000e+00, v5;
	_ =	sdelay $0x1  }
0x295: {  	v5 =	vtrunc.f32 v5;
	_ =	sdelay $0x1  }
0x296: {  	[tilespmem:s15+$0x90] =	vst v6  }
0x297: {  	v6 =	vld [tilespmem:s11+$0x5980];
	_ =	sdelay $0x3  }
0x298: {  	v5 =	vcvt.f32.s32 v5  }
0x299: {  	v3 =	vcvt.f32.s32 v3;
	[tilespmem:s15+$0x110] =	vst v6  }
0x29a: {  	s11 =	sadd.s32 s13, s22;
	[tilespmem:s5+$0xFFFFFFD0] =	vst v5  }
0x29b: {  	v4 =	vcvt.f32.s32 v4;
	s12 =	sadd.s32 s8, s3;
	s11 =	sand.u32 $0xFFFFFE00, s11;
	[tilespmem:s5+$0xD0] =	vst v3  }
0x29c: {  	s12 =	sand.u32 $0x60, s12;
	s11 =	sadd.s32 s29, s11;
	[tilespmem:s5+$0xFFFFFF50] =	vst v2  }
0x29d: {  	s14 =	sadd.s32 s12, s11;
	[tilespmem:s5+$0x50] =	vst v4  }
0x29e: {  	v3 =	vld [tilespmem:s14+$0x0];
	_ =	sdelay $0x4  }
0x29f: {  	[tilespmem:s15+$0xFFFFFF20] =	vst v3;
	v3 =	vmul.f32 $2.500000000e+00, v3  }
0x2a0: {  	v4 =	vld [tilespmem:s14+$0x80]  }
0x2a1: {  	v3 =	vtrunc.f32 v3;
	_ =	sdelay $0x3  }
0x2a2: {  	[tilespmem:s15+$0xFFFFFFA0] =	vst v4;
	v4 =	vadd.f32 $1.600000000e+01, v4  }
0x2a3: {  	v5 =	vld [tilespmem:s14+$0x100]  }
0x2a4: {  	v4 =	vmul.f32 $2.500000000e+00, v4;
	_ =	sdelay $0x1  }
0x2a5: {  	v4 =	vtrunc.f32 v4  }
0x2a6: {  	s11 =	sor.u32 s11, s12  }
0x2a7: {  	s12 =	sor.u32 $0x180, s11;
	[tilespmem:s15+$0x20] =	vst v5;
	v5 =	vadd.f32 $2.000000000e+00, v5  }
0x2a8: {  	v6 =	vld [tilespmem:s12+$0x0]  }
0x2a9: {  	v5 =	vmul.f32 $2.500000000e+00, v5;
	_ =	sdelay $0x1  }
0x2aa: {  	v5 =	vtrunc.f32 v5;
	_ =	sdelay $0x1  }
0x2ab: {  	[tilespmem:s15+$0xA0] =	vst v6  }
0x2ac: {  	v6 =	vld [tilespmem:s11+$0x5980];
	_ =	sdelay $0x3  }
0x2ad: {  	v5 =	vcvt.f32.s32 v5  }
0x2ae: {  	v4 =	vcvt.f32.s32 v4;
	[tilespmem:s15+$0x120] =	vst v6  }
0x2af: {  	s11 =	sadd.s32 s30, s22;
	[tilespmem:s5+$0xFFFFFFE0] =	vst v5  }
0x2b0: {  	v3 =	vcvt.f32.s32 v3;
	s12 =	sadd.s32 s26, s3;
	s11 =	sand.u32 $0xFFFFFE00, s11;
	[tilespmem:s5+$0x60] =	vst v4  }
0x2b1: {  	s14 =	sand.u32 $0x70, s12;
	s11 =	sadd.s32 s29, s11;
	[tilespmem:s5+$0xFFFFFF60] =	vst v2  }
0x2b2: {  	s12 =	sadd.s32 s14, s11;
	[tilespmem:s5+$0xE0] =	vst v3  }
0x2b3: {  	v3 =	vld [tilespmem:s12+$0x0];
	_ =	sdelay $0x3  }
.Ltmp8:
0x2b4: {  	s15 =	sadd.s32 $0x400, s15;
	s5 =	sadd.s32 $0x200, s5;
	(pc) =	sbr.rel @p1 .LBB2_5-.Ltmp8, $4  }
0x2b5: {  	s10 =	sadd.s32 $0x80, s10;
	s0 =	sadd.s32 $0x200, s0;
	s26 =	sadd.s32 $0x80, s26;
	[tilespmem:s28+$0xFFFFFF30] =	vst v3;
	v3 =	vmul.f32 $2.500000000e+00, v3  }
0x2b6: {  	s8 =	sadd.s32 $0x80, s8;
	s13 =	sadd.s32 $0x200, s13;
	s30 =	sadd.s32 $0x200, s30;
	v4 =	vld [tilespmem:s12+$0x80]  }
0x2b7: {  	s31 =	sadd.s32 $0x80, s31;
	s19 =	sadd.s32 $0x80, s19;
	s23 =	sadd.s32 $0x200, s23;
	v3 =	vtrunc.f32 v3  }
0x2b8: {  	s18 =	sadd.s32 $0x80, s18;
	s21 =	sadd.s32 $0x200, s21;
	s20 =	sadd.s32 $0x200, s20  }
.Ltmp9:
0x2b9: {  	_ = 	snop;
	(pc) =	sbr.rel .LBB2_6-.Ltmp9, $1  }
0x2ba: {  	_ =	sdelay $0x3  }
.LBB2_13:
0x2bb: {  	_ =	sfence.sel $0x180000  }
0x2bc: {  	[bflag:$0x0] =	sbarrier.arrive $0xFFFF  }
0x2bd: {  	_ =	strace $0x90000047  }
0x2be: {  	s0 =	stileid.u32;
	[bflag:$0x2] =	sbarrier.arrive $0xFFFF  }
0x2bf: {  	p0 =	sne.s32 s0, $0x0;
	s0 =	rddreg [dreg:$0x4]  }
0x2c0: {  	s0 =	sadd.s32 @!p0 $0x100000, s0  }
0x2c1: {  	[sflag:s0] =	ssyncadd.tile.s32 @!p0 $0x1;
	_ =	shalt  }
.Lfunc_end2:
_tile_overlayer_lowered:
.L_overlay_start_2:
0x2c2: {  	(tag) =	ssettag $0x2  }
0x2c3: {  	s0 =	rddreg [dreg:$0x0];
	s2 =	stileid.u32  }
0x2c4: {  	s1 =	rddreg [dreg:$0x1];
	p0 =	sne.s32 s2, $0x0  }
0x2c5: {  	s3 =	rddreg [dreg:$0x2];
	[bflag:$0x3] =	sbarrier.arrive $0xFFFF;
	s2 =	simm.s32 @!p0 $0x1C03  }
0x2c6: {  	[timem:s3], [sflag:s2] =	dma.local @!p0 [hbm:s0], s1  }
0x2c7: {  	s0 =	simm.s32 @!p0 $0x3  }
0x2c8: {  	_ =	swait.ge @!p0 [sflag:s0], s1  }
0x2c9: {  	s1 =	ssub.s32 @!p0 $0x0, s1;
	[sflag:s0] =	ssyncset.done @!p0 $0x0  }
0x2ca: {  	[sflag:s0] =	ssyncadd.s32 @!p0 s1  }
0x2cb: {  	[bflag:$0x3] =	sbarrier.arrive $0xFFFF  }
0x2cc: {  	_ =	shalt  }

</sc_bundles>
